<compile_context>
chip_gen: v7x
topology: tpu7x:2x2x1
jax: 0.10.2.dev20260603
libtpu: 0.0.44.dev20260713+nightly
codegen_flags: <defaults>
</compile_context>

<pallas_src>
import functools

import jax
import jax.numpy as jnp
from jax import lax
from jax.experimental import pallas as pl
from jax.experimental.pallas import tpu as pltpu
from jax.experimental.pallas import tpu_sc as plsc

MAX_REL_K = 512
HEADS = 16
SEQ = 2048
TBL = 2 * MAX_REL_K + 1
WROW = 1032
PV_LEN = 4096
LANES = 16
NCORES = 2
NBAND = 10
NTILE = SEQ // 128


def _make_sc_kernel():
    mesh = plsc.VectorSubcoreMesh(core_axis_name="c", subcore_axis_name="s")

    @functools.partial(
        pl.kernel,
        mesh=mesh,
        compiler_params=pltpu.CompilerParams(needs_layout_passes=False),
        out_type=jax.ShapeDtypeStruct((HEADS, SEQ, SEQ), jnp.float32),
        scratch_types=[
            pltpu.VMEM((WROW,), jnp.float32),
        ]
        + [pltpu.VMEM((PV_LEN,), jnp.float32) for _ in range(16)]
        + [pltpu.VMEM((8, SEQ), jnp.float32) for _ in range(2)]
        + [pltpu.VMEM((8, 128), jnp.float32) for _ in range(2)]
        + [pltpu.SemaphoreType.DMA for _ in range(3)],
    )
    def body(wt_hbm, out_hbm, wh_v, *rest):
        pv_v = rest[:16]
        stg = rest[16:18]
        cst = rest[18:20]
        sems = rest[20:22]
        sem_c = rest[22]
        wid = lax.axis_index("s") * NCORES + lax.axis_index("c")
        h = wid // 2
        g0 = (wid % 2) * (SEQ // 2 // 8)

        pltpu.sync_copy(wt_hbm.at[h], wh_v)

        lane = lax.iota(jnp.int32, LANES)
        for r in range(16):
            def build(c, _, r=r):
                u = c * LANES + lane + (r - (SEQ - 1))
                idx = jnp.clip(u, -MAX_REL_K, MAX_REL_K) + MAX_REL_K
                pv_v[r][pl.ds(c * LANES, LANES)] = plsc.load_gather(wh_v, [idx])
                return 0

            lax.fori_loop(0, PV_LEN // LANES, build, 0)

        w_lo = pv_v[0][pl.ds(0, LANES)]
        w_hi = pv_v[0][pl.ds(PV_LEN - LANES, LANES)]
        for p in range(8):
            for t in range(8):
                cst[0][p, pl.ds(16 * t, LANES)] = w_lo
                cst[1][p, pl.ds(16 * t, LANES)] = w_hi

        def group(g, b, r0, first):
            m16 = (SEQ - 1) - r0 - 8 * g
            cms = jnp.clip((8 * g - 512) // 128, 0, NTILE - NBAND)
            base = pl.multiple_of(128 * cms, 128)

            def lfire(c, _):
                pltpu.async_copy(
                    cst[0],
                    out_hbm.at[
                        h,
                        pl.ds(8 * g, 8),
                        pl.ds(pl.multiple_of(128 * c, 128), 128),
                    ],
                    sem_c,
                )
                return 0

            def rfire(c, _):
                cc = cms + NBAND + c
                pltpu.async_copy(
                    cst[1],
                    out_hbm.at[
                        h,
                        pl.ds(8 * g, 8),
                        pl.ds(pl.multiple_of(128 * cc, 128), 128),
                    ],
                    sem_c,
                )
                return 0

            lax.fori_loop(0, cms, lfire, 0)
            lax.fori_loop(0, (NTILE - NBAND) - cms, rfire, 0)

            if not first:
                pltpu.make_async_copy(
                    stg[b].at[:, pl.ds(base, 128 * NBAND)],
                    out_hbm.at[h, pl.ds(8 * g, 8), pl.ds(base, 128 * NBAND)],
                    sems[b],
                ).wait()

            @plsc.parallel_loop(0, 8 * NBAND, unroll=8)
            def ft(t):
                off = base + 16 * t
                so = m16 + off
                for p in range(8):
                    stg[b][p, pl.ds(off, LANES)] = pv_v[r0 - p][
                        pl.ds(so, LANES)
                    ]

            pltpu.async_copy(
                stg[b].at[:, pl.ds(base, 128 * NBAND)],
                out_hbm.at[h, pl.ds(8 * g, 8), pl.ds(base, 128 * NBAND)],
                sems[b],
            )

            for _ in range(NTILE - NBAND):
                pltpu.make_async_copy(
                    cst[0],
                    out_hbm.at[h, pl.ds(8 * g, 8), pl.ds(0, 128)],
                    sem_c,
                ).wait()

        group(g0, 0, 15, True)
        group(g0 + 1, 1, 7, True)

        def pipe_steady(u, _):
            g = g0 + 2 * u
            group(g, 0, 15, False)
            group(g + 1, 1, 7, False)
            return 0

        lax.fori_loop(1, SEQ // 2 // 8 // 2, pipe_steady, 0)

        gl = g0 + SEQ // 2 // 8 - 2
        for b, g in ((0, gl), (1, gl + 1)):
            cms = jnp.clip((8 * g - 512) // 128, 0, NTILE - NBAND)
            base = pl.multiple_of(128 * cms, 128)
            pltpu.make_async_copy(
                stg[b].at[:, pl.ds(base, 128 * NBAND)],
                out_hbm.at[h, pl.ds(8 * g, 8), pl.ds(base, 128 * NBAND)],
                sems[b],
            ).wait()

    return body


_sc_bias = _make_sc_kernel()


def kernel(qlen, klen, W):
    wt = jnp.zeros((HEADS, WROW), jnp.float32).at[:, :TBL].set(W.T)
    return _sc_bias(wt)

# --- scband reference (transcript-rebuilt; emitter-appended) ---
"""Pipeline reference for scband-relative-positional-bias-72748156060253 (READ-ONLY COPY).

The authoritative reference and input builder live on the scoring server;
editing this copy changes nothing except your own understanding.
"""

import jax, jax.numpy as jnp
import numpy as np

MAX_REL = 512
NUM_HEADS = 16
SEQ_LEN = 2048


def setup_inputs(seed: int = 0) -> dict:
    key = jax.random.key(seed)
    W = jax.random.normal(key, (2 * MAX_REL + 1, NUM_HEADS), dtype=jnp.float32) * 0.02
    return {"qlen": 2048, "klen": 2048, "W": W}


def reference(qlen, klen, W):
    qlen = jnp.asarray(qlen, dtype=jnp.int32)
    klen = jnp.asarray(klen, dtype=jnp.int32)
    context_position = (jnp.arange(SEQ_LEN, dtype=jnp.int32) + qlen * 0)[:, None]
    memory_position = (jnp.arange(SEQ_LEN, dtype=jnp.int32) + klen * 0)[None, :]
    relative_position = memory_position - context_position
    relative_position = jnp.clip(relative_position, -MAX_REL, MAX_REL)
    relative_position = relative_position + MAX_REL
    values = jnp.take(W, relative_position, axis=0)  # [qlen, klen, num_heads]
    return jnp.transpose(values, (2, 0, 1))  # [num_heads, qlen, klen]

if __name__ == "__main__":
    import jax
    _d = setup_inputs()
    print(jax.jit(kernel)(*tuple(_d.values())))

</pallas_src>

<mosaic_0001>
#map = affine_map<(d0, d1) -> (0, 0)>
#map1 = affine_map<(d0, d1) -> (0, 0, 0)>
module attributes {stable_mosaic.version = 14 : i64} {
  func.func @body(%arg0: i32, %arg1: i32, %arg2: memref<16x1032xf32, #tpu.memory_space<hbm>>, %arg3: memref<16x2048x2048xf32, #tpu.memory_space<hbm>>, %arg4: memref<1032xf32, #tpu.memory_space<vmem>>, %arg5: memref<4096xf32, #tpu.memory_space<vmem>>, %arg6: memref<4096xf32, #tpu.memory_space<vmem>>, %arg7: memref<4096xf32, #tpu.memory_space<vmem>>, %arg8: memref<4096xf32, #tpu.memory_space<vmem>>, %arg9: memref<4096xf32, #tpu.memory_space<vmem>>, %arg10: memref<4096xf32, #tpu.memory_space<vmem>>, %arg11: memref<4096xf32, #tpu.memory_space<vmem>>, %arg12: memref<4096xf32, #tpu.memory_space<vmem>>, %arg13: memref<4096xf32, #tpu.memory_space<vmem>>, %arg14: memref<4096xf32, #tpu.memory_space<vmem>>, %arg15: memref<4096xf32, #tpu.memory_space<vmem>>, %arg16: memref<4096xf32, #tpu.memory_space<vmem>>, %arg17: memref<4096xf32, #tpu.memory_space<vmem>>, %arg18: memref<4096xf32, #tpu.memory_space<vmem>>, %arg19: memref<4096xf32, #tpu.memory_space<vmem>>, %arg20: memref<4096xf32, #tpu.memory_space<vmem>>, %arg21: memref<8x2048xf32, #tpu.memory_space<vmem>>, %arg22: memref<8x2048xf32, #tpu.memory_space<vmem>>, %arg23: memref<8x128xf32, #tpu.memory_space<vmem>>, %arg24: memref<8x128xf32, #tpu.memory_space<vmem>>, %arg25: memref<!tpu.dma_semaphore, #tpu.memory_space<semaphore_mem>>, %arg26: memref<!tpu.dma_semaphore, #tpu.memory_space<semaphore_mem>>, %arg27: memref<!tpu.dma_semaphore, #tpu.memory_space<semaphore_mem>>) attributes {dimension_semantics = [#tpu.dimension_semantics<core_parallel>, #tpu.dimension_semantics<subcore_parallel>], iteration_bounds = array<i64: 2, 16>, scalar_prefetch = 0 : i64, scratch_operands = 24 : i64, tpu.core_type = #tpu.core_type<sc_vector_subcore>, window_params = [{transform_indices = #map}, {transform_indices = #map1}]} {
    %mul3A = arith.constant 2 : i32
    %mul3A_0 = arith.muli %arg1, %mul3A : i32
    %add3A = arith.addi %mul3A_0, %arg0 : i32
    %jit3A = arith.constant 2 : i32
    %div3A = arith.divsi %add3A, %jit3A : i32
    %sign3A = arith.constant 0 : i32
    %sign3A_1 = arith.cmpi sgt, %add3A, %sign3A : i32
    %sign3A_2 = arith.extui %sign3A_1 : i1 to i32
    %sign3A_3 = arith.constant 0 : i32
    %sign3A_4 = arith.cmpi slt, %add3A, %sign3A_3 : i32
    %sign3A_5 = arith.extui %sign3A_4 : i1 to i32
    %sign3A_6 = arith.subi %sign3A_2, %sign3A_5 : i32
    %sign3A_7 = arith.constant 0 : i32
    %sign3A_8 = arith.cmpi sgt, %jit3A, %sign3A_7 : i32
    %sign3A_9 = arith.extui %sign3A_8 : i1 to i32
    %sign3A_10 = arith.constant 0 : i32
    %sign3A_11 = arith.cmpi slt, %jit3A, %sign3A_10 : i32
    %sign3A_12 = arith.extui %sign3A_11 : i1 to i32
    %sign3A_13 = arith.subi %sign3A_9, %sign3A_12 : i32
    %ne3A = arith.cmpi ne, %sign3A_6, %sign3A_13 : i32
    %rem3A = arith.remsi %add3A, %jit3A : i32
    %ne3A_14 = arith.constant 0 : i32
    %ne3A_15 = arith.cmpi ne, %rem3A, %ne3A_14 : i32
    %and3A = arith.andi %ne3A, %ne3A_15 : i1
    %sub3A = arith.constant 1 : i32
    %sub3A_16 = arith.subi %div3A, %sub3A : i32
    %select_n3A = arith.select %and3A, %sub3A_16, %div3A : i32
    %jit3A_17 = arith.constant 2 : i32
    %eq3A = arith.constant 0 : i32
    %eq3A_18 = arith.cmpi eq, %jit3A_17, %eq3A : i32
    %jit3A_19 = arith.constant 1 : i32
    %select_n3A_20 = arith.select %eq3A_18, %jit3A_19, %jit3A_17 : i32
    %rem3A_21 = arith.remsi %add3A, %select_n3A_20 : i32
    %ne3A_22 = arith.constant 0 : i32
    %ne3A_23 = arith.cmpi ne, %rem3A_21, %ne3A_22 : i32
    %lt3A = arith.constant 0 : i32
    %lt3A_24 = arith.cmpi slt, %rem3A_21, %lt3A : i32
    %lt3A_25 = arith.constant 0 : i32
    %lt3A_26 = arith.cmpi slt, %select_n3A_20, %lt3A_25 : i32
    %ne3A_27 = arith.xori %lt3A_24, %lt3A_26 : i1
    %and3A_28 = arith.andi %ne3A_27, %ne3A_23 : i1
    %add3A_29 = arith.addi %rem3A_21, %select_n3A_20 : i32
    %select_n3A_30 = arith.select %and3A_28, %add3A_29, %rem3A_21 : i32
    %mul3A_31 = arith.constant 128 : i32
    %mul3A_32 = arith.muli %select_n3A_30, %mul3A_31 : i32
    "tpu.region"() ({
      %run_scoped3A = tpu.sem_alloc : memref<!tpu.dma_semaphore, #tpu.memory_space<semaphore_mem>>
      %dma_start3A_1008 = arith.constant 0 : i32
      %dma_start3A_1009 = tpu.memref_slice %arg2[%select_n3A, %dma_start3A_1008] : memref<16x1032xf32, #tpu.memory_space<hbm>> -> memref<1x1032xf32, #tpu.memory_space<hbm>>
      %dma_start3A_1010 = tpu.memref_squeeze %dma_start3A_1009 : memref<1x1032xf32, #tpu.memory_space<hbm>> -> memref<1032xf32, #tpu.memory_space<hbm>>
      %dma_start3A_1011 = arith.constant 0 : i32
      %dma_start3A_1012 = tpu.memref_slice %arg2[%select_n3A, %dma_start3A_1011] : memref<16x1032xf32, #tpu.memory_space<hbm>> -> memref<1x1032xf32, #tpu.memory_space<hbm>>
      %dma_start3A_1013 = tpu.memref_squeeze %dma_start3A_1012 : memref<1x1032xf32, #tpu.memory_space<hbm>> -> memref<1032xf32, #tpu.memory_space<hbm>>
      tpu.enqueue_dma source(%dma_start3A_1013 : memref<1032xf32, #tpu.memory_space<hbm>>) target(%arg4 : memref<1032xf32, #tpu.memory_space<vmem>>) target_semaphore(%run_scoped3A : memref<!tpu.dma_semaphore, #tpu.memory_space<semaphore_mem>>)
      %dma_wait3A_1014 = arith.constant 0 : i32
      %dma_wait3A_1015 = tpu.memref_slice %arg2[%select_n3A, %dma_wait3A_1014] : memref<16x1032xf32, #tpu.memory_space<hbm>> -> memref<1x1032xf32, #tpu.memory_space<hbm>>
      %dma_wait3A_1016 = tpu.memref_squeeze %dma_wait3A_1015 : memref<1x1032xf32, #tpu.memory_space<hbm>> -> memref<1032xf32, #tpu.memory_space<hbm>>
      %dma_wait3A_1017 = arith.constant 0 : i32
      %dma_wait3A_1018 = tpu.memref_slice %arg2[%select_n3A, %dma_wait3A_1017] : memref<16x1032xf32, #tpu.memory_space<hbm>> -> memref<1x1032xf32, #tpu.memory_space<hbm>>
      %dma_wait3A_1019 = tpu.memref_squeeze %dma_wait3A_1018 : memref<1x1032xf32, #tpu.memory_space<hbm>> -> memref<1032xf32, #tpu.memory_space<hbm>>
      tpu.wait_dma2 semaphore(%run_scoped3A : memref<!tpu.dma_semaphore, #tpu.memory_space<semaphore_mem>>) src(%dma_wait3A_1019 : memref<1032xf32, #tpu.memory_space<hbm>>) dst(%arg4 : memref<1032xf32, #tpu.memory_space<vmem>>)
      tpu.yield
    }) : () -> ()
    %iota3A = tpu.iota {dimensions = array<i32: 0>} : vector<16xi32>
    %scan3A = arith.constant 0 : i32
    %scan3A_33 = arith.constant 0 : i32
    %scan3A_34 = arith.constant 256 : i32
    %scan3A_35 = arith.addi %scan3A_33, %scan3A_34 : i32
    %scan3A_36 = arith.constant 1 : i32
    %scan3A_37 = scf.for %scan3A_1008 = %scan3A_33 to %scan3A_35 step %scan3A_36 iter_args(%scan3A_1009 = %scan3A) -> (i32)  : i32 {
      %mul3A_1010 = arith.constant 16 : i32
      %mul3A_1011 = arith.muli %scan3A_1008, %mul3A_1010 : i32
      %add3A_1012 = vector.broadcast %mul3A_1011 : i32 to vector<16xi32>
      %add3A_1013 = arith.addi %add3A_1012, %iota3A : vector<16xi32>
      %add3A_1014 = arith.constant -2047 : i32
      %add3A_1015 = vector.broadcast %add3A_1014 : i32 to vector<16xi32>
      %add3A_1016 = arith.addi %add3A_1013, %add3A_1015 : vector<16xi32>
      %jit3A_1017 = arith.constant -512 : i32
      %jit3A_1018 = arith.constant 512 : i32
      %max3A_1019 = vector.broadcast %jit3A_1017 : i32 to vector<16xi32>
      %max3A_1020 = arith.maxsi %max3A_1019, %add3A_1016 : vector<16xi32>
      %min3A_1021 = vector.broadcast %jit3A_1018 : i32 to vector<16xi32>
      %min3A_1022 = arith.minsi %min3A_1021, %max3A_1020 : vector<16xi32>
      %add3A_1023 = arith.constant 512 : i32
      %add3A_1024 = vector.broadcast %add3A_1023 : i32 to vector<16xi32>
      %add3A_1025 = arith.addi %min3A_1022, %add3A_1024 : vector<16xi32>
      %gather3A = tpu.vector_load_idx %arg4[%add3A_1025] : memref<1032xf32, #tpu.memory_space<vmem>>[vector<16xi32>], vector<16xf32>,
      %mul3A_1026 = arith.constant 16 : i32
      %mul3A_1027 = arith.muli %scan3A_1008, %mul3A_1026 : i32
      %swap3A_1028 = arith.index_cast %mul3A_1027 : i32 to index
      %swap3A_1029 = tpu.vector_load %arg5[%swap3A_1028] {strides = array<i32>} : memref<4096xf32, #tpu.memory_space<vmem>>, vector<16xf32>,
      tpu.vector_store %arg5[%swap3A_1028], %gather3A {strides = array<i32>} : memref<4096xf32, #tpu.memory_space<vmem>>, vector<16xf32>,
      %scan3A_1030 = arith.constant 0 : i32
      scf.yield %scan3A_1030 : i32
    }
    %scan3A_38 = arith.constant 256 : i32
    %scan3A_39 = arith.constant 0 : i32
    %scan3A_40 = arith.constant 0 : i32
    %scan3A_41 = arith.constant 256 : i32
    %scan3A_42 = arith.addi %scan3A_40, %scan3A_41 : i32
    %scan3A_43 = arith.constant 1 : i32
    %scan3A_44 = scf.for %scan3A_1008 = %scan3A_40 to %scan3A_42 step %scan3A_43 iter_args(%scan3A_1009 = %scan3A_39) -> (i32)  : i32 {
      %mul3A_1010 = arith.constant 16 : i32
      %mul3A_1011 = arith.muli %scan3A_1008, %mul3A_1010 : i32
      %add3A_1012 = vector.broadcast %mul3A_1011 : i32 to vector<16xi32>
      %add3A_1013 = arith.addi %add3A_1012, %iota3A : vector<16xi32>
      %add3A_1014 = arith.constant -2046 : i32
      %add3A_1015 = vector.broadcast %add3A_1014 : i32 to vector<16xi32>
      %add3A_1016 = arith.addi %add3A_1013, %add3A_1015 : vector<16xi32>
      %jit3A_1017 = arith.constant -512 : i32
      %jit3A_1018 = arith.constant 512 : i32
      %max3A_1019 = vector.broadcast %jit3A_1017 : i32 to vector<16xi32>
      %max3A_1020 = arith.maxsi %max3A_1019, %add3A_1016 : vector<16xi32>
      %min3A_1021 = vector.broadcast %jit3A_1018 : i32 to vector<16xi32>
      %min3A_1022 = arith.minsi %min3A_1021, %max3A_1020 : vector<16xi32>
      %add3A_1023 = arith.constant 512 : i32
      %add3A_1024 = vector.broadcast %add3A_1023 : i32 to vector<16xi32>
      %add3A_1025 = arith.addi %min3A_1022, %add3A_1024 : vector<16xi32>
      %gather3A = tpu.vector_load_idx %arg4[%add3A_1025] : memref<1032xf32, #tpu.memory_space<vmem>>[vector<16xi32>], vector<16xf32>,
      %mul3A_1026 = arith.constant 16 : i32
      %mul3A_1027 = arith.muli %scan3A_1008, %mul3A_1026 : i32
      %swap3A_1028 = arith.index_cast %mul3A_1027 : i32 to index
      %swap3A_1029 = tpu.vector_load %arg6[%swap3A_1028] {strides = array<i32>} : memref<4096xf32, #tpu.memory_space<vmem>>, vector<16xf32>,
      tpu.vector_store %arg6[%swap3A_1028], %gather3A {strides = array<i32>} : memref<4096xf32, #tpu.memory_space<vmem>>, vector<16xf32>,
      %scan3A_1030 = arith.constant 0 : i32
      scf.yield %scan3A_1030 : i32
    }
    %scan3A_45 = arith.constant 256 : i32
    %scan3A_46 = arith.constant 0 : i32
    %scan3A_47 = arith.constant 0 : i32
    %scan3A_48 = arith.constant 256 : i32
    %scan3A_49 = arith.addi %scan3A_47, %scan3A_48 : i32
    %scan3A_50 = arith.constant 1 : i32
    %scan3A_51 = scf.for %scan3A_1008 = %scan3A_47 to %scan3A_49 step %scan3A_50 iter_args(%scan3A_1009 = %scan3A_46) -> (i32)  : i32 {
      %mul3A_1010 = arith.constant 16 : i32
      %mul3A_1011 = arith.muli %scan3A_1008, %mul3A_1010 : i32
      %add3A_1012 = vector.broadcast %mul3A_1011 : i32 to vector<16xi32>
      %add3A_1013 = arith.addi %add3A_1012, %iota3A : vector<16xi32>
      %add3A_1014 = arith.constant -2045 : i32
      %add3A_1015 = vector.broadcast %add3A_1014 : i32 to vector<16xi32>
      %add3A_1016 = arith.addi %add3A_1013, %add3A_1015 : vector<16xi32>
      %jit3A_1017 = arith.constant -512 : i32
      %jit3A_1018 = arith.constant 512 : i32
      %max3A_1019 = vector.broadcast %jit3A_1017 : i32 to vector<16xi32>
      %max3A_1020 = arith.maxsi %max3A_1019, %add3A_1016 : vector<16xi32>
      %min3A_1021 = vector.broadcast %jit3A_1018 : i32 to vector<16xi32>
      %min3A_1022 = arith.minsi %min3A_1021, %max3A_1020 : vector<16xi32>
      %add3A_1023 = arith.constant 512 : i32
      %add3A_1024 = vector.broadcast %add3A_1023 : i32 to vector<16xi32>
      %add3A_1025 = arith.addi %min3A_1022, %add3A_1024 : vector<16xi32>
      %gather3A = tpu.vector_load_idx %arg4[%add3A_1025] : memref<1032xf32, #tpu.memory_space<vmem>>[vector<16xi32>], vector<16xf32>,
      %mul3A_1026 = arith.constant 16 : i32
      %mul3A_1027 = arith.muli %scan3A_1008, %mul3A_1026 : i32
      %swap3A_1028 = arith.index_cast %mul3A_1027 : i32 to index
      %swap3A_1029 = tpu.vector_load %arg7[%swap3A_1028] {strides = array<i32>} : memref<4096xf32, #tpu.memory_space<vmem>>, vector<16xf32>,
      tpu.vector_store %arg7[%swap3A_1028], %gather3A {strides = array<i32>} : memref<4096xf32, #tpu.memory_space<vmem>>, vector<16xf32>,
      %scan3A_1030 = arith.constant 0 : i32
      scf.yield %scan3A_1030 : i32
    }
    %scan3A_52 = arith.constant 256 : i32
    %scan3A_53 = arith.constant 0 : i32
    %scan3A_54 = arith.constant 0 : i32
    %scan3A_55 = arith.constant 256 : i32
    %scan3A_56 = arith.addi %scan3A_54, %scan3A_55 : i32
    %scan3A_57 = arith.constant 1 : i32
    %scan3A_58 = scf.for %scan3A_1008 = %scan3A_54 to %scan3A_56 step %scan3A_57 iter_args(%scan3A_1009 = %scan3A_53) -> (i32)  : i32 {
      %mul3A_1010 = arith.constant 16 : i32
      %mul3A_1011 = arith.muli %scan3A_1008, %mul3A_1010 : i32
      %add3A_1012 = vector.broadcast %mul3A_1011 : i32 to vector<16xi32>
      %add3A_1013 = arith.addi %add3A_1012, %iota3A : vector<16xi32>
      %add3A_1014 = arith.constant -2044 : i32
      %add3A_1015 = vector.broadcast %add3A_1014 : i32 to vector<16xi32>
      %add3A_1016 = arith.addi %add3A_1013, %add3A_1015 : vector<16xi32>
      %jit3A_1017 = arith.constant -512 : i32
      %jit3A_1018 = arith.constant 512 : i32
      %max3A_1019 = vector.broadcast %jit3A_1017 : i32 to vector<16xi32>
      %max3A_1020 = arith.maxsi %max3A_1019, %add3A_1016 : vector<16xi32>
      %min3A_1021 = vector.broadcast %jit3A_1018 : i32 to vector<16xi32>
      %min3A_1022 = arith.minsi %min3A_1021, %max3A_1020 : vector<16xi32>
      %add3A_1023 = arith.constant 512 : i32
      %add3A_1024 = vector.broadcast %add3A_1023 : i32 to vector<16xi32>
      %add3A_1025 = arith.addi %min3A_1022, %add3A_1024 : vector<16xi32>
      %gather3A = tpu.vector_load_idx %arg4[%add3A_1025] : memref<1032xf32, #tpu.memory_space<vmem>>[vector<16xi32>], vector<16xf32>,
      %mul3A_1026 = arith.constant 16 : i32
      %mul3A_1027 = arith.muli %scan3A_1008, %mul3A_1026 : i32
      %swap3A_1028 = arith.index_cast %mul3A_1027 : i32 to index
      %swap3A_1029 = tpu.vector_load %arg8[%swap3A_1028] {strides = array<i32>} : memref<4096xf32, #tpu.memory_space<vmem>>, vector<16xf32>,
      tpu.vector_store %arg8[%swap3A_1028], %gather3A {strides = array<i32>} : memref<4096xf32, #tpu.memory_space<vmem>>, vector<16xf32>,
      %scan3A_1030 = arith.constant 0 : i32
      scf.yield %scan3A_1030 : i32
    }
    %scan3A_59 = arith.constant 256 : i32
    %scan3A_60 = arith.constant 0 : i32
    %scan3A_61 = arith.constant 0 : i32
    %scan3A_62 = arith.constant 256 : i32
    %scan3A_63 = arith.addi %scan3A_61, %scan3A_62 : i32
    %scan3A_64 = arith.constant 1 : i32
    %scan3A_65 = scf.for %scan3A_1008 = %scan3A_61 to %scan3A_63 step %scan3A_64 iter_args(%scan3A_1009 = %scan3A_60) -> (i32)  : i32 {
      %mul3A_1010 = arith.constant 16 : i32
      %mul3A_1011 = arith.muli %scan3A_1008, %mul3A_1010 : i32
      %add3A_1012 = vector.broadcast %mul3A_1011 : i32 to vector<16xi32>
      %add3A_1013 = arith.addi %add3A_1012, %iota3A : vector<16xi32>
      %add3A_1014 = arith.constant -2043 : i32
      %add3A_1015 = vector.broadcast %add3A_1014 : i32 to vector<16xi32>
      %add3A_1016 = arith.addi %add3A_1013, %add3A_1015 : vector<16xi32>
      %jit3A_1017 = arith.constant -512 : i32
      %jit3A_1018 = arith.constant 512 : i32
      %max3A_1019 = vector.broadcast %jit3A_1017 : i32 to vector<16xi32>
      %max3A_1020 = arith.maxsi %max3A_1019, %add3A_1016 : vector<16xi32>
      %min3A_1021 = vector.broadcast %jit3A_1018 : i32 to vector<16xi32>
      %min3A_1022 = arith.minsi %min3A_1021, %max3A_1020 : vector<16xi32>
      %add3A_1023 = arith.constant 512 : i32
      %add3A_1024 = vector.broadcast %add3A_1023 : i32 to vector<16xi32>
      %add3A_1025 = arith.addi %min3A_1022, %add3A_1024 : vector<16xi32>
      %gather3A = tpu.vector_load_idx %arg4[%add3A_1025] : memref<1032xf32, #tpu.memory_space<vmem>>[vector<16xi32>], vector<16xf32>,
      %mul3A_1026 = arith.constant 16 : i32
      %mul3A_1027 = arith.muli %scan3A_1008, %mul3A_1026 : i32
      %swap3A_1028 = arith.index_cast %mul3A_1027 : i32 to index
      %swap3A_1029 = tpu.vector_load %arg9[%swap3A_1028] {strides = array<i32>} : memref<4096xf32, #tpu.memory_space<vmem>>, vector<16xf32>,
      tpu.vector_store %arg9[%swap3A_1028], %gather3A {strides = array<i32>} : memref<4096xf32, #tpu.memory_space<vmem>>, vector<16xf32>,
      %scan3A_1030 = arith.constant 0 : i32
      scf.yield %scan3A_1030 : i32
    }
    %scan3A_66 = arith.constant 256 : i32
    %scan3A_67 = arith.constant 0 : i32
    %scan3A_68 = arith.constant 0 : i32
    %scan3A_69 = arith.constant 256 : i32
    %scan3A_70 = arith.addi %scan3A_68, %scan3A_69 : i32
    %scan3A_71 = arith.constant 1 : i32
    %scan3A_72 = scf.for %scan3A_1008 = %scan3A_68 to %scan3A_70 step %scan3A_71 iter_args(%scan3A_1009 = %scan3A_67) -> (i32)  : i32 {
      %mul3A_1010 = arith.constant 16 : i32
      %mul3A_1011 = arith.muli %scan3A_1008, %mul3A_1010 : i32
      %add3A_1012 = vector.broadcast %mul3A_1011 : i32 to vector<16xi32>
      %add3A_1013 = arith.addi %add3A_1012, %iota3A : vector<16xi32>
      %add3A_1014 = arith.constant -2042 : i32
      %add3A_1015 = vector.broadcast %add3A_1014 : i32 to vector<16xi32>
      %add3A_1016 = arith.addi %add3A_1013, %add3A_1015 : vector<16xi32>
      %jit3A_1017 = arith.constant -512 : i32
      %jit3A_1018 = arith.constant 512 : i32
      %max3A_1019 = vector.broadcast %jit3A_1017 : i32 to vector<16xi32>
      %max3A_1020 = arith.maxsi %max3A_1019, %add3A_1016 : vector<16xi32>
      %min3A_1021 = vector.broadcast %jit3A_1018 : i32 to vector<16xi32>
      %min3A_1022 = arith.minsi %min3A_1021, %max3A_1020 : vector<16xi32>
      %add3A_1023 = arith.constant 512 : i32
      %add3A_1024 = vector.broadcast %add3A_1023 : i32 to vector<16xi32>
      %add3A_1025 = arith.addi %min3A_1022, %add3A_1024 : vector<16xi32>
      %gather3A = tpu.vector_load_idx %arg4[%add3A_1025] : memref<1032xf32, #tpu.memory_space<vmem>>[vector<16xi32>], vector<16xf32>,
      %mul3A_1026 = arith.constant 16 : i32
      %mul3A_1027 = arith.muli %scan3A_1008, %mul3A_1026 : i32
      %swap3A_1028 = arith.index_cast %mul3A_1027 : i32 to index
      %swap3A_1029 = tpu.vector_load %arg10[%swap3A_1028] {strides = array<i32>} : memref<4096xf32, #tpu.memory_space<vmem>>, vector<16xf32>,
      tpu.vector_store %arg10[%swap3A_1028], %gather3A {strides = array<i32>} : memref<4096xf32, #tpu.memory_space<vmem>>, vector<16xf32>,
      %scan3A_1030 = arith.constant 0 : i32
      scf.yield %scan3A_1030 : i32
    }
    %scan3A_73 = arith.constant 256 : i32
    %scan3A_74 = arith.constant 0 : i32
    %scan3A_75 = arith.constant 0 : i32
    %scan3A_76 = arith.constant 256 : i32
    %scan3A_77 = arith.addi %scan3A_75, %scan3A_76 : i32
    %scan3A_78 = arith.constant 1 : i32
    %scan3A_79 = scf.for %scan3A_1008 = %scan3A_75 to %scan3A_77 step %scan3A_78 iter_args(%scan3A_1009 = %scan3A_74) -> (i32)  : i32 {
      %mul3A_1010 = arith.constant 16 : i32
      %mul3A_1011 = arith.muli %scan3A_1008, %mul3A_1010 : i32
      %add3A_1012 = vector.broadcast %mul3A_1011 : i32 to vector<16xi32>
      %add3A_1013 = arith.addi %add3A_1012, %iota3A : vector<16xi32>
      %add3A_1014 = arith.constant -2041 : i32
      %add3A_1015 = vector.broadcast %add3A_1014 : i32 to vector<16xi32>
      %add3A_1016 = arith.addi %add3A_1013, %add3A_1015 : vector<16xi32>
      %jit3A_1017 = arith.constant -512 : i32
      %jit3A_1018 = arith.constant 512 : i32
      %max3A_1019 = vector.broadcast %jit3A_1017 : i32 to vector<16xi32>
      %max3A_1020 = arith.maxsi %max3A_1019, %add3A_1016 : vector<16xi32>
      %min3A_1021 = vector.broadcast %jit3A_1018 : i32 to vector<16xi32>
      %min3A_1022 = arith.minsi %min3A_1021, %max3A_1020 : vector<16xi32>
      %add3A_1023 = arith.constant 512 : i32
      %add3A_1024 = vector.broadcast %add3A_1023 : i32 to vector<16xi32>
      %add3A_1025 = arith.addi %min3A_1022, %add3A_1024 : vector<16xi32>
      %gather3A = tpu.vector_load_idx %arg4[%add3A_1025] : memref<1032xf32, #tpu.memory_space<vmem>>[vector<16xi32>], vector<16xf32>,
      %mul3A_1026 = arith.constant 16 : i32
      %mul3A_1027 = arith.muli %scan3A_1008, %mul3A_1026 : i32
      %swap3A_1028 = arith.index_cast %mul3A_1027 : i32 to index
      %swap3A_1029 = tpu.vector_load %arg11[%swap3A_1028] {strides = array<i32>} : memref<4096xf32, #tpu.memory_space<vmem>>, vector<16xf32>,
      tpu.vector_store %arg11[%swap3A_1028], %gather3A {strides = array<i32>} : memref<4096xf32, #tpu.memory_space<vmem>>, vector<16xf32>,
      %scan3A_1030 = arith.constant 0 : i32
      scf.yield %scan3A_1030 : i32
    }
    %scan3A_80 = arith.constant 256 : i32
    %scan3A_81 = arith.constant 0 : i32
    %scan3A_82 = arith.constant 0 : i32
    %scan3A_83 = arith.constant 256 : i32
    %scan3A_84 = arith.addi %scan3A_82, %scan3A_83 : i32
    %scan3A_85 = arith.constant 1 : i32
    %scan3A_86 = scf.for %scan3A_1008 = %scan3A_82 to %scan3A_84 step %scan3A_85 iter_args(%scan3A_1009 = %scan3A_81) -> (i32)  : i32 {
      %mul3A_1010 = arith.constant 16 : i32
      %mul3A_1011 = arith.muli %scan3A_1008, %mul3A_1010 : i32
      %add3A_1012 = vector.broadcast %mul3A_1011 : i32 to vector<16xi32>
      %add3A_1013 = arith.addi %add3A_1012, %iota3A : vector<16xi32>
      %add3A_1014 = arith.constant -2040 : i32
      %add3A_1015 = vector.broadcast %add3A_1014 : i32 to vector<16xi32>
      %add3A_1016 = arith.addi %add3A_1013, %add3A_1015 : vector<16xi32>
      %jit3A_1017 = arith.constant -512 : i32
      %jit3A_1018 = arith.constant 512 : i32
      %max3A_1019 = vector.broadcast %jit3A_1017 : i32 to vector<16xi32>
      %max3A_1020 = arith.maxsi %max3A_1019, %add3A_1016 : vector<16xi32>
      %min3A_1021 = vector.broadcast %jit3A_1018 : i32 to vector<16xi32>
      %min3A_1022 = arith.minsi %min3A_1021, %max3A_1020 : vector<16xi32>
      %add3A_1023 = arith.constant 512 : i32
      %add3A_1024 = vector.broadcast %add3A_1023 : i32 to vector<16xi32>
      %add3A_1025 = arith.addi %min3A_1022, %add3A_1024 : vector<16xi32>
      %gather3A = tpu.vector_load_idx %arg4[%add3A_1025] : memref<1032xf32, #tpu.memory_space<vmem>>[vector<16xi32>], vector<16xf32>,
      %mul3A_1026 = arith.constant 16 : i32
      %mul3A_1027 = arith.muli %scan3A_1008, %mul3A_1026 : i32
      %swap3A_1028 = arith.index_cast %mul3A_1027 : i32 to index
      %swap3A_1029 = tpu.vector_load %arg12[%swap3A_1028] {strides = array<i32>} : memref<4096xf32, #tpu.memory_space<vmem>>, vector<16xf32>,
      tpu.vector_store %arg12[%swap3A_1028], %gather3A {strides = array<i32>} : memref<4096xf32, #tpu.memory_space<vmem>>, vector<16xf32>,
      %scan3A_1030 = arith.constant 0 : i32
      scf.yield %scan3A_1030 : i32
    }
    %scan3A_87 = arith.constant 256 : i32
    %scan3A_88 = arith.constant 0 : i32
    %scan3A_89 = arith.constant 0 : i32
    %scan3A_90 = arith.constant 256 : i32
    %scan3A_91 = arith.addi %scan3A_89, %scan3A_90 : i32
    %scan3A_92 = arith.constant 1 : i32
    %scan3A_93 = scf.for %scan3A_1008 = %scan3A_89 to %scan3A_91 step %scan3A_92 iter_args(%scan3A_1009 = %scan3A_88) -> (i32)  : i32 {
      %mul3A_1010 = arith.constant 16 : i32
      %mul3A_1011 = arith.muli %scan3A_1008, %mul3A_1010 : i32
      %add3A_1012 = vector.broadcast %mul3A_1011 : i32 to vector<16xi32>
      %add3A_1013 = arith.addi %add3A_1012, %iota3A : vector<16xi32>
      %add3A_1014 = arith.constant -2039 : i32
      %add3A_1015 = vector.broadcast %add3A_1014 : i32 to vector<16xi32>
      %add3A_1016 = arith.addi %add3A_1013, %add3A_1015 : vector<16xi32>
      %jit3A_1017 = arith.constant -512 : i32
      %jit3A_1018 = arith.constant 512 : i32
      %max3A_1019 = vector.broadcast %jit3A_1017 : i32 to vector<16xi32>
      %max3A_1020 = arith.maxsi %max3A_1019, %add3A_1016 : vector<16xi32>
      %min3A_1021 = vector.broadcast %jit3A_1018 : i32 to vector<16xi32>
      %min3A_1022 = arith.minsi %min3A_1021, %max3A_1020 : vector<16xi32>
      %add3A_1023 = arith.constant 512 : i32
      %add3A_1024 = vector.broadcast %add3A_1023 : i32 to vector<16xi32>
      %add3A_1025 = arith.addi %min3A_1022, %add3A_1024 : vector<16xi32>
      %gather3A = tpu.vector_load_idx %arg4[%add3A_1025] : memref<1032xf32, #tpu.memory_space<vmem>>[vector<16xi32>], vector<16xf32>,
      %mul3A_1026 = arith.constant 16 : i32
      %mul3A_1027 = arith.muli %scan3A_1008, %mul3A_1026 : i32
      %swap3A_1028 = arith.index_cast %mul3A_1027 : i32 to index
      %swap3A_1029 = tpu.vector_load %arg13[%swap3A_1028] {strides = array<i32>} : memref<4096xf32, #tpu.memory_space<vmem>>, vector<16xf32>,
      tpu.vector_store %arg13[%swap3A_1028], %gather3A {strides = array<i32>} : memref<4096xf32, #tpu.memory_space<vmem>>, vector<16xf32>,
      %scan3A_1030 = arith.constant 0 : i32
      scf.yield %scan3A_1030 : i32
    }
    %scan3A_94 = arith.constant 256 : i32
    %scan3A_95 = arith.constant 0 : i32
    %scan3A_96 = arith.constant 0 : i32
    %scan3A_97 = arith.constant 256 : i32
    %scan3A_98 = arith.addi %scan3A_96, %scan3A_97 : i32
    %scan3A_99 = arith.constant 1 : i32
    %scan3A_100 = scf.for %scan3A_1008 = %scan3A_96 to %scan3A_98 step %scan3A_99 iter_args(%scan3A_1009 = %scan3A_95) -> (i32)  : i32 {
      %mul3A_1010 = arith.constant 16 : i32
      %mul3A_1011 = arith.muli %scan3A_1008, %mul3A_1010 : i32
      %add3A_1012 = vector.broadcast %mul3A_1011 : i32 to vector<16xi32>
      %add3A_1013 = arith.addi %add3A_1012, %iota3A : vector<16xi32>
      %add3A_1014 = arith.constant -2038 : i32
      %add3A_1015 = vector.broadcast %add3A_1014 : i32 to vector<16xi32>
      %add3A_1016 = arith.addi %add3A_1013, %add3A_1015 : vector<16xi32>
      %jit3A_1017 = arith.constant -512 : i32
      %jit3A_1018 = arith.constant 512 : i32
      %max3A_1019 = vector.broadcast %jit3A_1017 : i32 to vector<16xi32>
      %max3A_1020 = arith.maxsi %max3A_1019, %add3A_1016 : vector<16xi32>
      %min3A_1021 = vector.broadcast %jit3A_1018 : i32 to vector<16xi32>
      %min3A_1022 = arith.minsi %min3A_1021, %max3A_1020 : vector<16xi32>
      %add3A_1023 = arith.constant 512 : i32
      %add3A_1024 = vector.broadcast %add3A_1023 : i32 to vector<16xi32>
      %add3A_1025 = arith.addi %min3A_1022, %add3A_1024 : vector<16xi32>
      %gather3A = tpu.vector_load_idx %arg4[%add3A_1025] : memref<1032xf32, #tpu.memory_space<vmem>>[vector<16xi32>], vector<16xf32>,
      %mul3A_1026 = arith.constant 16 : i32
      %mul3A_1027 = arith.muli %scan3A_1008, %mul3A_1026 : i32
      %swap3A_1028 = arith.index_cast %mul3A_1027 : i32 to index
      %swap3A_1029 = tpu.vector_load %arg14[%swap3A_1028] {strides = array<i32>} : memref<4096xf32, #tpu.memory_space<vmem>>, vector<16xf32>,
      tpu.vector_store %arg14[%swap3A_1028], %gather3A {strides = array<i32>} : memref<4096xf32, #tpu.memory_space<vmem>>, vector<16xf32>,
      %scan3A_1030 = arith.constant 0 : i32
      scf.yield %scan3A_1030 : i32
    }
    %scan3A_101 = arith.constant 256 : i32
    %scan3A_102 = arith.constant 0 : i32
    %scan3A_103 = arith.constant 0 : i32
    %scan3A_104 = arith.constant 256 : i32
    %scan3A_105 = arith.addi %scan3A_103, %scan3A_104 : i32
    %scan3A_106 = arith.constant 1 : i32
    %scan3A_107 = scf.for %scan3A_1008 = %scan3A_103 to %scan3A_105 step %scan3A_106 iter_args(%scan3A_1009 = %scan3A_102) -> (i32)  : i32 {
      %mul3A_1010 = arith.constant 16 : i32
      %mul3A_1011 = arith.muli %scan3A_1008, %mul3A_1010 : i32
      %add3A_1012 = vector.broadcast %mul3A_1011 : i32 to vector<16xi32>
      %add3A_1013 = arith.addi %add3A_1012, %iota3A : vector<16xi32>
      %add3A_1014 = arith.constant -2037 : i32
      %add3A_1015 = vector.broadcast %add3A_1014 : i32 to vector<16xi32>
      %add3A_1016 = arith.addi %add3A_1013, %add3A_1015 : vector<16xi32>
      %jit3A_1017 = arith.constant -512 : i32
      %jit3A_1018 = arith.constant 512 : i32
      %max3A_1019 = vector.broadcast %jit3A_1017 : i32 to vector<16xi32>
      %max3A_1020 = arith.maxsi %max3A_1019, %add3A_1016 : vector<16xi32>
      %min3A_1021 = vector.broadcast %jit3A_1018 : i32 to vector<16xi32>
      %min3A_1022 = arith.minsi %min3A_1021, %max3A_1020 : vector<16xi32>
      %add3A_1023 = arith.constant 512 : i32
      %add3A_1024 = vector.broadcast %add3A_1023 : i32 to vector<16xi32>
      %add3A_1025 = arith.addi %min3A_1022, %add3A_1024 : vector<16xi32>
      %gather3A = tpu.vector_load_idx %arg4[%add3A_1025] : memref<1032xf32, #tpu.memory_space<vmem>>[vector<16xi32>], vector<16xf32>,
      %mul3A_1026 = arith.constant 16 : i32
      %mul3A_1027 = arith.muli %scan3A_1008, %mul3A_1026 : i32
      %swap3A_1028 = arith.index_cast %mul3A_1027 : i32 to index
      %swap3A_1029 = tpu.vector_load %arg15[%swap3A_1028] {strides = array<i32>} : memref<4096xf32, #tpu.memory_space<vmem>>, vector<16xf32>,
      tpu.vector_store %arg15[%swap3A_1028], %gather3A {strides = array<i32>} : memref<4096xf32, #tpu.memory_space<vmem>>, vector<16xf32>,
      %scan3A_1030 = arith.constant 0 : i32
      scf.yield %scan3A_1030 : i32
    }
    %scan3A_108 = arith.constant 256 : i32
    %scan3A_109 = arith.constant 0 : i32
    %scan3A_110 = arith.constant 0 : i32
    %scan3A_111 = arith.constant 256 : i32
    %scan3A_112 = arith.addi %scan3A_110, %scan3A_111 : i32
    %scan3A_113 = arith.constant 1 : i32
    %scan3A_114 = scf.for %scan3A_1008 = %scan3A_110 to %scan3A_112 step %scan3A_113 iter_args(%scan3A_1009 = %scan3A_109) -> (i32)  : i32 {
      %mul3A_1010 = arith.constant 16 : i32
      %mul3A_1011 = arith.muli %scan3A_1008, %mul3A_1010 : i32
      %add3A_1012 = vector.broadcast %mul3A_1011 : i32 to vector<16xi32>
      %add3A_1013 = arith.addi %add3A_1012, %iota3A : vector<16xi32>
      %add3A_1014 = arith.constant -2036 : i32
      %add3A_1015 = vector.broadcast %add3A_1014 : i32 to vector<16xi32>
      %add3A_1016 = arith.addi %add3A_1013, %add3A_1015 : vector<16xi32>
      %jit3A_1017 = arith.constant -512 : i32
      %jit3A_1018 = arith.constant 512 : i32
      %max3A_1019 = vector.broadcast %jit3A_1017 : i32 to vector<16xi32>
      %max3A_1020 = arith.maxsi %max3A_1019, %add3A_1016 : vector<16xi32>
      %min3A_1021 = vector.broadcast %jit3A_1018 : i32 to vector<16xi32>
      %min3A_1022 = arith.minsi %min3A_1021, %max3A_1020 : vector<16xi32>
      %add3A_1023 = arith.constant 512 : i32
      %add3A_1024 = vector.broadcast %add3A_1023 : i32 to vector<16xi32>
      %add3A_1025 = arith.addi %min3A_1022, %add3A_1024 : vector<16xi32>
      %gather3A = tpu.vector_load_idx %arg4[%add3A_1025] : memref<1032xf32, #tpu.memory_space<vmem>>[vector<16xi32>], vector<16xf32>,
      %mul3A_1026 = arith.constant 16 : i32
      %mul3A_1027 = arith.muli %scan3A_1008, %mul3A_1026 : i32
      %swap3A_1028 = arith.index_cast %mul3A_1027 : i32 to index
      %swap3A_1029 = tpu.vector_load %arg16[%swap3A_1028] {strides = array<i32>} : memref<4096xf32, #tpu.memory_space<vmem>>, vector<16xf32>,
      tpu.vector_store %arg16[%swap3A_1028], %gather3A {strides = array<i32>} : memref<4096xf32, #tpu.memory_space<vmem>>, vector<16xf32>,
      %scan3A_1030 = arith.constant 0 : i32
      scf.yield %scan3A_1030 : i32
    }
    %scan3A_115 = arith.constant 256 : i32
    %scan3A_116 = arith.constant 0 : i32
    %scan3A_117 = arith.constant 0 : i32
    %scan3A_118 = arith.constant 256 : i32
    %scan3A_119 = arith.addi %scan3A_117, %scan3A_118 : i32
    %scan3A_120 = arith.constant 1 : i32
    %scan3A_121 = scf.for %scan3A_1008 = %scan3A_117 to %scan3A_119 step %scan3A_120 iter_args(%scan3A_1009 = %scan3A_116) -> (i32)  : i32 {
      %mul3A_1010 = arith.constant 16 : i32
      %mul3A_1011 = arith.muli %scan3A_1008, %mul3A_1010 : i32
      %add3A_1012 = vector.broadcast %mul3A_1011 : i32 to vector<16xi32>
      %add3A_1013 = arith.addi %add3A_1012, %iota3A : vector<16xi32>
      %add3A_1014 = arith.constant -2035 : i32
      %add3A_1015 = vector.broadcast %add3A_1014 : i32 to vector<16xi32>
      %add3A_1016 = arith.addi %add3A_1013, %add3A_1015 : vector<16xi32>
      %jit3A_1017 = arith.constant -512 : i32
      %jit3A_1018 = arith.constant 512 : i32
      %max3A_1019 = vector.broadcast %jit3A_1017 : i32 to vector<16xi32>
      %max3A_1020 = arith.maxsi %max3A_1019, %add3A_1016 : vector<16xi32>
      %min3A_1021 = vector.broadcast %jit3A_1018 : i32 to vector<16xi32>
      %min3A_1022 = arith.minsi %min3A_1021, %max3A_1020 : vector<16xi32>
      %add3A_1023 = arith.constant 512 : i32
      %add3A_1024 = vector.broadcast %add3A_1023 : i32 to vector<16xi32>
      %add3A_1025 = arith.addi %min3A_1022, %add3A_1024 : vector<16xi32>
      %gather3A = tpu.vector_load_idx %arg4[%add3A_1025] : memref<1032xf32, #tpu.memory_space<vmem>>[vector<16xi32>], vector<16xf32>,
      %mul3A_1026 = arith.constant 16 : i32
      %mul3A_1027 = arith.muli %scan3A_1008, %mul3A_1026 : i32
      %swap3A_1028 = arith.index_cast %mul3A_1027 : i32 to index
      %swap3A_1029 = tpu.vector_load %arg17[%swap3A_1028] {strides = array<i32>} : memref<4096xf32, #tpu.memory_space<vmem>>, vector<16xf32>,
      tpu.vector_store %arg17[%swap3A_1028], %gather3A {strides = array<i32>} : memref<4096xf32, #tpu.memory_space<vmem>>, vector<16xf32>,
      %scan3A_1030 = arith.constant 0 : i32
      scf.yield %scan3A_1030 : i32
    }
    %scan3A_122 = arith.constant 256 : i32
    %scan3A_123 = arith.constant 0 : i32
    %scan3A_124 = arith.constant 0 : i32
    %scan3A_125 = arith.constant 256 : i32
    %scan3A_126 = arith.addi %scan3A_124, %scan3A_125 : i32
    %scan3A_127 = arith.constant 1 : i32
    %scan3A_128 = scf.for %scan3A_1008 = %scan3A_124 to %scan3A_126 step %scan3A_127 iter_args(%scan3A_1009 = %scan3A_123) -> (i32)  : i32 {
      %mul3A_1010 = arith.constant 16 : i32
      %mul3A_1011 = arith.muli %scan3A_1008, %mul3A_1010 : i32
      %add3A_1012 = vector.broadcast %mul3A_1011 : i32 to vector<16xi32>
      %add3A_1013 = arith.addi %add3A_1012, %iota3A : vector<16xi32>
      %add3A_1014 = arith.constant -2034 : i32
      %add3A_1015 = vector.broadcast %add3A_1014 : i32 to vector<16xi32>
      %add3A_1016 = arith.addi %add3A_1013, %add3A_1015 : vector<16xi32>
      %jit3A_1017 = arith.constant -512 : i32
      %jit3A_1018 = arith.constant 512 : i32
      %max3A_1019 = vector.broadcast %jit3A_1017 : i32 to vector<16xi32>
      %max3A_1020 = arith.maxsi %max3A_1019, %add3A_1016 : vector<16xi32>
      %min3A_1021 = vector.broadcast %jit3A_1018 : i32 to vector<16xi32>
      %min3A_1022 = arith.minsi %min3A_1021, %max3A_1020 : vector<16xi32>
      %add3A_1023 = arith.constant 512 : i32
      %add3A_1024 = vector.broadcast %add3A_1023 : i32 to vector<16xi32>
      %add3A_1025 = arith.addi %min3A_1022, %add3A_1024 : vector<16xi32>
      %gather3A = tpu.vector_load_idx %arg4[%add3A_1025] : memref<1032xf32, #tpu.memory_space<vmem>>[vector<16xi32>], vector<16xf32>,
      %mul3A_1026 = arith.constant 16 : i32
      %mul3A_1027 = arith.muli %scan3A_1008, %mul3A_1026 : i32
      %swap3A_1028 = arith.index_cast %mul3A_1027 : i32 to index
      %swap3A_1029 = tpu.vector_load %arg18[%swap3A_1028] {strides = array<i32>} : memref<4096xf32, #tpu.memory_space<vmem>>, vector<16xf32>,
      tpu.vector_store %arg18[%swap3A_1028], %gather3A {strides = array<i32>} : memref<4096xf32, #tpu.memory_space<vmem>>, vector<16xf32>,
      %scan3A_1030 = arith.constant 0 : i32
      scf.yield %scan3A_1030 : i32
    }
    %scan3A_129 = arith.constant 256 : i32
    %scan3A_130 = arith.constant 0 : i32
    %scan3A_131 = arith.constant 0 : i32
    %scan3A_132 = arith.constant 256 : i32
    %scan3A_133 = arith.addi %scan3A_131, %scan3A_132 : i32
    %scan3A_134 = arith.constant 1 : i32
    %scan3A_135 = scf.for %scan3A_1008 = %scan3A_131 to %scan3A_133 step %scan3A_134 iter_args(%scan3A_1009 = %scan3A_130) -> (i32)  : i32 {
      %mul3A_1010 = arith.constant 16 : i32
      %mul3A_1011 = arith.muli %scan3A_1008, %mul3A_1010 : i32
      %add3A_1012 = vector.broadcast %mul3A_1011 : i32 to vector<16xi32>
      %add3A_1013 = arith.addi %add3A_1012, %iota3A : vector<16xi32>
      %add3A_1014 = arith.constant -2033 : i32
      %add3A_1015 = vector.broadcast %add3A_1014 : i32 to vector<16xi32>
      %add3A_1016 = arith.addi %add3A_1013, %add3A_1015 : vector<16xi32>
      %jit3A_1017 = arith.constant -512 : i32
      %jit3A_1018 = arith.constant 512 : i32
      %max3A_1019 = vector.broadcast %jit3A_1017 : i32 to vector<16xi32>
      %max3A_1020 = arith.maxsi %max3A_1019, %add3A_1016 : vector<16xi32>
      %min3A_1021 = vector.broadcast %jit3A_1018 : i32 to vector<16xi32>
      %min3A_1022 = arith.minsi %min3A_1021, %max3A_1020 : vector<16xi32>
      %add3A_1023 = arith.constant 512 : i32
      %add3A_1024 = vector.broadcast %add3A_1023 : i32 to vector<16xi32>
      %add3A_1025 = arith.addi %min3A_1022, %add3A_1024 : vector<16xi32>
      %gather3A = tpu.vector_load_idx %arg4[%add3A_1025] : memref<1032xf32, #tpu.memory_space<vmem>>[vector<16xi32>], vector<16xf32>,
      %mul3A_1026 = arith.constant 16 : i32
      %mul3A_1027 = arith.muli %scan3A_1008, %mul3A_1026 : i32
      %swap3A_1028 = arith.index_cast %mul3A_1027 : i32 to index
      %swap3A_1029 = tpu.vector_load %arg19[%swap3A_1028] {strides = array<i32>} : memref<4096xf32, #tpu.memory_space<vmem>>, vector<16xf32>,
      tpu.vector_store %arg19[%swap3A_1028], %gather3A {strides = array<i32>} : memref<4096xf32, #tpu.memory_space<vmem>>, vector<16xf32>,
      %scan3A_1030 = arith.constant 0 : i32
      scf.yield %scan3A_1030 : i32
    }
    %scan3A_136 = arith.constant 256 : i32
    %scan3A_137 = arith.constant 0 : i32
    %scan3A_138 = arith.constant 0 : i32
    %scan3A_139 = arith.constant 256 : i32
    %scan3A_140 = arith.addi %scan3A_138, %scan3A_139 : i32
    %scan3A_141 = arith.constant 1 : i32
    %scan3A_142 = scf.for %scan3A_1008 = %scan3A_138 to %scan3A_140 step %scan3A_141 iter_args(%scan3A_1009 = %scan3A_137) -> (i32)  : i32 {
      %mul3A_1010 = arith.constant 16 : i32
      %mul3A_1011 = arith.muli %scan3A_1008, %mul3A_1010 : i32
      %add3A_1012 = vector.broadcast %mul3A_1011 : i32 to vector<16xi32>
      %add3A_1013 = arith.addi %add3A_1012, %iota3A : vector<16xi32>
      %add3A_1014 = arith.constant -2032 : i32
      %add3A_1015 = vector.broadcast %add3A_1014 : i32 to vector<16xi32>
      %add3A_1016 = arith.addi %add3A_1013, %add3A_1015 : vector<16xi32>
      %jit3A_1017 = arith.constant -512 : i32
      %jit3A_1018 = arith.constant 512 : i32
      %max3A_1019 = vector.broadcast %jit3A_1017 : i32 to vector<16xi32>
      %max3A_1020 = arith.maxsi %max3A_1019, %add3A_1016 : vector<16xi32>
      %min3A_1021 = vector.broadcast %jit3A_1018 : i32 to vector<16xi32>
      %min3A_1022 = arith.minsi %min3A_1021, %max3A_1020 : vector<16xi32>
      %add3A_1023 = arith.constant 512 : i32
      %add3A_1024 = vector.broadcast %add3A_1023 : i32 to vector<16xi32>
      %add3A_1025 = arith.addi %min3A_1022, %add3A_1024 : vector<16xi32>
      %gather3A = tpu.vector_load_idx %arg4[%add3A_1025] : memref<1032xf32, #tpu.memory_space<vmem>>[vector<16xi32>], vector<16xf32>,
      %mul3A_1026 = arith.constant 16 : i32
      %mul3A_1027 = arith.muli %scan3A_1008, %mul3A_1026 : i32
      %swap3A_1028 = arith.index_cast %mul3A_1027 : i32 to index
      %swap3A_1029 = tpu.vector_load %arg20[%swap3A_1028] {strides = array<i32>} : memref<4096xf32, #tpu.memory_space<vmem>>, vector<16xf32>,
      tpu.vector_store %arg20[%swap3A_1028], %gather3A {strides = array<i32>} : memref<4096xf32, #tpu.memory_space<vmem>>, vector<16xf32>,
      %scan3A_1030 = arith.constant 0 : i32
      scf.yield %scan3A_1030 : i32
    }
    %scan3A_143 = arith.constant 256 : i32
    %get3A = arith.constant 0 : index
    %get3A_144 = tpu.vector_load %arg5[%get3A] {strides = array<i32>} : memref<4096xf32, #tpu.memory_space<vmem>>, vector<16xf32>,
    %get3A_145 = arith.constant 4080 : index
    %get3A_146 = tpu.vector_load %arg5[%get3A_145] {strides = array<i32>} : memref<4096xf32, #tpu.memory_space<vmem>>, vector<16xf32>,
    %swap3A = arith.constant 0 : i32
    %swap3A_147 = arith.index_cast %swap3A : i32 to index
    %swap3A_148 = arith.constant 0 : index
    %swap3A_149 = tpu.vector_load %arg23[%swap3A_147, %swap3A_148] {strides = array<i32>} : memref<8x128xf32, #tpu.memory_space<vmem>>, vector<16xf32>,
    tpu.vector_store %arg23[%swap3A_147, %swap3A_148], %get3A_144 {strides = array<i32>} : memref<8x128xf32, #tpu.memory_space<vmem>>, vector<16xf32>,
    %swap3A_150 = arith.constant 0 : i32
    %swap3A_151 = arith.index_cast %swap3A_150 : i32 to index
    %swap3A_152 = arith.constant 0 : index
    %swap3A_153 = tpu.vector_load %arg24[%swap3A_151, %swap3A_152] {strides = array<i32>} : memref<8x128xf32, #tpu.memory_space<vmem>>, vector<16xf32>,
    tpu.vector_store %arg24[%swap3A_151, %swap3A_152], %get3A_146 {strides = array<i32>} : memref<8x128xf32, #tpu.memory_space<vmem>>, vector<16xf32>,
    %swap3A_154 = arith.constant 0 : i32
    %swap3A_155 = arith.index_cast %swap3A_154 : i32 to index
    %swap3A_156 = arith.constant 16 : index
    %swap3A_157 = tpu.vector_load %arg23[%swap3A_155, %swap3A_156] {strides = array<i32>} : memref<8x128xf32, #tpu.memory_space<vmem>>, vector<16xf32>,
    tpu.vector_store %arg23[%swap3A_155, %swap3A_156], %get3A_144 {strides = array<i32>} : memref<8x128xf32, #tpu.memory_space<vmem>>, vector<16xf32>,
    %swap3A_158 = arith.constant 0 : i32
    %swap3A_159 = arith.index_cast %swap3A_158 : i32 to index
    %swap3A_160 = arith.constant 16 : index
    %swap3A_161 = tpu.vector_load %arg24[%swap3A_159, %swap3A_160] {strides = array<i32>} : memref<8x128xf32, #tpu.memory_space<vmem>>, vector<16xf32>,
    tpu.vector_store %arg24[%swap3A_159, %swap3A_160], %get3A_146 {strides = array<i32>} : memref<8x128xf32, #tpu.memory_space<vmem>>, vector<16xf32>,
    %swap3A_162 = arith.constant 0 : i32
    %swap3A_163 = arith.index_cast %swap3A_162 : i32 to index
    %swap3A_164 = arith.constant 32 : index
    %swap3A_165 = tpu.vector_load %arg23[%swap3A_163, %swap3A_164] {strides = array<i32>} : memref<8x128xf32, #tpu.memory_space<vmem>>, vector<16xf32>,
    tpu.vector_store %arg23[%swap3A_163, %swap3A_164], %get3A_144 {strides = array<i32>} : memref<8x128xf32, #tpu.memory_space<vmem>>, vector<16xf32>,
    %swap3A_166 = arith.constant 0 : i32
    %swap3A_167 = arith.index_cast %swap3A_166 : i32 to index
    %swap3A_168 = arith.constant 32 : index
    %swap3A_169 = tpu.vector_load %arg24[%swap3A_167, %swap3A_168] {strides = array<i32>} : memref<8x128xf32, #tpu.memory_space<vmem>>, vector<16xf32>,
    tpu.vector_store %arg24[%swap3A_167, %swap3A_168], %get3A_146 {strides = array<i32>} : memref<8x128xf32, #tpu.memory_space<vmem>>, vector<16xf32>,
    %swap3A_170 = arith.constant 0 : i32
    %swap3A_171 = arith.index_cast %swap3A_170 : i32 to index
    %swap3A_172 = arith.constant 48 : index
    %swap3A_173 = tpu.vector_load %arg23[%swap3A_171, %swap3A_172] {strides = array<i32>} : memref<8x128xf32, #tpu.memory_space<vmem>>, vector<16xf32>,
    tpu.vector_store %arg23[%swap3A_171, %swap3A_172], %get3A_144 {strides = array<i32>} : memref<8x128xf32, #tpu.memory_space<vmem>>, vector<16xf32>,
    %swap3A_174 = arith.constant 0 : i32
    %swap3A_175 = arith.index_cast %swap3A_174 : i32 to index
    %swap3A_176 = arith.constant 48 : index
    %swap3A_177 = tpu.vector_load %arg24[%swap3A_175, %swap3A_176] {strides = array<i32>} : memref<8x128xf32, #tpu.memory_space<vmem>>, vector<16xf32>,
    tpu.vector_store %arg24[%swap3A_175, %swap3A_176], %get3A_146 {strides = array<i32>} : memref<8x128xf32, #tpu.memory_space<vmem>>, vector<16xf32>,
    %swap3A_178 = arith.constant 0 : i32
    %swap3A_179 = arith.index_cast %swap3A_178 : i32 to index
    %swap3A_180 = arith.constant 64 : index
    %swap3A_181 = tpu.vector_load %arg23[%swap3A_179, %swap3A_180] {strides = array<i32>} : memref<8x128xf32, #tpu.memory_space<vmem>>, vector<16xf32>,
    tpu.vector_store %arg23[%swap3A_179, %swap3A_180], %get3A_144 {strides = array<i32>} : memref<8x128xf32, #tpu.memory_space<vmem>>, vector<16xf32>,
    %swap3A_182 = arith.constant 0 : i32
    %swap3A_183 = arith.index_cast %swap3A_182 : i32 to index
    %swap3A_184 = arith.constant 64 : index
    %swap3A_185 = tpu.vector_load %arg24[%swap3A_183, %swap3A_184] {strides = array<i32>} : memref<8x128xf32, #tpu.memory_space<vmem>>, vector<16xf32>,
    tpu.vector_store %arg24[%swap3A_183, %swap3A_184], %get3A_146 {strides = array<i32>} : memref<8x128xf32, #tpu.memory_space<vmem>>, vector<16xf32>,
    %swap3A_186 = arith.constant 0 : i32
    %swap3A_187 = arith.index_cast %swap3A_186 : i32 to index
    %swap3A_188 = arith.constant 80 : index
    %swap3A_189 = tpu.vector_load %arg23[%swap3A_187, %swap3A_188] {strides = array<i32>} : memref<8x128xf32, #tpu.memory_space<vmem>>, vector<16xf32>,
    tpu.vector_store %arg23[%swap3A_187, %swap3A_188], %get3A_144 {strides = array<i32>} : memref<8x128xf32, #tpu.memory_space<vmem>>, vector<16xf32>,
    %swap3A_190 = arith.constant 0 : i32
    %swap3A_191 = arith.index_cast %swap3A_190 : i32 to index
    %swap3A_192 = arith.constant 80 : index
    %swap3A_193 = tpu.vector_load %arg24[%swap3A_191, %swap3A_192] {strides = array<i32>} : memref<8x128xf32, #tpu.memory_space<vmem>>, vector<16xf32>,
    tpu.vector_store %arg24[%swap3A_191, %swap3A_192], %get3A_146 {strides = array<i32>} : memref<8x128xf32, #tpu.memory_space<vmem>>, vector<16xf32>,
    %swap3A_194 = arith.constant 0 : i32
    %swap3A_195 = arith.index_cast %swap3A_194 : i32 to index
    %swap3A_196 = arith.constant 96 : index
    %swap3A_197 = tpu.vector_load %arg23[%swap3A_195, %swap3A_196] {strides = array<i32>} : memref<8x128xf32, #tpu.memory_space<vmem>>, vector<16xf32>,
    tpu.vector_store %arg23[%swap3A_195, %swap3A_196], %get3A_144 {strides = array<i32>} : memref<8x128xf32, #tpu.memory_space<vmem>>, vector<16xf32>,
    %swap3A_198 = arith.constant 0 : i32
    %swap3A_199 = arith.index_cast %swap3A_198 : i32 to index
    %swap3A_200 = arith.constant 96 : index
    %swap3A_201 = tpu.vector_load %arg24[%swap3A_199, %swap3A_200] {strides = array<i32>} : memref<8x128xf32, #tpu.memory_space<vmem>>, vector<16xf32>,
    tpu.vector_store %arg24[%swap3A_199, %swap3A_200], %get3A_146 {strides = array<i32>} : memref<8x128xf32, #tpu.memory_space<vmem>>, vector<16xf32>,
    %swap3A_202 = arith.constant 0 : i32
    %swap3A_203 = arith.index_cast %swap3A_202 : i32 to index
    %swap3A_204 = arith.constant 112 : index
    %swap3A_205 = tpu.vector_load %arg23[%swap3A_203, %swap3A_204] {strides = array<i32>} : memref<8x128xf32, #tpu.memory_space<vmem>>, vector<16xf32>,
    tpu.vector_store %arg23[%swap3A_203, %swap3A_204], %get3A_144 {strides = array<i32>} : memref<8x128xf32, #tpu.memory_space<vmem>>, vector<16xf32>,
    %swap3A_206 = arith.constant 0 : i32
    %swap3A_207 = arith.index_cast %swap3A_206 : i32 to index
    %swap3A_208 = arith.constant 112 : index
    %swap3A_209 = tpu.vector_load %arg24[%swap3A_207, %swap3A_208] {strides = array<i32>} : memref<8x128xf32, #tpu.memory_space<vmem>>, vector<16xf32>,
    tpu.vector_store %arg24[%swap3A_207, %swap3A_208], %get3A_146 {strides = array<i32>} : memref<8x128xf32, #tpu.memory_space<vmem>>, vector<16xf32>,
    %swap3A_210 = arith.constant 1 : i32
    %swap3A_211 = arith.index_cast %swap3A_210 : i32 to index
    %swap3A_212 = arith.constant 0 : index
    %swap3A_213 = tpu.vector_load %arg23[%swap3A_211, %swap3A_212] {strides = array<i32>} : memref<8x128xf32, #tpu.memory_space<vmem>>, vector<16xf32>,
    tpu.vector_store %arg23[%swap3A_211, %swap3A_212], %get3A_144 {strides = array<i32>} : memref<8x128xf32, #tpu.memory_space<vmem>>, vector<16xf32>,
    %swap3A_214 = arith.constant 1 : i32
    %swap3A_215 = arith.index_cast %swap3A_214 : i32 to index
    %swap3A_216 = arith.constant 0 : index
    %swap3A_217 = tpu.vector_load %arg24[%swap3A_215, %swap3A_216] {strides = array<i32>} : memref<8x128xf32, #tpu.memory_space<vmem>>, vector<16xf32>,
    tpu.vector_store %arg24[%swap3A_215, %swap3A_216], %get3A_146 {strides = array<i32>} : memref<8x128xf32, #tpu.memory_space<vmem>>, vector<16xf32>,
    %swap3A_218 = arith.constant 1 : i32
    %swap3A_219 = arith.index_cast %swap3A_218 : i32 to index
    %swap3A_220 = arith.constant 16 : index
    %swap3A_221 = tpu.vector_load %arg23[%swap3A_219, %swap3A_220] {strides = array<i32>} : memref<8x128xf32, #tpu.memory_space<vmem>>, vector<16xf32>,
    tpu.vector_store %arg23[%swap3A_219, %swap3A_220], %get3A_144 {strides = array<i32>} : memref<8x128xf32, #tpu.memory_space<vmem>>, vector<16xf32>,
    %swap3A_222 = arith.constant 1 : i32
    %swap3A_223 = arith.index_cast %swap3A_222 : i32 to index
    %swap3A_224 = arith.constant 16 : index
    %swap3A_225 = tpu.vector_load %arg24[%swap3A_223, %swap3A_224] {strides = array<i32>} : memref<8x128xf32, #tpu.memory_space<vmem>>, vector<16xf32>,
    tpu.vector_store %arg24[%swap3A_223, %swap3A_224], %get3A_146 {strides = array<i32>} : memref<8x128xf32, #tpu.memory_space<vmem>>, vector<16xf32>,
    %swap3A_226 = arith.constant 1 : i32
    %swap3A_227 = arith.index_cast %swap3A_226 : i32 to index
    %swap3A_228 = arith.constant 32 : index
    %swap3A_229 = tpu.vector_load %arg23[%swap3A_227, %swap3A_228] {strides = array<i32>} : memref<8x128xf32, #tpu.memory_space<vmem>>, vector<16xf32>,
    tpu.vector_store %arg23[%swap3A_227, %swap3A_228], %get3A_144 {strides = array<i32>} : memref<8x128xf32, #tpu.memory_space<vmem>>, vector<16xf32>,
    %swap3A_230 = arith.constant 1 : i32
    %swap3A_231 = arith.index_cast %swap3A_230 : i32 to index
    %swap3A_232 = arith.constant 32 : index
    %swap3A_233 = tpu.vector_load %arg24[%swap3A_231, %swap3A_232] {strides = array<i32>} : memref<8x128xf32, #tpu.memory_space<vmem>>, vector<16xf32>,
    tpu.vector_store %arg24[%swap3A_231, %swap3A_232], %get3A_146 {strides = array<i32>} : memref<8x128xf32, #tpu.memory_space<vmem>>, vector<16xf32>,
    %swap3A_234 = arith.constant 1 : i32
    %swap3A_235 = arith.index_cast %swap3A_234 : i32 to index
    %swap3A_236 = arith.constant 48 : index
    %swap3A_237 = tpu.vector_load %arg23[%swap3A_235, %swap3A_236] {strides = array<i32>} : memref<8x128xf32, #tpu.memory_space<vmem>>, vector<16xf32>,
    tpu.vector_store %arg23[%swap3A_235, %swap3A_236], %get3A_144 {strides = array<i32>} : memref<8x128xf32, #tpu.memory_space<vmem>>, vector<16xf32>,
    %swap3A_238 = arith.constant 1 : i32
    %swap3A_239 = arith.index_cast %swap3A_238 : i32 to index
    %swap3A_240 = arith.constant 48 : index
    %swap3A_241 = tpu.vector_load %arg24[%swap3A_239, %swap3A_240] {strides = array<i32>} : memref<8x128xf32, #tpu.memory_space<vmem>>, vector<16xf32>,
    tpu.vector_store %arg24[%swap3A_239, %swap3A_240], %get3A_146 {strides = array<i32>} : memref<8x128xf32, #tpu.memory_space<vmem>>, vector<16xf32>,
    %swap3A_242 = arith.constant 1 : i32
    %swap3A_243 = arith.index_cast %swap3A_242 : i32 to index
    %swap3A_244 = arith.constant 64 : index
    %swap3A_245 = tpu.vector_load %arg23[%swap3A_243, %swap3A_244] {strides = array<i32>} : memref<8x128xf32, #tpu.memory_space<vmem>>, vector<16xf32>,
    tpu.vector_store %arg23[%swap3A_243, %swap3A_244], %get3A_144 {strides = array<i32>} : memref<8x128xf32, #tpu.memory_space<vmem>>, vector<16xf32>,
    %swap3A_246 = arith.constant 1 : i32
    %swap3A_247 = arith.index_cast %swap3A_246 : i32 to index
    %swap3A_248 = arith.constant 64 : index
    %swap3A_249 = tpu.vector_load %arg24[%swap3A_247, %swap3A_248] {strides = array<i32>} : memref<8x128xf32, #tpu.memory_space<vmem>>, vector<16xf32>,
    tpu.vector_store %arg24[%swap3A_247, %swap3A_248], %get3A_146 {strides = array<i32>} : memref<8x128xf32, #tpu.memory_space<vmem>>, vector<16xf32>,
    %swap3A_250 = arith.constant 1 : i32
    %swap3A_251 = arith.index_cast %swap3A_250 : i32 to index
    %swap3A_252 = arith.constant 80 : index
    %swap3A_253 = tpu.vector_load %arg23[%swap3A_251, %swap3A_252] {strides = array<i32>} : memref<8x128xf32, #tpu.memory_space<vmem>>, vector<16xf32>,
    tpu.vector_store %arg23[%swap3A_251, %swap3A_252], %get3A_144 {strides = array<i32>} : memref<8x128xf32, #tpu.memory_space<vmem>>, vector<16xf32>,
    %swap3A_254 = arith.constant 1 : i32
    %swap3A_255 = arith.index_cast %swap3A_254 : i32 to index
    %swap3A_256 = arith.constant 80 : index
    %swap3A_257 = tpu.vector_load %arg24[%swap3A_255, %swap3A_256] {strides = array<i32>} : memref<8x128xf32, #tpu.memory_space<vmem>>, vector<16xf32>,
    tpu.vector_store %arg24[%swap3A_255, %swap3A_256], %get3A_146 {strides = array<i32>} : memref<8x128xf32, #tpu.memory_space<vmem>>, vector<16xf32>,
    %swap3A_258 = arith.constant 1 : i32
    %swap3A_259 = arith.index_cast %swap3A_258 : i32 to index
    %swap3A_260 = arith.constant 96 : index
    %swap3A_261 = tpu.vector_load %arg23[%swap3A_259, %swap3A_260] {strides = array<i32>} : memref<8x128xf32, #tpu.memory_space<vmem>>, vector<16xf32>,
    tpu.vector_store %arg23[%swap3A_259, %swap3A_260], %get3A_144 {strides = array<i32>} : memref<8x128xf32, #tpu.memory_space<vmem>>, vector<16xf32>,
    %swap3A_262 = arith.constant 1 : i32
    %swap3A_263 = arith.index_cast %swap3A_262 : i32 to index
    %swap3A_264 = arith.constant 96 : index
    %swap3A_265 = tpu.vector_load %arg24[%swap3A_263, %swap3A_264] {strides = array<i32>} : memref<8x128xf32, #tpu.memory_space<vmem>>, vector<16xf32>,
    tpu.vector_store %arg24[%swap3A_263, %swap3A_264], %get3A_146 {strides = array<i32>} : memref<8x128xf32, #tpu.memory_space<vmem>>, vector<16xf32>,
    %swap3A_266 = arith.constant 1 : i32
    %swap3A_267 = arith.index_cast %swap3A_266 : i32 to index
    %swap3A_268 = arith.constant 112 : index
    %swap3A_269 = tpu.vector_load %arg23[%swap3A_267, %swap3A_268] {strides = array<i32>} : memref<8x128xf32, #tpu.memory_space<vmem>>, vector<16xf32>,
    tpu.vector_store %arg23[%swap3A_267, %swap3A_268], %get3A_144 {strides = array<i32>} : memref<8x128xf32, #tpu.memory_space<vmem>>, vector<16xf32>,
    %swap3A_270 = arith.constant 1 : i32
    %swap3A_271 = arith.index_cast %swap3A_270 : i32 to index
    %swap3A_272 = arith.constant 112 : index
    %swap3A_273 = tpu.vector_load %arg24[%swap3A_271, %swap3A_272] {strides = array<i32>} : memref<8x128xf32, #tpu.memory_space<vmem>>, vector<16xf32>,
    tpu.vector_store %arg24[%swap3A_271, %swap3A_272], %get3A_146 {strides = array<i32>} : memref<8x128xf32, #tpu.memory_space<vmem>>, vector<16xf32>,
    %swap3A_274 = arith.constant 2 : i32
    %swap3A_275 = arith.index_cast %swap3A_274 : i32 to index
    %swap3A_276 = arith.constant 0 : index
    %swap3A_277 = tpu.vector_load %arg23[%swap3A_275, %swap3A_276] {strides = array<i32>} : memref<8x128xf32, #tpu.memory_space<vmem>>, vector<16xf32>,
    tpu.vector_store %arg23[%swap3A_275, %swap3A_276], %get3A_144 {strides = array<i32>} : memref<8x128xf32, #tpu.memory_space<vmem>>, vector<16xf32>,
    %swap3A_278 = arith.constant 2 : i32
    %swap3A_279 = arith.index_cast %swap3A_278 : i32 to index
    %swap3A_280 = arith.constant 0 : index
    %swap3A_281 = tpu.vector_load %arg24[%swap3A_279, %swap3A_280] {strides = array<i32>} : memref<8x128xf32, #tpu.memory_space<vmem>>, vector<16xf32>,
    tpu.vector_store %arg24[%swap3A_279, %swap3A_280], %get3A_146 {strides = array<i32>} : memref<8x128xf32, #tpu.memory_space<vmem>>, vector<16xf32>,
    %swap3A_282 = arith.constant 2 : i32
    %swap3A_283 = arith.index_cast %swap3A_282 : i32 to index
    %swap3A_284 = arith.constant 16 : index
    %swap3A_285 = tpu.vector_load %arg23[%swap3A_283, %swap3A_284] {strides = array<i32>} : memref<8x128xf32, #tpu.memory_space<vmem>>, vector<16xf32>,
    tpu.vector_store %arg23[%swap3A_283, %swap3A_284], %get3A_144 {strides = array<i32>} : memref<8x128xf32, #tpu.memory_space<vmem>>, vector<16xf32>,
    %swap3A_286 = arith.constant 2 : i32
    %swap3A_287 = arith.index_cast %swap3A_286 : i32 to index
    %swap3A_288 = arith.constant 16 : index
    %swap3A_289 = tpu.vector_load %arg24[%swap3A_287, %swap3A_288] {strides = array<i32>} : memref<8x128xf32, #tpu.memory_space<vmem>>, vector<16xf32>,
    tpu.vector_store %arg24[%swap3A_287, %swap3A_288], %get3A_146 {strides = array<i32>} : memref<8x128xf32, #tpu.memory_space<vmem>>, vector<16xf32>,
    %swap3A_290 = arith.constant 2 : i32
    %swap3A_291 = arith.index_cast %swap3A_290 : i32 to index
    %swap3A_292 = arith.constant 32 : index
    %swap3A_293 = tpu.vector_load %arg23[%swap3A_291, %swap3A_292] {strides = array<i32>} : memref<8x128xf32, #tpu.memory_space<vmem>>, vector<16xf32>,
    tpu.vector_store %arg23[%swap3A_291, %swap3A_292], %get3A_144 {strides = array<i32>} : memref<8x128xf32, #tpu.memory_space<vmem>>, vector<16xf32>,
    %swap3A_294 = arith.constant 2 : i32
    %swap3A_295 = arith.index_cast %swap3A_294 : i32 to index
    %swap3A_296 = arith.constant 32 : index
    %swap3A_297 = tpu.vector_load %arg24[%swap3A_295, %swap3A_296] {strides = array<i32>} : memref<8x128xf32, #tpu.memory_space<vmem>>, vector<16xf32>,
    tpu.vector_store %arg24[%swap3A_295, %swap3A_296], %get3A_146 {strides = array<i32>} : memref<8x128xf32, #tpu.memory_space<vmem>>, vector<16xf32>,
    %swap3A_298 = arith.constant 2 : i32
    %swap3A_299 = arith.index_cast %swap3A_298 : i32 to index
    %swap3A_300 = arith.constant 48 : index
    %swap3A_301 = tpu.vector_load %arg23[%swap3A_299, %swap3A_300] {strides = array<i32>} : memref<8x128xf32, #tpu.memory_space<vmem>>, vector<16xf32>,
    tpu.vector_store %arg23[%swap3A_299, %swap3A_300], %get3A_144 {strides = array<i32>} : memref<8x128xf32, #tpu.memory_space<vmem>>, vector<16xf32>,
    %swap3A_302 = arith.constant 2 : i32
    %swap3A_303 = arith.index_cast %swap3A_302 : i32 to index
    %swap3A_304 = arith.constant 48 : index
    %swap3A_305 = tpu.vector_load %arg24[%swap3A_303, %swap3A_304] {strides = array<i32>} : memref<8x128xf32, #tpu.memory_space<vmem>>, vector<16xf32>,
    tpu.vector_store %arg24[%swap3A_303, %swap3A_304], %get3A_146 {strides = array<i32>} : memref<8x128xf32, #tpu.memory_space<vmem>>, vector<16xf32>,
    %swap3A_306 = arith.constant 2 : i32
    %swap3A_307 = arith.index_cast %swap3A_306 : i32 to index
    %swap3A_308 = arith.constant 64 : index
    %swap3A_309 = tpu.vector_load %arg23[%swap3A_307, %swap3A_308] {strides = array<i32>} : memref<8x128xf32, #tpu.memory_space<vmem>>, vector<16xf32>,
    tpu.vector_store %arg23[%swap3A_307, %swap3A_308], %get3A_144 {strides = array<i32>} : memref<8x128xf32, #tpu.memory_space<vmem>>, vector<16xf32>,
    %swap3A_310 = arith.constant 2 : i32
    %swap3A_311 = arith.index_cast %swap3A_310 : i32 to index
    %swap3A_312 = arith.constant 64 : index
    %swap3A_313 = tpu.vector_load %arg24[%swap3A_311, %swap3A_312] {strides = array<i32>} : memref<8x128xf32, #tpu.memory_space<vmem>>, vector<16xf32>,
    tpu.vector_store %arg24[%swap3A_311, %swap3A_312], %get3A_146 {strides = array<i32>} : memref<8x128xf32, #tpu.memory_space<vmem>>, vector<16xf32>,
    %swap3A_314 = arith.constant 2 : i32
    %swap3A_315 = arith.index_cast %swap3A_314 : i32 to index
    %swap3A_316 = arith.constant 80 : index
    %swap3A_317 = tpu.vector_load %arg23[%swap3A_315, %swap3A_316] {strides = array<i32>} : memref<8x128xf32, #tpu.memory_space<vmem>>, vector<16xf32>,
    tpu.vector_store %arg23[%swap3A_315, %swap3A_316], %get3A_144 {strides = array<i32>} : memref<8x128xf32, #tpu.memory_space<vmem>>, vector<16xf32>,
    %swap3A_318 = arith.constant 2 : i32
    %swap3A_319 = arith.index_cast %swap3A_318 : i32 to index
    %swap3A_320 = arith.constant 80 : index
    %swap3A_321 = tpu.vector_load %arg24[%swap3A_319, %swap3A_320] {strides = array<i32>} : memref<8x128xf32, #tpu.memory_space<vmem>>, vector<16xf32>,
    tpu.vector_store %arg24[%swap3A_319, %swap3A_320], %get3A_146 {strides = array<i32>} : memref<8x128xf32, #tpu.memory_space<vmem>>, vector<16xf32>,
    %swap3A_322 = arith.constant 2 : i32
    %swap3A_323 = arith.index_cast %swap3A_322 : i32 to index
    %swap3A_324 = arith.constant 96 : index
    %swap3A_325 = tpu.vector_load %arg23[%swap3A_323, %swap3A_324] {strides = array<i32>} : memref<8x128xf32, #tpu.memory_space<vmem>>, vector<16xf32>,
    tpu.vector_store %arg23[%swap3A_323, %swap3A_324], %get3A_144 {strides = array<i32>} : memref<8x128xf32, #tpu.memory_space<vmem>>, vector<16xf32>,
    %swap3A_326 = arith.constant 2 : i32
    %swap3A_327 = arith.index_cast %swap3A_326 : i32 to index
    %swap3A_328 = arith.constant 96 : index
    %swap3A_329 = tpu.vector_load %arg24[%swap3A_327, %swap3A_328] {strides = array<i32>} : memref<8x128xf32, #tpu.memory_space<vmem>>, vector<16xf32>,
    tpu.vector_store %arg24[%swap3A_327, %swap3A_328], %get3A_146 {strides = array<i32>} : memref<8x128xf32, #tpu.memory_space<vmem>>, vector<16xf32>,
    %swap3A_330 = arith.constant 2 : i32
    %swap3A_331 = arith.index_cast %swap3A_330 : i32 to index
    %swap3A_332 = arith.constant 112 : index
    %swap3A_333 = tpu.vector_load %arg23[%swap3A_331, %swap3A_332] {strides = array<i32>} : memref<8x128xf32, #tpu.memory_space<vmem>>, vector<16xf32>,
    tpu.vector_store %arg23[%swap3A_331, %swap3A_332], %get3A_144 {strides = array<i32>} : memref<8x128xf32, #tpu.memory_space<vmem>>, vector<16xf32>,
    %swap3A_334 = arith.constant 2 : i32
    %swap3A_335 = arith.index_cast %swap3A_334 : i32 to index
    %swap3A_336 = arith.constant 112 : index
    %swap3A_337 = tpu.vector_load %arg24[%swap3A_335, %swap3A_336] {strides = array<i32>} : memref<8x128xf32, #tpu.memory_space<vmem>>, vector<16xf32>,
    tpu.vector_store %arg24[%swap3A_335, %swap3A_336], %get3A_146 {strides = array<i32>} : memref<8x128xf32, #tpu.memory_space<vmem>>, vector<16xf32>,
    %swap3A_338 = arith.constant 3 : i32
    %swap3A_339 = arith.index_cast %swap3A_338 : i32 to index
    %swap3A_340 = arith.constant 0 : index
    %swap3A_341 = tpu.vector_load %arg23[%swap3A_339, %swap3A_340] {strides = array<i32>} : memref<8x128xf32, #tpu.memory_space<vmem>>, vector<16xf32>,
    tpu.vector_store %arg23[%swap3A_339, %swap3A_340], %get3A_144 {strides = array<i32>} : memref<8x128xf32, #tpu.memory_space<vmem>>, vector<16xf32>,
    %swap3A_342 = arith.constant 3 : i32
    %swap3A_343 = arith.index_cast %swap3A_342 : i32 to index
    %swap3A_344 = arith.constant 0 : index
    %swap3A_345 = tpu.vector_load %arg24[%swap3A_343, %swap3A_344] {strides = array<i32>} : memref<8x128xf32, #tpu.memory_space<vmem>>, vector<16xf32>,
    tpu.vector_store %arg24[%swap3A_343, %swap3A_344], %get3A_146 {strides = array<i32>} : memref<8x128xf32, #tpu.memory_space<vmem>>, vector<16xf32>,
    %swap3A_346 = arith.constant 3 : i32
    %swap3A_347 = arith.index_cast %swap3A_346 : i32 to index
    %swap3A_348 = arith.constant 16 : index
    %swap3A_349 = tpu.vector_load %arg23[%swap3A_347, %swap3A_348] {strides = array<i32>} : memref<8x128xf32, #tpu.memory_space<vmem>>, vector<16xf32>,
    tpu.vector_store %arg23[%swap3A_347, %swap3A_348], %get3A_144 {strides = array<i32>} : memref<8x128xf32, #tpu.memory_space<vmem>>, vector<16xf32>,
    %swap3A_350 = arith.constant 3 : i32
    %swap3A_351 = arith.index_cast %swap3A_350 : i32 to index
    %swap3A_352 = arith.constant 16 : index
    %swap3A_353 = tpu.vector_load %arg24[%swap3A_351, %swap3A_352] {strides = array<i32>} : memref<8x128xf32, #tpu.memory_space<vmem>>, vector<16xf32>,
    tpu.vector_store %arg24[%swap3A_351, %swap3A_352], %get3A_146 {strides = array<i32>} : memref<8x128xf32, #tpu.memory_space<vmem>>, vector<16xf32>,
    %swap3A_354 = arith.constant 3 : i32
    %swap3A_355 = arith.index_cast %swap3A_354 : i32 to index
    %swap3A_356 = arith.constant 32 : index
    %swap3A_357 = tpu.vector_load %arg23[%swap3A_355, %swap3A_356] {strides = array<i32>} : memref<8x128xf32, #tpu.memory_space<vmem>>, vector<16xf32>,
    tpu.vector_store %arg23[%swap3A_355, %swap3A_356], %get3A_144 {strides = array<i32>} : memref<8x128xf32, #tpu.memory_space<vmem>>, vector<16xf32>,
    %swap3A_358 = arith.constant 3 : i32
    %swap3A_359 = arith.index_cast %swap3A_358 : i32 to index
    %swap3A_360 = arith.constant 32 : index
    %swap3A_361 = tpu.vector_load %arg24[%swap3A_359, %swap3A_360] {strides = array<i32>} : memref<8x128xf32, #tpu.memory_space<vmem>>, vector<16xf32>,
    tpu.vector_store %arg24[%swap3A_359, %swap3A_360], %get3A_146 {strides = array<i32>} : memref<8x128xf32, #tpu.memory_space<vmem>>, vector<16xf32>,
    %swap3A_362 = arith.constant 3 : i32
    %swap3A_363 = arith.index_cast %swap3A_362 : i32 to index
    %swap3A_364 = arith.constant 48 : index
    %swap3A_365 = tpu.vector_load %arg23[%swap3A_363, %swap3A_364] {strides = array<i32>} : memref<8x128xf32, #tpu.memory_space<vmem>>, vector<16xf32>,
    tpu.vector_store %arg23[%swap3A_363, %swap3A_364], %get3A_144 {strides = array<i32>} : memref<8x128xf32, #tpu.memory_space<vmem>>, vector<16xf32>,
    %swap3A_366 = arith.constant 3 : i32
    %swap3A_367 = arith.index_cast %swap3A_366 : i32 to index
    %swap3A_368 = arith.constant 48 : index
    %swap3A_369 = tpu.vector_load %arg24[%swap3A_367, %swap3A_368] {strides = array<i32>} : memref<8x128xf32, #tpu.memory_space<vmem>>, vector<16xf32>,
    tpu.vector_store %arg24[%swap3A_367, %swap3A_368], %get3A_146 {strides = array<i32>} : memref<8x128xf32, #tpu.memory_space<vmem>>, vector<16xf32>,
    %swap3A_370 = arith.constant 3 : i32
    %swap3A_371 = arith.index_cast %swap3A_370 : i32 to index
    %swap3A_372 = arith.constant 64 : index
    %swap3A_373 = tpu.vector_load %arg23[%swap3A_371, %swap3A_372] {strides = array<i32>} : memref<8x128xf32, #tpu.memory_space<vmem>>, vector<16xf32>,
    tpu.vector_store %arg23[%swap3A_371, %swap3A_372], %get3A_144 {strides = array<i32>} : memref<8x128xf32, #tpu.memory_space<vmem>>, vector<16xf32>,
    %swap3A_374 = arith.constant 3 : i32
    %swap3A_375 = arith.index_cast %swap3A_374 : i32 to index
    %swap3A_376 = arith.constant 64 : index
    %swap3A_377 = tpu.vector_load %arg24[%swap3A_375, %swap3A_376] {strides = array<i32>} : memref<8x128xf32, #tpu.memory_space<vmem>>, vector<16xf32>,
    tpu.vector_store %arg24[%swap3A_375, %swap3A_376], %get3A_146 {strides = array<i32>} : memref<8x128xf32, #tpu.memory_space<vmem>>, vector<16xf32>,
    %swap3A_378 = arith.constant 3 : i32
    %swap3A_379 = arith.index_cast %swap3A_378 : i32 to index
    %swap3A_380 = arith.constant 80 : index
    %swap3A_381 = tpu.vector_load %arg23[%swap3A_379, %swap3A_380] {strides = array<i32>} : memref<8x128xf32, #tpu.memory_space<vmem>>, vector<16xf32>,
    tpu.vector_store %arg23[%swap3A_379, %swap3A_380], %get3A_144 {strides = array<i32>} : memref<8x128xf32, #tpu.memory_space<vmem>>, vector<16xf32>,
    %swap3A_382 = arith.constant 3 : i32
    %swap3A_383 = arith.index_cast %swap3A_382 : i32 to index
    %swap3A_384 = arith.constant 80 : index
    %swap3A_385 = tpu.vector_load %arg24[%swap3A_383, %swap3A_384] {strides = array<i32>} : memref<8x128xf32, #tpu.memory_space<vmem>>, vector<16xf32>,
    tpu.vector_store %arg24[%swap3A_383, %swap3A_384], %get3A_146 {strides = array<i32>} : memref<8x128xf32, #tpu.memory_space<vmem>>, vector<16xf32>,
    %swap3A_386 = arith.constant 3 : i32
    %swap3A_387 = arith.index_cast %swap3A_386 : i32 to index
    %swap3A_388 = arith.constant 96 : index
    %swap3A_389 = tpu.vector_load %arg23[%swap3A_387, %swap3A_388] {strides = array<i32>} : memref<8x128xf32, #tpu.memory_space<vmem>>, vector<16xf32>,
    tpu.vector_store %arg23[%swap3A_387, %swap3A_388], %get3A_144 {strides = array<i32>} : memref<8x128xf32, #tpu.memory_space<vmem>>, vector<16xf32>,
    %swap3A_390 = arith.constant 3 : i32
    %swap3A_391 = arith.index_cast %swap3A_390 : i32 to index
    %swap3A_392 = arith.constant 96 : index
    %swap3A_393 = tpu.vector_load %arg24[%swap3A_391, %swap3A_392] {strides = array<i32>} : memref<8x128xf32, #tpu.memory_space<vmem>>, vector<16xf32>,
    tpu.vector_store %arg24[%swap3A_391, %swap3A_392], %get3A_146 {strides = array<i32>} : memref<8x128xf32, #tpu.memory_space<vmem>>, vector<16xf32>,
    %swap3A_394 = arith.constant 3 : i32
    %swap3A_395 = arith.index_cast %swap3A_394 : i32 to index
    %swap3A_396 = arith.constant 112 : index
    %swap3A_397 = tpu.vector_load %arg23[%swap3A_395, %swap3A_396] {strides = array<i32>} : memref<8x128xf32, #tpu.memory_space<vmem>>, vector<16xf32>,
    tpu.vector_store %arg23[%swap3A_395, %swap3A_396], %get3A_144 {strides = array<i32>} : memref<8x128xf32, #tpu.memory_space<vmem>>, vector<16xf32>,
    %swap3A_398 = arith.constant 3 : i32
    %swap3A_399 = arith.index_cast %swap3A_398 : i32 to index
    %swap3A_400 = arith.constant 112 : index
    %swap3A_401 = tpu.vector_load %arg24[%swap3A_399, %swap3A_400] {strides = array<i32>} : memref<8x128xf32, #tpu.memory_space<vmem>>, vector<16xf32>,
    tpu.vector_store %arg24[%swap3A_399, %swap3A_400], %get3A_146 {strides = array<i32>} : memref<8x128xf32, #tpu.memory_space<vmem>>, vector<16xf32>,
    %swap3A_402 = arith.constant 4 : i32
    %swap3A_403 = arith.index_cast %swap3A_402 : i32 to index
    %swap3A_404 = arith.constant 0 : index
    %swap3A_405 = tpu.vector_load %arg23[%swap3A_403, %swap3A_404] {strides = array<i32>} : memref<8x128xf32, #tpu.memory_space<vmem>>, vector<16xf32>,
    tpu.vector_store %arg23[%swap3A_403, %swap3A_404], %get3A_144 {strides = array<i32>} : memref<8x128xf32, #tpu.memory_space<vmem>>, vector<16xf32>,
    %swap3A_406 = arith.constant 4 : i32
    %swap3A_407 = arith.index_cast %swap3A_406 : i32 to index
    %swap3A_408 = arith.constant 0 : index
    %swap3A_409 = tpu.vector_load %arg24[%swap3A_407, %swap3A_408] {strides = array<i32>} : memref<8x128xf32, #tpu.memory_space<vmem>>, vector<16xf32>,
    tpu.vector_store %arg24[%swap3A_407, %swap3A_408], %get3A_146 {strides = array<i32>} : memref<8x128xf32, #tpu.memory_space<vmem>>, vector<16xf32>,
    %swap3A_410 = arith.constant 4 : i32
    %swap3A_411 = arith.index_cast %swap3A_410 : i32 to index
    %swap3A_412 = arith.constant 16 : index
    %swap3A_413 = tpu.vector_load %arg23[%swap3A_411, %swap3A_412] {strides = array<i32>} : memref<8x128xf32, #tpu.memory_space<vmem>>, vector<16xf32>,
    tpu.vector_store %arg23[%swap3A_411, %swap3A_412], %get3A_144 {strides = array<i32>} : memref<8x128xf32, #tpu.memory_space<vmem>>, vector<16xf32>,
    %swap3A_414 = arith.constant 4 : i32
    %swap3A_415 = arith.index_cast %swap3A_414 : i32 to index
    %swap3A_416 = arith.constant 16 : index
    %swap3A_417 = tpu.vector_load %arg24[%swap3A_415, %swap3A_416] {strides = array<i32>} : memref<8x128xf32, #tpu.memory_space<vmem>>, vector<16xf32>,
    tpu.vector_store %arg24[%swap3A_415, %swap3A_416], %get3A_146 {strides = array<i32>} : memref<8x128xf32, #tpu.memory_space<vmem>>, vector<16xf32>,
    %swap3A_418 = arith.constant 4 : i32
    %swap3A_419 = arith.index_cast %swap3A_418 : i32 to index
    %swap3A_420 = arith.constant 32 : index
    %swap3A_421 = tpu.vector_load %arg23[%swap3A_419, %swap3A_420] {strides = array<i32>} : memref<8x128xf32, #tpu.memory_space<vmem>>, vector<16xf32>,
    tpu.vector_store %arg23[%swap3A_419, %swap3A_420], %get3A_144 {strides = array<i32>} : memref<8x128xf32, #tpu.memory_space<vmem>>, vector<16xf32>,
    %swap3A_422 = arith.constant 4 : i32
    %swap3A_423 = arith.index_cast %swap3A_422 : i32 to index
    %swap3A_424 = arith.constant 32 : index
    %swap3A_425 = tpu.vector_load %arg24[%swap3A_423, %swap3A_424] {strides = array<i32>} : memref<8x128xf32, #tpu.memory_space<vmem>>, vector<16xf32>,
    tpu.vector_store %arg24[%swap3A_423, %swap3A_424], %get3A_146 {strides = array<i32>} : memref<8x128xf32, #tpu.memory_space<vmem>>, vector<16xf32>,
    %swap3A_426 = arith.constant 4 : i32
    %swap3A_427 = arith.index_cast %swap3A_426 : i32 to index
    %swap3A_428 = arith.constant 48 : index
    %swap3A_429 = tpu.vector_load %arg23[%swap3A_427, %swap3A_428] {strides = array<i32>} : memref<8x128xf32, #tpu.memory_space<vmem>>, vector<16xf32>,
    tpu.vector_store %arg23[%swap3A_427, %swap3A_428], %get3A_144 {strides = array<i32>} : memref<8x128xf32, #tpu.memory_space<vmem>>, vector<16xf32>,
    %swap3A_430 = arith.constant 4 : i32
    %swap3A_431 = arith.index_cast %swap3A_430 : i32 to index
    %swap3A_432 = arith.constant 48 : index
    %swap3A_433 = tpu.vector_load %arg24[%swap3A_431, %swap3A_432] {strides = array<i32>} : memref<8x128xf32, #tpu.memory_space<vmem>>, vector<16xf32>,
    tpu.vector_store %arg24[%swap3A_431, %swap3A_432], %get3A_146 {strides = array<i32>} : memref<8x128xf32, #tpu.memory_space<vmem>>, vector<16xf32>,
    %swap3A_434 = arith.constant 4 : i32
    %swap3A_435 = arith.index_cast %swap3A_434 : i32 to index
    %swap3A_436 = arith.constant 64 : index
    %swap3A_437 = tpu.vector_load %arg23[%swap3A_435, %swap3A_436] {strides = array<i32>} : memref<8x128xf32, #tpu.memory_space<vmem>>, vector<16xf32>,
    tpu.vector_store %arg23[%swap3A_435, %swap3A_436], %get3A_144 {strides = array<i32>} : memref<8x128xf32, #tpu.memory_space<vmem>>, vector<16xf32>,
    %swap3A_438 = arith.constant 4 : i32
    %swap3A_439 = arith.index_cast %swap3A_438 : i32 to index
    %swap3A_440 = arith.constant 64 : index
    %swap3A_441 = tpu.vector_load %arg24[%swap3A_439, %swap3A_440] {strides = array<i32>} : memref<8x128xf32, #tpu.memory_space<vmem>>, vector<16xf32>,
    tpu.vector_store %arg24[%swap3A_439, %swap3A_440], %get3A_146 {strides = array<i32>} : memref<8x128xf32, #tpu.memory_space<vmem>>, vector<16xf32>,
    %swap3A_442 = arith.constant 4 : i32
    %swap3A_443 = arith.index_cast %swap3A_442 : i32 to index
    %swap3A_444 = arith.constant 80 : index
    %swap3A_445 = tpu.vector_load %arg23[%swap3A_443, %swap3A_444] {strides = array<i32>} : memref<8x128xf32, #tpu.memory_space<vmem>>, vector<16xf32>,
    tpu.vector_store %arg23[%swap3A_443, %swap3A_444], %get3A_144 {strides = array<i32>} : memref<8x128xf32, #tpu.memory_space<vmem>>, vector<16xf32>,
    %swap3A_446 = arith.constant 4 : i32
    %swap3A_447 = arith.index_cast %swap3A_446 : i32 to index
    %swap3A_448 = arith.constant 80 : index
    %swap3A_449 = tpu.vector_load %arg24[%swap3A_447, %swap3A_448] {strides = array<i32>} : memref<8x128xf32, #tpu.memory_space<vmem>>, vector<16xf32>,
    tpu.vector_store %arg24[%swap3A_447, %swap3A_448], %get3A_146 {strides = array<i32>} : memref<8x128xf32, #tpu.memory_space<vmem>>, vector<16xf32>,
    %swap3A_450 = arith.constant 4 : i32
    %swap3A_451 = arith.index_cast %swap3A_450 : i32 to index
    %swap3A_452 = arith.constant 96 : index
    %swap3A_453 = tpu.vector_load %arg23[%swap3A_451, %swap3A_452] {strides = array<i32>} : memref<8x128xf32, #tpu.memory_space<vmem>>, vector<16xf32>,
    tpu.vector_store %arg23[%swap3A_451, %swap3A_452], %get3A_144 {strides = array<i32>} : memref<8x128xf32, #tpu.memory_space<vmem>>, vector<16xf32>,
    %swap3A_454 = arith.constant 4 : i32
    %swap3A_455 = arith.index_cast %swap3A_454 : i32 to index
    %swap3A_456 = arith.constant 96 : index
    %swap3A_457 = tpu.vector_load %arg24[%swap3A_455, %swap3A_456] {strides = array<i32>} : memref<8x128xf32, #tpu.memory_space<vmem>>, vector<16xf32>,
    tpu.vector_store %arg24[%swap3A_455, %swap3A_456], %get3A_146 {strides = array<i32>} : memref<8x128xf32, #tpu.memory_space<vmem>>, vector<16xf32>,
    %swap3A_458 = arith.constant 4 : i32
    %swap3A_459 = arith.index_cast %swap3A_458 : i32 to index
    %swap3A_460 = arith.constant 112 : index
    %swap3A_461 = tpu.vector_load %arg23[%swap3A_459, %swap3A_460] {strides = array<i32>} : memref<8x128xf32, #tpu.memory_space<vmem>>, vector<16xf32>,
    tpu.vector_store %arg23[%swap3A_459, %swap3A_460], %get3A_144 {strides = array<i32>} : memref<8x128xf32, #tpu.memory_space<vmem>>, vector<16xf32>,
    %swap3A_462 = arith.constant 4 : i32
    %swap3A_463 = arith.index_cast %swap3A_462 : i32 to index
    %swap3A_464 = arith.constant 112 : index
    %swap3A_465 = tpu.vector_load %arg24[%swap3A_463, %swap3A_464] {strides = array<i32>} : memref<8x128xf32, #tpu.memory_space<vmem>>, vector<16xf32>,
    tpu.vector_store %arg24[%swap3A_463, %swap3A_464], %get3A_146 {strides = array<i32>} : memref<8x128xf32, #tpu.memory_space<vmem>>, vector<16xf32>,
    %swap3A_466 = arith.constant 5 : i32
    %swap3A_467 = arith.index_cast %swap3A_466 : i32 to index
    %swap3A_468 = arith.constant 0 : index
    %swap3A_469 = tpu.vector_load %arg23[%swap3A_467, %swap3A_468] {strides = array<i32>} : memref<8x128xf32, #tpu.memory_space<vmem>>, vector<16xf32>,
    tpu.vector_store %arg23[%swap3A_467, %swap3A_468], %get3A_144 {strides = array<i32>} : memref<8x128xf32, #tpu.memory_space<vmem>>, vector<16xf32>,
    %swap3A_470 = arith.constant 5 : i32
    %swap3A_471 = arith.index_cast %swap3A_470 : i32 to index
    %swap3A_472 = arith.constant 0 : index
    %swap3A_473 = tpu.vector_load %arg24[%swap3A_471, %swap3A_472] {strides = array<i32>} : memref<8x128xf32, #tpu.memory_space<vmem>>, vector<16xf32>,
    tpu.vector_store %arg24[%swap3A_471, %swap3A_472], %get3A_146 {strides = array<i32>} : memref<8x128xf32, #tpu.memory_space<vmem>>, vector<16xf32>,
    %swap3A_474 = arith.constant 5 : i32
    %swap3A_475 = arith.index_cast %swap3A_474 : i32 to index
    %swap3A_476 = arith.constant 16 : index
    %swap3A_477 = tpu.vector_load %arg23[%swap3A_475, %swap3A_476] {strides = array<i32>} : memref<8x128xf32, #tpu.memory_space<vmem>>, vector<16xf32>,
    tpu.vector_store %arg23[%swap3A_475, %swap3A_476], %get3A_144 {strides = array<i32>} : memref<8x128xf32, #tpu.memory_space<vmem>>, vector<16xf32>,
    %swap3A_478 = arith.constant 5 : i32
    %swap3A_479 = arith.index_cast %swap3A_478 : i32 to index
    %swap3A_480 = arith.constant 16 : index
    %swap3A_481 = tpu.vector_load %arg24[%swap3A_479, %swap3A_480] {strides = array<i32>} : memref<8x128xf32, #tpu.memory_space<vmem>>, vector<16xf32>,
    tpu.vector_store %arg24[%swap3A_479, %swap3A_480], %get3A_146 {strides = array<i32>} : memref<8x128xf32, #tpu.memory_space<vmem>>, vector<16xf32>,
    %swap3A_482 = arith.constant 5 : i32
    %swap3A_483 = arith.index_cast %swap3A_482 : i32 to index
    %swap3A_484 = arith.constant 32 : index
    %swap3A_485 = tpu.vector_load %arg23[%swap3A_483, %swap3A_484] {strides = array<i32>} : memref<8x128xf32, #tpu.memory_space<vmem>>, vector<16xf32>,
    tpu.vector_store %arg23[%swap3A_483, %swap3A_484], %get3A_144 {strides = array<i32>} : memref<8x128xf32, #tpu.memory_space<vmem>>, vector<16xf32>,
    %swap3A_486 = arith.constant 5 : i32
    %swap3A_487 = arith.index_cast %swap3A_486 : i32 to index
    %swap3A_488 = arith.constant 32 : index
    %swap3A_489 = tpu.vector_load %arg24[%swap3A_487, %swap3A_488] {strides = array<i32>} : memref<8x128xf32, #tpu.memory_space<vmem>>, vector<16xf32>,
    tpu.vector_store %arg24[%swap3A_487, %swap3A_488], %get3A_146 {strides = array<i32>} : memref<8x128xf32, #tpu.memory_space<vmem>>, vector<16xf32>,
    %swap3A_490 = arith.constant 5 : i32
    %swap3A_491 = arith.index_cast %swap3A_490 : i32 to index
    %swap3A_492 = arith.constant 48 : index
    %swap3A_493 = tpu.vector_load %arg23[%swap3A_491, %swap3A_492] {strides = array<i32>} : memref<8x128xf32, #tpu.memory_space<vmem>>, vector<16xf32>,
    tpu.vector_store %arg23[%swap3A_491, %swap3A_492], %get3A_144 {strides = array<i32>} : memref<8x128xf32, #tpu.memory_space<vmem>>, vector<16xf32>,
    %swap3A_494 = arith.constant 5 : i32
    %swap3A_495 = arith.index_cast %swap3A_494 : i32 to index
    %swap3A_496 = arith.constant 48 : index
    %swap3A_497 = tpu.vector_load %arg24[%swap3A_495, %swap3A_496] {strides = array<i32>} : memref<8x128xf32, #tpu.memory_space<vmem>>, vector<16xf32>,
    tpu.vector_store %arg24[%swap3A_495, %swap3A_496], %get3A_146 {strides = array<i32>} : memref<8x128xf32, #tpu.memory_space<vmem>>, vector<16xf32>,
    %swap3A_498 = arith.constant 5 : i32
    %swap3A_499 = arith.index_cast %swap3A_498 : i32 to index
    %swap3A_500 = arith.constant 64 : index
    %swap3A_501 = tpu.vector_load %arg23[%swap3A_499, %swap3A_500] {strides = array<i32>} : memref<8x128xf32, #tpu.memory_space<vmem>>, vector<16xf32>,
    tpu.vector_store %arg23[%swap3A_499, %swap3A_500], %get3A_144 {strides = array<i32>} : memref<8x128xf32, #tpu.memory_space<vmem>>, vector<16xf32>,
    %swap3A_502 = arith.constant 5 : i32
    %swap3A_503 = arith.index_cast %swap3A_502 : i32 to index
    %swap3A_504 = arith.constant 64 : index
    %swap3A_505 = tpu.vector_load %arg24[%swap3A_503, %swap3A_504] {strides = array<i32>} : memref<8x128xf32, #tpu.memory_space<vmem>>, vector<16xf32>,
    tpu.vector_store %arg24[%swap3A_503, %swap3A_504], %get3A_146 {strides = array<i32>} : memref<8x128xf32, #tpu.memory_space<vmem>>, vector<16xf32>,
    %swap3A_506 = arith.constant 5 : i32
    %swap3A_507 = arith.index_cast %swap3A_506 : i32 to index
    %swap3A_508 = arith.constant 80 : index
    %swap3A_509 = tpu.vector_load %arg23[%swap3A_507, %swap3A_508] {strides = array<i32>} : memref<8x128xf32, #tpu.memory_space<vmem>>, vector<16xf32>,
    tpu.vector_store %arg23[%swap3A_507, %swap3A_508], %get3A_144 {strides = array<i32>} : memref<8x128xf32, #tpu.memory_space<vmem>>, vector<16xf32>,
    %swap3A_510 = arith.constant 5 : i32
    %swap3A_511 = arith.index_cast %swap3A_510 : i32 to index
    %swap3A_512 = arith.constant 80 : index
    %swap3A_513 = tpu.vector_load %arg24[%swap3A_511, %swap3A_512] {strides = array<i32>} : memref<8x128xf32, #tpu.memory_space<vmem>>, vector<16xf32>,
    tpu.vector_store %arg24[%swap3A_511, %swap3A_512], %get3A_146 {strides = array<i32>} : memref<8x128xf32, #tpu.memory_space<vmem>>, vector<16xf32>,
    %swap3A_514 = arith.constant 5 : i32
    %swap3A_515 = arith.index_cast %swap3A_514 : i32 to index
    %swap3A_516 = arith.constant 96 : index
    %swap3A_517 = tpu.vector_load %arg23[%swap3A_515, %swap3A_516] {strides = array<i32>} : memref<8x128xf32, #tpu.memory_space<vmem>>, vector<16xf32>,
    tpu.vector_store %arg23[%swap3A_515, %swap3A_516], %get3A_144 {strides = array<i32>} : memref<8x128xf32, #tpu.memory_space<vmem>>, vector<16xf32>,
    %swap3A_518 = arith.constant 5 : i32
    %swap3A_519 = arith.index_cast %swap3A_518 : i32 to index
    %swap3A_520 = arith.constant 96 : index
    %swap3A_521 = tpu.vector_load %arg24[%swap3A_519, %swap3A_520] {strides = array<i32>} : memref<8x128xf32, #tpu.memory_space<vmem>>, vector<16xf32>,
    tpu.vector_store %arg24[%swap3A_519, %swap3A_520], %get3A_146 {strides = array<i32>} : memref<8x128xf32, #tpu.memory_space<vmem>>, vector<16xf32>,
    %swap3A_522 = arith.constant 5 : i32
    %swap3A_523 = arith.index_cast %swap3A_522 : i32 to index
    %swap3A_524 = arith.constant 112 : index
    %swap3A_525 = tpu.vector_load %arg23[%swap3A_523, %swap3A_524] {strides = array<i32>} : memref<8x128xf32, #tpu.memory_space<vmem>>, vector<16xf32>,
    tpu.vector_store %arg23[%swap3A_523, %swap3A_524], %get3A_144 {strides = array<i32>} : memref<8x128xf32, #tpu.memory_space<vmem>>, vector<16xf32>,
    %swap3A_526 = arith.constant 5 : i32
    %swap3A_527 = arith.index_cast %swap3A_526 : i32 to index
    %swap3A_528 = arith.constant 112 : index
    %swap3A_529 = tpu.vector_load %arg24[%swap3A_527, %swap3A_528] {strides = array<i32>} : memref<8x128xf32, #tpu.memory_space<vmem>>, vector<16xf32>,
    tpu.vector_store %arg24[%swap3A_527, %swap3A_528], %get3A_146 {strides = array<i32>} : memref<8x128xf32, #tpu.memory_space<vmem>>, vector<16xf32>,
    %swap3A_530 = arith.constant 6 : i32
    %swap3A_531 = arith.index_cast %swap3A_530 : i32 to index
    %swap3A_532 = arith.constant 0 : index
    %swap3A_533 = tpu.vector_load %arg23[%swap3A_531, %swap3A_532] {strides = array<i32>} : memref<8x128xf32, #tpu.memory_space<vmem>>, vector<16xf32>,
    tpu.vector_store %arg23[%swap3A_531, %swap3A_532], %get3A_144 {strides = array<i32>} : memref<8x128xf32, #tpu.memory_space<vmem>>, vector<16xf32>,
    %swap3A_534 = arith.constant 6 : i32
    %swap3A_535 = arith.index_cast %swap3A_534 : i32 to index
    %swap3A_536 = arith.constant 0 : index
    %swap3A_537 = tpu.vector_load %arg24[%swap3A_535, %swap3A_536] {strides = array<i32>} : memref<8x128xf32, #tpu.memory_space<vmem>>, vector<16xf32>,
    tpu.vector_store %arg24[%swap3A_535, %swap3A_536], %get3A_146 {strides = array<i32>} : memref<8x128xf32, #tpu.memory_space<vmem>>, vector<16xf32>,
    %swap3A_538 = arith.constant 6 : i32
    %swap3A_539 = arith.index_cast %swap3A_538 : i32 to index
    %swap3A_540 = arith.constant 16 : index
    %swap3A_541 = tpu.vector_load %arg23[%swap3A_539, %swap3A_540] {strides = array<i32>} : memref<8x128xf32, #tpu.memory_space<vmem>>, vector<16xf32>,
    tpu.vector_store %arg23[%swap3A_539, %swap3A_540], %get3A_144 {strides = array<i32>} : memref<8x128xf32, #tpu.memory_space<vmem>>, vector<16xf32>,
    %swap3A_542 = arith.constant 6 : i32
    %swap3A_543 = arith.index_cast %swap3A_542 : i32 to index
    %swap3A_544 = arith.constant 16 : index
    %swap3A_545 = tpu.vector_load %arg24[%swap3A_543, %swap3A_544] {strides = array<i32>} : memref<8x128xf32, #tpu.memory_space<vmem>>, vector<16xf32>,
    tpu.vector_store %arg24[%swap3A_543, %swap3A_544], %get3A_146 {strides = array<i32>} : memref<8x128xf32, #tpu.memory_space<vmem>>, vector<16xf32>,
    %swap3A_546 = arith.constant 6 : i32
    %swap3A_547 = arith.index_cast %swap3A_546 : i32 to index
    %swap3A_548 = arith.constant 32 : index
    %swap3A_549 = tpu.vector_load %arg23[%swap3A_547, %swap3A_548] {strides = array<i32>} : memref<8x128xf32, #tpu.memory_space<vmem>>, vector<16xf32>,
    tpu.vector_store %arg23[%swap3A_547, %swap3A_548], %get3A_144 {strides = array<i32>} : memref<8x128xf32, #tpu.memory_space<vmem>>, vector<16xf32>,
    %swap3A_550 = arith.constant 6 : i32
    %swap3A_551 = arith.index_cast %swap3A_550 : i32 to index
    %swap3A_552 = arith.constant 32 : index
    %swap3A_553 = tpu.vector_load %arg24[%swap3A_551, %swap3A_552] {strides = array<i32>} : memref<8x128xf32, #tpu.memory_space<vmem>>, vector<16xf32>,
    tpu.vector_store %arg24[%swap3A_551, %swap3A_552], %get3A_146 {strides = array<i32>} : memref<8x128xf32, #tpu.memory_space<vmem>>, vector<16xf32>,
    %swap3A_554 = arith.constant 6 : i32
    %swap3A_555 = arith.index_cast %swap3A_554 : i32 to index
    %swap3A_556 = arith.constant 48 : index
    %swap3A_557 = tpu.vector_load %arg23[%swap3A_555, %swap3A_556] {strides = array<i32>} : memref<8x128xf32, #tpu.memory_space<vmem>>, vector<16xf32>,
    tpu.vector_store %arg23[%swap3A_555, %swap3A_556], %get3A_144 {strides = array<i32>} : memref<8x128xf32, #tpu.memory_space<vmem>>, vector<16xf32>,
    %swap3A_558 = arith.constant 6 : i32
    %swap3A_559 = arith.index_cast %swap3A_558 : i32 to index
    %swap3A_560 = arith.constant 48 : index
    %swap3A_561 = tpu.vector_load %arg24[%swap3A_559, %swap3A_560] {strides = array<i32>} : memref<8x128xf32, #tpu.memory_space<vmem>>, vector<16xf32>,
    tpu.vector_store %arg24[%swap3A_559, %swap3A_560], %get3A_146 {strides = array<i32>} : memref<8x128xf32, #tpu.memory_space<vmem>>, vector<16xf32>,
    %swap3A_562 = arith.constant 6 : i32
    %swap3A_563 = arith.index_cast %swap3A_562 : i32 to index
    %swap3A_564 = arith.constant 64 : index
    %swap3A_565 = tpu.vector_load %arg23[%swap3A_563, %swap3A_564] {strides = array<i32>} : memref<8x128xf32, #tpu.memory_space<vmem>>, vector<16xf32>,
    tpu.vector_store %arg23[%swap3A_563, %swap3A_564], %get3A_144 {strides = array<i32>} : memref<8x128xf32, #tpu.memory_space<vmem>>, vector<16xf32>,
    %swap3A_566 = arith.constant 6 : i32
    %swap3A_567 = arith.index_cast %swap3A_566 : i32 to index
    %swap3A_568 = arith.constant 64 : index
    %swap3A_569 = tpu.vector_load %arg24[%swap3A_567, %swap3A_568] {strides = array<i32>} : memref<8x128xf32, #tpu.memory_space<vmem>>, vector<16xf32>,
    tpu.vector_store %arg24[%swap3A_567, %swap3A_568], %get3A_146 {strides = array<i32>} : memref<8x128xf32, #tpu.memory_space<vmem>>, vector<16xf32>,
    %swap3A_570 = arith.constant 6 : i32
    %swap3A_571 = arith.index_cast %swap3A_570 : i32 to index
    %swap3A_572 = arith.constant 80 : index
    %swap3A_573 = tpu.vector_load %arg23[%swap3A_571, %swap3A_572] {strides = array<i32>} : memref<8x128xf32, #tpu.memory_space<vmem>>, vector<16xf32>,
    tpu.vector_store %arg23[%swap3A_571, %swap3A_572], %get3A_144 {strides = array<i32>} : memref<8x128xf32, #tpu.memory_space<vmem>>, vector<16xf32>,
    %swap3A_574 = arith.constant 6 : i32
    %swap3A_575 = arith.index_cast %swap3A_574 : i32 to index
    %swap3A_576 = arith.constant 80 : index
    %swap3A_577 = tpu.vector_load %arg24[%swap3A_575, %swap3A_576] {strides = array<i32>} : memref<8x128xf32, #tpu.memory_space<vmem>>, vector<16xf32>,
    tpu.vector_store %arg24[%swap3A_575, %swap3A_576], %get3A_146 {strides = array<i32>} : memref<8x128xf32, #tpu.memory_space<vmem>>, vector<16xf32>,
    %swap3A_578 = arith.constant 6 : i32
    %swap3A_579 = arith.index_cast %swap3A_578 : i32 to index
    %swap3A_580 = arith.constant 96 : index
    %swap3A_581 = tpu.vector_load %arg23[%swap3A_579, %swap3A_580] {strides = array<i32>} : memref<8x128xf32, #tpu.memory_space<vmem>>, vector<16xf32>,
    tpu.vector_store %arg23[%swap3A_579, %swap3A_580], %get3A_144 {strides = array<i32>} : memref<8x128xf32, #tpu.memory_space<vmem>>, vector<16xf32>,
    %swap3A_582 = arith.constant 6 : i32
    %swap3A_583 = arith.index_cast %swap3A_582 : i32 to index
    %swap3A_584 = arith.constant 96 : index
    %swap3A_585 = tpu.vector_load %arg24[%swap3A_583, %swap3A_584] {strides = array<i32>} : memref<8x128xf32, #tpu.memory_space<vmem>>, vector<16xf32>,
    tpu.vector_store %arg24[%swap3A_583, %swap3A_584], %get3A_146 {strides = array<i32>} : memref<8x128xf32, #tpu.memory_space<vmem>>, vector<16xf32>,
    %swap3A_586 = arith.constant 6 : i32
    %swap3A_587 = arith.index_cast %swap3A_586 : i32 to index
    %swap3A_588 = arith.constant 112 : index
    %swap3A_589 = tpu.vector_load %arg23[%swap3A_587, %swap3A_588] {strides = array<i32>} : memref<8x128xf32, #tpu.memory_space<vmem>>, vector<16xf32>,
    tpu.vector_store %arg23[%swap3A_587, %swap3A_588], %get3A_144 {strides = array<i32>} : memref<8x128xf32, #tpu.memory_space<vmem>>, vector<16xf32>,
    %swap3A_590 = arith.constant 6 : i32
    %swap3A_591 = arith.index_cast %swap3A_590 : i32 to index
    %swap3A_592 = arith.constant 112 : index
    %swap3A_593 = tpu.vector_load %arg24[%swap3A_591, %swap3A_592] {strides = array<i32>} : memref<8x128xf32, #tpu.memory_space<vmem>>, vector<16xf32>,
    tpu.vector_store %arg24[%swap3A_591, %swap3A_592], %get3A_146 {strides = array<i32>} : memref<8x128xf32, #tpu.memory_space<vmem>>, vector<16xf32>,
    %swap3A_594 = arith.constant 7 : i32
    %swap3A_595 = arith.index_cast %swap3A_594 : i32 to index
    %swap3A_596 = arith.constant 0 : index
    %swap3A_597 = tpu.vector_load %arg23[%swap3A_595, %swap3A_596] {strides = array<i32>} : memref<8x128xf32, #tpu.memory_space<vmem>>, vector<16xf32>,
    tpu.vector_store %arg23[%swap3A_595, %swap3A_596], %get3A_144 {strides = array<i32>} : memref<8x128xf32, #tpu.memory_space<vmem>>, vector<16xf32>,
    %swap3A_598 = arith.constant 7 : i32
    %swap3A_599 = arith.index_cast %swap3A_598 : i32 to index
    %swap3A_600 = arith.constant 0 : index
    %swap3A_601 = tpu.vector_load %arg24[%swap3A_599, %swap3A_600] {strides = array<i32>} : memref<8x128xf32, #tpu.memory_space<vmem>>, vector<16xf32>,
    tpu.vector_store %arg24[%swap3A_599, %swap3A_600], %get3A_146 {strides = array<i32>} : memref<8x128xf32, #tpu.memory_space<vmem>>, vector<16xf32>,
    %swap3A_602 = arith.constant 7 : i32
    %swap3A_603 = arith.index_cast %swap3A_602 : i32 to index
    %swap3A_604 = arith.constant 16 : index
    %swap3A_605 = tpu.vector_load %arg23[%swap3A_603, %swap3A_604] {strides = array<i32>} : memref<8x128xf32, #tpu.memory_space<vmem>>, vector<16xf32>,
    tpu.vector_store %arg23[%swap3A_603, %swap3A_604], %get3A_144 {strides = array<i32>} : memref<8x128xf32, #tpu.memory_space<vmem>>, vector<16xf32>,
    %swap3A_606 = arith.constant 7 : i32
    %swap3A_607 = arith.index_cast %swap3A_606 : i32 to index
    %swap3A_608 = arith.constant 16 : index
    %swap3A_609 = tpu.vector_load %arg24[%swap3A_607, %swap3A_608] {strides = array<i32>} : memref<8x128xf32, #tpu.memory_space<vmem>>, vector<16xf32>,
    tpu.vector_store %arg24[%swap3A_607, %swap3A_608], %get3A_146 {strides = array<i32>} : memref<8x128xf32, #tpu.memory_space<vmem>>, vector<16xf32>,
    %swap3A_610 = arith.constant 7 : i32
    %swap3A_611 = arith.index_cast %swap3A_610 : i32 to index
    %swap3A_612 = arith.constant 32 : index
    %swap3A_613 = tpu.vector_load %arg23[%swap3A_611, %swap3A_612] {strides = array<i32>} : memref<8x128xf32, #tpu.memory_space<vmem>>, vector<16xf32>,
    tpu.vector_store %arg23[%swap3A_611, %swap3A_612], %get3A_144 {strides = array<i32>} : memref<8x128xf32, #tpu.memory_space<vmem>>, vector<16xf32>,
    %swap3A_614 = arith.constant 7 : i32
    %swap3A_615 = arith.index_cast %swap3A_614 : i32 to index
    %swap3A_616 = arith.constant 32 : index
    %swap3A_617 = tpu.vector_load %arg24[%swap3A_615, %swap3A_616] {strides = array<i32>} : memref<8x128xf32, #tpu.memory_space<vmem>>, vector<16xf32>,
    tpu.vector_store %arg24[%swap3A_615, %swap3A_616], %get3A_146 {strides = array<i32>} : memref<8x128xf32, #tpu.memory_space<vmem>>, vector<16xf32>,
    %swap3A_618 = arith.constant 7 : i32
    %swap3A_619 = arith.index_cast %swap3A_618 : i32 to index
    %swap3A_620 = arith.constant 48 : index
    %swap3A_621 = tpu.vector_load %arg23[%swap3A_619, %swap3A_620] {strides = array<i32>} : memref<8x128xf32, #tpu.memory_space<vmem>>, vector<16xf32>,
    tpu.vector_store %arg23[%swap3A_619, %swap3A_620], %get3A_144 {strides = array<i32>} : memref<8x128xf32, #tpu.memory_space<vmem>>, vector<16xf32>,
    %swap3A_622 = arith.constant 7 : i32
    %swap3A_623 = arith.index_cast %swap3A_622 : i32 to index
    %swap3A_624 = arith.constant 48 : index
    %swap3A_625 = tpu.vector_load %arg24[%swap3A_623, %swap3A_624] {strides = array<i32>} : memref<8x128xf32, #tpu.memory_space<vmem>>, vector<16xf32>,
    tpu.vector_store %arg24[%swap3A_623, %swap3A_624], %get3A_146 {strides = array<i32>} : memref<8x128xf32, #tpu.memory_space<vmem>>, vector<16xf32>,
    %swap3A_626 = arith.constant 7 : i32
    %swap3A_627 = arith.index_cast %swap3A_626 : i32 to index
    %swap3A_628 = arith.constant 64 : index
    %swap3A_629 = tpu.vector_load %arg23[%swap3A_627, %swap3A_628] {strides = array<i32>} : memref<8x128xf32, #tpu.memory_space<vmem>>, vector<16xf32>,
    tpu.vector_store %arg23[%swap3A_627, %swap3A_628], %get3A_144 {strides = array<i32>} : memref<8x128xf32, #tpu.memory_space<vmem>>, vector<16xf32>,
    %swap3A_630 = arith.constant 7 : i32
    %swap3A_631 = arith.index_cast %swap3A_630 : i32 to index
    %swap3A_632 = arith.constant 64 : index
    %swap3A_633 = tpu.vector_load %arg24[%swap3A_631, %swap3A_632] {strides = array<i32>} : memref<8x128xf32, #tpu.memory_space<vmem>>, vector<16xf32>,
    tpu.vector_store %arg24[%swap3A_631, %swap3A_632], %get3A_146 {strides = array<i32>} : memref<8x128xf32, #tpu.memory_space<vmem>>, vector<16xf32>,
    %swap3A_634 = arith.constant 7 : i32
    %swap3A_635 = arith.index_cast %swap3A_634 : i32 to index
    %swap3A_636 = arith.constant 80 : index
    %swap3A_637 = tpu.vector_load %arg23[%swap3A_635, %swap3A_636] {strides = array<i32>} : memref<8x128xf32, #tpu.memory_space<vmem>>, vector<16xf32>,
    tpu.vector_store %arg23[%swap3A_635, %swap3A_636], %get3A_144 {strides = array<i32>} : memref<8x128xf32, #tpu.memory_space<vmem>>, vector<16xf32>,
    %swap3A_638 = arith.constant 7 : i32
    %swap3A_639 = arith.index_cast %swap3A_638 : i32 to index
    %swap3A_640 = arith.constant 80 : index
    %swap3A_641 = tpu.vector_load %arg24[%swap3A_639, %swap3A_640] {strides = array<i32>} : memref<8x128xf32, #tpu.memory_space<vmem>>, vector<16xf32>,
    tpu.vector_store %arg24[%swap3A_639, %swap3A_640], %get3A_146 {strides = array<i32>} : memref<8x128xf32, #tpu.memory_space<vmem>>, vector<16xf32>,
    %swap3A_642 = arith.constant 7 : i32
    %swap3A_643 = arith.index_cast %swap3A_642 : i32 to index
    %swap3A_644 = arith.constant 96 : index
    %swap3A_645 = tpu.vector_load %arg23[%swap3A_643, %swap3A_644] {strides = array<i32>} : memref<8x128xf32, #tpu.memory_space<vmem>>, vector<16xf32>,
    tpu.vector_store %arg23[%swap3A_643, %swap3A_644], %get3A_144 {strides = array<i32>} : memref<8x128xf32, #tpu.memory_space<vmem>>, vector<16xf32>,
    %swap3A_646 = arith.constant 7 : i32
    %swap3A_647 = arith.index_cast %swap3A_646 : i32 to index
    %swap3A_648 = arith.constant 96 : index
    %swap3A_649 = tpu.vector_load %arg24[%swap3A_647, %swap3A_648] {strides = array<i32>} : memref<8x128xf32, #tpu.memory_space<vmem>>, vector<16xf32>,
    tpu.vector_store %arg24[%swap3A_647, %swap3A_648], %get3A_146 {strides = array<i32>} : memref<8x128xf32, #tpu.memory_space<vmem>>, vector<16xf32>,
    %swap3A_650 = arith.constant 7 : i32
    %swap3A_651 = arith.index_cast %swap3A_650 : i32 to index
    %swap3A_652 = arith.constant 112 : index
    %swap3A_653 = tpu.vector_load %arg23[%swap3A_651, %swap3A_652] {strides = array<i32>} : memref<8x128xf32, #tpu.memory_space<vmem>>, vector<16xf32>,
    tpu.vector_store %arg23[%swap3A_651, %swap3A_652], %get3A_144 {strides = array<i32>} : memref<8x128xf32, #tpu.memory_space<vmem>>, vector<16xf32>,
    %swap3A_654 = arith.constant 7 : i32
    %swap3A_655 = arith.index_cast %swap3A_654 : i32 to index
    %swap3A_656 = arith.constant 112 : index
    %swap3A_657 = tpu.vector_load %arg24[%swap3A_655, %swap3A_656] {strides = array<i32>} : memref<8x128xf32, #tpu.memory_space<vmem>>, vector<16xf32>,
    tpu.vector_store %arg24[%swap3A_655, %swap3A_656], %get3A_146 {strides = array<i32>} : memref<8x128xf32, #tpu.memory_space<vmem>>, vector<16xf32>,
    %mul3A_658 = arith.constant 8 : i32
    %mul3A_659 = arith.muli %mul3A_658, %mul3A_32 : i32
    %sub3A_660 = arith.constant 2032 : i32
    %sub3A_661 = arith.subi %sub3A_660, %mul3A_659 : i32
    %mul3A_662 = arith.constant 8 : i32
    %mul3A_663 = arith.muli %mul3A_662, %mul3A_32 : i32
    %sub3A_664 = arith.constant 512 : i32
    %sub3A_665 = arith.subi %mul3A_663, %sub3A_664 : i32
    %jit3A_666 = arith.constant 128 : i32
    %div3A_667 = arith.divsi %sub3A_665, %jit3A_666 : i32
    %sign3A_668 = arith.constant 0 : i32
    %sign3A_669 = arith.cmpi sgt, %sub3A_665, %sign3A_668 : i32
    %sign3A_670 = arith.extui %sign3A_669 : i1 to i32
    %sign3A_671 = arith.constant 0 : i32
    %sign3A_672 = arith.cmpi slt, %sub3A_665, %sign3A_671 : i32
    %sign3A_673 = arith.extui %sign3A_672 : i1 to i32
    %sign3A_674 = arith.subi %sign3A_670, %sign3A_673 : i32
    %sign3A_675 = arith.constant 0 : i32
    %sign3A_676 = arith.cmpi sgt, %jit3A_666, %sign3A_675 : i32
    %sign3A_677 = arith.extui %sign3A_676 : i1 to i32
    %sign3A_678 = arith.constant 0 : i32
    %sign3A_679 = arith.cmpi slt, %jit3A_666, %sign3A_678 : i32
    %sign3A_680 = arith.extui %sign3A_679 : i1 to i32
    %sign3A_681 = arith.subi %sign3A_677, %sign3A_680 : i32
    %ne3A_682 = arith.cmpi ne, %sign3A_674, %sign3A_681 : i32
    %rem3A_683 = arith.remsi %sub3A_665, %jit3A_666 : i32
    %ne3A_684 = arith.constant 0 : i32
    %ne3A_685 = arith.cmpi ne, %rem3A_683, %ne3A_684 : i32
    %and3A_686 = arith.andi %ne3A_682, %ne3A_685 : i1
    %sub3A_687 = arith.constant 1 : i32
    %sub3A_688 = arith.subi %div3A_667, %sub3A_687 : i32
    %select_n3A_689 = arith.select %and3A_686, %sub3A_688, %div3A_667 : i32
    %jit3A_690 = arith.constant 0 : i32
    %jit3A_691 = arith.constant 6 : i32
    %max3A = arith.maxsi %jit3A_690, %select_n3A_689 : i32
    %min3A = arith.minsi %jit3A_691, %max3A : i32
    %mul3A_692 = arith.constant 128 : i32
    %mul3A_693 = arith.muli %mul3A_692, %min3A : i32
    %multiple_of3A = tpu.assume_multiple %mul3A_693, 128 : i32
    %while3A = arith.constant 0 : i32
    %while3A_694 = arith.constant 0 : i32
    %while3A_695 = arith.subi %min3A, %while3A : i32
    %while3A_696 = arith.addi %while3A, %while3A_695 : i32
    %while3A_697 = arith.constant 1 : i32
    %while3A_698 = arith.divsi %while3A_695, %while3A_697 : i32
    %while3A_699 = arith.muli %while3A_698, %while3A_697 : i32
    %while3A_700 = arith.addi %while3A, %while3A_699 : i32
    %while3A_701 = arith.constant 1 : i32
    %while3A_702 = scf.for %while3A_1008 = %while3A to %while3A_700 step %while3A_701 iter_args(%while3A_1009 = %while3A_694) -> (i32)  : i32 {
      %mul3A_1010 = arith.constant 8 : i32
      %mul3A_1011 = arith.muli %mul3A_1010, %mul3A_32 : i32
      %mul3A_1012 = arith.constant 128 : i32
      %mul3A_1013 = arith.muli %mul3A_1012, %while3A_1008 : i32
      %multiple_of3A_1014 = tpu.assume_multiple %mul3A_1013, 128 : i32
      %dma_start3A_1015 = tpu.memref_slice %arg3[%select_n3A, %mul3A_1011, %multiple_of3A_1014] : memref<16x2048x2048xf32, #tpu.memory_space<hbm>> -> memref<1x8x128xf32, #tpu.memory_space<hbm>>
      %dma_start3A_1016 = tpu.memref_squeeze %dma_start3A_1015 : memref<1x8x128xf32, #tpu.memory_space<hbm>> -> memref<8x128xf32, #tpu.memory_space<hbm>>
      %dma_start3A_1017 = tpu.memref_slice %arg3[%select_n3A, %mul3A_1011, %multiple_of3A_1014] : memref<16x2048x2048xf32, #tpu.memory_space<hbm>> -> memref<1x8x128xf32, #tpu.memory_space<hbm>>
      %dma_start3A_1018 = tpu.memref_squeeze %dma_start3A_1017 : memref<1x8x128xf32, #tpu.memory_space<hbm>> -> memref<8x128xf32, #tpu.memory_space<hbm>>
      tpu.enqueue_dma source(%arg23 : memref<8x128xf32, #tpu.memory_space<vmem>>) target(%dma_start3A_1018 : memref<8x128xf32, #tpu.memory_space<hbm>>) target_semaphore(%arg27 : memref<!tpu.dma_semaphore, #tpu.memory_space<semaphore_mem>>)
      %while3A_1019 = arith.constant 0 : i32
      scf.yield %while3A_1019 : i32
    }
    %while3A_703 = arith.constant 1 : i32
    %while3A_704 = scf.for %while3A_1008 = %while3A_700 to %while3A_696 step %while3A_703 iter_args(%while3A_1009 = %while3A_702) -> (i32)  : i32 {
      %mul3A_1010 = arith.constant 8 : i32
      %mul3A_1011 = arith.muli %mul3A_1010, %mul3A_32 : i32
      %mul3A_1012 = arith.constant 128 : i32
      %mul3A_1013 = arith.muli %mul3A_1012, %while3A_1008 : i32
      %multiple_of3A_1014 = tpu.assume_multiple %mul3A_1013, 128 : i32
      %dma_start3A_1015 = tpu.memref_slice %arg3[%select_n3A, %mul3A_1011, %multiple_of3A_1014] : memref<16x2048x2048xf32, #tpu.memory_space<hbm>> -> memref<1x8x128xf32, #tpu.memory_space<hbm>>
      %dma_start3A_1016 = tpu.memref_squeeze %dma_start3A_1015 : memref<1x8x128xf32, #tpu.memory_space<hbm>> -> memref<8x128xf32, #tpu.memory_space<hbm>>
      %dma_start3A_1017 = tpu.memref_slice %arg3[%select_n3A, %mul3A_1011, %multiple_of3A_1014] : memref<16x2048x2048xf32, #tpu.memory_space<hbm>> -> memref<1x8x128xf32, #tpu.memory_space<hbm>>
      %dma_start3A_1018 = tpu.memref_squeeze %dma_start3A_1017 : memref<1x8x128xf32, #tpu.memory_space<hbm>> -> memref<8x128xf32, #tpu.memory_space<hbm>>
      tpu.enqueue_dma source(%arg23 : memref<8x128xf32, #tpu.memory_space<vmem>>) target(%dma_start3A_1018 : memref<8x128xf32, #tpu.memory_space<hbm>>) target_semaphore(%arg27 : memref<!tpu.dma_semaphore, #tpu.memory_space<semaphore_mem>>)
      %while3A_1019 = arith.constant 0 : i32
      scf.yield %while3A_1019 : i32
    }
    %sub3A_705 = arith.constant 6 : i32
    %sub3A_706 = arith.subi %sub3A_705, %min3A : i32
    %while3A_707 = arith.constant 0 : i32
    %while3A_708 = arith.constant 0 : i32
    %while3A_709 = arith.subi %sub3A_706, %while3A_707 : i32
    %while3A_710 = arith.addi %while3A_707, %while3A_709 : i32
    %while3A_711 = arith.constant 1 : i32
    %while3A_712 = arith.divsi %while3A_709, %while3A_711 : i32
    %while3A_713 = arith.muli %while3A_712, %while3A_711 : i32
    %while3A_714 = arith.addi %while3A_707, %while3A_713 : i32
    %while3A_715 = arith.constant 1 : i32
    %while3A_716 = scf.for %while3A_1008 = %while3A_707 to %while3A_714 step %while3A_715 iter_args(%while3A_1009 = %while3A_708) -> (i32)  : i32 {
      %add3A_1010 = arith.constant 10 : i32
      %add3A_1011 = arith.addi %min3A, %add3A_1010 : i32
      %add3A_1012 = arith.addi %add3A_1011, %while3A_1008 : i32
      %mul3A_1013 = arith.constant 8 : i32
      %mul3A_1014 = arith.muli %mul3A_1013, %mul3A_32 : i32
      %mul3A_1015 = arith.constant 128 : i32
      %mul3A_1016 = arith.muli %mul3A_1015, %add3A_1012 : i32
      %multiple_of3A_1017 = tpu.assume_multiple %mul3A_1016, 128 : i32
      %dma_start3A_1018 = tpu.memref_slice %arg3[%select_n3A, %mul3A_1014, %multiple_of3A_1017] : memref<16x2048x2048xf32, #tpu.memory_space<hbm>> -> memref<1x8x128xf32, #tpu.memory_space<hbm>>
      %dma_start3A_1019 = tpu.memref_squeeze %dma_start3A_1018 : memref<1x8x128xf32, #tpu.memory_space<hbm>> -> memref<8x128xf32, #tpu.memory_space<hbm>>
      %dma_start3A_1020 = tpu.memref_slice %arg3[%select_n3A, %mul3A_1014, %multiple_of3A_1017] : memref<16x2048x2048xf32, #tpu.memory_space<hbm>> -> memref<1x8x128xf32, #tpu.memory_space<hbm>>
      %dma_start3A_1021 = tpu.memref_squeeze %dma_start3A_1020 : memref<1x8x128xf32, #tpu.memory_space<hbm>> -> memref<8x128xf32, #tpu.memory_space<hbm>>
      tpu.enqueue_dma source(%arg24 : memref<8x128xf32, #tpu.memory_space<vmem>>) target(%dma_start3A_1021 : memref<8x128xf32, #tpu.memory_space<hbm>>) target_semaphore(%arg27 : memref<!tpu.dma_semaphore, #tpu.memory_space<semaphore_mem>>)
      %while3A_1022 = arith.constant 0 : i32
      scf.yield %while3A_1022 : i32
    }
    %while3A_717 = arith.constant 1 : i32
    %while3A_718 = scf.for %while3A_1008 = %while3A_714 to %while3A_710 step %while3A_717 iter_args(%while3A_1009 = %while3A_716) -> (i32)  : i32 {
      %add3A_1010 = arith.constant 10 : i32
      %add3A_1011 = arith.addi %min3A, %add3A_1010 : i32
      %add3A_1012 = arith.addi %add3A_1011, %while3A_1008 : i32
      %mul3A_1013 = arith.constant 8 : i32
      %mul3A_1014 = arith.muli %mul3A_1013, %mul3A_32 : i32
      %mul3A_1015 = arith.constant 128 : i32
      %mul3A_1016 = arith.muli %mul3A_1015, %add3A_1012 : i32
      %multiple_of3A_1017 = tpu.assume_multiple %mul3A_1016, 128 : i32
      %dma_start3A_1018 = tpu.memref_slice %arg3[%select_n3A, %mul3A_1014, %multiple_of3A_1017] : memref<16x2048x2048xf32, #tpu.memory_space<hbm>> -> memref<1x8x128xf32, #tpu.memory_space<hbm>>
      %dma_start3A_1019 = tpu.memref_squeeze %dma_start3A_1018 : memref<1x8x128xf32, #tpu.memory_space<hbm>> -> memref<8x128xf32, #tpu.memory_space<hbm>>
      %dma_start3A_1020 = tpu.memref_slice %arg3[%select_n3A, %mul3A_1014, %multiple_of3A_1017] : memref<16x2048x2048xf32, #tpu.memory_space<hbm>> -> memref<1x8x128xf32, #tpu.memory_space<hbm>>
      %dma_start3A_1021 = tpu.memref_squeeze %dma_start3A_1020 : memref<1x8x128xf32, #tpu.memory_space<hbm>> -> memref<8x128xf32, #tpu.memory_space<hbm>>
      tpu.enqueue_dma source(%arg24 : memref<8x128xf32, #tpu.memory_space<vmem>>) target(%dma_start3A_1021 : memref<8x128xf32, #tpu.memory_space<hbm>>) target_semaphore(%arg27 : memref<!tpu.dma_semaphore, #tpu.memory_space<semaphore_mem>>)
      %while3A_1022 = arith.constant 0 : i32
      scf.yield %while3A_1022 : i32
    }
    %parallel_loop3A = arith.constant 0 : i32
    %parallel_loop3A_719 = arith.constant 80 : i32
    %parallel_loop3A_720 = arith.constant 1 : i32
    scf.for %parallel_loop3A_1008 = %parallel_loop3A to %parallel_loop3A_719 step %parallel_loop3A_720  : i32 {
      %parallel_loop3A_1009 = arith.constant 16 : i32
      %parallel_loop3A_1010 = arith.muli %parallel_loop3A_1009, %parallel_loop3A_1008 : i32
      %parallel_loop3A_1011 = arith.addi %multiple_of3A, %parallel_loop3A_1010 : i32
      %parallel_loop3A_1012 = arith.addi %sub3A_661, %parallel_loop3A_1011 : i32
      %parallel_loop3A_1013 = arith.index_cast %parallel_loop3A_1012 : i32 to index
      %parallel_loop3A_1014 = tpu.vector_load %arg20[%parallel_loop3A_1013] {strides = array<i32>} : memref<4096xf32, #tpu.memory_space<vmem>>, vector<16xf32>,
      %parallel_loop3A_1015 = arith.constant 0 : i32
      %parallel_loop3A_1016 = arith.index_cast %parallel_loop3A_1015 : i32 to index
      %parallel_loop3A_1017 = arith.index_cast %parallel_loop3A_1011 : i32 to index
      %parallel_loop3A_1018 = tpu.vector_load %arg21[%parallel_loop3A_1016, %parallel_loop3A_1017] {strides = array<i32>} : memref<8x2048xf32, #tpu.memory_space<vmem>>, vector<16xf32>,
      tpu.vector_store %arg21[%parallel_loop3A_1016, %parallel_loop3A_1017], %parallel_loop3A_1014 {strides = array<i32>} : memref<8x2048xf32, #tpu.memory_space<vmem>>, vector<16xf32>,
      %parallel_loop3A_1019 = arith.index_cast %parallel_loop3A_1012 : i32 to index
      %parallel_loop3A_1020 = tpu.vector_load %arg19[%parallel_loop3A_1019] {strides = array<i32>} : memref<4096xf32, #tpu.memory_space<vmem>>, vector<16xf32>,
      %parallel_loop3A_1021 = arith.constant 1 : i32
      %parallel_loop3A_1022 = arith.index_cast %parallel_loop3A_1021 : i32 to index
      %parallel_loop3A_1023 = arith.index_cast %parallel_loop3A_1011 : i32 to index
      %parallel_loop3A_1024 = tpu.vector_load %arg21[%parallel_loop3A_1022, %parallel_loop3A_1023] {strides = array<i32>} : memref<8x2048xf32, #tpu.memory_space<vmem>>, vector<16xf32>,
      tpu.vector_store %arg21[%parallel_loop3A_1022, %parallel_loop3A_1023], %parallel_loop3A_1020 {strides = array<i32>} : memref<8x2048xf32, #tpu.memory_space<vmem>>, vector<16xf32>,
      %parallel_loop3A_1025 = arith.index_cast %parallel_loop3A_1012 : i32 to index
      %parallel_loop3A_1026 = tpu.vector_load %arg18[%parallel_loop3A_1025] {strides = array<i32>} : memref<4096xf32, #tpu.memory_space<vmem>>, vector<16xf32>,
      %parallel_loop3A_1027 = arith.constant 2 : i32
      %parallel_loop3A_1028 = arith.index_cast %parallel_loop3A_1027 : i32 to index
      %parallel_loop3A_1029 = arith.index_cast %parallel_loop3A_1011 : i32 to index
      %parallel_loop3A_1030 = tpu.vector_load %arg21[%parallel_loop3A_1028, %parallel_loop3A_1029] {strides = array<i32>} : memref<8x2048xf32, #tpu.memory_space<vmem>>, vector<16xf32>,
      tpu.vector_store %arg21[%parallel_loop3A_1028, %parallel_loop3A_1029], %parallel_loop3A_1026 {strides = array<i32>} : memref<8x2048xf32, #tpu.memory_space<vmem>>, vector<16xf32>,
      %parallel_loop3A_1031 = arith.index_cast %parallel_loop3A_1012 : i32 to index
      %parallel_loop3A_1032 = tpu.vector_load %arg17[%parallel_loop3A_1031] {strides = array<i32>} : memref<4096xf32, #tpu.memory_space<vmem>>, vector<16xf32>,
      %parallel_loop3A_1033 = arith.constant 3 : i32
      %parallel_loop3A_1034 = arith.index_cast %parallel_loop3A_1033 : i32 to index
      %parallel_loop3A_1035 = arith.index_cast %parallel_loop3A_1011 : i32 to index
      %parallel_loop3A_1036 = tpu.vector_load %arg21[%parallel_loop3A_1034, %parallel_loop3A_1035] {strides = array<i32>} : memref<8x2048xf32, #tpu.memory_space<vmem>>, vector<16xf32>,
      tpu.vector_store %arg21[%parallel_loop3A_1034, %parallel_loop3A_1035], %parallel_loop3A_1032 {strides = array<i32>} : memref<8x2048xf32, #tpu.memory_space<vmem>>, vector<16xf32>,
      %parallel_loop3A_1037 = arith.index_cast %parallel_loop3A_1012 : i32 to index
      %parallel_loop3A_1038 = tpu.vector_load %arg16[%parallel_loop3A_1037] {strides = array<i32>} : memref<4096xf32, #tpu.memory_space<vmem>>, vector<16xf32>,
      %parallel_loop3A_1039 = arith.constant 4 : i32
      %parallel_loop3A_1040 = arith.index_cast %parallel_loop3A_1039 : i32 to index
      %parallel_loop3A_1041 = arith.index_cast %parallel_loop3A_1011 : i32 to index
      %parallel_loop3A_1042 = tpu.vector_load %arg21[%parallel_loop3A_1040, %parallel_loop3A_1041] {strides = array<i32>} : memref<8x2048xf32, #tpu.memory_space<vmem>>, vector<16xf32>,
      tpu.vector_store %arg21[%parallel_loop3A_1040, %parallel_loop3A_1041], %parallel_loop3A_1038 {strides = array<i32>} : memref<8x2048xf32, #tpu.memory_space<vmem>>, vector<16xf32>,
      %parallel_loop3A_1043 = arith.index_cast %parallel_loop3A_1012 : i32 to index
      %parallel_loop3A_1044 = tpu.vector_load %arg15[%parallel_loop3A_1043] {strides = array<i32>} : memref<4096xf32, #tpu.memory_space<vmem>>, vector<16xf32>,
      %parallel_loop3A_1045 = arith.constant 5 : i32
      %parallel_loop3A_1046 = arith.index_cast %parallel_loop3A_1045 : i32 to index
      %parallel_loop3A_1047 = arith.index_cast %parallel_loop3A_1011 : i32 to index
      %parallel_loop3A_1048 = tpu.vector_load %arg21[%parallel_loop3A_1046, %parallel_loop3A_1047] {strides = array<i32>} : memref<8x2048xf32, #tpu.memory_space<vmem>>, vector<16xf32>,
      tpu.vector_store %arg21[%parallel_loop3A_1046, %parallel_loop3A_1047], %parallel_loop3A_1044 {strides = array<i32>} : memref<8x2048xf32, #tpu.memory_space<vmem>>, vector<16xf32>,
      %parallel_loop3A_1049 = arith.index_cast %parallel_loop3A_1012 : i32 to index
      %parallel_loop3A_1050 = tpu.vector_load %arg14[%parallel_loop3A_1049] {strides = array<i32>} : memref<4096xf32, #tpu.memory_space<vmem>>, vector<16xf32>,
      %parallel_loop3A_1051 = arith.constant 6 : i32
      %parallel_loop3A_1052 = arith.index_cast %parallel_loop3A_1051 : i32 to index
      %parallel_loop3A_1053 = arith.index_cast %parallel_loop3A_1011 : i32 to index
      %parallel_loop3A_1054 = tpu.vector_load %arg21[%parallel_loop3A_1052, %parallel_loop3A_1053] {strides = array<i32>} : memref<8x2048xf32, #tpu.memory_space<vmem>>, vector<16xf32>,
      tpu.vector_store %arg21[%parallel_loop3A_1052, %parallel_loop3A_1053], %parallel_loop3A_1050 {strides = array<i32>} : memref<8x2048xf32, #tpu.memory_space<vmem>>, vector<16xf32>,
      %parallel_loop3A_1055 = arith.index_cast %parallel_loop3A_1012 : i32 to index
      %parallel_loop3A_1056 = tpu.vector_load %arg13[%parallel_loop3A_1055] {strides = array<i32>} : memref<4096xf32, #tpu.memory_space<vmem>>, vector<16xf32>,
      %parallel_loop3A_1057 = arith.constant 7 : i32
      %parallel_loop3A_1058 = arith.index_cast %parallel_loop3A_1057 : i32 to index
      %parallel_loop3A_1059 = arith.index_cast %parallel_loop3A_1011 : i32 to index
      %parallel_loop3A_1060 = tpu.vector_load %arg21[%parallel_loop3A_1058, %parallel_loop3A_1059] {strides = array<i32>} : memref<8x2048xf32, #tpu.memory_space<vmem>>, vector<16xf32>,
      tpu.vector_store %arg21[%parallel_loop3A_1058, %parallel_loop3A_1059], %parallel_loop3A_1056 {strides = array<i32>} : memref<8x2048xf32, #tpu.memory_space<vmem>>, vector<16xf32>,
    } {sc.loop_unroll_factor = 8 : i64, sc.parallel_access}
    %mul3A_721 = arith.constant 8 : i32
    %mul3A_722 = arith.muli %mul3A_721, %mul3A_32 : i32
    %dma_start3A = arith.constant 0 : i32
    %dma_start3A_723 = tpu.memref_slice %arg21[%dma_start3A, %multiple_of3A] : memref<8x2048xf32, #tpu.memory_space<vmem>> -> memref<8x1280xf32, #tpu.memory_space<vmem>>
    %dma_start3A_724 = tpu.memref_slice %arg3[%select_n3A, %mul3A_722, %multiple_of3A] : memref<16x2048x2048xf32, #tpu.memory_space<hbm>> -> memref<1x8x1280xf32, #tpu.memory_space<hbm>>
    %dma_start3A_725 = tpu.memref_squeeze %dma_start3A_724 : memref<1x8x1280xf32, #tpu.memory_space<hbm>> -> memref<8x1280xf32, #tpu.memory_space<hbm>>
    %dma_start3A_726 = tpu.memref_slice %arg3[%select_n3A, %mul3A_722, %multiple_of3A] : memref<16x2048x2048xf32, #tpu.memory_space<hbm>> -> memref<1x8x1280xf32, #tpu.memory_space<hbm>>
    %dma_start3A_727 = tpu.memref_squeeze %dma_start3A_726 : memref<1x8x1280xf32, #tpu.memory_space<hbm>> -> memref<8x1280xf32, #tpu.memory_space<hbm>>
    %dma_start3A_728 = arith.constant 0 : i32
    %dma_start3A_729 = tpu.memref_slice %arg21[%dma_start3A_728, %multiple_of3A] : memref<8x2048xf32, #tpu.memory_space<vmem>> -> memref<8x1280xf32, #tpu.memory_space<vmem>>
    tpu.enqueue_dma source(%dma_start3A_729 : memref<8x1280xf32, #tpu.memory_space<vmem>>) target(%dma_start3A_727 : memref<8x1280xf32, #tpu.memory_space<hbm>>) target_semaphore(%arg25 : memref<!tpu.dma_semaphore, #tpu.memory_space<semaphore_mem>>)
    %mul3A_730 = arith.constant 8 : i32
    %mul3A_731 = arith.muli %mul3A_730, %mul3A_32 : i32
    %dma_wait3A = arith.constant 0 : i32
    %dma_wait3A_732 = tpu.memref_slice %arg3[%select_n3A, %mul3A_731, %dma_wait3A] : memref<16x2048x2048xf32, #tpu.memory_space<hbm>> -> memref<1x8x128xf32, #tpu.memory_space<hbm>>
    %dma_wait3A_733 = tpu.memref_squeeze %dma_wait3A_732 : memref<1x8x128xf32, #tpu.memory_space<hbm>> -> memref<8x128xf32, #tpu.memory_space<hbm>>
    %dma_wait3A_734 = arith.constant 0 : i32
    %dma_wait3A_735 = tpu.memref_slice %arg3[%select_n3A, %mul3A_731, %dma_wait3A_734] : memref<16x2048x2048xf32, #tpu.memory_space<hbm>> -> memref<1x8x128xf32, #tpu.memory_space<hbm>>
    %dma_wait3A_736 = tpu.memref_squeeze %dma_wait3A_735 : memref<1x8x128xf32, #tpu.memory_space<hbm>> -> memref<8x128xf32, #tpu.memory_space<hbm>>
    tpu.wait_dma2 semaphore(%arg27 : memref<!tpu.dma_semaphore, #tpu.memory_space<semaphore_mem>>) src(%arg23 : memref<8x128xf32, #tpu.memory_space<vmem>>) dst(%dma_wait3A_736 : memref<8x128xf32, #tpu.memory_space<hbm>>)
    %mul3A_737 = arith.constant 8 : i32
    %mul3A_738 = arith.muli %mul3A_737, %mul3A_32 : i32
    %dma_wait3A_739 = arith.constant 0 : i32
    %dma_wait3A_740 = tpu.memref_slice %arg3[%select_n3A, %mul3A_738, %dma_wait3A_739] : memref<16x2048x2048xf32, #tpu.memory_space<hbm>> -> memref<1x8x128xf32, #tpu.memory_space<hbm>>
    %dma_wait3A_741 = tpu.memref_squeeze %dma_wait3A_740 : memref<1x8x128xf32, #tpu.memory_space<hbm>> -> memref<8x128xf32, #tpu.memory_space<hbm>>
    %dma_wait3A_742 = arith.constant 0 : i32
    %dma_wait3A_743 = tpu.memref_slice %arg3[%select_n3A, %mul3A_738, %dma_wait3A_742] : memref<16x2048x2048xf32, #tpu.memory_space<hbm>> -> memref<1x8x128xf32, #tpu.memory_space<hbm>>
    %dma_wait3A_744 = tpu.memref_squeeze %dma_wait3A_743 : memref<1x8x128xf32, #tpu.memory_space<hbm>> -> memref<8x128xf32, #tpu.memory_space<hbm>>
    tpu.wait_dma2 semaphore(%arg27 : memref<!tpu.dma_semaphore, #tpu.memory_space<semaphore_mem>>) src(%arg23 : memref<8x128xf32, #tpu.memory_space<vmem>>) dst(%dma_wait3A_744 : memref<8x128xf32, #tpu.memory_space<hbm>>)
    %mul3A_745 = arith.constant 8 : i32
    %mul3A_746 = arith.muli %mul3A_745, %mul3A_32 : i32
    %dma_wait3A_747 = arith.constant 0 : i32
    %dma_wait3A_748 = tpu.memref_slice %arg3[%select_n3A, %mul3A_746, %dma_wait3A_747] : memref<16x2048x2048xf32, #tpu.memory_space<hbm>> -> memref<1x8x128xf32, #tpu.memory_space<hbm>>
    %dma_wait3A_749 = tpu.memref_squeeze %dma_wait3A_748 : memref<1x8x128xf32, #tpu.memory_space<hbm>> -> memref<8x128xf32, #tpu.memory_space<hbm>>
    %dma_wait3A_750 = arith.constant 0 : i32
    %dma_wait3A_751 = tpu.memref_slice %arg3[%select_n3A, %mul3A_746, %dma_wait3A_750] : memref<16x2048x2048xf32, #tpu.memory_space<hbm>> -> memref<1x8x128xf32, #tpu.memory_space<hbm>>
    %dma_wait3A_752 = tpu.memref_squeeze %dma_wait3A_751 : memref<1x8x128xf32, #tpu.memory_space<hbm>> -> memref<8x128xf32, #tpu.memory_space<hbm>>
    tpu.wait_dma2 semaphore(%arg27 : memref<!tpu.dma_semaphore, #tpu.memory_space<semaphore_mem>>) src(%arg23 : memref<8x128xf32, #tpu.memory_space<vmem>>) dst(%dma_wait3A_752 : memref<8x128xf32, #tpu.memory_space<hbm>>)
    %mul3A_753 = arith.constant 8 : i32
    %mul3A_754 = arith.muli %mul3A_753, %mul3A_32 : i32
    %dma_wait3A_755 = arith.constant 0 : i32
    %dma_wait3A_756 = tpu.memref_slice %arg3[%select_n3A, %mul3A_754, %dma_wait3A_755] : memref<16x2048x2048xf32, #tpu.memory_space<hbm>> -> memref<1x8x128xf32, #tpu.memory_space<hbm>>
    %dma_wait3A_757 = tpu.memref_squeeze %dma_wait3A_756 : memref<1x8x128xf32, #tpu.memory_space<hbm>> -> memref<8x128xf32, #tpu.memory_space<hbm>>
    %dma_wait3A_758 = arith.constant 0 : i32
    %dma_wait3A_759 = tpu.memref_slice %arg3[%select_n3A, %mul3A_754, %dma_wait3A_758] : memref<16x2048x2048xf32, #tpu.memory_space<hbm>> -> memref<1x8x128xf32, #tpu.memory_space<hbm>>
    %dma_wait3A_760 = tpu.memref_squeeze %dma_wait3A_759 : memref<1x8x128xf32, #tpu.memory_space<hbm>> -> memref<8x128xf32, #tpu.memory_space<hbm>>
    tpu.wait_dma2 semaphore(%arg27 : memref<!tpu.dma_semaphore, #tpu.memory_space<semaphore_mem>>) src(%arg23 : memref<8x128xf32, #tpu.memory_space<vmem>>) dst(%dma_wait3A_760 : memref<8x128xf32, #tpu.memory_space<hbm>>)
    %mul3A_761 = arith.constant 8 : i32
    %mul3A_762 = arith.muli %mul3A_761, %mul3A_32 : i32
    %dma_wait3A_763 = arith.constant 0 : i32
    %dma_wait3A_764 = tpu.memref_slice %arg3[%select_n3A, %mul3A_762, %dma_wait3A_763] : memref<16x2048x2048xf32, #tpu.memory_space<hbm>> -> memref<1x8x128xf32, #tpu.memory_space<hbm>>
    %dma_wait3A_765 = tpu.memref_squeeze %dma_wait3A_764 : memref<1x8x128xf32, #tpu.memory_space<hbm>> -> memref<8x128xf32, #tpu.memory_space<hbm>>
    %dma_wait3A_766 = arith.constant 0 : i32
    %dma_wait3A_767 = tpu.memref_slice %arg3[%select_n3A, %mul3A_762, %dma_wait3A_766] : memref<16x2048x2048xf32, #tpu.memory_space<hbm>> -> memref<1x8x128xf32, #tpu.memory_space<hbm>>
    %dma_wait3A_768 = tpu.memref_squeeze %dma_wait3A_767 : memref<1x8x128xf32, #tpu.memory_space<hbm>> -> memref<8x128xf32, #tpu.memory_space<hbm>>
    tpu.wait_dma2 semaphore(%arg27 : memref<!tpu.dma_semaphore, #tpu.memory_space<semaphore_mem>>) src(%arg23 : memref<8x128xf32, #tpu.memory_space<vmem>>) dst(%dma_wait3A_768 : memref<8x128xf32, #tpu.memory_space<hbm>>)
    %mul3A_769 = arith.constant 8 : i32
    %mul3A_770 = arith.muli %mul3A_769, %mul3A_32 : i32
    %dma_wait3A_771 = arith.constant 0 : i32
    %dma_wait3A_772 = tpu.memref_slice %arg3[%select_n3A, %mul3A_770, %dma_wait3A_771] : memref<16x2048x2048xf32, #tpu.memory_space<hbm>> -> memref<1x8x128xf32, #tpu.memory_space<hbm>>
    %dma_wait3A_773 = tpu.memref_squeeze %dma_wait3A_772 : memref<1x8x128xf32, #tpu.memory_space<hbm>> -> memref<8x128xf32, #tpu.memory_space<hbm>>
    %dma_wait3A_774 = arith.constant 0 : i32
    %dma_wait3A_775 = tpu.memref_slice %arg3[%select_n3A, %mul3A_770, %dma_wait3A_774] : memref<16x2048x2048xf32, #tpu.memory_space<hbm>> -> memref<1x8x128xf32, #tpu.memory_space<hbm>>
    %dma_wait3A_776 = tpu.memref_squeeze %dma_wait3A_775 : memref<1x8x128xf32, #tpu.memory_space<hbm>> -> memref<8x128xf32, #tpu.memory_space<hbm>>
    tpu.wait_dma2 semaphore(%arg27 : memref<!tpu.dma_semaphore, #tpu.memory_space<semaphore_mem>>) src(%arg23 : memref<8x128xf32, #tpu.memory_space<vmem>>) dst(%dma_wait3A_776 : memref<8x128xf32, #tpu.memory_space<hbm>>)
    %add3A_777 = arith.constant 1 : i32
    %add3A_778 = arith.addi %mul3A_32, %add3A_777 : i32
    %mul3A_779 = arith.constant 8 : i32
    %mul3A_780 = arith.muli %mul3A_779, %add3A_778 : i32
    %sub3A_781 = arith.constant 2040 : i32
    %sub3A_782 = arith.subi %sub3A_781, %mul3A_780 : i32
    %mul3A_783 = arith.constant 8 : i32
    %mul3A_784 = arith.muli %mul3A_783, %add3A_778 : i32
    %sub3A_785 = arith.constant 512 : i32
    %sub3A_786 = arith.subi %mul3A_784, %sub3A_785 : i32
    %jit3A_787 = arith.constant 128 : i32
    %div3A_788 = arith.divsi %sub3A_786, %jit3A_787 : i32
    %sign3A_789 = arith.constant 0 : i32
    %sign3A_790 = arith.cmpi sgt, %sub3A_786, %sign3A_789 : i32
    %sign3A_791 = arith.extui %sign3A_790 : i1 to i32
    %sign3A_792 = arith.constant 0 : i32
    %sign3A_793 = arith.cmpi slt, %sub3A_786, %sign3A_792 : i32
    %sign3A_794 = arith.extui %sign3A_793 : i1 to i32
    %sign3A_795 = arith.subi %sign3A_791, %sign3A_794 : i32
    %sign3A_796 = arith.constant 0 : i32
    %sign3A_797 = arith.cmpi sgt, %jit3A_787, %sign3A_796 : i32
    %sign3A_798 = arith.extui %sign3A_797 : i1 to i32
    %sign3A_799 = arith.constant 0 : i32
    %sign3A_800 = arith.cmpi slt, %jit3A_787, %sign3A_799 : i32
    %sign3A_801 = arith.extui %sign3A_800 : i1 to i32
    %sign3A_802 = arith.subi %sign3A_798, %sign3A_801 : i32
    %ne3A_803 = arith.cmpi ne, %sign3A_795, %sign3A_802 : i32
    %rem3A_804 = arith.remsi %sub3A_786, %jit3A_787 : i32
    %ne3A_805 = arith.constant 0 : i32
    %ne3A_806 = arith.cmpi ne, %rem3A_804, %ne3A_805 : i32
    %and3A_807 = arith.andi %ne3A_803, %ne3A_806 : i1
    %sub3A_808 = arith.constant 1 : i32
    %sub3A_809 = arith.subi %div3A_788, %sub3A_808 : i32
    %select_n3A_810 = arith.select %and3A_807, %sub3A_809, %div3A_788 : i32
    %jit3A_811 = arith.constant 0 : i32
    %jit3A_812 = arith.constant 6 : i32
    %max3A_813 = arith.maxsi %jit3A_811, %select_n3A_810 : i32
    %min3A_814 = arith.minsi %jit3A_812, %max3A_813 : i32
    %mul3A_815 = arith.constant 128 : i32
    %mul3A_816 = arith.muli %mul3A_815, %min3A_814 : i32
    %multiple_of3A_817 = tpu.assume_multiple %mul3A_816, 128 : i32
    %while3A_818 = arith.constant 0 : i32
    %while3A_819 = arith.constant 0 : i32
    %while3A_820 = arith.subi %min3A_814, %while3A_818 : i32
    %while3A_821 = arith.addi %while3A_818, %while3A_820 : i32
    %while3A_822 = arith.constant 1 : i32
    %while3A_823 = arith.divsi %while3A_820, %while3A_822 : i32
    %while3A_824 = arith.muli %while3A_823, %while3A_822 : i32
    %while3A_825 = arith.addi %while3A_818, %while3A_824 : i32
    %while3A_826 = arith.constant 1 : i32
    %while3A_827 = scf.for %while3A_1008 = %while3A_818 to %while3A_825 step %while3A_826 iter_args(%while3A_1009 = %while3A_819) -> (i32)  : i32 {
      %mul3A_1010 = arith.constant 8 : i32
      %mul3A_1011 = arith.muli %mul3A_1010, %add3A_778 : i32
      %mul3A_1012 = arith.constant 128 : i32
      %mul3A_1013 = arith.muli %mul3A_1012, %while3A_1008 : i32
      %multiple_of3A_1014 = tpu.assume_multiple %mul3A_1013, 128 : i32
      %dma_start3A_1015 = tpu.memref_slice %arg3[%select_n3A, %mul3A_1011, %multiple_of3A_1014] : memref<16x2048x2048xf32, #tpu.memory_space<hbm>> -> memref<1x8x128xf32, #tpu.memory_space<hbm>>
      %dma_start3A_1016 = tpu.memref_squeeze %dma_start3A_1015 : memref<1x8x128xf32, #tpu.memory_space<hbm>> -> memref<8x128xf32, #tpu.memory_space<hbm>>
      %dma_start3A_1017 = tpu.memref_slice %arg3[%select_n3A, %mul3A_1011, %multiple_of3A_1014] : memref<16x2048x2048xf32, #tpu.memory_space<hbm>> -> memref<1x8x128xf32, #tpu.memory_space<hbm>>
      %dma_start3A_1018 = tpu.memref_squeeze %dma_start3A_1017 : memref<1x8x128xf32, #tpu.memory_space<hbm>> -> memref<8x128xf32, #tpu.memory_space<hbm>>
      tpu.enqueue_dma source(%arg23 : memref<8x128xf32, #tpu.memory_space<vmem>>) target(%dma_start3A_1018 : memref<8x128xf32, #tpu.memory_space<hbm>>) target_semaphore(%arg27 : memref<!tpu.dma_semaphore, #tpu.memory_space<semaphore_mem>>)
      %while3A_1019 = arith.constant 0 : i32
      scf.yield %while3A_1019 : i32
    }
    %while3A_828 = arith.constant 1 : i32
    %while3A_829 = scf.for %while3A_1008 = %while3A_825 to %while3A_821 step %while3A_828 iter_args(%while3A_1009 = %while3A_827) -> (i32)  : i32 {
      %mul3A_1010 = arith.constant 8 : i32
      %mul3A_1011 = arith.muli %mul3A_1010, %add3A_778 : i32
      %mul3A_1012 = arith.constant 128 : i32
      %mul3A_1013 = arith.muli %mul3A_1012, %while3A_1008 : i32
      %multiple_of3A_1014 = tpu.assume_multiple %mul3A_1013, 128 : i32
      %dma_start3A_1015 = tpu.memref_slice %arg3[%select_n3A, %mul3A_1011, %multiple_of3A_1014] : memref<16x2048x2048xf32, #tpu.memory_space<hbm>> -> memref<1x8x128xf32, #tpu.memory_space<hbm>>
      %dma_start3A_1016 = tpu.memref_squeeze %dma_start3A_1015 : memref<1x8x128xf32, #tpu.memory_space<hbm>> -> memref<8x128xf32, #tpu.memory_space<hbm>>
      %dma_start3A_1017 = tpu.memref_slice %arg3[%select_n3A, %mul3A_1011, %multiple_of3A_1014] : memref<16x2048x2048xf32, #tpu.memory_space<hbm>> -> memref<1x8x128xf32, #tpu.memory_space<hbm>>
      %dma_start3A_1018 = tpu.memref_squeeze %dma_start3A_1017 : memref<1x8x128xf32, #tpu.memory_space<hbm>> -> memref<8x128xf32, #tpu.memory_space<hbm>>
      tpu.enqueue_dma source(%arg23 : memref<8x128xf32, #tpu.memory_space<vmem>>) target(%dma_start3A_1018 : memref<8x128xf32, #tpu.memory_space<hbm>>) target_semaphore(%arg27 : memref<!tpu.dma_semaphore, #tpu.memory_space<semaphore_mem>>)
      %while3A_1019 = arith.constant 0 : i32
      scf.yield %while3A_1019 : i32
    }
    %sub3A_830 = arith.constant 6 : i32
    %sub3A_831 = arith.subi %sub3A_830, %min3A_814 : i32
    %while3A_832 = arith.constant 0 : i32
    %while3A_833 = arith.constant 0 : i32
    %while3A_834 = arith.subi %sub3A_831, %while3A_832 : i32
    %while3A_835 = arith.addi %while3A_832, %while3A_834 : i32
    %while3A_836 = arith.constant 1 : i32
    %while3A_837 = arith.divsi %while3A_834, %while3A_836 : i32
    %while3A_838 = arith.muli %while3A_837, %while3A_836 : i32
    %while3A_839 = arith.addi %while3A_832, %while3A_838 : i32
    %while3A_840 = arith.constant 1 : i32
    %while3A_841 = scf.for %while3A_1008 = %while3A_832 to %while3A_839 step %while3A_840 iter_args(%while3A_1009 = %while3A_833) -> (i32)  : i32 {
      %add3A_1010 = arith.constant 10 : i32
      %add3A_1011 = arith.addi %min3A_814, %add3A_1010 : i32
      %add3A_1012 = arith.addi %add3A_1011, %while3A_1008 : i32
      %mul3A_1013 = arith.constant 8 : i32
      %mul3A_1014 = arith.muli %mul3A_1013, %add3A_778 : i32
      %mul3A_1015 = arith.constant 128 : i32
      %mul3A_1016 = arith.muli %mul3A_1015, %add3A_1012 : i32
      %multiple_of3A_1017 = tpu.assume_multiple %mul3A_1016, 128 : i32
      %dma_start3A_1018 = tpu.memref_slice %arg3[%select_n3A, %mul3A_1014, %multiple_of3A_1017] : memref<16x2048x2048xf32, #tpu.memory_space<hbm>> -> memref<1x8x128xf32, #tpu.memory_space<hbm>>
      %dma_start3A_1019 = tpu.memref_squeeze %dma_start3A_1018 : memref<1x8x128xf32, #tpu.memory_space<hbm>> -> memref<8x128xf32, #tpu.memory_space<hbm>>
      %dma_start3A_1020 = tpu.memref_slice %arg3[%select_n3A, %mul3A_1014, %multiple_of3A_1017] : memref<16x2048x2048xf32, #tpu.memory_space<hbm>> -> memref<1x8x128xf32, #tpu.memory_space<hbm>>
      %dma_start3A_1021 = tpu.memref_squeeze %dma_start3A_1020 : memref<1x8x128xf32, #tpu.memory_space<hbm>> -> memref<8x128xf32, #tpu.memory_space<hbm>>
      tpu.enqueue_dma source(%arg24 : memref<8x128xf32, #tpu.memory_space<vmem>>) target(%dma_start3A_1021 : memref<8x128xf32, #tpu.memory_space<hbm>>) target_semaphore(%arg27 : memref<!tpu.dma_semaphore, #tpu.memory_space<semaphore_mem>>)
      %while3A_1022 = arith.constant 0 : i32
      scf.yield %while3A_1022 : i32
    }
    %while3A_842 = arith.constant 1 : i32
    %while3A_843 = scf.for %while3A_1008 = %while3A_839 to %while3A_835 step %while3A_842 iter_args(%while3A_1009 = %while3A_841) -> (i32)  : i32 {
      %add3A_1010 = arith.constant 10 : i32
      %add3A_1011 = arith.addi %min3A_814, %add3A_1010 : i32
      %add3A_1012 = arith.addi %add3A_1011, %while3A_1008 : i32
      %mul3A_1013 = arith.constant 8 : i32
      %mul3A_1014 = arith.muli %mul3A_1013, %add3A_778 : i32
      %mul3A_1015 = arith.constant 128 : i32
      %mul3A_1016 = arith.muli %mul3A_1015, %add3A_1012 : i32
      %multiple_of3A_1017 = tpu.assume_multiple %mul3A_1016, 128 : i32
      %dma_start3A_1018 = tpu.memref_slice %arg3[%select_n3A, %mul3A_1014, %multiple_of3A_1017] : memref<16x2048x2048xf32, #tpu.memory_space<hbm>> -> memref<1x8x128xf32, #tpu.memory_space<hbm>>
      %dma_start3A_1019 = tpu.memref_squeeze %dma_start3A_1018 : memref<1x8x128xf32, #tpu.memory_space<hbm>> -> memref<8x128xf32, #tpu.memory_space<hbm>>
      %dma_start3A_1020 = tpu.memref_slice %arg3[%select_n3A, %mul3A_1014, %multiple_of3A_1017] : memref<16x2048x2048xf32, #tpu.memory_space<hbm>> -> memref<1x8x128xf32, #tpu.memory_space<hbm>>
      %dma_start3A_1021 = tpu.memref_squeeze %dma_start3A_1020 : memref<1x8x128xf32, #tpu.memory_space<hbm>> -> memref<8x128xf32, #tpu.memory_space<hbm>>
      tpu.enqueue_dma source(%arg24 : memref<8x128xf32, #tpu.memory_space<vmem>>) target(%dma_start3A_1021 : memref<8x128xf32, #tpu.memory_space<hbm>>) target_semaphore(%arg27 : memref<!tpu.dma_semaphore, #tpu.memory_space<semaphore_mem>>)
      %while3A_1022 = arith.constant 0 : i32
      scf.yield %while3A_1022 : i32
    }
    %parallel_loop3A_844 = arith.constant 0 : i32
    %parallel_loop3A_845 = arith.constant 80 : i32
    %parallel_loop3A_846 = arith.constant 1 : i32
    scf.for %parallel_loop3A_1008 = %parallel_loop3A_844 to %parallel_loop3A_845 step %parallel_loop3A_846  : i32 {
      %parallel_loop3A_1009 = arith.constant 16 : i32
      %parallel_loop3A_1010 = arith.muli %parallel_loop3A_1009, %parallel_loop3A_1008 : i32
      %parallel_loop3A_1011 = arith.addi %multiple_of3A_817, %parallel_loop3A_1010 : i32
      %parallel_loop3A_1012 = arith.addi %sub3A_782, %parallel_loop3A_1011 : i32
      %parallel_loop3A_1013 = arith.index_cast %parallel_loop3A_1012 : i32 to index
      %parallel_loop3A_1014 = tpu.vector_load %arg12[%parallel_loop3A_1013] {strides = array<i32>} : memref<4096xf32, #tpu.memory_space<vmem>>, vector<16xf32>,
      %parallel_loop3A_1015 = arith.constant 0 : i32
      %parallel_loop3A_1016 = arith.index_cast %parallel_loop3A_1015 : i32 to index
      %parallel_loop3A_1017 = arith.index_cast %parallel_loop3A_1011 : i32 to index
      %parallel_loop3A_1018 = tpu.vector_load %arg22[%parallel_loop3A_1016, %parallel_loop3A_1017] {strides = array<i32>} : memref<8x2048xf32, #tpu.memory_space<vmem>>, vector<16xf32>,
      tpu.vector_store %arg22[%parallel_loop3A_1016, %parallel_loop3A_1017], %parallel_loop3A_1014 {strides = array<i32>} : memref<8x2048xf32, #tpu.memory_space<vmem>>, vector<16xf32>,
      %parallel_loop3A_1019 = arith.index_cast %parallel_loop3A_1012 : i32 to index
      %parallel_loop3A_1020 = tpu.vector_load %arg11[%parallel_loop3A_1019] {strides = array<i32>} : memref<4096xf32, #tpu.memory_space<vmem>>, vector<16xf32>,
      %parallel_loop3A_1021 = arith.constant 1 : i32
      %parallel_loop3A_1022 = arith.index_cast %parallel_loop3A_1021 : i32 to index
      %parallel_loop3A_1023 = arith.index_cast %parallel_loop3A_1011 : i32 to index
      %parallel_loop3A_1024 = tpu.vector_load %arg22[%parallel_loop3A_1022, %parallel_loop3A_1023] {strides = array<i32>} : memref<8x2048xf32, #tpu.memory_space<vmem>>, vector<16xf32>,
      tpu.vector_store %arg22[%parallel_loop3A_1022, %parallel_loop3A_1023], %parallel_loop3A_1020 {strides = array<i32>} : memref<8x2048xf32, #tpu.memory_space<vmem>>, vector<16xf32>,
      %parallel_loop3A_1025 = arith.index_cast %parallel_loop3A_1012 : i32 to index
      %parallel_loop3A_1026 = tpu.vector_load %arg10[%parallel_loop3A_1025] {strides = array<i32>} : memref<4096xf32, #tpu.memory_space<vmem>>, vector<16xf32>,
      %parallel_loop3A_1027 = arith.constant 2 : i32
      %parallel_loop3A_1028 = arith.index_cast %parallel_loop3A_1027 : i32 to index
      %parallel_loop3A_1029 = arith.index_cast %parallel_loop3A_1011 : i32 to index
      %parallel_loop3A_1030 = tpu.vector_load %arg22[%parallel_loop3A_1028, %parallel_loop3A_1029] {strides = array<i32>} : memref<8x2048xf32, #tpu.memory_space<vmem>>, vector<16xf32>,
      tpu.vector_store %arg22[%parallel_loop3A_1028, %parallel_loop3A_1029], %parallel_loop3A_1026 {strides = array<i32>} : memref<8x2048xf32, #tpu.memory_space<vmem>>, vector<16xf32>,
      %parallel_loop3A_1031 = arith.index_cast %parallel_loop3A_1012 : i32 to index
      %parallel_loop3A_1032 = tpu.vector_load %arg9[%parallel_loop3A_1031] {strides = array<i32>} : memref<4096xf32, #tpu.memory_space<vmem>>, vector<16xf32>,
      %parallel_loop3A_1033 = arith.constant 3 : i32
      %parallel_loop3A_1034 = arith.index_cast %parallel_loop3A_1033 : i32 to index
      %parallel_loop3A_1035 = arith.index_cast %parallel_loop3A_1011 : i32 to index
      %parallel_loop3A_1036 = tpu.vector_load %arg22[%parallel_loop3A_1034, %parallel_loop3A_1035] {strides = array<i32>} : memref<8x2048xf32, #tpu.memory_space<vmem>>, vector<16xf32>,
      tpu.vector_store %arg22[%parallel_loop3A_1034, %parallel_loop3A_1035], %parallel_loop3A_1032 {strides = array<i32>} : memref<8x2048xf32, #tpu.memory_space<vmem>>, vector<16xf32>,
      %parallel_loop3A_1037 = arith.index_cast %parallel_loop3A_1012 : i32 to index
      %parallel_loop3A_1038 = tpu.vector_load %arg8[%parallel_loop3A_1037] {strides = array<i32>} : memref<4096xf32, #tpu.memory_space<vmem>>, vector<16xf32>,
      %parallel_loop3A_1039 = arith.constant 4 : i32
      %parallel_loop3A_1040 = arith.index_cast %parallel_loop3A_1039 : i32 to index
      %parallel_loop3A_1041 = arith.index_cast %parallel_loop3A_1011 : i32 to index
      %parallel_loop3A_1042 = tpu.vector_load %arg22[%parallel_loop3A_1040, %parallel_loop3A_1041] {strides = array<i32>} : memref<8x2048xf32, #tpu.memory_space<vmem>>, vector<16xf32>,
      tpu.vector_store %arg22[%parallel_loop3A_1040, %parallel_loop3A_1041], %parallel_loop3A_1038 {strides = array<i32>} : memref<8x2048xf32, #tpu.memory_space<vmem>>, vector<16xf32>,
      %parallel_loop3A_1043 = arith.index_cast %parallel_loop3A_1012 : i32 to index
      %parallel_loop3A_1044 = tpu.vector_load %arg7[%parallel_loop3A_1043] {strides = array<i32>} : memref<4096xf32, #tpu.memory_space<vmem>>, vector<16xf32>,
      %parallel_loop3A_1045 = arith.constant 5 : i32
      %parallel_loop3A_1046 = arith.index_cast %parallel_loop3A_1045 : i32 to index
      %parallel_loop3A_1047 = arith.index_cast %parallel_loop3A_1011 : i32 to index
      %parallel_loop3A_1048 = tpu.vector_load %arg22[%parallel_loop3A_1046, %parallel_loop3A_1047] {strides = array<i32>} : memref<8x2048xf32, #tpu.memory_space<vmem>>, vector<16xf32>,
      tpu.vector_store %arg22[%parallel_loop3A_1046, %parallel_loop3A_1047], %parallel_loop3A_1044 {strides = array<i32>} : memref<8x2048xf32, #tpu.memory_space<vmem>>, vector<16xf32>,
      %parallel_loop3A_1049 = arith.index_cast %parallel_loop3A_1012 : i32 to index
      %parallel_loop3A_1050 = tpu.vector_load %arg6[%parallel_loop3A_1049] {strides = array<i32>} : memref<4096xf32, #tpu.memory_space<vmem>>, vector<16xf32>,
      %parallel_loop3A_1051 = arith.constant 6 : i32
      %parallel_loop3A_1052 = arith.index_cast %parallel_loop3A_1051 : i32 to index
      %parallel_loop3A_1053 = arith.index_cast %parallel_loop3A_1011 : i32 to index
      %parallel_loop3A_1054 = tpu.vector_load %arg22[%parallel_loop3A_1052, %parallel_loop3A_1053] {strides = array<i32>} : memref<8x2048xf32, #tpu.memory_space<vmem>>, vector<16xf32>,
      tpu.vector_store %arg22[%parallel_loop3A_1052, %parallel_loop3A_1053], %parallel_loop3A_1050 {strides = array<i32>} : memref<8x2048xf32, #tpu.memory_space<vmem>>, vector<16xf32>,
      %parallel_loop3A_1055 = arith.index_cast %parallel_loop3A_1012 : i32 to index
      %parallel_loop3A_1056 = tpu.vector_load %arg5[%parallel_loop3A_1055] {strides = array<i32>} : memref<4096xf32, #tpu.memory_space<vmem>>, vector<16xf32>,
      %parallel_loop3A_1057 = arith.constant 7 : i32
      %parallel_loop3A_1058 = arith.index_cast %parallel_loop3A_1057 : i32 to index
      %parallel_loop3A_1059 = arith.index_cast %parallel_loop3A_1011 : i32 to index
      %parallel_loop3A_1060 = tpu.vector_load %arg22[%parallel_loop3A_1058, %parallel_loop3A_1059] {strides = array<i32>} : memref<8x2048xf32, #tpu.memory_space<vmem>>, vector<16xf32>,
      tpu.vector_store %arg22[%parallel_loop3A_1058, %parallel_loop3A_1059], %parallel_loop3A_1056 {strides = array<i32>} : memref<8x2048xf32, #tpu.memory_space<vmem>>, vector<16xf32>,
    } {sc.loop_unroll_factor = 8 : i64, sc.parallel_access}
    %mul3A_847 = arith.constant 8 : i32
    %mul3A_848 = arith.muli %mul3A_847, %add3A_778 : i32
    %dma_start3A_849 = arith.constant 0 : i32
    %dma_start3A_850 = tpu.memref_slice %arg22[%dma_start3A_849, %multiple_of3A_817] : memref<8x2048xf32, #tpu.memory_space<vmem>> -> memref<8x1280xf32, #tpu.memory_space<vmem>>
    %dma_start3A_851 = tpu.memref_slice %arg3[%select_n3A, %mul3A_848, %multiple_of3A_817] : memref<16x2048x2048xf32, #tpu.memory_space<hbm>> -> memref<1x8x1280xf32, #tpu.memory_space<hbm>>
    %dma_start3A_852 = tpu.memref_squeeze %dma_start3A_851 : memref<1x8x1280xf32, #tpu.memory_space<hbm>> -> memref<8x1280xf32, #tpu.memory_space<hbm>>
    %dma_start3A_853 = tpu.memref_slice %arg3[%select_n3A, %mul3A_848, %multiple_of3A_817] : memref<16x2048x2048xf32, #tpu.memory_space<hbm>> -> memref<1x8x1280xf32, #tpu.memory_space<hbm>>
    %dma_start3A_854 = tpu.memref_squeeze %dma_start3A_853 : memref<1x8x1280xf32, #tpu.memory_space<hbm>> -> memref<8x1280xf32, #tpu.memory_space<hbm>>
    %dma_start3A_855 = arith.constant 0 : i32
    %dma_start3A_856 = tpu.memref_slice %arg22[%dma_start3A_855, %multiple_of3A_817] : memref<8x2048xf32, #tpu.memory_space<vmem>> -> memref<8x1280xf32, #tpu.memory_space<vmem>>
    tpu.enqueue_dma source(%dma_start3A_856 : memref<8x1280xf32, #tpu.memory_space<vmem>>) target(%dma_start3A_854 : memref<8x1280xf32, #tpu.memory_space<hbm>>) target_semaphore(%arg26 : memref<!tpu.dma_semaphore, #tpu.memory_space<semaphore_mem>>)
    %mul3A_857 = arith.constant 8 : i32
    %mul3A_858 = arith.muli %mul3A_857, %add3A_778 : i32
    %dma_wait3A_859 = arith.constant 0 : i32
    %dma_wait3A_860 = tpu.memref_slice %arg3[%select_n3A, %mul3A_858, %dma_wait3A_859] : memref<16x2048x2048xf32, #tpu.memory_space<hbm>> -> memref<1x8x128xf32, #tpu.memory_space<hbm>>
    %dma_wait3A_861 = tpu.memref_squeeze %dma_wait3A_860 : memref<1x8x128xf32, #tpu.memory_space<hbm>> -> memref<8x128xf32, #tpu.memory_space<hbm>>
    %dma_wait3A_862 = arith.constant 0 : i32
    %dma_wait3A_863 = tpu.memref_slice %arg3[%select_n3A, %mul3A_858, %dma_wait3A_862] : memref<16x2048x2048xf32, #tpu.memory_space<hbm>> -> memref<1x8x128xf32, #tpu.memory_space<hbm>>
    %dma_wait3A_864 = tpu.memref_squeeze %dma_wait3A_863 : memref<1x8x128xf32, #tpu.memory_space<hbm>> -> memref<8x128xf32, #tpu.memory_space<hbm>>
    tpu.wait_dma2 semaphore(%arg27 : memref<!tpu.dma_semaphore, #tpu.memory_space<semaphore_mem>>) src(%arg23 : memref<8x128xf32, #tpu.memory_space<vmem>>) dst(%dma_wait3A_864 : memref<8x128xf32, #tpu.memory_space<hbm>>)
    %mul3A_865 = arith.constant 8 : i32
    %mul3A_866 = arith.muli %mul3A_865, %add3A_778 : i32
    %dma_wait3A_867 = arith.constant 0 : i32
    %dma_wait3A_868 = tpu.memref_slice %arg3[%select_n3A, %mul3A_866, %dma_wait3A_867] : memref<16x2048x2048xf32, #tpu.memory_space<hbm>> -> memref<1x8x128xf32, #tpu.memory_space<hbm>>
    %dma_wait3A_869 = tpu.memref_squeeze %dma_wait3A_868 : memref<1x8x128xf32, #tpu.memory_space<hbm>> -> memref<8x128xf32, #tpu.memory_space<hbm>>
    %dma_wait3A_870 = arith.constant 0 : i32
    %dma_wait3A_871 = tpu.memref_slice %arg3[%select_n3A, %mul3A_866, %dma_wait3A_870] : memref<16x2048x2048xf32, #tpu.memory_space<hbm>> -> memref<1x8x128xf32, #tpu.memory_space<hbm>>
    %dma_wait3A_872 = tpu.memref_squeeze %dma_wait3A_871 : memref<1x8x128xf32, #tpu.memory_space<hbm>> -> memref<8x128xf32, #tpu.memory_space<hbm>>
    tpu.wait_dma2 semaphore(%arg27 : memref<!tpu.dma_semaphore, #tpu.memory_space<semaphore_mem>>) src(%arg23 : memref<8x128xf32, #tpu.memory_space<vmem>>) dst(%dma_wait3A_872 : memref<8x128xf32, #tpu.memory_space<hbm>>)
    %mul3A_873 = arith.constant 8 : i32
    %mul3A_874 = arith.muli %mul3A_873, %add3A_778 : i32
    %dma_wait3A_875 = arith.constant 0 : i32
    %dma_wait3A_876 = tpu.memref_slice %arg3[%select_n3A, %mul3A_874, %dma_wait3A_875] : memref<16x2048x2048xf32, #tpu.memory_space<hbm>> -> memref<1x8x128xf32, #tpu.memory_space<hbm>>
    %dma_wait3A_877 = tpu.memref_squeeze %dma_wait3A_876 : memref<1x8x128xf32, #tpu.memory_space<hbm>> -> memref<8x128xf32, #tpu.memory_space<hbm>>
    %dma_wait3A_878 = arith.constant 0 : i32
    %dma_wait3A_879 = tpu.memref_slice %arg3[%select_n3A, %mul3A_874, %dma_wait3A_878] : memref<16x2048x2048xf32, #tpu.memory_space<hbm>> -> memref<1x8x128xf32, #tpu.memory_space<hbm>>
    %dma_wait3A_880 = tpu.memref_squeeze %dma_wait3A_879 : memref<1x8x128xf32, #tpu.memory_space<hbm>> -> memref<8x128xf32, #tpu.memory_space<hbm>>
    tpu.wait_dma2 semaphore(%arg27 : memref<!tpu.dma_semaphore, #tpu.memory_space<semaphore_mem>>) src(%arg23 : memref<8x128xf32, #tpu.memory_space<vmem>>) dst(%dma_wait3A_880 : memref<8x128xf32, #tpu.memory_space<hbm>>)
    %mul3A_881 = arith.constant 8 : i32
    %mul3A_882 = arith.muli %mul3A_881, %add3A_778 : i32
    %dma_wait3A_883 = arith.constant 0 : i32
    %dma_wait3A_884 = tpu.memref_slice %arg3[%select_n3A, %mul3A_882, %dma_wait3A_883] : memref<16x2048x2048xf32, #tpu.memory_space<hbm>> -> memref<1x8x128xf32, #tpu.memory_space<hbm>>
    %dma_wait3A_885 = tpu.memref_squeeze %dma_wait3A_884 : memref<1x8x128xf32, #tpu.memory_space<hbm>> -> memref<8x128xf32, #tpu.memory_space<hbm>>
    %dma_wait3A_886 = arith.constant 0 : i32
    %dma_wait3A_887 = tpu.memref_slice %arg3[%select_n3A, %mul3A_882, %dma_wait3A_886] : memref<16x2048x2048xf32, #tpu.memory_space<hbm>> -> memref<1x8x128xf32, #tpu.memory_space<hbm>>
    %dma_wait3A_888 = tpu.memref_squeeze %dma_wait3A_887 : memref<1x8x128xf32, #tpu.memory_space<hbm>> -> memref<8x128xf32, #tpu.memory_space<hbm>>
    tpu.wait_dma2 semaphore(%arg27 : memref<!tpu.dma_semaphore, #tpu.memory_space<semaphore_mem>>) src(%arg23 : memref<8x128xf32, #tpu.memory_space<vmem>>) dst(%dma_wait3A_888 : memref<8x128xf32, #tpu.memory_space<hbm>>)
    %mul3A_889 = arith.constant 8 : i32
    %mul3A_890 = arith.muli %mul3A_889, %add3A_778 : i32
    %dma_wait3A_891 = arith.constant 0 : i32
    %dma_wait3A_892 = tpu.memref_slice %arg3[%select_n3A, %mul3A_890, %dma_wait3A_891] : memref<16x2048x2048xf32, #tpu.memory_space<hbm>> -> memref<1x8x128xf32, #tpu.memory_space<hbm>>
    %dma_wait3A_893 = tpu.memref_squeeze %dma_wait3A_892 : memref<1x8x128xf32, #tpu.memory_space<hbm>> -> memref<8x128xf32, #tpu.memory_space<hbm>>
    %dma_wait3A_894 = arith.constant 0 : i32
    %dma_wait3A_895 = tpu.memref_slice %arg3[%select_n3A, %mul3A_890, %dma_wait3A_894] : memref<16x2048x2048xf32, #tpu.memory_space<hbm>> -> memref<1x8x128xf32, #tpu.memory_space<hbm>>
    %dma_wait3A_896 = tpu.memref_squeeze %dma_wait3A_895 : memref<1x8x128xf32, #tpu.memory_space<hbm>> -> memref<8x128xf32, #tpu.memory_space<hbm>>
    tpu.wait_dma2 semaphore(%arg27 : memref<!tpu.dma_semaphore, #tpu.memory_space<semaphore_mem>>) src(%arg23 : memref<8x128xf32, #tpu.memory_space<vmem>>) dst(%dma_wait3A_896 : memref<8x128xf32, #tpu.memory_space<hbm>>)
    %mul3A_897 = arith.constant 8 : i32
    %mul3A_898 = arith.muli %mul3A_897, %add3A_778 : i32
    %dma_wait3A_899 = arith.constant 0 : i32
    %dma_wait3A_900 = tpu.memref_slice %arg3[%select_n3A, %mul3A_898, %dma_wait3A_899] : memref<16x2048x2048xf32, #tpu.memory_space<hbm>> -> memref<1x8x128xf32, #tpu.memory_space<hbm>>
    %dma_wait3A_901 = tpu.memref_squeeze %dma_wait3A_900 : memref<1x8x128xf32, #tpu.memory_space<hbm>> -> memref<8x128xf32, #tpu.memory_space<hbm>>
    %dma_wait3A_902 = arith.constant 0 : i32
    %dma_wait3A_903 = tpu.memref_slice %arg3[%select_n3A, %mul3A_898, %dma_wait3A_902] : memref<16x2048x2048xf32, #tpu.memory_space<hbm>> -> memref<1x8x128xf32, #tpu.memory_space<hbm>>
    %dma_wait3A_904 = tpu.memref_squeeze %dma_wait3A_903 : memref<1x8x128xf32, #tpu.memory_space<hbm>> -> memref<8x128xf32, #tpu.memory_space<hbm>>
    tpu.wait_dma2 semaphore(%arg27 : memref<!tpu.dma_semaphore, #tpu.memory_space<semaphore_mem>>) src(%arg23 : memref<8x128xf32, #tpu.memory_space<vmem>>) dst(%dma_wait3A_904 : memref<8x128xf32, #tpu.memory_space<hbm>>)
    %scan3A_905 = arith.constant 0 : i32
    %scan3A_906 = arith.constant 1 : i32
    %scan3A_907 = arith.constant 63 : i32
    %scan3A_908 = arith.addi %scan3A_906, %scan3A_907 : i32
    %scan3A_909 = arith.constant 1 : i32
    %scan3A_910 = scf.for %scan3A_1008 = %scan3A_906 to %scan3A_908 step %scan3A_909 iter_args(%scan3A_1009 = %scan3A_905) -> (i32)  : i32 {
      %mul3A_1010 = arith.constant 2 : i32
      %mul3A_1011 = arith.muli %mul3A_1010, %scan3A_1008 : i32
      %add3A_1012 = arith.addi %mul3A_32, %mul3A_1011 : i32
      %mul3A_1013 = arith.constant 8 : i32
      %mul3A_1014 = arith.muli %mul3A_1013, %add3A_1012 : i32
      %sub3A_1015 = arith.constant 2032 : i32
      %sub3A_1016 = arith.subi %sub3A_1015, %mul3A_1014 : i32
      %mul3A_1017 = arith.constant 8 : i32
      %mul3A_1018 = arith.muli %mul3A_1017, %add3A_1012 : i32
      %sub3A_1019 = arith.constant 512 : i32
      %sub3A_1020 = arith.subi %mul3A_1018, %sub3A_1019 : i32
      %jit3A_1021 = arith.constant 128 : i32
      %div3A_1022 = arith.divsi %sub3A_1020, %jit3A_1021 : i32
      %sign3A_1023 = arith.constant 0 : i32
      %sign3A_1024 = arith.cmpi sgt, %sub3A_1020, %sign3A_1023 : i32
      %sign3A_1025 = arith.extui %sign3A_1024 : i1 to i32
      %sign3A_1026 = arith.constant 0 : i32
      %sign3A_1027 = arith.cmpi slt, %sub3A_1020, %sign3A_1026 : i32
      %sign3A_1028 = arith.extui %sign3A_1027 : i1 to i32
      %sign3A_1029 = arith.subi %sign3A_1025, %sign3A_1028 : i32
      %sign3A_1030 = arith.constant 0 : i32
      %sign3A_1031 = arith.cmpi sgt, %jit3A_1021, %sign3A_1030 : i32
      %sign3A_1032 = arith.extui %sign3A_1031 : i1 to i32
      %sign3A_1033 = arith.constant 0 : i32
      %sign3A_1034 = arith.cmpi slt, %jit3A_1021, %sign3A_1033 : i32
      %sign3A_1035 = arith.extui %sign3A_1034 : i1 to i32
      %sign3A_1036 = arith.subi %sign3A_1032, %sign3A_1035 : i32
      %ne3A_1037 = arith.cmpi ne, %sign3A_1029, %sign3A_1036 : i32
      %rem3A_1038 = arith.remsi %sub3A_1020, %jit3A_1021 : i32
      %ne3A_1039 = arith.constant 0 : i32
      %ne3A_1040 = arith.cmpi ne, %rem3A_1038, %ne3A_1039 : i32
      %and3A_1041 = arith.andi %ne3A_1037, %ne3A_1040 : i1
      %sub3A_1042 = arith.constant 1 : i32
      %sub3A_1043 = arith.subi %div3A_1022, %sub3A_1042 : i32
      %select_n3A_1044 = arith.select %and3A_1041, %sub3A_1043, %div3A_1022 : i32
      %jit3A_1045 = arith.constant 0 : i32
      %jit3A_1046 = arith.constant 6 : i32
      %max3A_1047 = arith.maxsi %jit3A_1045, %select_n3A_1044 : i32
      %min3A_1048 = arith.minsi %jit3A_1046, %max3A_1047 : i32
      %mul3A_1049 = arith.constant 128 : i32
      %mul3A_1050 = arith.muli %mul3A_1049, %min3A_1048 : i32
      %multiple_of3A_1051 = tpu.assume_multiple %mul3A_1050, 128 : i32
      %while3A_1052 = arith.constant 0 : i32
      %while3A_1053 = arith.constant 0 : i32
      %while3A_1054 = arith.subi %min3A_1048, %while3A_1052 : i32
      %while3A_1055 = arith.addi %while3A_1052, %while3A_1054 : i32
      %while3A_1056 = arith.constant 1 : i32
      %while3A_1057 = arith.divsi %while3A_1054, %while3A_1056 : i32
      %while3A_1058 = arith.muli %while3A_1057, %while3A_1056 : i32
      %while3A_1059 = arith.addi %while3A_1052, %while3A_1058 : i32
      %while3A_1060 = arith.constant 1 : i32
      %while3A_1061 = scf.for %while3A_1288 = %while3A_1052 to %while3A_1059 step %while3A_1060 iter_args(%while3A_1289 = %while3A_1053) -> (i32)  : i32 {
        %mul3A_1290 = arith.constant 8 : i32
        %mul3A_1291 = arith.muli %mul3A_1290, %add3A_1012 : i32
        %mul3A_1292 = arith.constant 128 : i32
        %mul3A_1293 = arith.muli %mul3A_1292, %while3A_1288 : i32
        %multiple_of3A_1294 = tpu.assume_multiple %mul3A_1293, 128 : i32
        %dma_start3A_1295 = tpu.memref_slice %arg3[%select_n3A, %mul3A_1291, %multiple_of3A_1294] : memref<16x2048x2048xf32, #tpu.memory_space<hbm>> -> memref<1x8x128xf32, #tpu.memory_space<hbm>>
        %dma_start3A_1296 = tpu.memref_squeeze %dma_start3A_1295 : memref<1x8x128xf32, #tpu.memory_space<hbm>> -> memref<8x128xf32, #tpu.memory_space<hbm>>
        %dma_start3A_1297 = tpu.memref_slice %arg3[%select_n3A, %mul3A_1291, %multiple_of3A_1294] : memref<16x2048x2048xf32, #tpu.memory_space<hbm>> -> memref<1x8x128xf32, #tpu.memory_space<hbm>>
        %dma_start3A_1298 = tpu.memref_squeeze %dma_start3A_1297 : memref<1x8x128xf32, #tpu.memory_space<hbm>> -> memref<8x128xf32, #tpu.memory_space<hbm>>
        tpu.enqueue_dma source(%arg23 : memref<8x128xf32, #tpu.memory_space<vmem>>) target(%dma_start3A_1298 : memref<8x128xf32, #tpu.memory_space<hbm>>) target_semaphore(%arg27 : memref<!tpu.dma_semaphore, #tpu.memory_space<semaphore_mem>>)
        %while3A_1299 = arith.constant 0 : i32
        scf.yield %while3A_1299 : i32
      }
      %while3A_1062 = arith.constant 1 : i32
      %while3A_1063 = scf.for %while3A_1288 = %while3A_1059 to %while3A_1055 step %while3A_1062 iter_args(%while3A_1289 = %while3A_1061) -> (i32)  : i32 {
        %mul3A_1290 = arith.constant 8 : i32
        %mul3A_1291 = arith.muli %mul3A_1290, %add3A_1012 : i32
        %mul3A_1292 = arith.constant 128 : i32
        %mul3A_1293 = arith.muli %mul3A_1292, %while3A_1288 : i32
        %multiple_of3A_1294 = tpu.assume_multiple %mul3A_1293, 128 : i32
        %dma_start3A_1295 = tpu.memref_slice %arg3[%select_n3A, %mul3A_1291, %multiple_of3A_1294] : memref<16x2048x2048xf32, #tpu.memory_space<hbm>> -> memref<1x8x128xf32, #tpu.memory_space<hbm>>
        %dma_start3A_1296 = tpu.memref_squeeze %dma_start3A_1295 : memref<1x8x128xf32, #tpu.memory_space<hbm>> -> memref<8x128xf32, #tpu.memory_space<hbm>>
        %dma_start3A_1297 = tpu.memref_slice %arg3[%select_n3A, %mul3A_1291, %multiple_of3A_1294] : memref<16x2048x2048xf32, #tpu.memory_space<hbm>> -> memref<1x8x128xf32, #tpu.memory_space<hbm>>
        %dma_start3A_1298 = tpu.memref_squeeze %dma_start3A_1297 : memref<1x8x128xf32, #tpu.memory_space<hbm>> -> memref<8x128xf32, #tpu.memory_space<hbm>>
        tpu.enqueue_dma source(%arg23 : memref<8x128xf32, #tpu.memory_space<vmem>>) target(%dma_start3A_1298 : memref<8x128xf32, #tpu.memory_space<hbm>>) target_semaphore(%arg27 : memref<!tpu.dma_semaphore, #tpu.memory_space<semaphore_mem>>)
        %while3A_1299 = arith.constant 0 : i32
        scf.yield %while3A_1299 : i32
      }
      %sub3A_1064 = arith.constant 6 : i32
      %sub3A_1065 = arith.subi %sub3A_1064, %min3A_1048 : i32
      %while3A_1066 = arith.constant 0 : i32
      %while3A_1067 = arith.constant 0 : i32
      %while3A_1068 = arith.subi %sub3A_1065, %while3A_1066 : i32
      %while3A_1069 = arith.addi %while3A_1066, %while3A_1068 : i32
      %while3A_1070 = arith.constant 1 : i32
      %while3A_1071 = arith.divsi %while3A_1068, %while3A_1070 : i32
      %while3A_1072 = arith.muli %while3A_1071, %while3A_1070 : i32
      %while3A_1073 = arith.addi %while3A_1066, %while3A_1072 : i32
      %while3A_1074 = arith.constant 1 : i32
      %while3A_1075 = scf.for %while3A_1288 = %while3A_1066 to %while3A_1073 step %while3A_1074 iter_args(%while3A_1289 = %while3A_1067) -> (i32)  : i32 {
        %add3A_1290 = arith.constant 10 : i32
        %add3A_1291 = arith.addi %min3A_1048, %add3A_1290 : i32
        %add3A_1292 = arith.addi %add3A_1291, %while3A_1288 : i32
        %mul3A_1293 = arith.constant 8 : i32
        %mul3A_1294 = arith.muli %mul3A_1293, %add3A_1012 : i32
        %mul3A_1295 = arith.constant 128 : i32
        %mul3A_1296 = arith.muli %mul3A_1295, %add3A_1292 : i32
        %multiple_of3A_1297 = tpu.assume_multiple %mul3A_1296, 128 : i32
        %dma_start3A_1298 = tpu.memref_slice %arg3[%select_n3A, %mul3A_1294, %multiple_of3A_1297] : memref<16x2048x2048xf32, #tpu.memory_space<hbm>> -> memref<1x8x128xf32, #tpu.memory_space<hbm>>
        %dma_start3A_1299 = tpu.memref_squeeze %dma_start3A_1298 : memref<1x8x128xf32, #tpu.memory_space<hbm>> -> memref<8x128xf32, #tpu.memory_space<hbm>>
        %dma_start3A_1300 = tpu.memref_slice %arg3[%select_n3A, %mul3A_1294, %multiple_of3A_1297] : memref<16x2048x2048xf32, #tpu.memory_space<hbm>> -> memref<1x8x128xf32, #tpu.memory_space<hbm>>
        %dma_start3A_1301 = tpu.memref_squeeze %dma_start3A_1300 : memref<1x8x128xf32, #tpu.memory_space<hbm>> -> memref<8x128xf32, #tpu.memory_space<hbm>>
        tpu.enqueue_dma source(%arg24 : memref<8x128xf32, #tpu.memory_space<vmem>>) target(%dma_start3A_1301 : memref<8x128xf32, #tpu.memory_space<hbm>>) target_semaphore(%arg27 : memref<!tpu.dma_semaphore, #tpu.memory_space<semaphore_mem>>)
        %while3A_1302 = arith.constant 0 : i32
        scf.yield %while3A_1302 : i32
      }
      %while3A_1076 = arith.constant 1 : i32
      %while3A_1077 = scf.for %while3A_1288 = %while3A_1073 to %while3A_1069 step %while3A_1076 iter_args(%while3A_1289 = %while3A_1075) -> (i32)  : i32 {
        %add3A_1290 = arith.constant 10 : i32
        %add3A_1291 = arith.addi %min3A_1048, %add3A_1290 : i32
        %add3A_1292 = arith.addi %add3A_1291, %while3A_1288 : i32
        %mul3A_1293 = arith.constant 8 : i32
        %mul3A_1294 = arith.muli %mul3A_1293, %add3A_1012 : i32
        %mul3A_1295 = arith.constant 128 : i32
        %mul3A_1296 = arith.muli %mul3A_1295, %add3A_1292 : i32
        %multiple_of3A_1297 = tpu.assume_multiple %mul3A_1296, 128 : i32
        %dma_start3A_1298 = tpu.memref_slice %arg3[%select_n3A, %mul3A_1294, %multiple_of3A_1297] : memref<16x2048x2048xf32, #tpu.memory_space<hbm>> -> memref<1x8x128xf32, #tpu.memory_space<hbm>>
        %dma_start3A_1299 = tpu.memref_squeeze %dma_start3A_1298 : memref<1x8x128xf32, #tpu.memory_space<hbm>> -> memref<8x128xf32, #tpu.memory_space<hbm>>
        %dma_start3A_1300 = tpu.memref_slice %arg3[%select_n3A, %mul3A_1294, %multiple_of3A_1297] : memref<16x2048x2048xf32, #tpu.memory_space<hbm>> -> memref<1x8x128xf32, #tpu.memory_space<hbm>>
        %dma_start3A_1301 = tpu.memref_squeeze %dma_start3A_1300 : memref<1x8x128xf32, #tpu.memory_space<hbm>> -> memref<8x128xf32, #tpu.memory_space<hbm>>
        tpu.enqueue_dma source(%arg24 : memref<8x128xf32, #tpu.memory_space<vmem>>) target(%dma_start3A_1301 : memref<8x128xf32, #tpu.memory_space<hbm>>) target_semaphore(%arg27 : memref<!tpu.dma_semaphore, #tpu.memory_space<semaphore_mem>>)
        %while3A_1302 = arith.constant 0 : i32
        scf.yield %while3A_1302 : i32
      }
      %mul3A_1078 = arith.constant 8 : i32
      %mul3A_1079 = arith.muli %mul3A_1078, %add3A_1012 : i32
      %dma_wait3A_1080 = arith.constant 0 : i32
      %dma_wait3A_1081 = tpu.memref_slice %arg21[%dma_wait3A_1080, %multiple_of3A_1051] : memref<8x2048xf32, #tpu.memory_space<vmem>> -> memref<8x1280xf32, #tpu.memory_space<vmem>>
      %dma_wait3A_1082 = tpu.memref_slice %arg3[%select_n3A, %mul3A_1079, %multiple_of3A_1051] : memref<16x2048x2048xf32, #tpu.memory_space<hbm>> -> memref<1x8x1280xf32, #tpu.memory_space<hbm>>
      %dma_wait3A_1083 = tpu.memref_squeeze %dma_wait3A_1082 : memref<1x8x1280xf32, #tpu.memory_space<hbm>> -> memref<8x1280xf32, #tpu.memory_space<hbm>>
      %dma_wait3A_1084 = tpu.memref_slice %arg3[%select_n3A, %mul3A_1079, %multiple_of3A_1051] : memref<16x2048x2048xf32, #tpu.memory_space<hbm>> -> memref<1x8x1280xf32, #tpu.memory_space<hbm>>
      %dma_wait3A_1085 = tpu.memref_squeeze %dma_wait3A_1084 : memref<1x8x1280xf32, #tpu.memory_space<hbm>> -> memref<8x1280xf32, #tpu.memory_space<hbm>>
      %dma_wait3A_1086 = arith.constant 0 : i32
      %dma_wait3A_1087 = tpu.memref_slice %arg21[%dma_wait3A_1086, %multiple_of3A_1051] : memref<8x2048xf32, #tpu.memory_space<vmem>> -> memref<8x1280xf32, #tpu.memory_space<vmem>>
      tpu.wait_dma2 semaphore(%arg25 : memref<!tpu.dma_semaphore, #tpu.memory_space<semaphore_mem>>) src(%dma_wait3A_1087 : memref<8x1280xf32, #tpu.memory_space<vmem>>) dst(%dma_wait3A_1085 : memref<8x1280xf32, #tpu.memory_space<hbm>>)
      %parallel_loop3A_1088 = arith.constant 0 : i32
      %parallel_loop3A_1089 = arith.constant 80 : i32
      %parallel_loop3A_1090 = arith.constant 1 : i32
      scf.for %parallel_loop3A_1288 = %parallel_loop3A_1088 to %parallel_loop3A_1089 step %parallel_loop3A_1090  : i32 {
        %parallel_loop3A_1289 = arith.constant 16 : i32
        %parallel_loop3A_1290 = arith.muli %parallel_loop3A_1289, %parallel_loop3A_1288 : i32
        %parallel_loop3A_1291 = arith.addi %multiple_of3A_1051, %parallel_loop3A_1290 : i32
        %parallel_loop3A_1292 = arith.addi %sub3A_1016, %parallel_loop3A_1291 : i32
        %parallel_loop3A_1293 = arith.index_cast %parallel_loop3A_1292 : i32 to index
        %parallel_loop3A_1294 = tpu.vector_load %arg20[%parallel_loop3A_1293] {strides = array<i32>} : memref<4096xf32, #tpu.memory_space<vmem>>, vector<16xf32>,
        %parallel_loop3A_1295 = arith.constant 0 : i32
        %parallel_loop3A_1296 = arith.index_cast %parallel_loop3A_1295 : i32 to index
        %parallel_loop3A_1297 = arith.index_cast %parallel_loop3A_1291 : i32 to index
        %parallel_loop3A_1298 = tpu.vector_load %arg21[%parallel_loop3A_1296, %parallel_loop3A_1297] {strides = array<i32>} : memref<8x2048xf32, #tpu.memory_space<vmem>>, vector<16xf32>,
        tpu.vector_store %arg21[%parallel_loop3A_1296, %parallel_loop3A_1297], %parallel_loop3A_1294 {strides = array<i32>} : memref<8x2048xf32, #tpu.memory_space<vmem>>, vector<16xf32>,
        %parallel_loop3A_1299 = arith.index_cast %parallel_loop3A_1292 : i32 to index
        %parallel_loop3A_1300 = tpu.vector_load %arg19[%parallel_loop3A_1299] {strides = array<i32>} : memref<4096xf32, #tpu.memory_space<vmem>>, vector<16xf32>,
        %parallel_loop3A_1301 = arith.constant 1 : i32
        %parallel_loop3A_1302 = arith.index_cast %parallel_loop3A_1301 : i32 to index
        %parallel_loop3A_1303 = arith.index_cast %parallel_loop3A_1291 : i32 to index
        %parallel_loop3A_1304 = tpu.vector_load %arg21[%parallel_loop3A_1302, %parallel_loop3A_1303] {strides = array<i32>} : memref<8x2048xf32, #tpu.memory_space<vmem>>, vector<16xf32>,
        tpu.vector_store %arg21[%parallel_loop3A_1302, %parallel_loop3A_1303], %parallel_loop3A_1300 {strides = array<i32>} : memref<8x2048xf32, #tpu.memory_space<vmem>>, vector<16xf32>,
        %parallel_loop3A_1305 = arith.index_cast %parallel_loop3A_1292 : i32 to index
        %parallel_loop3A_1306 = tpu.vector_load %arg18[%parallel_loop3A_1305] {strides = array<i32>} : memref<4096xf32, #tpu.memory_space<vmem>>, vector<16xf32>,
        %parallel_loop3A_1307 = arith.constant 2 : i32
        %parallel_loop3A_1308 = arith.index_cast %parallel_loop3A_1307 : i32 to index
        %parallel_loop3A_1309 = arith.index_cast %parallel_loop3A_1291 : i32 to index
        %parallel_loop3A_1310 = tpu.vector_load %arg21[%parallel_loop3A_1308, %parallel_loop3A_1309] {strides = array<i32>} : memref<8x2048xf32, #tpu.memory_space<vmem>>, vector<16xf32>,
        tpu.vector_store %arg21[%parallel_loop3A_1308, %parallel_loop3A_1309], %parallel_loop3A_1306 {strides = array<i32>} : memref<8x2048xf32, #tpu.memory_space<vmem>>, vector<16xf32>,
        %parallel_loop3A_1311 = arith.index_cast %parallel_loop3A_1292 : i32 to index
        %parallel_loop3A_1312 = tpu.vector_load %arg17[%parallel_loop3A_1311] {strides = array<i32>} : memref<4096xf32, #tpu.memory_space<vmem>>, vector<16xf32>,
        %parallel_loop3A_1313 = arith.constant 3 : i32
        %parallel_loop3A_1314 = arith.index_cast %parallel_loop3A_1313 : i32 to index
        %parallel_loop3A_1315 = arith.index_cast %parallel_loop3A_1291 : i32 to index
        %parallel_loop3A_1316 = tpu.vector_load %arg21[%parallel_loop3A_1314, %parallel_loop3A_1315] {strides = array<i32>} : memref<8x2048xf32, #tpu.memory_space<vmem>>, vector<16xf32>,
        tpu.vector_store %arg21[%parallel_loop3A_1314, %parallel_loop3A_1315], %parallel_loop3A_1312 {strides = array<i32>} : memref<8x2048xf32, #tpu.memory_space<vmem>>, vector<16xf32>,
        %parallel_loop3A_1317 = arith.index_cast %parallel_loop3A_1292 : i32 to index
        %parallel_loop3A_1318 = tpu.vector_load %arg16[%parallel_loop3A_1317] {strides = array<i32>} : memref<4096xf32, #tpu.memory_space<vmem>>, vector<16xf32>,
        %parallel_loop3A_1319 = arith.constant 4 : i32
        %parallel_loop3A_1320 = arith.index_cast %parallel_loop3A_1319 : i32 to index
        %parallel_loop3A_1321 = arith.index_cast %parallel_loop3A_1291 : i32 to index
        %parallel_loop3A_1322 = tpu.vector_load %arg21[%parallel_loop3A_1320, %parallel_loop3A_1321] {strides = array<i32>} : memref<8x2048xf32, #tpu.memory_space<vmem>>, vector<16xf32>,
        tpu.vector_store %arg21[%parallel_loop3A_1320, %parallel_loop3A_1321], %parallel_loop3A_1318 {strides = array<i32>} : memref<8x2048xf32, #tpu.memory_space<vmem>>, vector<16xf32>,
        %parallel_loop3A_1323 = arith.index_cast %parallel_loop3A_1292 : i32 to index
        %parallel_loop3A_1324 = tpu.vector_load %arg15[%parallel_loop3A_1323] {strides = array<i32>} : memref<4096xf32, #tpu.memory_space<vmem>>, vector<16xf32>,
        %parallel_loop3A_1325 = arith.constant 5 : i32
        %parallel_loop3A_1326 = arith.index_cast %parallel_loop3A_1325 : i32 to index
        %parallel_loop3A_1327 = arith.index_cast %parallel_loop3A_1291 : i32 to index
        %parallel_loop3A_1328 = tpu.vector_load %arg21[%parallel_loop3A_1326, %parallel_loop3A_1327] {strides = array<i32>} : memref<8x2048xf32, #tpu.memory_space<vmem>>, vector<16xf32>,
        tpu.vector_store %arg21[%parallel_loop3A_1326, %parallel_loop3A_1327], %parallel_loop3A_1324 {strides = array<i32>} : memref<8x2048xf32, #tpu.memory_space<vmem>>, vector<16xf32>,
        %parallel_loop3A_1329 = arith.index_cast %parallel_loop3A_1292 : i32 to index
        %parallel_loop3A_1330 = tpu.vector_load %arg14[%parallel_loop3A_1329] {strides = array<i32>} : memref<4096xf32, #tpu.memory_space<vmem>>, vector<16xf32>,
        %parallel_loop3A_1331 = arith.constant 6 : i32
        %parallel_loop3A_1332 = arith.index_cast %parallel_loop3A_1331 : i32 to index
        %parallel_loop3A_1333 = arith.index_cast %parallel_loop3A_1291 : i32 to index
        %parallel_loop3A_1334 = tpu.vector_load %arg21[%parallel_loop3A_1332, %parallel_loop3A_1333] {strides = array<i32>} : memref<8x2048xf32, #tpu.memory_space<vmem>>, vector<16xf32>,
        tpu.vector_store %arg21[%parallel_loop3A_1332, %parallel_loop3A_1333], %parallel_loop3A_1330 {strides = array<i32>} : memref<8x2048xf32, #tpu.memory_space<vmem>>, vector<16xf32>,
        %parallel_loop3A_1335 = arith.index_cast %parallel_loop3A_1292 : i32 to index
        %parallel_loop3A_1336 = tpu.vector_load %arg13[%parallel_loop3A_1335] {strides = array<i32>} : memref<4096xf32, #tpu.memory_space<vmem>>, vector<16xf32>,
        %parallel_loop3A_1337 = arith.constant 7 : i32
        %parallel_loop3A_1338 = arith.index_cast %parallel_loop3A_1337 : i32 to index
        %parallel_loop3A_1339 = arith.index_cast %parallel_loop3A_1291 : i32 to index
        %parallel_loop3A_1340 = tpu.vector_load %arg21[%parallel_loop3A_1338, %parallel_loop3A_1339] {strides = array<i32>} : memref<8x2048xf32, #tpu.memory_space<vmem>>, vector<16xf32>,
        tpu.vector_store %arg21[%parallel_loop3A_1338, %parallel_loop3A_1339], %parallel_loop3A_1336 {strides = array<i32>} : memref<8x2048xf32, #tpu.memory_space<vmem>>, vector<16xf32>,
      } {sc.loop_unroll_factor = 8 : i64, sc.parallel_access}
      %mul3A_1091 = arith.constant 8 : i32
      %mul3A_1092 = arith.muli %mul3A_1091, %add3A_1012 : i32
      %dma_start3A_1093 = arith.constant 0 : i32
      %dma_start3A_1094 = tpu.memref_slice %arg21[%dma_start3A_1093, %multiple_of3A_1051] : memref<8x2048xf32, #tpu.memory_space<vmem>> -> memref<8x1280xf32, #tpu.memory_space<vmem>>
      %dma_start3A_1095 = tpu.memref_slice %arg3[%select_n3A, %mul3A_1092, %multiple_of3A_1051] : memref<16x2048x2048xf32, #tpu.memory_space<hbm>> -> memref<1x8x1280xf32, #tpu.memory_space<hbm>>
      %dma_start3A_1096 = tpu.memref_squeeze %dma_start3A_1095 : memref<1x8x1280xf32, #tpu.memory_space<hbm>> -> memref<8x1280xf32, #tpu.memory_space<hbm>>
      %dma_start3A_1097 = tpu.memref_slice %arg3[%select_n3A, %mul3A_1092, %multiple_of3A_1051] : memref<16x2048x2048xf32, #tpu.memory_space<hbm>> -> memref<1x8x1280xf32, #tpu.memory_space<hbm>>
      %dma_start3A_1098 = tpu.memref_squeeze %dma_start3A_1097 : memref<1x8x1280xf32, #tpu.memory_space<hbm>> -> memref<8x1280xf32, #tpu.memory_space<hbm>>
      %dma_start3A_1099 = arith.constant 0 : i32
      %dma_start3A_1100 = tpu.memref_slice %arg21[%dma_start3A_1099, %multiple_of3A_1051] : memref<8x2048xf32, #tpu.memory_space<vmem>> -> memref<8x1280xf32, #tpu.memory_space<vmem>>
      tpu.enqueue_dma source(%dma_start3A_1100 : memref<8x1280xf32, #tpu.memory_space<vmem>>) target(%dma_start3A_1098 : memref<8x1280xf32, #tpu.memory_space<hbm>>) target_semaphore(%arg25 : memref<!tpu.dma_semaphore, #tpu.memory_space<semaphore_mem>>)
      %mul3A_1101 = arith.constant 8 : i32
      %mul3A_1102 = arith.muli %mul3A_1101, %add3A_1012 : i32
      %dma_wait3A_1103 = arith.constant 0 : i32
      %dma_wait3A_1104 = tpu.memref_slice %arg3[%select_n3A, %mul3A_1102, %dma_wait3A_1103] : memref<16x2048x2048xf32, #tpu.memory_space<hbm>> -> memref<1x8x128xf32, #tpu.memory_space<hbm>>
      %dma_wait3A_1105 = tpu.memref_squeeze %dma_wait3A_1104 : memref<1x8x128xf32, #tpu.memory_space<hbm>> -> memref<8x128xf32, #tpu.memory_space<hbm>>
      %dma_wait3A_1106 = arith.constant 0 : i32
      %dma_wait3A_1107 = tpu.memref_slice %arg3[%select_n3A, %mul3A_1102, %dma_wait3A_1106] : memref<16x2048x2048xf32, #tpu.memory_space<hbm>> -> memref<1x8x128xf32, #tpu.memory_space<hbm>>
      %dma_wait3A_1108 = tpu.memref_squeeze %dma_wait3A_1107 : memref<1x8x128xf32, #tpu.memory_space<hbm>> -> memref<8x128xf32, #tpu.memory_space<hbm>>
      tpu.wait_dma2 semaphore(%arg27 : memref<!tpu.dma_semaphore, #tpu.memory_space<semaphore_mem>>) src(%arg23 : memref<8x128xf32, #tpu.memory_space<vmem>>) dst(%dma_wait3A_1108 : memref<8x128xf32, #tpu.memory_space<hbm>>)
      %mul3A_1109 = arith.constant 8 : i32
      %mul3A_1110 = arith.muli %mul3A_1109, %add3A_1012 : i32
      %dma_wait3A_1111 = arith.constant 0 : i32
      %dma_wait3A_1112 = tpu.memref_slice %arg3[%select_n3A, %mul3A_1110, %dma_wait3A_1111] : memref<16x2048x2048xf32, #tpu.memory_space<hbm>> -> memref<1x8x128xf32, #tpu.memory_space<hbm>>
      %dma_wait3A_1113 = tpu.memref_squeeze %dma_wait3A_1112 : memref<1x8x128xf32, #tpu.memory_space<hbm>> -> memref<8x128xf32, #tpu.memory_space<hbm>>
      %dma_wait3A_1114 = arith.constant 0 : i32
      %dma_wait3A_1115 = tpu.memref_slice %arg3[%select_n3A, %mul3A_1110, %dma_wait3A_1114] : memref<16x2048x2048xf32, #tpu.memory_space<hbm>> -> memref<1x8x128xf32, #tpu.memory_space<hbm>>
      %dma_wait3A_1116 = tpu.memref_squeeze %dma_wait3A_1115 : memref<1x8x128xf32, #tpu.memory_space<hbm>> -> memref<8x128xf32, #tpu.memory_space<hbm>>
      tpu.wait_dma2 semaphore(%arg27 : memref<!tpu.dma_semaphore, #tpu.memory_space<semaphore_mem>>) src(%arg23 : memref<8x128xf32, #tpu.memory_space<vmem>>) dst(%dma_wait3A_1116 : memref<8x128xf32, #tpu.memory_space<hbm>>)
      %mul3A_1117 = arith.constant 8 : i32
      %mul3A_1118 = arith.muli %mul3A_1117, %add3A_1012 : i32
      %dma_wait3A_1119 = arith.constant 0 : i32
      %dma_wait3A_1120 = tpu.memref_slice %arg3[%select_n3A, %mul3A_1118, %dma_wait3A_1119] : memref<16x2048x2048xf32, #tpu.memory_space<hbm>> -> memref<1x8x128xf32, #tpu.memory_space<hbm>>
      %dma_wait3A_1121 = tpu.memref_squeeze %dma_wait3A_1120 : memref<1x8x128xf32, #tpu.memory_space<hbm>> -> memref<8x128xf32, #tpu.memory_space<hbm>>
      %dma_wait3A_1122 = arith.constant 0 : i32
      %dma_wait3A_1123 = tpu.memref_slice %arg3[%select_n3A, %mul3A_1118, %dma_wait3A_1122] : memref<16x2048x2048xf32, #tpu.memory_space<hbm>> -> memref<1x8x128xf32, #tpu.memory_space<hbm>>
      %dma_wait3A_1124 = tpu.memref_squeeze %dma_wait3A_1123 : memref<1x8x128xf32, #tpu.memory_space<hbm>> -> memref<8x128xf32, #tpu.memory_space<hbm>>
      tpu.wait_dma2 semaphore(%arg27 : memref<!tpu.dma_semaphore, #tpu.memory_space<semaphore_mem>>) src(%arg23 : memref<8x128xf32, #tpu.memory_space<vmem>>) dst(%dma_wait3A_1124 : memref<8x128xf32, #tpu.memory_space<hbm>>)
      %mul3A_1125 = arith.constant 8 : i32
      %mul3A_1126 = arith.muli %mul3A_1125, %add3A_1012 : i32
      %dma_wait3A_1127 = arith.constant 0 : i32
      %dma_wait3A_1128 = tpu.memref_slice %arg3[%select_n3A, %mul3A_1126, %dma_wait3A_1127] : memref<16x2048x2048xf32, #tpu.memory_space<hbm>> -> memref<1x8x128xf32, #tpu.memory_space<hbm>>
      %dma_wait3A_1129 = tpu.memref_squeeze %dma_wait3A_1128 : memref<1x8x128xf32, #tpu.memory_space<hbm>> -> memref<8x128xf32, #tpu.memory_space<hbm>>
      %dma_wait3A_1130 = arith.constant 0 : i32
      %dma_wait3A_1131 = tpu.memref_slice %arg3[%select_n3A, %mul3A_1126, %dma_wait3A_1130] : memref<16x2048x2048xf32, #tpu.memory_space<hbm>> -> memref<1x8x128xf32, #tpu.memory_space<hbm>>
      %dma_wait3A_1132 = tpu.memref_squeeze %dma_wait3A_1131 : memref<1x8x128xf32, #tpu.memory_space<hbm>> -> memref<8x128xf32, #tpu.memory_space<hbm>>
      tpu.wait_dma2 semaphore(%arg27 : memref<!tpu.dma_semaphore, #tpu.memory_space<semaphore_mem>>) src(%arg23 : memref<8x128xf32, #tpu.memory_space<vmem>>) dst(%dma_wait3A_1132 : memref<8x128xf32, #tpu.memory_space<hbm>>)
      %mul3A_1133 = arith.constant 8 : i32
      %mul3A_1134 = arith.muli %mul3A_1133, %add3A_1012 : i32
      %dma_wait3A_1135 = arith.constant 0 : i32
      %dma_wait3A_1136 = tpu.memref_slice %arg3[%select_n3A, %mul3A_1134, %dma_wait3A_1135] : memref<16x2048x2048xf32, #tpu.memory_space<hbm>> -> memref<1x8x128xf32, #tpu.memory_space<hbm>>
      %dma_wait3A_1137 = tpu.memref_squeeze %dma_wait3A_1136 : memref<1x8x128xf32, #tpu.memory_space<hbm>> -> memref<8x128xf32, #tpu.memory_space<hbm>>
      %dma_wait3A_1138 = arith.constant 0 : i32
      %dma_wait3A_1139 = tpu.memref_slice %arg3[%select_n3A, %mul3A_1134, %dma_wait3A_1138] : memref<16x2048x2048xf32, #tpu.memory_space<hbm>> -> memref<1x8x128xf32, #tpu.memory_space<hbm>>
      %dma_wait3A_1140 = tpu.memref_squeeze %dma_wait3A_1139 : memref<1x8x128xf32, #tpu.memory_space<hbm>> -> memref<8x128xf32, #tpu.memory_space<hbm>>
      tpu.wait_dma2 semaphore(%arg27 : memref<!tpu.dma_semaphore, #tpu.memory_space<semaphore_mem>>) src(%arg23 : memref<8x128xf32, #tpu.memory_space<vmem>>) dst(%dma_wait3A_1140 : memref<8x128xf32, #tpu.memory_space<hbm>>)
      %mul3A_1141 = arith.constant 8 : i32
      %mul3A_1142 = arith.muli %mul3A_1141, %add3A_1012 : i32
      %dma_wait3A_1143 = arith.constant 0 : i32
      %dma_wait3A_1144 = tpu.memref_slice %arg3[%select_n3A, %mul3A_1142, %dma_wait3A_1143] : memref<16x2048x2048xf32, #tpu.memory_space<hbm>> -> memref<1x8x128xf32, #tpu.memory_space<hbm>>
      %dma_wait3A_1145 = tpu.memref_squeeze %dma_wait3A_1144 : memref<1x8x128xf32, #tpu.memory_space<hbm>> -> memref<8x128xf32, #tpu.memory_space<hbm>>
      %dma_wait3A_1146 = arith.constant 0 : i32
      %dma_wait3A_1147 = tpu.memref_slice %arg3[%select_n3A, %mul3A_1142, %dma_wait3A_1146] : memref<16x2048x2048xf32, #tpu.memory_space<hbm>> -> memref<1x8x128xf32, #tpu.memory_space<hbm>>
      %dma_wait3A_1148 = tpu.memref_squeeze %dma_wait3A_1147 : memref<1x8x128xf32, #tpu.memory_space<hbm>> -> memref<8x128xf32, #tpu.memory_space<hbm>>
      tpu.wait_dma2 semaphore(%arg27 : memref<!tpu.dma_semaphore, #tpu.memory_space<semaphore_mem>>) src(%arg23 : memref<8x128xf32, #tpu.memory_space<vmem>>) dst(%dma_wait3A_1148 : memref<8x128xf32, #tpu.memory_space<hbm>>)
      %add3A_1149 = arith.constant 1 : i32
      %add3A_1150 = arith.addi %add3A_1012, %add3A_1149 : i32
      %mul3A_1151 = arith.constant 8 : i32
      %mul3A_1152 = arith.muli %mul3A_1151, %add3A_1150 : i32
      %sub3A_1153 = arith.constant 2040 : i32
      %sub3A_1154 = arith.subi %sub3A_1153, %mul3A_1152 : i32
      %mul3A_1155 = arith.constant 8 : i32
      %mul3A_1156 = arith.muli %mul3A_1155, %add3A_1150 : i32
      %sub3A_1157 = arith.constant 512 : i32
      %sub3A_1158 = arith.subi %mul3A_1156, %sub3A_1157 : i32
      %jit3A_1159 = arith.constant 128 : i32
      %div3A_1160 = arith.divsi %sub3A_1158, %jit3A_1159 : i32
      %sign3A_1161 = arith.constant 0 : i32
      %sign3A_1162 = arith.cmpi sgt, %sub3A_1158, %sign3A_1161 : i32
      %sign3A_1163 = arith.extui %sign3A_1162 : i1 to i32
      %sign3A_1164 = arith.constant 0 : i32
      %sign3A_1165 = arith.cmpi slt, %sub3A_1158, %sign3A_1164 : i32
      %sign3A_1166 = arith.extui %sign3A_1165 : i1 to i32
      %sign3A_1167 = arith.subi %sign3A_1163, %sign3A_1166 : i32
      %sign3A_1168 = arith.constant 0 : i32
      %sign3A_1169 = arith.cmpi sgt, %jit3A_1159, %sign3A_1168 : i32
      %sign3A_1170 = arith.extui %sign3A_1169 : i1 to i32
      %sign3A_1171 = arith.constant 0 : i32
      %sign3A_1172 = arith.cmpi slt, %jit3A_1159, %sign3A_1171 : i32
      %sign3A_1173 = arith.extui %sign3A_1172 : i1 to i32
      %sign3A_1174 = arith.subi %sign3A_1170, %sign3A_1173 : i32
      %ne3A_1175 = arith.cmpi ne, %sign3A_1167, %sign3A_1174 : i32
      %rem3A_1176 = arith.remsi %sub3A_1158, %jit3A_1159 : i32
      %ne3A_1177 = arith.constant 0 : i32
      %ne3A_1178 = arith.cmpi ne, %rem3A_1176, %ne3A_1177 : i32
      %and3A_1179 = arith.andi %ne3A_1175, %ne3A_1178 : i1
      %sub3A_1180 = arith.constant 1 : i32
      %sub3A_1181 = arith.subi %div3A_1160, %sub3A_1180 : i32
      %select_n3A_1182 = arith.select %and3A_1179, %sub3A_1181, %div3A_1160 : i32
      %jit3A_1183 = arith.constant 0 : i32
      %jit3A_1184 = arith.constant 6 : i32
      %max3A_1185 = arith.maxsi %jit3A_1183, %select_n3A_1182 : i32
      %min3A_1186 = arith.minsi %jit3A_1184, %max3A_1185 : i32
      %mul3A_1187 = arith.constant 128 : i32
      %mul3A_1188 = arith.muli %mul3A_1187, %min3A_1186 : i32
      %multiple_of3A_1189 = tpu.assume_multiple %mul3A_1188, 128 : i32
      %while3A_1190 = arith.constant 0 : i32
      %while3A_1191 = arith.constant 0 : i32
      %while3A_1192 = arith.subi %min3A_1186, %while3A_1190 : i32
      %while3A_1193 = arith.addi %while3A_1190, %while3A_1192 : i32
      %while3A_1194 = arith.constant 1 : i32
      %while3A_1195 = arith.divsi %while3A_1192, %while3A_1194 : i32
      %while3A_1196 = arith.muli %while3A_1195, %while3A_1194 : i32
      %while3A_1197 = arith.addi %while3A_1190, %while3A_1196 : i32
      %while3A_1198 = arith.constant 1 : i32
      %while3A_1199 = scf.for %while3A_1288 = %while3A_1190 to %while3A_1197 step %while3A_1198 iter_args(%while3A_1289 = %while3A_1191) -> (i32)  : i32 {
        %mul3A_1290 = arith.constant 8 : i32
        %mul3A_1291 = arith.muli %mul3A_1290, %add3A_1150 : i32
        %mul3A_1292 = arith.constant 128 : i32
        %mul3A_1293 = arith.muli %mul3A_1292, %while3A_1288 : i32
        %multiple_of3A_1294 = tpu.assume_multiple %mul3A_1293, 128 : i32
        %dma_start3A_1295 = tpu.memref_slice %arg3[%select_n3A, %mul3A_1291, %multiple_of3A_1294] : memref<16x2048x2048xf32, #tpu.memory_space<hbm>> -> memref<1x8x128xf32, #tpu.memory_space<hbm>>
        %dma_start3A_1296 = tpu.memref_squeeze %dma_start3A_1295 : memref<1x8x128xf32, #tpu.memory_space<hbm>> -> memref<8x128xf32, #tpu.memory_space<hbm>>
        %dma_start3A_1297 = tpu.memref_slice %arg3[%select_n3A, %mul3A_1291, %multiple_of3A_1294] : memref<16x2048x2048xf32, #tpu.memory_space<hbm>> -> memref<1x8x128xf32, #tpu.memory_space<hbm>>
        %dma_start3A_1298 = tpu.memref_squeeze %dma_start3A_1297 : memref<1x8x128xf32, #tpu.memory_space<hbm>> -> memref<8x128xf32, #tpu.memory_space<hbm>>
        tpu.enqueue_dma source(%arg23 : memref<8x128xf32, #tpu.memory_space<vmem>>) target(%dma_start3A_1298 : memref<8x128xf32, #tpu.memory_space<hbm>>) target_semaphore(%arg27 : memref<!tpu.dma_semaphore, #tpu.memory_space<semaphore_mem>>)
        %while3A_1299 = arith.constant 0 : i32
        scf.yield %while3A_1299 : i32
      }
      %while3A_1200 = arith.constant 1 : i32
      %while3A_1201 = scf.for %while3A_1288 = %while3A_1197 to %while3A_1193 step %while3A_1200 iter_args(%while3A_1289 = %while3A_1199) -> (i32)  : i32 {
        %mul3A_1290 = arith.constant 8 : i32
        %mul3A_1291 = arith.muli %mul3A_1290, %add3A_1150 : i32
        %mul3A_1292 = arith.constant 128 : i32
        %mul3A_1293 = arith.muli %mul3A_1292, %while3A_1288 : i32
        %multiple_of3A_1294 = tpu.assume_multiple %mul3A_1293, 128 : i32
        %dma_start3A_1295 = tpu.memref_slice %arg3[%select_n3A, %mul3A_1291, %multiple_of3A_1294] : memref<16x2048x2048xf32, #tpu.memory_space<hbm>> -> memref<1x8x128xf32, #tpu.memory_space<hbm>>
        %dma_start3A_1296 = tpu.memref_squeeze %dma_start3A_1295 : memref<1x8x128xf32, #tpu.memory_space<hbm>> -> memref<8x128xf32, #tpu.memory_space<hbm>>
        %dma_start3A_1297 = tpu.memref_slice %arg3[%select_n3A, %mul3A_1291, %multiple_of3A_1294] : memref<16x2048x2048xf32, #tpu.memory_space<hbm>> -> memref<1x8x128xf32, #tpu.memory_space<hbm>>
        %dma_start3A_1298 = tpu.memref_squeeze %dma_start3A_1297 : memref<1x8x128xf32, #tpu.memory_space<hbm>> -> memref<8x128xf32, #tpu.memory_space<hbm>>
        tpu.enqueue_dma source(%arg23 : memref<8x128xf32, #tpu.memory_space<vmem>>) target(%dma_start3A_1298 : memref<8x128xf32, #tpu.memory_space<hbm>>) target_semaphore(%arg27 : memref<!tpu.dma_semaphore, #tpu.memory_space<semaphore_mem>>)
        %while3A_1299 = arith.constant 0 : i32
        scf.yield %while3A_1299 : i32
      }
      %sub3A_1202 = arith.constant 6 : i32
      %sub3A_1203 = arith.subi %sub3A_1202, %min3A_1186 : i32
      %while3A_1204 = arith.constant 0 : i32
      %while3A_1205 = arith.constant 0 : i32
      %while3A_1206 = arith.subi %sub3A_1203, %while3A_1204 : i32
      %while3A_1207 = arith.addi %while3A_1204, %while3A_1206 : i32
      %while3A_1208 = arith.constant 1 : i32
      %while3A_1209 = arith.divsi %while3A_1206, %while3A_1208 : i32
      %while3A_1210 = arith.muli %while3A_1209, %while3A_1208 : i32
      %while3A_1211 = arith.addi %while3A_1204, %while3A_1210 : i32
      %while3A_1212 = arith.constant 1 : i32
      %while3A_1213 = scf.for %while3A_1288 = %while3A_1204 to %while3A_1211 step %while3A_1212 iter_args(%while3A_1289 = %while3A_1205) -> (i32)  : i32 {
        %add3A_1290 = arith.constant 10 : i32
        %add3A_1291 = arith.addi %min3A_1186, %add3A_1290 : i32
        %add3A_1292 = arith.addi %add3A_1291, %while3A_1288 : i32
        %mul3A_1293 = arith.constant 8 : i32
        %mul3A_1294 = arith.muli %mul3A_1293, %add3A_1150 : i32
        %mul3A_1295 = arith.constant 128 : i32
        %mul3A_1296 = arith.muli %mul3A_1295, %add3A_1292 : i32
        %multiple_of3A_1297 = tpu.assume_multiple %mul3A_1296, 128 : i32
        %dma_start3A_1298 = tpu.memref_slice %arg3[%select_n3A, %mul3A_1294, %multiple_of3A_1297] : memref<16x2048x2048xf32, #tpu.memory_space<hbm>> -> memref<1x8x128xf32, #tpu.memory_space<hbm>>
        %dma_start3A_1299 = tpu.memref_squeeze %dma_start3A_1298 : memref<1x8x128xf32, #tpu.memory_space<hbm>> -> memref<8x128xf32, #tpu.memory_space<hbm>>
        %dma_start3A_1300 = tpu.memref_slice %arg3[%select_n3A, %mul3A_1294, %multiple_of3A_1297] : memref<16x2048x2048xf32, #tpu.memory_space<hbm>> -> memref<1x8x128xf32, #tpu.memory_space<hbm>>
        %dma_start3A_1301 = tpu.memref_squeeze %dma_start3A_1300 : memref<1x8x128xf32, #tpu.memory_space<hbm>> -> memref<8x128xf32, #tpu.memory_space<hbm>>
        tpu.enqueue_dma source(%arg24 : memref<8x128xf32, #tpu.memory_space<vmem>>) target(%dma_start3A_1301 : memref<8x128xf32, #tpu.memory_space<hbm>>) target_semaphore(%arg27 : memref<!tpu.dma_semaphore, #tpu.memory_space<semaphore_mem>>)
        %while3A_1302 = arith.constant 0 : i32
        scf.yield %while3A_1302 : i32
      }
      %while3A_1214 = arith.constant 1 : i32
      %while3A_1215 = scf.for %while3A_1288 = %while3A_1211 to %while3A_1207 step %while3A_1214 iter_args(%while3A_1289 = %while3A_1213) -> (i32)  : i32 {
        %add3A_1290 = arith.constant 10 : i32
        %add3A_1291 = arith.addi %min3A_1186, %add3A_1290 : i32
        %add3A_1292 = arith.addi %add3A_1291, %while3A_1288 : i32
        %mul3A_1293 = arith.constant 8 : i32
        %mul3A_1294 = arith.muli %mul3A_1293, %add3A_1150 : i32
        %mul3A_1295 = arith.constant 128 : i32
        %mul3A_1296 = arith.muli %mul3A_1295, %add3A_1292 : i32
        %multiple_of3A_1297 = tpu.assume_multiple %mul3A_1296, 128 : i32
        %dma_start3A_1298 = tpu.memref_slice %arg3[%select_n3A, %mul3A_1294, %multiple_of3A_1297] : memref<16x2048x2048xf32, #tpu.memory_space<hbm>> -> memref<1x8x128xf32, #tpu.memory_space<hbm>>
        %dma_start3A_1299 = tpu.memref_squeeze %dma_start3A_1298 : memref<1x8x128xf32, #tpu.memory_space<hbm>> -> memref<8x128xf32, #tpu.memory_space<hbm>>
        %dma_start3A_1300 = tpu.memref_slice %arg3[%select_n3A, %mul3A_1294, %multiple_of3A_1297] : memref<16x2048x2048xf32, #tpu.memory_space<hbm>> -> memref<1x8x128xf32, #tpu.memory_space<hbm>>
        %dma_start3A_1301 = tpu.memref_squeeze %dma_start3A_1300 : memref<1x8x128xf32, #tpu.memory_space<hbm>> -> memref<8x128xf32, #tpu.memory_space<hbm>>
        tpu.enqueue_dma source(%arg24 : memref<8x128xf32, #tpu.memory_space<vmem>>) target(%dma_start3A_1301 : memref<8x128xf32, #tpu.memory_space<hbm>>) target_semaphore(%arg27 : memref<!tpu.dma_semaphore, #tpu.memory_space<semaphore_mem>>)
        %while3A_1302 = arith.constant 0 : i32
        scf.yield %while3A_1302 : i32
      }
      %mul3A_1216 = arith.constant 8 : i32
      %mul3A_1217 = arith.muli %mul3A_1216, %add3A_1150 : i32
      %dma_wait3A_1218 = arith.constant 0 : i32
      %dma_wait3A_1219 = tpu.memref_slice %arg22[%dma_wait3A_1218, %multiple_of3A_1189] : memref<8x2048xf32, #tpu.memory_space<vmem>> -> memref<8x1280xf32, #tpu.memory_space<vmem>>
      %dma_wait3A_1220 = tpu.memref_slice %arg3[%select_n3A, %mul3A_1217, %multiple_of3A_1189] : memref<16x2048x2048xf32, #tpu.memory_space<hbm>> -> memref<1x8x1280xf32, #tpu.memory_space<hbm>>
      %dma_wait3A_1221 = tpu.memref_squeeze %dma_wait3A_1220 : memref<1x8x1280xf32, #tpu.memory_space<hbm>> -> memref<8x1280xf32, #tpu.memory_space<hbm>>
      %dma_wait3A_1222 = tpu.memref_slice %arg3[%select_n3A, %mul3A_1217, %multiple_of3A_1189] : memref<16x2048x2048xf32, #tpu.memory_space<hbm>> -> memref<1x8x1280xf32, #tpu.memory_space<hbm>>
      %dma_wait3A_1223 = tpu.memref_squeeze %dma_wait3A_1222 : memref<1x8x1280xf32, #tpu.memory_space<hbm>> -> memref<8x1280xf32, #tpu.memory_space<hbm>>
      %dma_wait3A_1224 = arith.constant 0 : i32
      %dma_wait3A_1225 = tpu.memref_slice %arg22[%dma_wait3A_1224, %multiple_of3A_1189] : memref<8x2048xf32, #tpu.memory_space<vmem>> -> memref<8x1280xf32, #tpu.memory_space<vmem>>
      tpu.wait_dma2 semaphore(%arg26 : memref<!tpu.dma_semaphore, #tpu.memory_space<semaphore_mem>>) src(%dma_wait3A_1225 : memref<8x1280xf32, #tpu.memory_space<vmem>>) dst(%dma_wait3A_1223 : memref<8x1280xf32, #tpu.memory_space<hbm>>)
      %parallel_loop3A_1226 = arith.constant 0 : i32
      %parallel_loop3A_1227 = arith.constant 80 : i32
      %parallel_loop3A_1228 = arith.constant 1 : i32
      scf.for %parallel_loop3A_1288 = %parallel_loop3A_1226 to %parallel_loop3A_1227 step %parallel_loop3A_1228  : i32 {
        %parallel_loop3A_1289 = arith.constant 16 : i32
        %parallel_loop3A_1290 = arith.muli %parallel_loop3A_1289, %parallel_loop3A_1288 : i32
        %parallel_loop3A_1291 = arith.addi %multiple_of3A_1189, %parallel_loop3A_1290 : i32
        %parallel_loop3A_1292 = arith.addi %sub3A_1154, %parallel_loop3A_1291 : i32
        %parallel_loop3A_1293 = arith.index_cast %parallel_loop3A_1292 : i32 to index
        %parallel_loop3A_1294 = tpu.vector_load %arg12[%parallel_loop3A_1293] {strides = array<i32>} : memref<4096xf32, #tpu.memory_space<vmem>>, vector<16xf32>,
        %parallel_loop3A_1295 = arith.constant 0 : i32
        %parallel_loop3A_1296 = arith.index_cast %parallel_loop3A_1295 : i32 to index
        %parallel_loop3A_1297 = arith.index_cast %parallel_loop3A_1291 : i32 to index
        %parallel_loop3A_1298 = tpu.vector_load %arg22[%parallel_loop3A_1296, %parallel_loop3A_1297] {strides = array<i32>} : memref<8x2048xf32, #tpu.memory_space<vmem>>, vector<16xf32>,
        tpu.vector_store %arg22[%parallel_loop3A_1296, %parallel_loop3A_1297], %parallel_loop3A_1294 {strides = array<i32>} : memref<8x2048xf32, #tpu.memory_space<vmem>>, vector<16xf32>,
        %parallel_loop3A_1299 = arith.index_cast %parallel_loop3A_1292 : i32 to index
        %parallel_loop3A_1300 = tpu.vector_load %arg11[%parallel_loop3A_1299] {strides = array<i32>} : memref<4096xf32, #tpu.memory_space<vmem>>, vector<16xf32>,
        %parallel_loop3A_1301 = arith.constant 1 : i32
        %parallel_loop3A_1302 = arith.index_cast %parallel_loop3A_1301 : i32 to index
        %parallel_loop3A_1303 = arith.index_cast %parallel_loop3A_1291 : i32 to index
        %parallel_loop3A_1304 = tpu.vector_load %arg22[%parallel_loop3A_1302, %parallel_loop3A_1303] {strides = array<i32>} : memref<8x2048xf32, #tpu.memory_space<vmem>>, vector<16xf32>,
        tpu.vector_store %arg22[%parallel_loop3A_1302, %parallel_loop3A_1303], %parallel_loop3A_1300 {strides = array<i32>} : memref<8x2048xf32, #tpu.memory_space<vmem>>, vector<16xf32>,
        %parallel_loop3A_1305 = arith.index_cast %parallel_loop3A_1292 : i32 to index
        %parallel_loop3A_1306 = tpu.vector_load %arg10[%parallel_loop3A_1305] {strides = array<i32>} : memref<4096xf32, #tpu.memory_space<vmem>>, vector<16xf32>,
        %parallel_loop3A_1307 = arith.constant 2 : i32
        %parallel_loop3A_1308 = arith.index_cast %parallel_loop3A_1307 : i32 to index
        %parallel_loop3A_1309 = arith.index_cast %parallel_loop3A_1291 : i32 to index
        %parallel_loop3A_1310 = tpu.vector_load %arg22[%parallel_loop3A_1308, %parallel_loop3A_1309] {strides = array<i32>} : memref<8x2048xf32, #tpu.memory_space<vmem>>, vector<16xf32>,
        tpu.vector_store %arg22[%parallel_loop3A_1308, %parallel_loop3A_1309], %parallel_loop3A_1306 {strides = array<i32>} : memref<8x2048xf32, #tpu.memory_space<vmem>>, vector<16xf32>,
        %parallel_loop3A_1311 = arith.index_cast %parallel_loop3A_1292 : i32 to index
        %parallel_loop3A_1312 = tpu.vector_load %arg9[%parallel_loop3A_1311] {strides = array<i32>} : memref<4096xf32, #tpu.memory_space<vmem>>, vector<16xf32>,
        %parallel_loop3A_1313 = arith.constant 3 : i32
        %parallel_loop3A_1314 = arith.index_cast %parallel_loop3A_1313 : i32 to index
        %parallel_loop3A_1315 = arith.index_cast %parallel_loop3A_1291 : i32 to index
        %parallel_loop3A_1316 = tpu.vector_load %arg22[%parallel_loop3A_1314, %parallel_loop3A_1315] {strides = array<i32>} : memref<8x2048xf32, #tpu.memory_space<vmem>>, vector<16xf32>,
        tpu.vector_store %arg22[%parallel_loop3A_1314, %parallel_loop3A_1315], %parallel_loop3A_1312 {strides = array<i32>} : memref<8x2048xf32, #tpu.memory_space<vmem>>, vector<16xf32>,
        %parallel_loop3A_1317 = arith.index_cast %parallel_loop3A_1292 : i32 to index
        %parallel_loop3A_1318 = tpu.vector_load %arg8[%parallel_loop3A_1317] {strides = array<i32>} : memref<4096xf32, #tpu.memory_space<vmem>>, vector<16xf32>,
        %parallel_loop3A_1319 = arith.constant 4 : i32
        %parallel_loop3A_1320 = arith.index_cast %parallel_loop3A_1319 : i32 to index
        %parallel_loop3A_1321 = arith.index_cast %parallel_loop3A_1291 : i32 to index
        %parallel_loop3A_1322 = tpu.vector_load %arg22[%parallel_loop3A_1320, %parallel_loop3A_1321] {strides = array<i32>} : memref<8x2048xf32, #tpu.memory_space<vmem>>, vector<16xf32>,
        tpu.vector_store %arg22[%parallel_loop3A_1320, %parallel_loop3A_1321], %parallel_loop3A_1318 {strides = array<i32>} : memref<8x2048xf32, #tpu.memory_space<vmem>>, vector<16xf32>,
        %parallel_loop3A_1323 = arith.index_cast %parallel_loop3A_1292 : i32 to index
        %parallel_loop3A_1324 = tpu.vector_load %arg7[%parallel_loop3A_1323] {strides = array<i32>} : memref<4096xf32, #tpu.memory_space<vmem>>, vector<16xf32>,
        %parallel_loop3A_1325 = arith.constant 5 : i32
        %parallel_loop3A_1326 = arith.index_cast %parallel_loop3A_1325 : i32 to index
        %parallel_loop3A_1327 = arith.index_cast %parallel_loop3A_1291 : i32 to index
        %parallel_loop3A_1328 = tpu.vector_load %arg22[%parallel_loop3A_1326, %parallel_loop3A_1327] {strides = array<i32>} : memref<8x2048xf32, #tpu.memory_space<vmem>>, vector<16xf32>,
        tpu.vector_store %arg22[%parallel_loop3A_1326, %parallel_loop3A_1327], %parallel_loop3A_1324 {strides = array<i32>} : memref<8x2048xf32, #tpu.memory_space<vmem>>, vector<16xf32>,
        %parallel_loop3A_1329 = arith.index_cast %parallel_loop3A_1292 : i32 to index
        %parallel_loop3A_1330 = tpu.vector_load %arg6[%parallel_loop3A_1329] {strides = array<i32>} : memref<4096xf32, #tpu.memory_space<vmem>>, vector<16xf32>,
        %parallel_loop3A_1331 = arith.constant 6 : i32
        %parallel_loop3A_1332 = arith.index_cast %parallel_loop3A_1331 : i32 to index
        %parallel_loop3A_1333 = arith.index_cast %parallel_loop3A_1291 : i32 to index
        %parallel_loop3A_1334 = tpu.vector_load %arg22[%parallel_loop3A_1332, %parallel_loop3A_1333] {strides = array<i32>} : memref<8x2048xf32, #tpu.memory_space<vmem>>, vector<16xf32>,
        tpu.vector_store %arg22[%parallel_loop3A_1332, %parallel_loop3A_1333], %parallel_loop3A_1330 {strides = array<i32>} : memref<8x2048xf32, #tpu.memory_space<vmem>>, vector<16xf32>,
        %parallel_loop3A_1335 = arith.index_cast %parallel_loop3A_1292 : i32 to index
        %parallel_loop3A_1336 = tpu.vector_load %arg5[%parallel_loop3A_1335] {strides = array<i32>} : memref<4096xf32, #tpu.memory_space<vmem>>, vector<16xf32>,
        %parallel_loop3A_1337 = arith.constant 7 : i32
        %parallel_loop3A_1338 = arith.index_cast %parallel_loop3A_1337 : i32 to index
        %parallel_loop3A_1339 = arith.index_cast %parallel_loop3A_1291 : i32 to index
        %parallel_loop3A_1340 = tpu.vector_load %arg22[%parallel_loop3A_1338, %parallel_loop3A_1339] {strides = array<i32>} : memref<8x2048xf32, #tpu.memory_space<vmem>>, vector<16xf32>,
        tpu.vector_store %arg22[%parallel_loop3A_1338, %parallel_loop3A_1339], %parallel_loop3A_1336 {strides = array<i32>} : memref<8x2048xf32, #tpu.memory_space<vmem>>, vector<16xf32>,
      } {sc.loop_unroll_factor = 8 : i64, sc.parallel_access}
      %mul3A_1229 = arith.constant 8 : i32
      %mul3A_1230 = arith.muli %mul3A_1229, %add3A_1150 : i32
      %dma_start3A_1231 = arith.constant 0 : i32
      %dma_start3A_1232 = tpu.memref_slice %arg22[%dma_start3A_1231, %multiple_of3A_1189] : memref<8x2048xf32, #tpu.memory_space<vmem>> -> memref<8x1280xf32, #tpu.memory_space<vmem>>
      %dma_start3A_1233 = tpu.memref_slice %arg3[%select_n3A, %mul3A_1230, %multiple_of3A_1189] : memref<16x2048x2048xf32, #tpu.memory_space<hbm>> -> memref<1x8x1280xf32, #tpu.memory_space<hbm>>
      %dma_start3A_1234 = tpu.memref_squeeze %dma_start3A_1233 : memref<1x8x1280xf32, #tpu.memory_space<hbm>> -> memref<8x1280xf32, #tpu.memory_space<hbm>>
      %dma_start3A_1235 = tpu.memref_slice %arg3[%select_n3A, %mul3A_1230, %multiple_of3A_1189] : memref<16x2048x2048xf32, #tpu.memory_space<hbm>> -> memref<1x8x1280xf32, #tpu.memory_space<hbm>>
      %dma_start3A_1236 = tpu.memref_squeeze %dma_start3A_1235 : memref<1x8x1280xf32, #tpu.memory_space<hbm>> -> memref<8x1280xf32, #tpu.memory_space<hbm>>
      %dma_start3A_1237 = arith.constant 0 : i32
      %dma_start3A_1238 = tpu.memref_slice %arg22[%dma_start3A_1237, %multiple_of3A_1189] : memref<8x2048xf32, #tpu.memory_space<vmem>> -> memref<8x1280xf32, #tpu.memory_space<vmem>>
      tpu.enqueue_dma source(%dma_start3A_1238 : memref<8x1280xf32, #tpu.memory_space<vmem>>) target(%dma_start3A_1236 : memref<8x1280xf32, #tpu.memory_space<hbm>>) target_semaphore(%arg26 : memref<!tpu.dma_semaphore, #tpu.memory_space<semaphore_mem>>)
      %mul3A_1239 = arith.constant 8 : i32
      %mul3A_1240 = arith.muli %mul3A_1239, %add3A_1150 : i32
      %dma_wait3A_1241 = arith.constant 0 : i32
      %dma_wait3A_1242 = tpu.memref_slice %arg3[%select_n3A, %mul3A_1240, %dma_wait3A_1241] : memref<16x2048x2048xf32, #tpu.memory_space<hbm>> -> memref<1x8x128xf32, #tpu.memory_space<hbm>>
      %dma_wait3A_1243 = tpu.memref_squeeze %dma_wait3A_1242 : memref<1x8x128xf32, #tpu.memory_space<hbm>> -> memref<8x128xf32, #tpu.memory_space<hbm>>
      %dma_wait3A_1244 = arith.constant 0 : i32
      %dma_wait3A_1245 = tpu.memref_slice %arg3[%select_n3A, %mul3A_1240, %dma_wait3A_1244] : memref<16x2048x2048xf32, #tpu.memory_space<hbm>> -> memref<1x8x128xf32, #tpu.memory_space<hbm>>
      %dma_wait3A_1246 = tpu.memref_squeeze %dma_wait3A_1245 : memref<1x8x128xf32, #tpu.memory_space<hbm>> -> memref<8x128xf32, #tpu.memory_space<hbm>>
      tpu.wait_dma2 semaphore(%arg27 : memref<!tpu.dma_semaphore, #tpu.memory_space<semaphore_mem>>) src(%arg23 : memref<8x128xf32, #tpu.memory_space<vmem>>) dst(%dma_wait3A_1246 : memref<8x128xf32, #tpu.memory_space<hbm>>)
      %mul3A_1247 = arith.constant 8 : i32
      %mul3A_1248 = arith.muli %mul3A_1247, %add3A_1150 : i32
      %dma_wait3A_1249 = arith.constant 0 : i32
      %dma_wait3A_1250 = tpu.memref_slice %arg3[%select_n3A, %mul3A_1248, %dma_wait3A_1249] : memref<16x2048x2048xf32, #tpu.memory_space<hbm>> -> memref<1x8x128xf32, #tpu.memory_space<hbm>>
      %dma_wait3A_1251 = tpu.memref_squeeze %dma_wait3A_1250 : memref<1x8x128xf32, #tpu.memory_space<hbm>> -> memref<8x128xf32, #tpu.memory_space<hbm>>
      %dma_wait3A_1252 = arith.constant 0 : i32
      %dma_wait3A_1253 = tpu.memref_slice %arg3[%select_n3A, %mul3A_1248, %dma_wait3A_1252] : memref<16x2048x2048xf32, #tpu.memory_space<hbm>> -> memref<1x8x128xf32, #tpu.memory_space<hbm>>
      %dma_wait3A_1254 = tpu.memref_squeeze %dma_wait3A_1253 : memref<1x8x128xf32, #tpu.memory_space<hbm>> -> memref<8x128xf32, #tpu.memory_space<hbm>>
      tpu.wait_dma2 semaphore(%arg27 : memref<!tpu.dma_semaphore, #tpu.memory_space<semaphore_mem>>) src(%arg23 : memref<8x128xf32, #tpu.memory_space<vmem>>) dst(%dma_wait3A_1254 : memref<8x128xf32, #tpu.memory_space<hbm>>)
      %mul3A_1255 = arith.constant 8 : i32
      %mul3A_1256 = arith.muli %mul3A_1255, %add3A_1150 : i32
      %dma_wait3A_1257 = arith.constant 0 : i32
      %dma_wait3A_1258 = tpu.memref_slice %arg3[%select_n3A, %mul3A_1256, %dma_wait3A_1257] : memref<16x2048x2048xf32, #tpu.memory_space<hbm>> -> memref<1x8x128xf32, #tpu.memory_space<hbm>>
      %dma_wait3A_1259 = tpu.memref_squeeze %dma_wait3A_1258 : memref<1x8x128xf32, #tpu.memory_space<hbm>> -> memref<8x128xf32, #tpu.memory_space<hbm>>
      %dma_wait3A_1260 = arith.constant 0 : i32
      %dma_wait3A_1261 = tpu.memref_slice %arg3[%select_n3A, %mul3A_1256, %dma_wait3A_1260] : memref<16x2048x2048xf32, #tpu.memory_space<hbm>> -> memref<1x8x128xf32, #tpu.memory_space<hbm>>
      %dma_wait3A_1262 = tpu.memref_squeeze %dma_wait3A_1261 : memref<1x8x128xf32, #tpu.memory_space<hbm>> -> memref<8x128xf32, #tpu.memory_space<hbm>>
      tpu.wait_dma2 semaphore(%arg27 : memref<!tpu.dma_semaphore, #tpu.memory_space<semaphore_mem>>) src(%arg23 : memref<8x128xf32, #tpu.memory_space<vmem>>) dst(%dma_wait3A_1262 : memref<8x128xf32, #tpu.memory_space<hbm>>)
      %mul3A_1263 = arith.constant 8 : i32
      %mul3A_1264 = arith.muli %mul3A_1263, %add3A_1150 : i32
      %dma_wait3A_1265 = arith.constant 0 : i32
      %dma_wait3A_1266 = tpu.memref_slice %arg3[%select_n3A, %mul3A_1264, %dma_wait3A_1265] : memref<16x2048x2048xf32, #tpu.memory_space<hbm>> -> memref<1x8x128xf32, #tpu.memory_space<hbm>>
      %dma_wait3A_1267 = tpu.memref_squeeze %dma_wait3A_1266 : memref<1x8x128xf32, #tpu.memory_space<hbm>> -> memref<8x128xf32, #tpu.memory_space<hbm>>
      %dma_wait3A_1268 = arith.constant 0 : i32
      %dma_wait3A_1269 = tpu.memref_slice %arg3[%select_n3A, %mul3A_1264, %dma_wait3A_1268] : memref<16x2048x2048xf32, #tpu.memory_space<hbm>> -> memref<1x8x128xf32, #tpu.memory_space<hbm>>
      %dma_wait3A_1270 = tpu.memref_squeeze %dma_wait3A_1269 : memref<1x8x128xf32, #tpu.memory_space<hbm>> -> memref<8x128xf32, #tpu.memory_space<hbm>>
      tpu.wait_dma2 semaphore(%arg27 : memref<!tpu.dma_semaphore, #tpu.memory_space<semaphore_mem>>) src(%arg23 : memref<8x128xf32, #tpu.memory_space<vmem>>) dst(%dma_wait3A_1270 : memref<8x128xf32, #tpu.memory_space<hbm>>)
      %mul3A_1271 = arith.constant 8 : i32
      %mul3A_1272 = arith.muli %mul3A_1271, %add3A_1150 : i32
      %dma_wait3A_1273 = arith.constant 0 : i32
      %dma_wait3A_1274 = tpu.memref_slice %arg3[%select_n3A, %mul3A_1272, %dma_wait3A_1273] : memref<16x2048x2048xf32, #tpu.memory_space<hbm>> -> memref<1x8x128xf32, #tpu.memory_space<hbm>>
      %dma_wait3A_1275 = tpu.memref_squeeze %dma_wait3A_1274 : memref<1x8x128xf32, #tpu.memory_space<hbm>> -> memref<8x128xf32, #tpu.memory_space<hbm>>
      %dma_wait3A_1276 = arith.constant 0 : i32
      %dma_wait3A_1277 = tpu.memref_slice %arg3[%select_n3A, %mul3A_1272, %dma_wait3A_1276] : memref<16x2048x2048xf32, #tpu.memory_space<hbm>> -> memref<1x8x128xf32, #tpu.memory_space<hbm>>
      %dma_wait3A_1278 = tpu.memref_squeeze %dma_wait3A_1277 : memref<1x8x128xf32, #tpu.memory_space<hbm>> -> memref<8x128xf32, #tpu.memory_space<hbm>>
      tpu.wait_dma2 semaphore(%arg27 : memref<!tpu.dma_semaphore, #tpu.memory_space<semaphore_mem>>) src(%arg23 : memref<8x128xf32, #tpu.memory_space<vmem>>) dst(%dma_wait3A_1278 : memref<8x128xf32, #tpu.memory_space<hbm>>)
      %mul3A_1279 = arith.constant 8 : i32
      %mul3A_1280 = arith.muli %mul3A_1279, %add3A_1150 : i32
      %dma_wait3A_1281 = arith.constant 0 : i32
      %dma_wait3A_1282 = tpu.memref_slice %arg3[%select_n3A, %mul3A_1280, %dma_wait3A_1281] : memref<16x2048x2048xf32, #tpu.memory_space<hbm>> -> memref<1x8x128xf32, #tpu.memory_space<hbm>>
      %dma_wait3A_1283 = tpu.memref_squeeze %dma_wait3A_1282 : memref<1x8x128xf32, #tpu.memory_space<hbm>> -> memref<8x128xf32, #tpu.memory_space<hbm>>
      %dma_wait3A_1284 = arith.constant 0 : i32
      %dma_wait3A_1285 = tpu.memref_slice %arg3[%select_n3A, %mul3A_1280, %dma_wait3A_1284] : memref<16x2048x2048xf32, #tpu.memory_space<hbm>> -> memref<1x8x128xf32, #tpu.memory_space<hbm>>
      %dma_wait3A_1286 = tpu.memref_squeeze %dma_wait3A_1285 : memref<1x8x128xf32, #tpu.memory_space<hbm>> -> memref<8x128xf32, #tpu.memory_space<hbm>>
      tpu.wait_dma2 semaphore(%arg27 : memref<!tpu.dma_semaphore, #tpu.memory_space<semaphore_mem>>) src(%arg23 : memref<8x128xf32, #tpu.memory_space<vmem>>) dst(%dma_wait3A_1286 : memref<8x128xf32, #tpu.memory_space<hbm>>)
      %scan3A_1287 = arith.constant 0 : i32
      scf.yield %scan3A_1287 : i32
    }
    %scan3A_911 = arith.constant 63 : i32
    %add3A_912 = arith.constant 128 : i32
    %add3A_913 = arith.addi %mul3A_32, %add3A_912 : i32
    %sub3A_914 = arith.constant 2 : i32
    %sub3A_915 = arith.subi %add3A_913, %sub3A_914 : i32
    %add3A_916 = arith.constant 1 : i32
    %add3A_917 = arith.addi %sub3A_915, %add3A_916 : i32
    %mul3A_918 = arith.constant 8 : i32
    %mul3A_919 = arith.muli %mul3A_918, %sub3A_915 : i32
    %sub3A_920 = arith.constant 512 : i32
    %sub3A_921 = arith.subi %mul3A_919, %sub3A_920 : i32
    %jit3A_922 = arith.constant 128 : i32
    %div3A_923 = arith.divsi %sub3A_921, %jit3A_922 : i32
    %sign3A_924 = arith.constant 0 : i32
    %sign3A_925 = arith.cmpi sgt, %sub3A_921, %sign3A_924 : i32
    %sign3A_926 = arith.extui %sign3A_925 : i1 to i32
    %sign3A_927 = arith.constant 0 : i32
    %sign3A_928 = arith.cmpi slt, %sub3A_921, %sign3A_927 : i32
    %sign3A_929 = arith.extui %sign3A_928 : i1 to i32
    %sign3A_930 = arith.subi %sign3A_926, %sign3A_929 : i32
    %sign3A_931 = arith.constant 0 : i32
    %sign3A_932 = arith.cmpi sgt, %jit3A_922, %sign3A_931 : i32
    %sign3A_933 = arith.extui %sign3A_932 : i1 to i32
    %sign3A_934 = arith.constant 0 : i32
    %sign3A_935 = arith.cmpi slt, %jit3A_922, %sign3A_934 : i32
    %sign3A_936 = arith.extui %sign3A_935 : i1 to i32
    %sign3A_937 = arith.subi %sign3A_933, %sign3A_936 : i32
    %ne3A_938 = arith.cmpi ne, %sign3A_930, %sign3A_937 : i32
    %rem3A_939 = arith.remsi %sub3A_921, %jit3A_922 : i32
    %ne3A_940 = arith.constant 0 : i32
    %ne3A_941 = arith.cmpi ne, %rem3A_939, %ne3A_940 : i32
    %and3A_942 = arith.andi %ne3A_938, %ne3A_941 : i1
    %sub3A_943 = arith.constant 1 : i32
    %sub3A_944 = arith.subi %div3A_923, %sub3A_943 : i32
    %select_n3A_945 = arith.select %and3A_942, %sub3A_944, %div3A_923 : i32
    %jit3A_946 = arith.constant 0 : i32
    %jit3A_947 = arith.constant 6 : i32
    %max3A_948 = arith.maxsi %jit3A_946, %select_n3A_945 : i32
    %min3A_949 = arith.minsi %jit3A_947, %max3A_948 : i32
    %mul3A_950 = arith.constant 128 : i32
    %mul3A_951 = arith.muli %mul3A_950, %min3A_949 : i32
    %multiple_of3A_952 = tpu.assume_multiple %mul3A_951, 128 : i32
    %mul3A_953 = arith.constant 8 : i32
    %mul3A_954 = arith.muli %mul3A_953, %sub3A_915 : i32
    %dma_wait3A_955 = arith.constant 0 : i32
    %dma_wait3A_956 = tpu.memref_slice %arg21[%dma_wait3A_955, %multiple_of3A_952] : memref<8x2048xf32, #tpu.memory_space<vmem>> -> memref<8x1280xf32, #tpu.memory_space<vmem>>
    %dma_wait3A_957 = tpu.memref_slice %arg3[%select_n3A, %mul3A_954, %multiple_of3A_952] : memref<16x2048x2048xf32, #tpu.memory_space<hbm>> -> memref<1x8x1280xf32, #tpu.memory_space<hbm>>
    %dma_wait3A_958 = tpu.memref_squeeze %dma_wait3A_957 : memref<1x8x1280xf32, #tpu.memory_space<hbm>> -> memref<8x1280xf32, #tpu.memory_space<hbm>>
    %dma_wait3A_959 = tpu.memref_slice %arg3[%select_n3A, %mul3A_954, %multiple_of3A_952] : memref<16x2048x2048xf32, #tpu.memory_space<hbm>> -> memref<1x8x1280xf32, #tpu.memory_space<hbm>>
    %dma_wait3A_960 = tpu.memref_squeeze %dma_wait3A_959 : memref<1x8x1280xf32, #tpu.memory_space<hbm>> -> memref<8x1280xf32, #tpu.memory_space<hbm>>
    %dma_wait3A_961 = arith.constant 0 : i32
    %dma_wait3A_962 = tpu.memref_slice %arg21[%dma_wait3A_961, %multiple_of3A_952] : memref<8x2048xf32, #tpu.memory_space<vmem>> -> memref<8x1280xf32, #tpu.memory_space<vmem>>
    tpu.wait_dma2 semaphore(%arg25 : memref<!tpu.dma_semaphore, #tpu.memory_space<semaphore_mem>>) src(%dma_wait3A_962 : memref<8x1280xf32, #tpu.memory_space<vmem>>) dst(%dma_wait3A_960 : memref<8x1280xf32, #tpu.memory_space<hbm>>)
    %mul3A_963 = arith.constant 8 : i32
    %mul3A_964 = arith.muli %mul3A_963, %add3A_917 : i32
    %sub3A_965 = arith.constant 512 : i32
    %sub3A_966 = arith.subi %mul3A_964, %sub3A_965 : i32
    %jit3A_967 = arith.constant 128 : i32
    %div3A_968 = arith.divsi %sub3A_966, %jit3A_967 : i32
    %sign3A_969 = arith.constant 0 : i32
    %sign3A_970 = arith.cmpi sgt, %sub3A_966, %sign3A_969 : i32
    %sign3A_971 = arith.extui %sign3A_970 : i1 to i32
    %sign3A_972 = arith.constant 0 : i32
    %sign3A_973 = arith.cmpi slt, %sub3A_966, %sign3A_972 : i32
    %sign3A_974 = arith.extui %sign3A_973 : i1 to i32
    %sign3A_975 = arith.subi %sign3A_971, %sign3A_974 : i32
    %sign3A_976 = arith.constant 0 : i32
    %sign3A_977 = arith.cmpi sgt, %jit3A_967, %sign3A_976 : i32
    %sign3A_978 = arith.extui %sign3A_977 : i1 to i32
    %sign3A_979 = arith.constant 0 : i32
    %sign3A_980 = arith.cmpi slt, %jit3A_967, %sign3A_979 : i32
    %sign3A_981 = arith.extui %sign3A_980 : i1 to i32
    %sign3A_982 = arith.subi %sign3A_978, %sign3A_981 : i32
    %ne3A_983 = arith.cmpi ne, %sign3A_975, %sign3A_982 : i32
    %rem3A_984 = arith.remsi %sub3A_966, %jit3A_967 : i32
    %ne3A_985 = arith.constant 0 : i32
    %ne3A_986 = arith.cmpi ne, %rem3A_984, %ne3A_985 : i32
    %and3A_987 = arith.andi %ne3A_983, %ne3A_986 : i1
    %sub3A_988 = arith.constant 1 : i32
    %sub3A_989 = arith.subi %div3A_968, %sub3A_988 : i32
    %select_n3A_990 = arith.select %and3A_987, %sub3A_989, %div3A_968 : i32
    %jit3A_991 = arith.constant 0 : i32
    %jit3A_992 = arith.constant 6 : i32
    %max3A_993 = arith.maxsi %jit3A_991, %select_n3A_990 : i32
    %min3A_994 = arith.minsi %jit3A_992, %max3A_993 : i32
    %mul3A_995 = arith.constant 128 : i32
    %mul3A_996 = arith.muli %mul3A_995, %min3A_994 : i32
    %multiple_of3A_997 = tpu.assume_multiple %mul3A_996, 128 : i32
    %mul3A_998 = arith.constant 8 : i32
    %mul3A_999 = arith.muli %mul3A_998, %add3A_917 : i32
    %dma_wait3A_1000 = arith.constant 0 : i32
    %dma_wait3A_1001 = tpu.memref_slice %arg22[%dma_wait3A_1000, %multiple_of3A_997] : memref<8x2048xf32, #tpu.memory_space<vmem>> -> memref<8x1280xf32, #tpu.memory_space<vmem>>
    %dma_wait3A_1002 = tpu.memref_slice %arg3[%select_n3A, %mul3A_999, %multiple_of3A_997] : memref<16x2048x2048xf32, #tpu.memory_space<hbm>> -> memref<1x8x1280xf32, #tpu.memory_space<hbm>>
    %dma_wait3A_1003 = tpu.memref_squeeze %dma_wait3A_1002 : memref<1x8x1280xf32, #tpu.memory_space<hbm>> -> memref<8x1280xf32, #tpu.memory_space<hbm>>
    %dma_wait3A_1004 = tpu.memref_slice %arg3[%select_n3A, %mul3A_999, %multiple_of3A_997] : memref<16x2048x2048xf32, #tpu.memory_space<hbm>> -> memref<1x8x1280xf32, #tpu.memory_space<hbm>>
    %dma_wait3A_1005 = tpu.memref_squeeze %dma_wait3A_1004 : memref<1x8x1280xf32, #tpu.memory_space<hbm>> -> memref<8x1280xf32, #tpu.memory_space<hbm>>
    %dma_wait3A_1006 = arith.constant 0 : i32
    %dma_wait3A_1007 = tpu.memref_slice %arg22[%dma_wait3A_1006, %multiple_of3A_997] : memref<8x2048xf32, #tpu.memory_space<vmem>> -> memref<8x1280xf32, #tpu.memory_space<vmem>>
    tpu.wait_dma2 semaphore(%arg26 : memref<!tpu.dma_semaphore, #tpu.memory_space<semaphore_mem>>) src(%dma_wait3A_1007 : memref<8x1280xf32, #tpu.memory_space<vmem>>) dst(%dma_wait3A_1005 : memref<8x1280xf32, #tpu.memory_space<hbm>>)
    return
  }
}

</mosaic_0001>

<sc_bundles>
// kernel: kernel.3.cloned.1.call-start
scs
__scs_entry_jumppad:
0x0: {  	(pc) =	sbr.rel $0x88, $3  }
0x1: {  	(tag) =	ssettag $0x0;
	lr =	simm.s32 $0x1  }
0x2: {  	[smem:$0x3FA0] =	sst lr;
	_ =	strace $0xD0000000  }
0x3: {  	_ = 	snop  }
0x4: {  	_ = 	snop  }
0x5: {  	_ = 	snop  }
0x6: {  	_ = 	snop  }
0x7: {  	_ = 	snop  }
__scs_overlays_trampoline_lowered:
0x8: {  	[smem:$0x3FAF] =	sst s0  }
0x9: {  	[smem:$0x3FB0] =	sst s1  }
0xa: {  	[smem:$0x3FB1] =	sst s2  }
0xb: {  	[smem:$0x3FB2] =	sst s3  }
0xc: {  	[smem:$0x3FB3] =	sst s4  }
0xd: {  	[smem:$0x3FB4] =	sst s5  }
0xe: {  	[smem:$0x3FB5] =	sst s6  }
0xf: {  	[smem:$0x3FB6] =	sst s7  }
0x10: {  	[smem:$0x3FB7] =	sst s8  }
0x11: {  	[smem:$0x3FB8] =	sst s9;
	s0 =	simm.s32 @!p0 $0x0  }
0x12: {  	s1 =	sld [smem:$0x3F9E];
	s0 =	simm.s32 @p0 $0x1  }
0x13: {  	[smem:$0x3FB9] =	sst s0;
	s0 =	simm.s32 @!p1 $0x0  }
0x14: {  	s2 =	sld [smem:$0x3F9D];
	s0 =	simm.s32 @p1 $0x1  }
0x15: {  	[smem:$0x3FBA] =	sst s0;
	s0 =	simm.s32 @!p2 $0x0  }
0x16: {  	s3 =	sld [smem:$0x3FDB];
	s0 =	simm.s32 @p2 $0x1  }
0x17: {  	s4 =	simm.s32 $0x1BF5;
	[smem:$0x3FBC] =	sst s0  }
0x18: {  	s0 =	sld [smem:$0x3F9F];
	_ =	swait.ge [sflag:s4], $0x0  }
0x19: {  	s7 =	sld [smem:$0x3FA0]  }
0x1a: {  	s8 =	sadd.s32 $0xFFFFE003, lr  }
0x1b: {  	s9 =	sadd.s32 $0xFFFFFEF7, lr;
	s5 =	simm.s32 $0xFFFFFFFF;
	p2 =	slt.u32 s8, $0xFFFFF086  }
0x1c: {  	p1 =	slt.u32 s9, $0xF7A;
	s5 =	simm.s32 @!p2 $0x0  }
0x1d: {  	s5 =	simm.s32 @p1 $0x1;
	p0 =	seq.s32 s7, s2  }
0x1e: {  	s7 =	smul.u32 @!p0 $0xF7A, s2;
	p2 =	seq.s32 @!p0 s5, $0x0  }
0x1f: {  	s9 =	smul.u32 $0xF7A, s1;
	s8 =	simm.s32 @!p0 $0x1BF5;
	p2 =	por !p2, p0  }
0x20: {  	[sflag:s8] =	ssyncset.s32 @!p0 $0xFFFFF086;
	s6 =	sadd.s32 @!p0 s3, s7;
	s7 =	simm.s32 @!p0 $0x108  }
0x21: {  	s3 =	sadd.s32 s3, s9;
	s6 =	sadd.s32 @!p0 $0x88, s6;
	s7 =	simm.s32 @p2 $0x1082  }
0x22: {  	[simem:s7], [sflag:s8] =	dma.local @!p0 [hbm:s6], $0xF7A  }
0x23: {  	s9 =	sor.u32 $0xD0000000, s2;
	s6 =	simm.s32 $0x108;
	_ =	swait.ge @!p0 [sflag:s8], $0x0  }
0x24: {  	s3 =	sadd.s32 $0x88, s3;
	s6 =	simm.s32 @!p1 $0x1082;
	[sflag:s4] =	ssyncset.s32 $0xFFFFF086  }
0x25: {  	[simem:s6], [sflag:s4] =	dma.local [hbm:s3], $0xF7A  }
0x26: {  	[smem:$0x3FA0] =	sst s1;
	(tag) =	ssettag s2;
	_ =	strace s9  }
0x27: {  	s1 =	sld [smem:$0x3FB0]  }
0x28: {  	s2 =	sld [smem:$0x3FB1]  }
0x29: {  	s4 =	sld [smem:$0x3FB3]  }
0x2a: {  	p0 =	seq.s32 s5, $0x0;
	s5 =	sld [smem:$0x3FB4]  }
0x2b: {  	s6 =	sld [smem:$0x3FB5]  }
0x2c: {  	s7 =	sld [smem:$0x3FB6]  }
0x2d: {  	s3 =	simm.s32 $0x108;
	s8 =	sld [smem:$0x3FB7]  }
0x2e: {  	s3 =	simm.s32 @!p0 $0x1082;
	s9 =	sld [smem:$0x3FB8]  }
0x2f: {  	lr =	sadd.s32 s0, s3;
	s0 =	sld [smem:$0x3FAF]  }
0x30: {  	s3 =	sld [smem:$0x3FB2]  }
0x31: {  	[smem:$0x3FBB] =	sst s10  }
0x32: {  	s10 =	sld [smem:$0x3FB9];
	_ =	sdelay $0x3  }
0x33: {  	p0 =	seq.s32 s10, $0x1;
	s10 =	sld [smem:$0x3FBB];
	_ =	sdelay $0x3  }
0x34: {  	[smem:$0x3FBB] =	sst s10  }
0x35: {  	s10 =	sld [smem:$0x3FBA];
	_ =	sdelay $0x3  }
0x36: {  	p1 =	seq.s32 s10, $0x1;
	s10 =	sld [smem:$0x3FBB];
	_ =	sdelay $0x3  }
0x37: {  	[smem:$0x3FBB] =	sst s10  }
0x38: {  	s10 =	sld [smem:$0x3FBC]  }
0x39: {  	_ = 	snop;
	(pc) =	sbr.ind lr, $3  }
0x3a: {  	_ = 	snop  }
0x3b: {  	_ = 	snop  }
0x3c: {  	p2 =	seq.s32 s10, $0x1;
	s10 =	sld [smem:$0x3FBB]  }
0x3d: {  	_ =	shalt  }
0x3e: {  	_ =	shalt  }
0x3f: {  	_ =	shalt  }
0x40: {  	_ =	shalt  }
0x41: {  	_ =	shalt  }
0x42: {  	_ =	shalt  }
0x43: {  	_ =	shalt  }
0x44: {  	_ =	shalt  }
0x45: {  	_ =	shalt  }
0x46: {  	_ =	shalt  }
0x47: {  	_ =	shalt  }
0x48: {  	_ =	shalt  }
0x49: {  	_ =	shalt  }
0x4a: {  	_ =	shalt  }
0x4b: {  	_ =	shalt  }
0x4c: {  	_ =	shalt  }
0x4d: {  	_ =	shalt  }
0x4e: {  	_ =	shalt  }
0x4f: {  	_ =	shalt  }
0x50: {  	_ =	shalt  }
0x51: {  	_ =	shalt  }
0x52: {  	_ =	shalt  }
0x53: {  	_ =	shalt  }
0x54: {  	_ =	shalt  }
0x55: {  	_ =	shalt  }
0x56: {  	_ =	shalt  }
0x57: {  	_ =	shalt  }
0x58: {  	_ =	shalt  }
0x59: {  	_ =	shalt  }
0x5a: {  	_ =	shalt  }
0x5b: {  	_ =	shalt  }
0x5c: {  	_ =	shalt  }
0x5d: {  	_ =	shalt  }
0x5e: {  	_ =	shalt  }
0x5f: {  	_ =	shalt  }
0x60: {  	_ =	shalt  }
0x61: {  	_ =	shalt  }
0x62: {  	_ =	shalt  }
0x63: {  	_ =	shalt  }
0x64: {  	_ =	shalt  }
0x65: {  	_ =	shalt  }
0x66: {  	_ =	shalt  }
0x67: {  	_ =	shalt  }
0x68: {  	_ =	shalt  }
0x69: {  	_ =	shalt  }
0x6a: {  	_ =	shalt  }
0x6b: {  	_ =	shalt  }
0x6c: {  	_ =	shalt  }
0x6d: {  	_ =	shalt  }
0x6e: {  	_ =	shalt  }
0x6f: {  	_ =	shalt  }
0x70: {  	_ =	shalt  }
0x71: {  	_ =	shalt  }
0x72: {  	_ =	shalt  }
0x73: {  	_ =	shalt  }
0x74: {  	_ =	shalt  }
0x75: {  	_ =	shalt  }
0x76: {  	_ =	shalt  }
0x77: {  	_ =	shalt  }
0x78: {  	_ =	shalt  }
0x79: {  	_ =	shalt  }
0x7a: {  	_ =	shalt  }
0x7b: {  	_ =	shalt  }
0x7c: {  	_ =	shalt  }
0x7d: {  	_ =	shalt  }
0x7e: {  	_ =	shalt  }
0x7f: {  	_ =	shalt  }
0x80: {  	_ =	shalt  }
0x81: {  	_ =	shalt  }
0x82: {  	_ =	shalt  }
0x83: {  	_ =	shalt  }
0x84: {  	_ =	shalt  }
0x85: {  	_ =	shalt  }
0x86: {  	_ =	shalt  }
0x87: {  	_ =	shalt  }
.Lfunc_end0:
.L_simem_size_0:
called_computation_lowered:
.L_overlay_start_0:
0x88: {  	s2 =	sld [smem:$0x3FD9]  }
0x89: {  	s3 =	sld [smem:$0x3FFE];
	_ =	sdelay $0x1  }
0x8a: {  	s1 =	srdreg.scid  }
0x8b: {  	s0 =	sand.u32 $0x1, s1  }
0x8c: {  	s17 =	sshll.u32 s0, $0xA;
	s2 =	sadd.s32 s3, s2  }
0x8d: {  	s2 =	sadd.s32 s2, s17  }
0x8e: {  	[smem:$0x3FC7] =	sst s2  }
0x8f: {  	_ = 	snop  }
0x90: {  	s2 =	sld [smem:$0x3FD0];
	(tm) =	ssettm $0x1  }
0x91: {  	s18 =	sld [smem:$0x3FFB];
	_ =	sdelay $0x3  }
0x92: {  	_ =	strace s18  }
0x93: {  	s3 =	sld [smem:$0x3FFC];
	_ =	sdelay $0x3  }
0x94: {  	_ =	strace s3  }
0x95: {  	s3 =	sld [smem:$0x3FFD];
	_ =	sdelay $0x3  }
0x96: {  	_ =	strace s3  }
0x97: {  	_ =	strace $0x8FFFFFFF  }
0x98: {  	s19 =	sld [smem:$0x3FDB];
	_ =	sdelay $0x1  }
0x99: {  	s4 =	simm.s32 $_scs_section_size  }
0x9a: {  	s5 =	simm.s32 $_size__tile_overlayer_lowered;
	s6 =	simm.s32 $_tile_overlayer_lowered  }
0x9b: {  	s22 =	simm.s32 $0x1BFF;
	s21 =	sshll.u32 s6, $0x1;
	s3 =	sadd.s32 s4, s19  }
0x9c: {  	s7 =	simm.s32 $0x0;
	s20 =	sshll.u32 s5, $0x1;
	s5 =	sadd.s32 s21, s3  }
0x9d: {  	[timem:s7], [sflag:s22] =	dma.local [hbm:s5], s20  }
0x9e: {  	_ =	swait.ge [sflag:s22], s20  }
0x9f: {  	s4 =	ssub.s32 $0x0, s20;
	[sflag:s22] =	ssyncset.done $0x0  }
0xa0: {  	[sflag:s22] =	ssyncadd.s32 s4;
	_ =	sdelay $0x1  }
0xa1: {  	s23 =	simm.s32 $0x1B8B  }
0xa2: {  	_ =	swait.ge [sflag:s23], $0x1  }
0xa3: {  	[sflag:s23] =	ssyncset.done $0x0  }
0xa4: {  	s25 =	simm.s32 $0x1B8E;
	s24 =	sld [smem:$0x3FFE];
	[sflag:s23] =	ssyncadd.s32 $0xFFFFFFFF  }
0xa5: {  	s26 =	simm.s32 $execute0_lowered;
	[smem:$0x3FD2] =	sst s25  }
0xa6: {  	s5 =	sshll.u32 s26, $0x1;
	_ =	strace $0x80000046;
	[dreg:$0x1] =	wrdreg $0xFFFFFFFF  }
0xa7: {  	s28 =	simm.s32 $_size_execute0_lowered;
	s3 =	sadd.s32 s3, s5;
	[dreg:$0x0] =	wrdreg $0x0  }
0xa8: {  	s5 =	sshll.u32 s28, $0x1;
	[dreg:$0x2] =	wrdreg s3  }
0xa9: {  	[dreg:$0x3] =	wrdreg s5  }
0xaa: {  	[dreg:$0x4] =	wrdreg $0xC0  }
0xab: {  	_ =	task [dreg:s7], $0x5FFFF  }
0xac: {  	[dreg:$0x1] =	wrdreg $0xFFFFFFFF  }
0xad: {  	[dreg:$0x0] =	wrdreg $0x60  }
0xae: {  	[dreg:$0x2] =	wrdreg s24  }
0xaf: {  	[dreg:$0x3] =	wrdreg s2  }
0xb0: {  	[dreg:$0x4] =	wrdreg $0x9  }
0xb1: {  	_ =	task.clear_ibuf [dreg:s7], $0x5FFFF;
	_ =	strace $0x90000046  }
0xb2: {  	s29 =	simm.s32 $0x9;
	_ =	strace $0x80000048  }
0xb3: {  	_ =	swait.ge [sflag:s29], $0x1  }
0xb4: {  	[sflag:s29] =	ssyncadd.s32 $0xFFFFFFFF  }
0xb5: {  	_ =	strace $0x90000048  }
0xb6: {  	_ =	sfence  }
0xb7: {  	s30 =	sld [smem:$0x0];
	_ =	sdelay $0x2  }
0xb8: {  	s31 =	sshll.u32 s1, $0xD;
	s1 =	sshrl.u32 s1, $0x2  }
0xb9: {  	s3 =	sand.u32 $0x4000, s31;
	s1 =	sadd.s32 s1, s30  }
0xba: {  	s0 =	sor.u32 s3, s0;
	s1 =	sshll.u32 s1, $0x11  }
0xbb: {  	s0 =	sor.u32 s1, s0  }
0xbc: {  	s0 =	sadd.s32 $0x8F2B, s0  }
0xbd: {  	[sflag:s0] =	ssyncadd.remote.s32 $0x1  }
0xbe: {  	_ =	sfence.sel $0xFFFF  }
0xbf: {  	[dreg:$0x0] =	wrdreg $0xFFFFFFFF;
	(pc) =	sbr.abs _section_cstart, $3  }
0xc0: {  	[dreg:$0x1] =	wrdreg $0xFFFFFFFF  }
0xc1: {  	_ =	task.clear_ibuf [dreg:s7], $0x2FFFF;
	_ =	strace $0x9FFFFFFF  }
0xc2: {  	(tm) =	ssettm $0x7FFFFFFF  }
0xc3: {  	_ =	shalt  }
tec
execute0_lowered:
.L_overlay_start_1:
0x0: {  	(tag) =	ssettag $0x1  }
0x1: {  	s2 =	rddreg [dreg:$0x0]  }
0x2: {  	s0 =	srdreg.scid;
	s19 =	rddreg [dreg:$0x1];
	s15 =	simm.s32 $0x0  }
0x3: {  	s3 =	stileid.u32;
	s1 =	sand.u32 $0x1, s0;
	[smem:$0x7FF] =	sst s15  }
0x4: {  	s0 =	sor.u32 s1, s3;
	p1 =	seq.s32 s1, $0x1;
	s4 =	ssub.s32 $0x2, s1  }
0x5: {  	_ =	strace $0x80000047;
	s16 =	sshll.u32 s1, $0x7;
	p0 =	seq.s32 s0, $0x0  }
0x6: {  	s22 =	sxor.u32 $0x1, s1;
	s24 =	sshll.u32 s1, $0x15;
	p0 =	por !p0, !p1  }
0x7: {  	s0 =	simm.s32 $0x1;
	s6 =	sshrl.u32 s4, $0x1;
	p0 =	por !p0, !p0  }
0x8: {  	[dreg:$0x6] =	wrdreg s16;
	s4 =	ssub.s32 s4, s6;
	s0 =	simm.s32 @!p0 $0x0  }
0x9: {  	s6 =	ssub.s32 s1, s22;
	s4 =	smax.u32 s4, $0x1;
	s3 =	ssub.s32 s3, s0  }
0xa: {  	p1 =	sne.s32 s6, $0x1;
	[dreg:$0x10] =	wrdreg s4;
	s0 =	sshrl.u32 s3, $0x3  }
0xb: {  	s5 =	sshll.u32 s3, $0x7;
	s23 =	sshll.u32 s3, $0x16;
	s0 =	smul.u32 $0x2400, s0  }
0xc: {  	s5 =	sand.u32 $0x380, s5;
	[dreg:$0x9] =	wrdreg s23;
	s12 =	sor.u32 s24, s23  }
0xd: {  	s10 =	sor.u32 $0x4000, s12;
	[dreg:$0xa] =	wrdreg s12;
	s0 =	sor.u32 s5, s0  }
0xe: {  	s5 =	simm.s32 $0x1;
	s16 =	sshrl.u32 s10, $0x3;
	s17 =	sshrl.u32 s0, $0x3  }
0xf: {  	s0 =	sshll.u32 s1, $0xA;
	s5 =	simm.s32 @!p1 $0x0;
	s1 =	sshll.u32 s1, $0xC  }
0x10: {  	s6 =	sadd.s32 s16, s19;
	s2 =	sadd.s32 s2, s17;
	s18 =	sshrl.u32 s0, $0x7  }
0x11: {  	s20 =	sadd.s32 $0xFFFFFE08, s0;
	s14 =	ssub.s32 $0x2180, s1;
	[dreg:$0x14] =	wrdreg s6  }
0x12: {  	[dreg:$0x7] =	wrdreg s2;
	s11 =	sadd.s32 $0xFFFFFFFC, s18;
	s21 =	sshrl.u32 s20, $0x18  }
0x13: {  	p0 =	sgt.s32 s11, $0x0;
	s2 =	sand.u32 $0x7F, s21;
	s7 =	smov.u32 s11  }
0x14: {  	s0 =	sxor.u32 $0x7E0, s0;
	s2 =	sadd.s32 s2, s20;
	s7 =	simm.s32 @!p0 $0x0  }
0x15: {  	[smem:$0x7E9] =	sst s0;
	s2 =	sshra.s32 s2, $0x7;
	s26 =	ssub.s32 $0x6, s7  }
0x16: {  	s25 =	sshll.u32 s7, $0xA;
	s2 =	ssub.s32 s2, s5;
	[dreg:$0xb] =	wrdreg s26  }
0x17: {  	s28 =	sor.u32 s25, s12;
	s30 =	sor.u32 $0x10480, s25;
	s3 =	sor.u32 $0x180, s25  }
0x18: {  	s8 =	sshrl.u32 s28, $0x3;
	[dreg:$0xd] =	wrdreg s30;
	p1 =	sgt.s32 s2, $0x1  }
0x19: {  	s13 =	smov.u32 s2;
	[dreg:$0x13] =	wrdreg s3;
	s8 =	sadd.s32 s19, s8  }
0x1a: {  	s3 =	sshrl.u32 s14, $0x2;
	s13 =	simm.s32 @!p1 $0x1;
	[dreg:$0xc] =	wrdreg s8  }
0x1b: {  	s23 =	sadd.s32 $0x8480, s3;
	[dreg:$0xe] =	wrdreg s13  }
0x1c: {  	s24 =	sadd.s32 $0x9480, s3;
	[dreg:$0x1a] =	wrdreg s23  }
0x1d: {  	s25 =	sadd.s32 $0xA480, s3;
	[dreg:$0x1b] =	wrdreg s24  }
0x1e: {  	s26 =	sadd.s32 $0xB480, s3;
	[dreg:$0x1c] =	wrdreg s25  }
0x1f: {  	p0 =	sgt.s32 s2, $0x0;
	s30 =	sadd.s32 $0xD480, s3;
	[dreg:$0x1d] =	wrdreg s26  }
0x20: {  	s5 =	smov.u32 s2;
	s6 =	sadd.s32 $0xF480, s3;
	[dreg:$0x1f] =	wrdreg s30  }
0x21: {  	s5 =	simm.s32 @!p0 $0x0;
	s14 =	sadd.s32 $0x5480, s3;
	[smem:$0x7E0] =	sst s6  }
0x22: {  	p0 =	sgt.s32 s11, $0x1;
	s16 =	sadd.s32 $0x6480, s3;
	[smem:$0x7E6] =	sst s14  }
0x23: {  	s11 =	simm.s32 @!p0 $0x1;
	[smem:$0x7E7] =	sst s16  }
0x24: {  	s13 =	sadd.s32 $0x2800, s28;
	[dreg:$0x8] =	wrdreg s11  }
0x25: {  	s22 =	ssub.s32 $0x6, s5;
	[dreg:$0x11] =	wrdreg s13  }
0x26: {  	s9 =	sshll.u32 s5, $0xA;
	s28 =	sadd.s32 $0xC480, s3;
	[dreg:$0x19] =	wrdreg s22  }
0x27: {  	s18 =	sadd.s32 $0x14480, s9;
	[dreg:$0x1e] =	wrdreg s28  }
0x28: {  	s20 =	sadd.s32 $0x14680, s9;
	[dreg:$0x16] =	wrdreg s18  }
0x29: {  	s31 =	sor.u32 s10, s9;
	s21 =	sor.u32 $0x380, s9;
	[dreg:$0x17] =	wrdreg s20  }
0x2a: {  	s17 =	sadd.s32 s9, s12;
	s9 =	sadd.s32 $0x1480, s3;
	[dreg:$0x18] =	wrdreg s21  }
0x2b: {  	p1 =	slt.s32 s2, $0x1;
	s10 =	sadd.s32 $0x2480, s3;
	[smem:$0x7E2] =	sst s9  }
0x2c: {  	p0 =	seq.s32 s7, $0x0;
	s11 =	sadd.s32 $0x3480, s3;
	[smem:$0x7E3] =	sst s10  }
0x2d: {  	s4 =	simm.s32 @!p0 $0x0;
	s13 =	sadd.s32 $0x4480, s3;
	[smem:$0x7E4] =	sst s11  }
0x2e: {  	s8 =	sshrl.u32 s31, $0x3;
	s4 =	simm.s32 @p0 $0x1;
	[smem:$0x7E5] =	sst s13  }
0x2f: {  	s2 =	sadd.s32 $0x6800, s17;
	s31 =	sadd.s32 $0xE480, s3;
	[smem:$0x7DE] =	sst s4  }
0x30: {  	s17 =	ssub.s32 $0x0, s1;
	s18 =	sshrl.u32 s1, $0x2;
	[dreg:$0x15] =	wrdreg s2  }
0x31: {  	s8 =	sadd.s32 s19, s8;
	s4 =	sshll.u32 s7, $0x9;
	[smem:$0x7DF] =	sst s31  }
0x32: {  	[dreg:$0xf] =	wrdreg s8;
	s8 =	sshll.u32 s7, $0xC;
	s7 =	sadd.s32 $0x480, s3  }
0x33: {  	s0 =	sshra.s32 s17, $0x2;
	s3 =	sadd.s32 $0x7480, s3;
	[smem:$0x7E1] =	sst s7  }
0x34: {  	s1 =	ssub.s32 $0x2140, s1;
	s20 =	sadd.s32 $0xF480, s0;
	[smem:$0x7E8] =	sst s3  }
0x35: {  	s1 =	sshrl.u32 s1, $0x2;
	s0 =	sadd.s32 $0x7480, s0;
	[smem:$0x7EA] =	sst s20  }
0x36: {  	s21 =	sadd.s32 $0xB480, s1;
	[smem:$0x7EB] =	sst s0  }
0x37: {  	s22 =	sadd.s32 $0xA480, s1;
	[smem:$0x7EC] =	sst s21  }
0x38: {  	s23 =	sadd.s32 $0x9480, s1;
	[smem:$0x7ED] =	sst s22  }
0x39: {  	s24 =	sadd.s32 $0x8480, s1;
	[smem:$0x7EE] =	sst s23  }
0x3a: {  	s25 =	sadd.s32 $0x3480, s1;
	[smem:$0x7EF] =	sst s24  }
0x3b: {  	s26 =	sadd.s32 $0x2480, s1;
	[smem:$0x7F0] =	sst s25  }
0x3c: {  	s29 =	simm.s32 $0x3;
	s28 =	sadd.s32 $0x1480, s1;
	[smem:$0x7F1] =	sst s26  }
0x3d: {  	s2 =	sshll.u32 s5, $0x9;
	s30 =	sadd.s32 $0x480, s1;
	[smem:$0x7F2] =	sst s28  }
0x3e: {  	s31 =	sshra.s32 s4, $0x2;
	s3 =	sxor.u32 $0x7F0, s18;
	[smem:$0x7F3] =	sst s30  }
0x3f: {  	s4 =	sor.u32 $0xC40, s8;
	s5 =	sor.u32 $0xC80, s8;
	s6 =	sor.u32 $0xCC0, s8  }
0x40: {  	s7 =	sor.u32 $0xD00, s8;
	s10 =	sor.u32 $0xD40, s8;
	s11 =	sor.u32 $0x780, s8  }
0x41: {  	[dreg:$0x12] =	wrdreg s8;
	s16 =	sor.u32 $0x7C0, s8;
	s26 =	sor.u32 $0x8000, s12  }
0x42: {  	s18 =	sshrl.u32 s2, $0x2;
	s28 =	sor.u32 $0xA800, s12;
	[smem:$0x7FA] =	sst s26  }
0x43: {  	v24 =	vlaneseq.u32;
	v0 =	vmov s31;
	s30 =	sor.u32 $0xC000, s12;
	s31 =	sor.u32 $0xE800, s12;
	[smem:$0x7FB] =	sst s28  }
0x44: {  	v9 =	vadd.s32 $0xFFFFF801, v24;
	v10 =	vadd.s32 $0xFFFFF802, v24;
	v11 =	vadd.s32 $0xFFFFF803, v24;
	s1 =	sshra.s32 s4, $0x2;
	s4 =	sshra.s32 s5, $0x2;
	[smem:$0x7FC] =	sst s30  }
0x45: {  	v12 =	vadd.s32 $0xFFFFF804, v24;
	v13 =	vadd.s32 $0xFFFFF805, v24;
	v14 =	vadd.s32 $0xFFFFF806, v24;
	s5 =	sshra.s32 s6, $0x2;
	s20 =	sadd.s32 $0xC480, s3;
	[smem:$0x7FD] =	sst s31  }
0x46: {  	v15 =	vadd.s32 $0xFFFFF807, v24;
	v16 =	vadd.s32 $0xFFFFF808, v24;
	v17 =	vadd.s32 $0xFFFFF809, v24;
	s9 =	sshra.s32 s7, $0x2;
	s21 =	sadd.s32 $0xD480, s3;
	[smem:$0x7F4] =	sst s20  }
0x47: {  	v18 =	vadd.s32 $0xFFFFF80A, v24;
	v19 =	vadd.s32 $0xFFFFF80B, v24;
	s13 =	sshra.s32 s10, $0x2;
	v8 =	vmov s18;
	s22 =	sadd.s32 $0xE480, s3;
	[smem:$0x7F5] =	sst s21  }
0x48: {  	v20 =	vadd.s32 $0xFFFFF80C, v24;
	v21 =	vadd.s32 $0xFFFFF80D, v24;
	v22 =	vadd.s32 $0xFFFFF80E, v24;
	s14 =	sshra.s32 s11, $0x2;
	s23 =	sadd.s32 $0x4480, s3;
	[smem:$0x7F6] =	sst s22  }
0x49: {  	v23 =	vadd.s32 $0xFFFFF80F, v24;
	v24 =	vor.u32 $0xFFFFF810, v24;
	s17 =	sshra.s32 s16, $0x2;
	s24 =	sadd.s32 $0x5480, s3;
	v1 =	vmov s1;
	[smem:$0x7F7] =	sst s23  }
0x4a: {  	s25 =	sadd.s32 $0x6480, s3;
	s16 =	simm.s32 $0x18480;
	v2 =	vmov s4;
	v3 =	vmov s5;
	v4 =	vmov s9;
	[smem:$0x7F8] =	sst s24  }
0x4b: {  	v5 =	vmov s13;
	v6 =	vmov s14;
	v7 =	vmov s17;
	[smem:$0x7F9] =	sst s25;
	s5 =	simm.s32 $0x18880;
	s4 =	simm.s32 $0x0  }
.LBB2_1:
0x4c: {  	v25 =	vadd.s32 s15, v9  }
0x4d: {  	vm0 =	vgt.s32 v25, $0xFFFFFE00  }
0x4e: {  	v25 =	vnsel vm0, $0xFFFFFE00, v25  }
0x4f: {  	vm0 =	vlt.s32 v25, $0x200  }
0x50: {  	s0 =	simm.s32 $0x10;
	s1 =	rddreg [dreg:$0x7];
	v25 =	vnsel vm0, $0x200, v25  }
0x51: {  	s2 =	simm.s32 $0x80;
	s3 =	simm.s32 $0x400;
	s28 =	simm.s32 $0x4;
	v25 =	vadd.s32 $0x200, v25  }
0x52: {  	[tilespmem:s15], [sflag:$0x4] =	stream.strided.gather [hbm4b:s1+s2], $0x480, s3, s2, $0x38;
	v26 =	vadd.s32 s0, v9;
	[tilespmem:$0x18C80] =	vst v63  }
0x53: {  	_ =	swait.ge [sflag:s28], $0x480;
	vm14 =	vgt.s32 v26, $0xFFFFFE00  }
0x54: {  	[sflag:s28] =	ssyncset.done $0x0;
	v26 =	vnsel vm14, $0xFFFFFE00, v26  }
0x55: {  	[sflag:s28] =	ssyncadd.s32 $0xFFFFFB80;
	vm0 =	vlt.s32 v26, $0x200  }
0x56: {  	v26 =	vnsel vm0, $0x200, v26;
	v25 =	vld.idx.msk [tilespmem:v25+s15+$0x0], $0xffff  }
0x57: {  	s30 =	simm.s32 $0x20;
	v26 =	vadd.s32 $0x200, v26  }
0x58: {  	v27 =	vadd.s32 s30, v9  }
0x59: {  	vm15 =	vgt.s32 v27, $0xFFFFFE00  }
0x5a: {  	s1 =	simm.s32 $0x480;
	v27 =	vnsel vm15, $0xFFFFFE00, v27  }
0x5b: {  	vm0 =	vlt.s32 v27, $0x200;
	[tilespmem:s1+$0x0] =	vst v25  }
0x5c: {  	v27 =	vnsel vm0, $0x200, v27;
	v25 =	vld.idx.msk [tilespmem:v26+s15+$0x0], $0xffff  }
0x5d: {  	v26 =	vadd.s32 $0x200, v27  }
0x5e: {  	s31 =	simm.s32 $0x30  }
0x5f: {  	s2 =	simm.s32 $0x40;
	v27 =	vadd.s32 s31, v9  }
.LBB2_2:
0x60: {  	p2 =	sne.s32 s2, $0xFF0;
	vm0 =	vgt.s32 v27, $0xFFFFFE00;
	s1 =	sadd.s32 $0x10, s1  }
0x61: {  	s0 =	simm.s32 $0x0;
	v27 =	vnsel vm0, $0xFFFFFE00, v27;
	[tilespmem:s1+$0x0] =	vst v25  }
.Ltmp0:
0x62: {  	vm0 =	vlt.s32 v27, $0x200;
	v25 =	vld.idx.msk [tilespmem:v26+s0+$0x0], $0xffff;
	(pc) =	sbr.rel @p2 .LBB2_2-.Ltmp0, $3  }
0x63: {  	v26 =	vnsel vm0, $0x200, v27  }
0x64: {  	v26 =	vadd.s32 $0x200, v26;
	_ =	sdelay $0x1  }
0x65: {  	v27 =	vadd.s32 s2, v9;
	s2 =	sadd.s32 $0x10, s2  }
0x66: {  	_ = 	snop  }
0x67: {  	vm0 =	vgt.s32 v27, $0xFFFFFE00  }
0x68: {  	s1 =	sadd.s32 $0x10, s1;
	v27 =	vnsel vm0, $0xFFFFFE00, v27  }
0x69: {  	[tilespmem:s1+$0x0] =	vst v25;
	vm0 =	vlt.s32 v27, $0x200  }
0x6a: {  	v25 =	vld.idx.msk [tilespmem:v26+s0+$0x0], $0xffff;
	v26 =	vnsel vm0, $0x200, v27  }
0x6b: {  	v26 =	vadd.s32 $0x200, v26;
	_ =	sdelay $0x2  }
0x6c: {  	s1 =	sadd.s32 $0x10, s1  }
0x6d: {  	[tilespmem:s1+$0x0] =	vst v25  }
0x6e: {  	p3 =	por $0x1, $0x1;
	v25 =	vld.idx.msk [tilespmem:v26+s0+$0x0], $0xffff  }
.Ltmp1:
0x6f: {  	_ = 	snop;
	(pc) =	sbr.rel @!p3 .LBB2_4-.Ltmp1, $4  }
0x70: {  	_ = 	snop  }
0x71: {  	s2 =	simm.s32 $0x1480  }
0x72: {  	p4 =	por $0x0, $0x0;
	p5 =	por $0x0, $0x0;
	s3 =	sadd.s32 $0x10, s1  }
0x73: {  	p2 =	por $0x0, $0x0;
	[smem:$0x7DD] =	sst s4;
	v27 =	vadd.s32 s0, v10;
	s1 =	simm.s32 $0x10;
	[tilespmem:s3+$0x0] =	vst v25  }
0x74: {  	p0 =	por $0x1, $0x1  }
.Ltmp2:
0x75: {  	vm0 =	vgt.s32 v27, $0xFFFFFE00;
	(pc) =	sbr.rel @!p0 .LBB2_6-.Ltmp2, $4  }
0x76: {  	v25 =	vnsel vm0, $0xFFFFFE00, v27  }
0x77: {  	vm0 =	vlt.s32 v25, $0x200  }
0x78: {  	v25 =	vnsel vm0, $0x200, v25  }
0x79: {  	s3 =	simm.s32 $0x20;
	p4 =	por $0x1, $0x1;
	v27 =	vadd.s32 s1, v10;
	v25 =	vadd.s32 $0x200, v25  }
0x7a: {  	p0 =	por $0x1, $0x1  }
.Ltmp3:
0x7b: {  	vm0 =	vgt.s32 v27, $0xFFFFFE00;
	(pc) =	sbr.rel @!p0 .LBB2_8-.Ltmp3, $4  }
0x7c: {  	v27 =	vnsel vm0, $0xFFFFFE00, v27  }
0x7d: {  	vm0 =	vlt.s32 v27, $0x200  }
0x7e: {  	v26 =	vld.idx.msk [tilespmem:v25+s0+$0x0], $0xffff;
	v25 =	vnsel vm0, $0x200, v27  }
0x7f: {  	p5 =	por $0x1, $0x1;
	v27 =	vadd.s32 s3, v10;
	s3 =	simm.s32 $0x30;
	v25 =	vadd.s32 $0x200, v25  }
0x80: {  	_ = 	snop  }
0x81: {  	vm0 =	vgt.s32 v27, $0xFFFFFE00  }
0x82: {  	p0 =	por $0x1, $0x1;
	v27 =	vnsel vm0, $0xFFFFFE00, v27  }
.Ltmp4:
0x83: {  	vm0 =	vlt.s32 v27, $0x200;
	[tilespmem:s2+$0x0] =	vst v26;
	(pc) =	sbr.rel @!p0 .LBB2_10-.Ltmp4, $3  }
0x84: {  	v28 =	vld.idx.msk [tilespmem:v25+s0+$0x0], $0xffff;
	v25 =	vnsel vm0, $0x200, v27  }
0x85: {  	v25 =	vadd.s32 $0x200, v25;
	_ =	sdelay $0x1  }
0x86: {  	s4 =	simm.s32 $0x40;
	p6 =	por $0x1, $0x1;
	v27 =	vadd.s32 s3, v10;
	s3 =	simm.s32 $0x1480  }
.LBB2_11:
0x87: {  	p0 =	sne.s32 s4, $0xFF0;
	vm0 =	vgt.s32 v27, $0xFFFFFE00;
	s3 =	sadd.s32 $0x10, s3  }
0x88: {  	v27 =	vnsel vm0, $0xFFFFFE00, v27;
	[tilespmem:s3+$0x0] =	vst v28  }
.Ltmp5:
0x89: {  	vm0 =	vlt.s32 v27, $0x200;
	v28 =	vld.idx.msk [tilespmem:v25+s0+$0x0], $0xffff;
	(pc) =	sbr.rel @p0 .LBB2_11-.Ltmp5, $3  }
0x8a: {  	v25 =	vnsel vm0, $0x200, v27  }
0x8b: {  	v25 =	vadd.s32 $0x200, v25;
	_ =	sdelay $0x1  }
0x8c: {  	v27 =	vadd.s32 s4, v10;
	s4 =	sadd.s32 $0x10, s4  }
.LBB2_12:
0x8d: {  	_ = 	snop  }
0x8e: {  	s3 =	sadd.s32 @p6 $0x10, s3;
	s4 =	simm.s32 $0x1480  }
0x8f: {  	vm0 =	vgt.s32 v27, $0xFFFFFE00;
	s4 =	smov.u32 @p6 s3  }
0x90: {  	v27 =	vnsel vm0, $0xFFFFFE00, v27;
	[tilespmem:s4+$0x0] =	vst @p5 v28  }
0x91: {  	vm0 =	vlt.s32 v27, $0x200;
	v25 =	vld.idx.msk @p4 [tilespmem:v25+s0+$0x0], $0xffff  }
0x92: {  	v27 =	vnsel vm0, $0x200, v27  }
0x93: {  	v27 =	vadd.s32 $0x200, v27;
	_ =	sdelay $0x1  }
0x94: {  	s3 =	sadd.s32 @p5 $0x10, s4;
	s4 =	simm.s32 $0x1480  }
0x95: {  	s4 =	smov.u32 @p5 s3;
	v25 =	vpsel p4, v25, v26  }
0x96: {  	[tilespmem:s4+$0x0] =	vst @p4 v25  }
0x97: {  	v25 =	vld.idx.msk [tilespmem:v27+s0+$0x0], $0xffff  }
.Ltmp6:
0x98: {  	_ = 	snop;
	(pc) =	sbr.rel @!p3 .LBB2_13-.Ltmp6, $4  }
0x99: {  	_ = 	snop  }
0x9a: {  	s3 =	sadd.s32 @p4 $0x10, s4  }
0x9b: {  	s2 =	smov.u32 @p4 s3  }
0x9c: {  	v27 =	vadd.s32 s0, v11;
	[tilespmem:s2+$0x0] =	vst v25;
	s2 =	simm.s32 $0x2480  }
0x9d: {  	p0 =	por $0x1, $0x1  }
.Ltmp7:
0x9e: {  	vm0 =	vgt.s32 v27, $0xFFFFFE00;
	(pc) =	sbr.rel @!p0 .LBB2_15-.Ltmp7, $4  }
0x9f: {  	v25 =	vnsel vm0, $0xFFFFFE00, v27  }
0xa0: {  	vm0 =	vlt.s32 v25, $0x200  }
0xa1: {  	v25 =	vnsel vm0, $0x200, v25  }
0xa2: {  	p3 =	por $0x1, $0x1;
	v27 =	vadd.s32 s1, v11;
	s1 =	simm.s32 $0x20;
	v25 =	vadd.s32 $0x200, v25  }
0xa3: {  	p0 =	por $0x1, $0x1  }
.Ltmp8:
0xa4: {  	vm0 =	vgt.s32 v27, $0xFFFFFE00;
	(pc) =	sbr.rel @!p0 .LBB2_17-.Ltmp8, $4  }
0xa5: {  	v27 =	vnsel vm0, $0xFFFFFE00, v27  }
0xa6: {  	s0 =	simm.s32 $0x0;
	vm0 =	vlt.s32 v27, $0x200  }
0xa7: {  	v26 =	vld.idx.msk [tilespmem:v25+s0+$0x0], $0xffff;
	v25 =	vnsel vm0, $0x200, v27  }
0xa8: {  	p4 =	por $0x1, $0x1;
	v27 =	vadd.s32 s1, v11;
	s1 =	simm.s32 $0x30;
	v25 =	vadd.s32 $0x200, v25  }
0xa9: {  	_ = 	snop  }
0xaa: {  	vm0 =	vgt.s32 v27, $0xFFFFFE00  }
0xab: {  	p0 =	por $0x1, $0x1;
	v27 =	vnsel vm0, $0xFFFFFE00, v27  }
.Ltmp9:
0xac: {  	vm0 =	vlt.s32 v27, $0x200;
	[tilespmem:s2+$0x0] =	vst v26;
	(pc) =	sbr.rel @!p0 .LBB2_19-.Ltmp9, $3  }
0xad: {  	v28 =	vld.idx.msk [tilespmem:v25+s0+$0x0], $0xffff;
	v25 =	vnsel vm0, $0x200, v27  }
0xae: {  	v25 =	vadd.s32 $0x200, v25;
	_ =	sdelay $0x1  }
0xaf: {  	p2 =	por $0x1, $0x1;
	v27 =	vadd.s32 s1, v11;
	s1 =	simm.s32 $0x40;
	s0 =	simm.s32 $0x2480  }
.LBB2_20:
0xb0: {  	p5 =	sne.s32 s1, $0xFF0;
	vm0 =	vgt.s32 v27, $0xFFFFFE00;
	s0 =	sadd.s32 $0x10, s0  }
0xb1: {  	s3 =	simm.s32 $0x0;
	v27 =	vnsel vm0, $0xFFFFFE00, v27;
	[tilespmem:s0+$0x0] =	vst v28  }
.Ltmp10:
0xb2: {  	vm0 =	vlt.s32 v27, $0x200;
	v28 =	vld.idx.msk [tilespmem:v25+s3+$0x0], $0xffff;
	(pc) =	sbr.rel @p5 .LBB2_20-.Ltmp10, $3  }
0xb3: {  	v25 =	vnsel vm0, $0x200, v27  }
0xb4: {  	v25 =	vadd.s32 $0x200, v25;
	_ =	sdelay $0x1  }
0xb5: {  	v27 =	vadd.s32 s1, v11;
	s1 =	sadd.s32 $0x10, s1  }
.LBB2_21:
0xb6: {  	_ = 	snop  }
0xb7: {  	s0 =	sadd.s32 @p2 $0x10, s0;
	s1 =	simm.s32 $0x2480  }
0xb8: {  	vm0 =	vgt.s32 v27, $0xFFFFFE00;
	s1 =	smov.u32 @p2 s0  }
0xb9: {  	v27 =	vnsel vm0, $0xFFFFFE00, v27;
	s0 =	simm.s32 @p3 $0x0;
	[tilespmem:s1+$0x0] =	vst @p4 v28  }
0xba: {  	vm0 =	vlt.s32 v27, $0x200;
	v25 =	vld.idx.msk @p3 [tilespmem:v25+s0+$0x0], $0xffff  }
0xbb: {  	v27 =	vnsel vm0, $0x200, v27  }
0xbc: {  	v27 =	vadd.s32 $0x200, v27;
	_ =	sdelay $0x1  }
0xbd: {  	s3 =	simm.s32 $0x2480;
	s0 =	sadd.s32 @p4 $0x10, s1  }
0xbe: {  	s3 =	smov.u32 @p4 s0;
	v25 =	vpsel p3, v25, v26  }
0xbf: {  	s1 =	simm.s32 $0x0;
	s0 =	sadd.s32 @p3 $0x10, s3;
	[tilespmem:s3+$0x0] =	vst @p3 v25  }
0xc0: {  	s2 =	smov.u32 @p3 s0;
	p3 =	por $0x1, $0x1;
	v25 =	vld.idx.msk [tilespmem:v27+s1+$0x0], $0xffff  }
.Ltmp11:
0xc1: {  	_ = 	snop;
	(pc) =	sbr.rel @!p3 .LBB2_22-.Ltmp11, $3  }
0xc2: {  	_ =	sdelay $0x1  }
0xc3: {  	p5 =	por $0x0, $0x0;
	p2 =	por $0x0, $0x0  }
0xc4: {  	p4 =	por $0x0, $0x0;
	s0 =	simm.s32 $0x10;
	s3 =	simm.s32 $0x3480;
	v27 =	vadd.s32 s1, v12;
	[tilespmem:s2+$0x0] =	vst v25  }
0xc5: {  	p0 =	por $0x1, $0x1  }
.Ltmp12:
0xc6: {  	vm0 =	vgt.s32 v27, $0xFFFFFE00;
	(pc) =	sbr.rel @!p0 .LBB2_24-.Ltmp12, $4  }
0xc7: {  	v25 =	vnsel vm0, $0xFFFFFE00, v27  }
0xc8: {  	vm0 =	vlt.s32 v25, $0x200  }
0xc9: {  	v25 =	vnsel vm0, $0x200, v25  }
0xca: {  	s2 =	simm.s32 $0x20;
	p4 =	por $0x1, $0x1;
	v27 =	vadd.s32 s0, v12;
	v25 =	vadd.s32 $0x200, v25  }
0xcb: {  	p0 =	por $0x1, $0x1  }
.Ltmp13:
0xcc: {  	vm0 =	vgt.s32 v27, $0xFFFFFE00;
	(pc) =	sbr.rel @!p0 .LBB2_26-.Ltmp13, $4  }
0xcd: {  	v27 =	vnsel vm0, $0xFFFFFE00, v27  }
0xce: {  	vm0 =	vlt.s32 v27, $0x200  }
0xcf: {  	v26 =	vld.idx.msk [tilespmem:v25+s1+$0x0], $0xffff;
	v25 =	vnsel vm0, $0x200, v27  }
0xd0: {  	p5 =	por $0x1, $0x1;
	v27 =	vadd.s32 s2, v12;
	s2 =	simm.s32 $0x30;
	v25 =	vadd.s32 $0x200, v25  }
0xd1: {  	_ = 	snop  }
0xd2: {  	vm0 =	vgt.s32 v27, $0xFFFFFE00  }
0xd3: {  	p0 =	por $0x1, $0x1;
	v27 =	vnsel vm0, $0xFFFFFE00, v27  }
.Ltmp14:
0xd4: {  	vm0 =	vlt.s32 v27, $0x200;
	[tilespmem:s3+$0x0] =	vst v26;
	(pc) =	sbr.rel @!p0 .LBB2_28-.Ltmp14, $3  }
0xd5: {  	v28 =	vld.idx.msk [tilespmem:v25+s1+$0x0], $0xffff;
	v25 =	vnsel vm0, $0x200, v27  }
0xd6: {  	v25 =	vadd.s32 $0x200, v25;
	_ =	sdelay $0x1  }
0xd7: {  	s4 =	simm.s32 $0x40;
	p6 =	por $0x1, $0x1;
	v27 =	vadd.s32 s2, v12;
	s2 =	simm.s32 $0x3480  }
.LBB2_29:
0xd8: {  	p0 =	sne.s32 s4, $0xFF0;
	vm0 =	vgt.s32 v27, $0xFFFFFE00;
	s2 =	sadd.s32 $0x10, s2  }
0xd9: {  	v27 =	vnsel vm0, $0xFFFFFE00, v27;
	[tilespmem:s2+$0x0] =	vst v28  }
.Ltmp15:
0xda: {  	vm0 =	vlt.s32 v27, $0x200;
	v28 =	vld.idx.msk [tilespmem:v25+s1+$0x0], $0xffff;
	(pc) =	sbr.rel @p0 .LBB2_29-.Ltmp15, $3  }
0xdb: {  	v25 =	vnsel vm0, $0x200, v27  }
0xdc: {  	v25 =	vadd.s32 $0x200, v25;
	_ =	sdelay $0x1  }
0xdd: {  	v27 =	vadd.s32 s4, v12;
	s4 =	sadd.s32 $0x10, s4  }
.LBB2_30:
0xde: {  	_ = 	snop  }
0xdf: {  	s2 =	sadd.s32 @p6 $0x10, s2;
	s4 =	simm.s32 $0x3480  }
0xe0: {  	vm0 =	vgt.s32 v27, $0xFFFFFE00;
	s4 =	smov.u32 @p6 s2  }
0xe1: {  	v27 =	vnsel vm0, $0xFFFFFE00, v27;
	[tilespmem:s4+$0x0] =	vst @p5 v28  }
0xe2: {  	vm0 =	vlt.s32 v27, $0x200;
	v25 =	vld.idx.msk @p4 [tilespmem:v25+s1+$0x0], $0xffff  }
0xe3: {  	v27 =	vnsel vm0, $0x200, v27  }
0xe4: {  	v27 =	vadd.s32 $0x200, v27;
	_ =	sdelay $0x1  }
0xe5: {  	s2 =	sadd.s32 @p5 $0x10, s4;
	s4 =	simm.s32 $0x3480  }
0xe6: {  	s4 =	smov.u32 @p5 s2;
	v25 =	vpsel p4, v25, v26  }
0xe7: {  	[tilespmem:s4+$0x0] =	vst @p4 v25  }
0xe8: {  	v25 =	vld.idx.msk [tilespmem:v27+s1+$0x0], $0xffff  }
.Ltmp16:
0xe9: {  	_ = 	snop;
	(pc) =	sbr.rel @!p3 .LBB2_31-.Ltmp16, $4  }
0xea: {  	_ = 	snop  }
0xeb: {  	s2 =	sadd.s32 @p4 $0x10, s4  }
0xec: {  	s3 =	smov.u32 @p4 s2  }
0xed: {  	s2 =	simm.s32 $0x4480;
	v27 =	vadd.s32 s1, v13;
	[tilespmem:s3+$0x0] =	vst v25  }
0xee: {  	p0 =	por $0x1, $0x1  }
.Ltmp17:
0xef: {  	vm0 =	vgt.s32 v27, $0xFFFFFE00;
	(pc) =	sbr.rel @!p0 .LBB2_33-.Ltmp17, $4  }
0xf0: {  	v25 =	vnsel vm0, $0xFFFFFE00, v27  }
0xf1: {  	vm0 =	vlt.s32 v25, $0x200  }
0xf2: {  	v25 =	vnsel vm0, $0x200, v25  }
0xf3: {  	s1 =	simm.s32 $0x20;
	p3 =	por $0x1, $0x1;
	v27 =	vadd.s32 s0, v13;
	v25 =	vadd.s32 $0x200, v25  }
0xf4: {  	p0 =	por $0x1, $0x1  }
.Ltmp18:
0xf5: {  	vm0 =	vgt.s32 v27, $0xFFFFFE00;
	(pc) =	sbr.rel @!p0 .LBB2_35-.Ltmp18, $4  }
0xf6: {  	v27 =	vnsel vm0, $0xFFFFFE00, v27  }
0xf7: {  	s0 =	simm.s32 $0x0;
	vm0 =	vlt.s32 v27, $0x200  }
0xf8: {  	v26 =	vld.idx.msk [tilespmem:v25+s0+$0x0], $0xffff;
	v25 =	vnsel vm0, $0x200, v27  }
0xf9: {  	p4 =	por $0x1, $0x1;
	v27 =	vadd.s32 s1, v13;
	s1 =	simm.s32 $0x30;
	v25 =	vadd.s32 $0x200, v25  }
0xfa: {  	_ = 	snop  }
0xfb: {  	vm0 =	vgt.s32 v27, $0xFFFFFE00  }
0xfc: {  	p0 =	por $0x1, $0x1;
	v27 =	vnsel vm0, $0xFFFFFE00, v27  }
.Ltmp19:
0xfd: {  	vm0 =	vlt.s32 v27, $0x200;
	[tilespmem:s2+$0x0] =	vst v26;
	(pc) =	sbr.rel @!p0 .LBB2_37-.Ltmp19, $3  }
0xfe: {  	v28 =	vld.idx.msk [tilespmem:v25+s0+$0x0], $0xffff;
	v25 =	vnsel vm0, $0x200, v27  }
0xff: {  	v25 =	vadd.s32 $0x200, v25;
	_ =	sdelay $0x1  }
0x100: {  	p2 =	por $0x1, $0x1;
	v27 =	vadd.s32 s1, v13;
	s1 =	simm.s32 $0x40;
	s0 =	simm.s32 $0x4480  }
.LBB2_38:
0x101: {  	p5 =	sne.s32 s1, $0xFF0;
	vm0 =	vgt.s32 v27, $0xFFFFFE00;
	s0 =	sadd.s32 $0x10, s0  }
0x102: {  	s3 =	simm.s32 $0x0;
	v27 =	vnsel vm0, $0xFFFFFE00, v27;
	[tilespmem:s0+$0x0] =	vst v28  }
.Ltmp20:
0x103: {  	vm0 =	vlt.s32 v27, $0x200;
	v28 =	vld.idx.msk [tilespmem:v25+s3+$0x0], $0xffff;
	(pc) =	sbr.rel @p5 .LBB2_38-.Ltmp20, $3  }
0x104: {  	v25 =	vnsel vm0, $0x200, v27  }
0x105: {  	v25 =	vadd.s32 $0x200, v25;
	_ =	sdelay $0x1  }
0x106: {  	v27 =	vadd.s32 s1, v13;
	s1 =	sadd.s32 $0x10, s1  }
.LBB2_39:
0x107: {  	_ = 	snop  }
0x108: {  	s0 =	sadd.s32 @p2 $0x10, s0;
	s1 =	simm.s32 $0x4480  }
0x109: {  	vm0 =	vgt.s32 v27, $0xFFFFFE00;
	s1 =	smov.u32 @p2 s0  }
0x10a: {  	v27 =	vnsel vm0, $0xFFFFFE00, v27;
	s0 =	simm.s32 @p3 $0x0;
	[tilespmem:s1+$0x0] =	vst @p4 v28  }
0x10b: {  	vm0 =	vlt.s32 v27, $0x200;
	v25 =	vld.idx.msk @p3 [tilespmem:v25+s0+$0x0], $0xffff  }
0x10c: {  	v27 =	vnsel vm0, $0x200, v27  }
0x10d: {  	v27 =	vadd.s32 $0x200, v27;
	_ =	sdelay $0x1  }
0x10e: {  	s3 =	simm.s32 $0x4480;
	s0 =	sadd.s32 @p4 $0x10, s1  }
0x10f: {  	s3 =	smov.u32 @p4 s0;
	v25 =	vpsel p3, v25, v26  }
0x110: {  	s1 =	simm.s32 $0x0;
	s0 =	sadd.s32 @p3 $0x10, s3;
	[tilespmem:s3+$0x0] =	vst @p3 v25  }
0x111: {  	s2 =	smov.u32 @p3 s0;
	p3 =	por $0x1, $0x1;
	v25 =	vld.idx.msk [tilespmem:v27+s1+$0x0], $0xffff  }
.Ltmp21:
0x112: {  	_ = 	snop;
	(pc) =	sbr.rel @!p3 .LBB2_40-.Ltmp21, $3  }
0x113: {  	_ =	sdelay $0x1  }
0x114: {  	p5 =	por $0x0, $0x0;
	p2 =	por $0x0, $0x0  }
0x115: {  	p4 =	por $0x0, $0x0;
	s0 =	simm.s32 $0x10;
	s3 =	simm.s32 $0x5480;
	v27 =	vadd.s32 s1, v14;
	[tilespmem:s2+$0x0] =	vst v25  }
0x116: {  	p0 =	por $0x1, $0x1  }
.Ltmp22:
0x117: {  	vm0 =	vgt.s32 v27, $0xFFFFFE00;
	(pc) =	sbr.rel @!p0 .LBB2_42-.Ltmp22, $4  }
0x118: {  	v25 =	vnsel vm0, $0xFFFFFE00, v27  }
0x119: {  	vm0 =	vlt.s32 v25, $0x200  }
0x11a: {  	v25 =	vnsel vm0, $0x200, v25  }
0x11b: {  	s2 =	simm.s32 $0x20;
	p4 =	por $0x1, $0x1;
	v27 =	vadd.s32 s0, v14;
	v25 =	vadd.s32 $0x200, v25  }
0x11c: {  	p0 =	por $0x1, $0x1  }
.Ltmp23:
0x11d: {  	vm0 =	vgt.s32 v27, $0xFFFFFE00;
	(pc) =	sbr.rel @!p0 .LBB2_44-.Ltmp23, $4  }
0x11e: {  	v27 =	vnsel vm0, $0xFFFFFE00, v27  }
0x11f: {  	vm0 =	vlt.s32 v27, $0x200  }
0x120: {  	v26 =	vld.idx.msk [tilespmem:v25+s1+$0x0], $0xffff;
	v25 =	vnsel vm0, $0x200, v27  }
0x121: {  	p5 =	por $0x1, $0x1;
	v27 =	vadd.s32 s2, v14;
	s2 =	simm.s32 $0x30;
	v25 =	vadd.s32 $0x200, v25  }
0x122: {  	_ = 	snop  }
0x123: {  	vm0 =	vgt.s32 v27, $0xFFFFFE00  }
0x124: {  	p0 =	por $0x1, $0x1;
	v27 =	vnsel vm0, $0xFFFFFE00, v27  }
.Ltmp24:
0x125: {  	vm0 =	vlt.s32 v27, $0x200;
	[tilespmem:s3+$0x0] =	vst v26;
	(pc) =	sbr.rel @!p0 .LBB2_46-.Ltmp24, $3  }
0x126: {  	v28 =	vld.idx.msk [tilespmem:v25+s1+$0x0], $0xffff;
	v25 =	vnsel vm0, $0x200, v27  }
0x127: {  	v25 =	vadd.s32 $0x200, v25;
	_ =	sdelay $0x1  }
0x128: {  	s4 =	simm.s32 $0x40;
	p6 =	por $0x1, $0x1;
	v27 =	vadd.s32 s2, v14;
	s2 =	simm.s32 $0x5480  }
.LBB2_47:
0x129: {  	p0 =	sne.s32 s4, $0xFF0;
	vm0 =	vgt.s32 v27, $0xFFFFFE00;
	s2 =	sadd.s32 $0x10, s2  }
0x12a: {  	v27 =	vnsel vm0, $0xFFFFFE00, v27;
	[tilespmem:s2+$0x0] =	vst v28  }
.Ltmp25:
0x12b: {  	vm0 =	vlt.s32 v27, $0x200;
	v28 =	vld.idx.msk [tilespmem:v25+s1+$0x0], $0xffff;
	(pc) =	sbr.rel @p0 .LBB2_47-.Ltmp25, $3  }
0x12c: {  	v25 =	vnsel vm0, $0x200, v27  }
0x12d: {  	v25 =	vadd.s32 $0x200, v25;
	_ =	sdelay $0x1  }
0x12e: {  	v27 =	vadd.s32 s4, v14;
	s4 =	sadd.s32 $0x10, s4  }
.LBB2_48:
0x12f: {  	_ = 	snop  }
0x130: {  	s2 =	sadd.s32 @p6 $0x10, s2;
	s4 =	simm.s32 $0x5480  }
0x131: {  	vm0 =	vgt.s32 v27, $0xFFFFFE00;
	s4 =	smov.u32 @p6 s2  }
0x132: {  	v27 =	vnsel vm0, $0xFFFFFE00, v27;
	[tilespmem:s4+$0x0] =	vst @p5 v28  }
0x133: {  	vm0 =	vlt.s32 v27, $0x200;
	v25 =	vld.idx.msk @p4 [tilespmem:v25+s1+$0x0], $0xffff  }
0x134: {  	v27 =	vnsel vm0, $0x200, v27  }
0x135: {  	v27 =	vadd.s32 $0x200, v27;
	_ =	sdelay $0x1  }
0x136: {  	s2 =	sadd.s32 @p5 $0x10, s4;
	s4 =	simm.s32 $0x5480  }
0x137: {  	s4 =	smov.u32 @p5 s2;
	v25 =	vpsel p4, v25, v26  }
0x138: {  	[tilespmem:s4+$0x0] =	vst @p4 v25  }
0x139: {  	v25 =	vld.idx.msk [tilespmem:v27+s1+$0x0], $0xffff  }
.Ltmp26:
0x13a: {  	_ = 	snop;
	(pc) =	sbr.rel @!p3 .LBB2_49-.Ltmp26, $4  }
0x13b: {  	_ = 	snop  }
0x13c: {  	s2 =	sadd.s32 @p4 $0x10, s4  }
0x13d: {  	s3 =	smov.u32 @p4 s2  }
0x13e: {  	s2 =	simm.s32 $0x6480;
	v27 =	vadd.s32 s1, v15;
	[tilespmem:s3+$0x0] =	vst v25  }
0x13f: {  	p0 =	por $0x1, $0x1  }
.Ltmp27:
0x140: {  	vm0 =	vgt.s32 v27, $0xFFFFFE00;
	(pc) =	sbr.rel @!p0 .LBB2_51-.Ltmp27, $4  }
0x141: {  	v25 =	vnsel vm0, $0xFFFFFE00, v27  }
0x142: {  	vm0 =	vlt.s32 v25, $0x200  }
0x143: {  	v25 =	vnsel vm0, $0x200, v25  }
0x144: {  	s1 =	simm.s32 $0x20;
	p3 =	por $0x1, $0x1;
	v27 =	vadd.s32 s0, v15;
	v25 =	vadd.s32 $0x200, v25  }
0x145: {  	p0 =	por $0x1, $0x1  }
.Ltmp28:
0x146: {  	vm0 =	vgt.s32 v27, $0xFFFFFE00;
	(pc) =	sbr.rel @!p0 .LBB2_53-.Ltmp28, $4  }
0x147: {  	v27 =	vnsel vm0, $0xFFFFFE00, v27  }
0x148: {  	s0 =	simm.s32 $0x0;
	vm0 =	vlt.s32 v27, $0x200  }
0x149: {  	v26 =	vld.idx.msk [tilespmem:v25+s0+$0x0], $0xffff;
	v25 =	vnsel vm0, $0x200, v27  }
0x14a: {  	p4 =	por $0x1, $0x1;
	v27 =	vadd.s32 s1, v15;
	s1 =	simm.s32 $0x30;
	v25 =	vadd.s32 $0x200, v25  }
0x14b: {  	_ = 	snop  }
0x14c: {  	vm0 =	vgt.s32 v27, $0xFFFFFE00  }
0x14d: {  	p0 =	por $0x1, $0x1;
	v27 =	vnsel vm0, $0xFFFFFE00, v27  }
.Ltmp29:
0x14e: {  	vm0 =	vlt.s32 v27, $0x200;
	[tilespmem:s2+$0x0] =	vst v26;
	(pc) =	sbr.rel @!p0 .LBB2_55-.Ltmp29, $3  }
0x14f: {  	v28 =	vld.idx.msk [tilespmem:v25+s0+$0x0], $0xffff;
	v25 =	vnsel vm0, $0x200, v27  }
0x150: {  	v25 =	vadd.s32 $0x200, v25;
	_ =	sdelay $0x1  }
0x151: {  	p2 =	por $0x1, $0x1;
	v27 =	vadd.s32 s1, v15;
	s1 =	simm.s32 $0x40;
	s0 =	simm.s32 $0x6480  }
.LBB2_56:
0x152: {  	p5 =	sne.s32 s1, $0xFF0;
	vm0 =	vgt.s32 v27, $0xFFFFFE00;
	s0 =	sadd.s32 $0x10, s0  }
0x153: {  	s3 =	simm.s32 $0x0;
	v27 =	vnsel vm0, $0xFFFFFE00, v27;
	[tilespmem:s0+$0x0] =	vst v28  }
.Ltmp30:
0x154: {  	vm0 =	vlt.s32 v27, $0x200;
	v28 =	vld.idx.msk [tilespmem:v25+s3+$0x0], $0xffff;
	(pc) =	sbr.rel @p5 .LBB2_56-.Ltmp30, $3  }
0x155: {  	v25 =	vnsel vm0, $0x200, v27  }
0x156: {  	v25 =	vadd.s32 $0x200, v25;
	_ =	sdelay $0x1  }
0x157: {  	v27 =	vadd.s32 s1, v15;
	s1 =	sadd.s32 $0x10, s1  }
.LBB2_57:
0x158: {  	_ = 	snop  }
0x159: {  	s0 =	sadd.s32 @p2 $0x10, s0;
	s1 =	simm.s32 $0x6480  }
0x15a: {  	vm0 =	vgt.s32 v27, $0xFFFFFE00;
	s1 =	smov.u32 @p2 s0  }
0x15b: {  	v27 =	vnsel vm0, $0xFFFFFE00, v27;
	s0 =	simm.s32 @p3 $0x0;
	[tilespmem:s1+$0x0] =	vst @p4 v28  }
0x15c: {  	vm0 =	vlt.s32 v27, $0x200;
	v25 =	vld.idx.msk @p3 [tilespmem:v25+s0+$0x0], $0xffff  }
0x15d: {  	v27 =	vnsel vm0, $0x200, v27  }
0x15e: {  	v27 =	vadd.s32 $0x200, v27;
	_ =	sdelay $0x1  }
0x15f: {  	s3 =	simm.s32 $0x6480;
	s0 =	sadd.s32 @p4 $0x10, s1  }
0x160: {  	s3 =	smov.u32 @p4 s0;
	v25 =	vpsel p3, v25, v26  }
0x161: {  	s1 =	simm.s32 $0x0;
	s0 =	sadd.s32 @p3 $0x10, s3;
	[tilespmem:s3+$0x0] =	vst @p3 v25  }
0x162: {  	s2 =	smov.u32 @p3 s0;
	p3 =	por $0x1, $0x1;
	v25 =	vld.idx.msk [tilespmem:v27+s1+$0x0], $0xffff  }
.Ltmp31:
0x163: {  	_ = 	snop;
	(pc) =	sbr.rel @!p3 .LBB2_58-.Ltmp31, $3  }
0x164: {  	_ =	sdelay $0x1  }
0x165: {  	p5 =	por $0x0, $0x0;
	p2 =	por $0x0, $0x0  }
0x166: {  	p4 =	por $0x0, $0x0;
	s0 =	simm.s32 $0x10;
	s3 =	simm.s32 $0x7480;
	v27 =	vadd.s32 s1, v16;
	[tilespmem:s2+$0x0] =	vst v25  }
0x167: {  	p0 =	por $0x1, $0x1  }
.Ltmp32:
0x168: {  	vm0 =	vgt.s32 v27, $0xFFFFFE00;
	(pc) =	sbr.rel @!p0 .LBB2_60-.Ltmp32, $4  }
0x169: {  	v25 =	vnsel vm0, $0xFFFFFE00, v27  }
0x16a: {  	vm0 =	vlt.s32 v25, $0x200  }
0x16b: {  	v25 =	vnsel vm0, $0x200, v25  }
0x16c: {  	s2 =	simm.s32 $0x20;
	p4 =	por $0x1, $0x1;
	v27 =	vadd.s32 s0, v16;
	v25 =	vadd.s32 $0x200, v25  }
0x16d: {  	p0 =	por $0x1, $0x1  }
.Ltmp33:
0x16e: {  	vm0 =	vgt.s32 v27, $0xFFFFFE00;
	(pc) =	sbr.rel @!p0 .LBB2_62-.Ltmp33, $4  }
0x16f: {  	v27 =	vnsel vm0, $0xFFFFFE00, v27  }
0x170: {  	vm0 =	vlt.s32 v27, $0x200  }
0x171: {  	v26 =	vld.idx.msk [tilespmem:v25+s1+$0x0], $0xffff;
	v25 =	vnsel vm0, $0x200, v27  }
0x172: {  	p5 =	por $0x1, $0x1;
	v27 =	vadd.s32 s2, v16;
	s2 =	simm.s32 $0x30;
	v25 =	vadd.s32 $0x200, v25  }
0x173: {  	_ = 	snop  }
0x174: {  	vm0 =	vgt.s32 v27, $0xFFFFFE00  }
0x175: {  	p0 =	por $0x1, $0x1;
	v27 =	vnsel vm0, $0xFFFFFE00, v27  }
.Ltmp34:
0x176: {  	vm0 =	vlt.s32 v27, $0x200;
	[tilespmem:s3+$0x0] =	vst v26;
	(pc) =	sbr.rel @!p0 .LBB2_64-.Ltmp34, $3  }
0x177: {  	v28 =	vld.idx.msk [tilespmem:v25+s1+$0x0], $0xffff;
	v25 =	vnsel vm0, $0x200, v27  }
0x178: {  	v25 =	vadd.s32 $0x200, v25;
	_ =	sdelay $0x1  }
0x179: {  	s4 =	simm.s32 $0x40;
	p6 =	por $0x1, $0x1;
	v27 =	vadd.s32 s2, v16;
	s2 =	simm.s32 $0x7480  }
.LBB2_65:
0x17a: {  	p0 =	sne.s32 s4, $0xFF0;
	vm0 =	vgt.s32 v27, $0xFFFFFE00;
	s2 =	sadd.s32 $0x10, s2  }
0x17b: {  	v27 =	vnsel vm0, $0xFFFFFE00, v27;
	[tilespmem:s2+$0x0] =	vst v28  }
.Ltmp35:
0x17c: {  	vm0 =	vlt.s32 v27, $0x200;
	v28 =	vld.idx.msk [tilespmem:v25+s1+$0x0], $0xffff;
	(pc) =	sbr.rel @p0 .LBB2_65-.Ltmp35, $3  }
0x17d: {  	v25 =	vnsel vm0, $0x200, v27  }
0x17e: {  	v25 =	vadd.s32 $0x200, v25;
	_ =	sdelay $0x1  }
0x17f: {  	v27 =	vadd.s32 s4, v16;
	s4 =	sadd.s32 $0x10, s4  }
.LBB2_66:
0x180: {  	_ = 	snop  }
0x181: {  	s2 =	sadd.s32 @p6 $0x10, s2;
	s4 =	simm.s32 $0x7480  }
0x182: {  	vm0 =	vgt.s32 v27, $0xFFFFFE00;
	s4 =	smov.u32 @p6 s2  }
0x183: {  	v27 =	vnsel vm0, $0xFFFFFE00, v27;
	[tilespmem:s4+$0x0] =	vst @p5 v28  }
0x184: {  	vm0 =	vlt.s32 v27, $0x200;
	v25 =	vld.idx.msk @p4 [tilespmem:v25+s1+$0x0], $0xffff  }
0x185: {  	v27 =	vnsel vm0, $0x200, v27  }
0x186: {  	v27 =	vadd.s32 $0x200, v27;
	_ =	sdelay $0x1  }
0x187: {  	s2 =	sadd.s32 @p5 $0x10, s4;
	s4 =	simm.s32 $0x7480  }
0x188: {  	s4 =	smov.u32 @p5 s2;
	v25 =	vpsel p4, v25, v26  }
0x189: {  	[tilespmem:s4+$0x0] =	vst @p4 v25  }
0x18a: {  	v25 =	vld.idx.msk [tilespmem:v27+s1+$0x0], $0xffff  }
.Ltmp36:
0x18b: {  	_ = 	snop;
	(pc) =	sbr.rel @!p3 .LBB2_67-.Ltmp36, $4  }
0x18c: {  	_ = 	snop  }
0x18d: {  	s2 =	sadd.s32 @p4 $0x10, s4  }
0x18e: {  	s3 =	smov.u32 @p4 s2  }
0x18f: {  	s2 =	simm.s32 $0x8480;
	v27 =	vadd.s32 s1, v17;
	[tilespmem:s3+$0x0] =	vst v25  }
0x190: {  	p0 =	por $0x1, $0x1  }
.Ltmp37:
0x191: {  	vm0 =	vgt.s32 v27, $0xFFFFFE00;
	(pc) =	sbr.rel @!p0 .LBB2_69-.Ltmp37, $4  }
0x192: {  	v25 =	vnsel vm0, $0xFFFFFE00, v27  }
0x193: {  	vm0 =	vlt.s32 v25, $0x200  }
0x194: {  	v25 =	vnsel vm0, $0x200, v25  }
0x195: {  	s1 =	simm.s32 $0x20;
	p3 =	por $0x1, $0x1;
	v27 =	vadd.s32 s0, v17;
	v25 =	vadd.s32 $0x200, v25  }
0x196: {  	p0 =	por $0x1, $0x1  }
.Ltmp38:
0x197: {  	vm0 =	vgt.s32 v27, $0xFFFFFE00;
	(pc) =	sbr.rel @!p0 .LBB2_71-.Ltmp38, $4  }
0x198: {  	v27 =	vnsel vm0, $0xFFFFFE00, v27  }
0x199: {  	s0 =	simm.s32 $0x0;
	vm0 =	vlt.s32 v27, $0x200  }
0x19a: {  	v26 =	vld.idx.msk [tilespmem:v25+s0+$0x0], $0xffff;
	v25 =	vnsel vm0, $0x200, v27  }
0x19b: {  	p4 =	por $0x1, $0x1;
	v27 =	vadd.s32 s1, v17;
	s1 =	simm.s32 $0x30;
	v25 =	vadd.s32 $0x200, v25  }
0x19c: {  	_ = 	snop  }
0x19d: {  	vm0 =	vgt.s32 v27, $0xFFFFFE00  }
0x19e: {  	p0 =	por $0x1, $0x1;
	v27 =	vnsel vm0, $0xFFFFFE00, v27  }
.Ltmp39:
0x19f: {  	vm0 =	vlt.s32 v27, $0x200;
	[tilespmem:s2+$0x0] =	vst v26;
	(pc) =	sbr.rel @!p0 .LBB2_73-.Ltmp39, $3  }
0x1a0: {  	v28 =	vld.idx.msk [tilespmem:v25+s0+$0x0], $0xffff;
	v25 =	vnsel vm0, $0x200, v27  }
0x1a1: {  	v25 =	vadd.s32 $0x200, v25;
	_ =	sdelay $0x1  }
0x1a2: {  	p2 =	por $0x1, $0x1;
	v27 =	vadd.s32 s1, v17;
	s1 =	simm.s32 $0x40;
	s0 =	simm.s32 $0x8480  }
.LBB2_74:
0x1a3: {  	p5 =	sne.s32 s1, $0xFF0;
	vm0 =	vgt.s32 v27, $0xFFFFFE00;
	s0 =	sadd.s32 $0x10, s0  }
0x1a4: {  	s3 =	simm.s32 $0x0;
	v27 =	vnsel vm0, $0xFFFFFE00, v27;
	[tilespmem:s0+$0x0] =	vst v28  }
.Ltmp40:
0x1a5: {  	vm0 =	vlt.s32 v27, $0x200;
	v28 =	vld.idx.msk [tilespmem:v25+s3+$0x0], $0xffff;
	(pc) =	sbr.rel @p5 .LBB2_74-.Ltmp40, $3  }
0x1a6: {  	v25 =	vnsel vm0, $0x200, v27  }
0x1a7: {  	v25 =	vadd.s32 $0x200, v25;
	_ =	sdelay $0x1  }
0x1a8: {  	v27 =	vadd.s32 s1, v17;
	s1 =	sadd.s32 $0x10, s1  }
.LBB2_75:
0x1a9: {  	_ = 	snop  }
0x1aa: {  	s0 =	sadd.s32 @p2 $0x10, s0;
	s1 =	simm.s32 $0x8480  }
0x1ab: {  	vm0 =	vgt.s32 v27, $0xFFFFFE00;
	s1 =	smov.u32 @p2 s0  }
0x1ac: {  	v27 =	vnsel vm0, $0xFFFFFE00, v27;
	s0 =	simm.s32 @p3 $0x0;
	[tilespmem:s1+$0x0] =	vst @p4 v28  }
0x1ad: {  	vm0 =	vlt.s32 v27, $0x200;
	v25 =	vld.idx.msk @p3 [tilespmem:v25+s0+$0x0], $0xffff  }
0x1ae: {  	v27 =	vnsel vm0, $0x200, v27  }
0x1af: {  	v27 =	vadd.s32 $0x200, v27;
	_ =	sdelay $0x1  }
0x1b0: {  	s3 =	simm.s32 $0x8480;
	s0 =	sadd.s32 @p4 $0x10, s1  }
0x1b1: {  	s3 =	smov.u32 @p4 s0;
	v25 =	vpsel p3, v25, v26  }
0x1b2: {  	s1 =	simm.s32 $0x0;
	s0 =	sadd.s32 @p3 $0x10, s3;
	[tilespmem:s3+$0x0] =	vst @p3 v25  }
0x1b3: {  	s2 =	smov.u32 @p3 s0;
	p3 =	por $0x1, $0x1;
	v25 =	vld.idx.msk [tilespmem:v27+s1+$0x0], $0xffff  }
.Ltmp41:
0x1b4: {  	_ = 	snop;
	(pc) =	sbr.rel @!p3 .LBB2_76-.Ltmp41, $3  }
0x1b5: {  	_ =	sdelay $0x1  }
0x1b6: {  	p5 =	por $0x0, $0x0;
	p2 =	por $0x0, $0x0  }
0x1b7: {  	p4 =	por $0x0, $0x0;
	s0 =	simm.s32 $0x10;
	s3 =	simm.s32 $0x9480;
	v27 =	vadd.s32 s1, v18;
	[tilespmem:s2+$0x0] =	vst v25  }
0x1b8: {  	p0 =	por $0x1, $0x1  }
.Ltmp42:
0x1b9: {  	vm0 =	vgt.s32 v27, $0xFFFFFE00;
	(pc) =	sbr.rel @!p0 .LBB2_78-.Ltmp42, $4  }
0x1ba: {  	v25 =	vnsel vm0, $0xFFFFFE00, v27  }
0x1bb: {  	vm0 =	vlt.s32 v25, $0x200  }
0x1bc: {  	v25 =	vnsel vm0, $0x200, v25  }
0x1bd: {  	s2 =	simm.s32 $0x20;
	p4 =	por $0x1, $0x1;
	v27 =	vadd.s32 s0, v18;
	v25 =	vadd.s32 $0x200, v25  }
0x1be: {  	p0 =	por $0x1, $0x1  }
.Ltmp43:
0x1bf: {  	vm0 =	vgt.s32 v27, $0xFFFFFE00;
	(pc) =	sbr.rel @!p0 .LBB2_80-.Ltmp43, $4  }
0x1c0: {  	v27 =	vnsel vm0, $0xFFFFFE00, v27  }
0x1c1: {  	vm0 =	vlt.s32 v27, $0x200  }
0x1c2: {  	v26 =	vld.idx.msk [tilespmem:v25+s1+$0x0], $0xffff;
	v25 =	vnsel vm0, $0x200, v27  }
0x1c3: {  	p5 =	por $0x1, $0x1;
	v27 =	vadd.s32 s2, v18;
	s2 =	simm.s32 $0x30;
	v25 =	vadd.s32 $0x200, v25  }
0x1c4: {  	_ = 	snop  }
0x1c5: {  	vm0 =	vgt.s32 v27, $0xFFFFFE00  }
0x1c6: {  	p0 =	por $0x1, $0x1;
	v27 =	vnsel vm0, $0xFFFFFE00, v27  }
.Ltmp44:
0x1c7: {  	vm0 =	vlt.s32 v27, $0x200;
	[tilespmem:s3+$0x0] =	vst v26;
	(pc) =	sbr.rel @!p0 .LBB2_82-.Ltmp44, $3  }
0x1c8: {  	v28 =	vld.idx.msk [tilespmem:v25+s1+$0x0], $0xffff;
	v25 =	vnsel vm0, $0x200, v27  }
0x1c9: {  	v25 =	vadd.s32 $0x200, v25;
	_ =	sdelay $0x1  }
0x1ca: {  	s4 =	simm.s32 $0x40;
	p6 =	por $0x1, $0x1;
	v27 =	vadd.s32 s2, v18;
	s2 =	simm.s32 $0x9480  }
.LBB2_83:
0x1cb: {  	p0 =	sne.s32 s4, $0xFF0;
	vm0 =	vgt.s32 v27, $0xFFFFFE00;
	s2 =	sadd.s32 $0x10, s2  }
0x1cc: {  	v27 =	vnsel vm0, $0xFFFFFE00, v27;
	[tilespmem:s2+$0x0] =	vst v28  }
.Ltmp45:
0x1cd: {  	vm0 =	vlt.s32 v27, $0x200;
	v28 =	vld.idx.msk [tilespmem:v25+s1+$0x0], $0xffff;
	(pc) =	sbr.rel @p0 .LBB2_83-.Ltmp45, $3  }
0x1ce: {  	v25 =	vnsel vm0, $0x200, v27  }
0x1cf: {  	v25 =	vadd.s32 $0x200, v25;
	_ =	sdelay $0x1  }
0x1d0: {  	v27 =	vadd.s32 s4, v18;
	s4 =	sadd.s32 $0x10, s4  }
.LBB2_84:
0x1d1: {  	_ = 	snop  }
0x1d2: {  	s2 =	sadd.s32 @p6 $0x10, s2;
	s4 =	simm.s32 $0x9480  }
0x1d3: {  	vm0 =	vgt.s32 v27, $0xFFFFFE00;
	s4 =	smov.u32 @p6 s2  }
0x1d4: {  	v27 =	vnsel vm0, $0xFFFFFE00, v27;
	[tilespmem:s4+$0x0] =	vst @p5 v28  }
0x1d5: {  	vm0 =	vlt.s32 v27, $0x200;
	v25 =	vld.idx.msk @p4 [tilespmem:v25+s1+$0x0], $0xffff  }
0x1d6: {  	v27 =	vnsel vm0, $0x200, v27  }
0x1d7: {  	v27 =	vadd.s32 $0x200, v27;
	_ =	sdelay $0x1  }
0x1d8: {  	s2 =	sadd.s32 @p5 $0x10, s4;
	s4 =	simm.s32 $0x9480  }
0x1d9: {  	s4 =	smov.u32 @p5 s2;
	v25 =	vpsel p4, v25, v26  }
0x1da: {  	[tilespmem:s4+$0x0] =	vst @p4 v25  }
0x1db: {  	v25 =	vld.idx.msk [tilespmem:v27+s1+$0x0], $0xffff  }
.Ltmp46:
0x1dc: {  	_ = 	snop;
	(pc) =	sbr.rel @!p3 .LBB2_85-.Ltmp46, $4  }
0x1dd: {  	_ = 	snop  }
0x1de: {  	s2 =	sadd.s32 @p4 $0x10, s4  }
0x1df: {  	s3 =	smov.u32 @p4 s2  }
0x1e0: {  	s2 =	simm.s32 $0xA480;
	v27 =	vadd.s32 s1, v19;
	[tilespmem:s3+$0x0] =	vst v25  }
0x1e1: {  	p0 =	por $0x1, $0x1  }
.Ltmp47:
0x1e2: {  	vm0 =	vgt.s32 v27, $0xFFFFFE00;
	(pc) =	sbr.rel @!p0 .LBB2_87-.Ltmp47, $4  }
0x1e3: {  	v25 =	vnsel vm0, $0xFFFFFE00, v27  }
0x1e4: {  	vm0 =	vlt.s32 v25, $0x200  }
0x1e5: {  	v25 =	vnsel vm0, $0x200, v25  }
0x1e6: {  	s1 =	simm.s32 $0x20;
	p3 =	por $0x1, $0x1;
	v27 =	vadd.s32 s0, v19;
	v25 =	vadd.s32 $0x200, v25  }
0x1e7: {  	p0 =	por $0x1, $0x1  }
.Ltmp48:
0x1e8: {  	vm0 =	vgt.s32 v27, $0xFFFFFE00;
	(pc) =	sbr.rel @!p0 .LBB2_89-.Ltmp48, $4  }
0x1e9: {  	v27 =	vnsel vm0, $0xFFFFFE00, v27  }
0x1ea: {  	s0 =	simm.s32 $0x0;
	vm0 =	vlt.s32 v27, $0x200  }
0x1eb: {  	v26 =	vld.idx.msk [tilespmem:v25+s0+$0x0], $0xffff;
	v25 =	vnsel vm0, $0x200, v27  }
0x1ec: {  	p4 =	por $0x1, $0x1;
	v27 =	vadd.s32 s1, v19;
	s1 =	simm.s32 $0x30;
	v25 =	vadd.s32 $0x200, v25  }
0x1ed: {  	_ = 	snop  }
0x1ee: {  	vm0 =	vgt.s32 v27, $0xFFFFFE00  }
0x1ef: {  	p0 =	por $0x1, $0x1;
	v27 =	vnsel vm0, $0xFFFFFE00, v27  }
.Ltmp49:
0x1f0: {  	vm0 =	vlt.s32 v27, $0x200;
	[tilespmem:s2+$0x0] =	vst v26;
	(pc) =	sbr.rel @!p0 .LBB2_91-.Ltmp49, $3  }
0x1f1: {  	v28 =	vld.idx.msk [tilespmem:v25+s0+$0x0], $0xffff;
	v25 =	vnsel vm0, $0x200, v27  }
0x1f2: {  	v25 =	vadd.s32 $0x200, v25;
	_ =	sdelay $0x1  }
0x1f3: {  	p2 =	por $0x1, $0x1;
	v27 =	vadd.s32 s1, v19;
	s1 =	simm.s32 $0x40;
	s0 =	simm.s32 $0xA480  }
.LBB2_92:
0x1f4: {  	p5 =	sne.s32 s1, $0xFF0;
	vm0 =	vgt.s32 v27, $0xFFFFFE00;
	s0 =	sadd.s32 $0x10, s0  }
0x1f5: {  	s3 =	simm.s32 $0x0;
	v27 =	vnsel vm0, $0xFFFFFE00, v27;
	[tilespmem:s0+$0x0] =	vst v28  }
.Ltmp50:
0x1f6: {  	vm0 =	vlt.s32 v27, $0x200;
	v28 =	vld.idx.msk [tilespmem:v25+s3+$0x0], $0xffff;
	(pc) =	sbr.rel @p5 .LBB2_92-.Ltmp50, $3  }
0x1f7: {  	v25 =	vnsel vm0, $0x200, v27  }
0x1f8: {  	v25 =	vadd.s32 $0x200, v25;
	_ =	sdelay $0x1  }
0x1f9: {  	v27 =	vadd.s32 s1, v19;
	s1 =	sadd.s32 $0x10, s1  }
.LBB2_93:
0x1fa: {  	_ = 	snop  }
0x1fb: {  	s0 =	sadd.s32 @p2 $0x10, s0;
	s1 =	simm.s32 $0xA480  }
0x1fc: {  	vm0 =	vgt.s32 v27, $0xFFFFFE00;
	s1 =	smov.u32 @p2 s0  }
0x1fd: {  	v27 =	vnsel vm0, $0xFFFFFE00, v27;
	s0 =	simm.s32 @p3 $0x0;
	[tilespmem:s1+$0x0] =	vst @p4 v28  }
0x1fe: {  	vm0 =	vlt.s32 v27, $0x200;
	v25 =	vld.idx.msk @p3 [tilespmem:v25+s0+$0x0], $0xffff  }
0x1ff: {  	v27 =	vnsel vm0, $0x200, v27  }
0x200: {  	v27 =	vadd.s32 $0x200, v27;
	_ =	sdelay $0x1  }
0x201: {  	s3 =	simm.s32 $0xA480;
	s0 =	sadd.s32 @p4 $0x10, s1  }
0x202: {  	s3 =	smov.u32 @p4 s0;
	v25 =	vpsel p3, v25, v26  }
0x203: {  	s1 =	simm.s32 $0x0;
	s0 =	sadd.s32 @p3 $0x10, s3;
	[tilespmem:s3+$0x0] =	vst @p3 v25  }
0x204: {  	s2 =	smov.u32 @p3 s0;
	p3 =	por $0x1, $0x1;
	v25 =	vld.idx.msk [tilespmem:v27+s1+$0x0], $0xffff  }
.Ltmp51:
0x205: {  	_ = 	snop;
	(pc) =	sbr.rel @!p3 .LBB2_94-.Ltmp51, $3  }
0x206: {  	_ =	sdelay $0x1  }
0x207: {  	p5 =	por $0x0, $0x0;
	p2 =	por $0x0, $0x0  }
0x208: {  	p4 =	por $0x0, $0x0;
	s0 =	simm.s32 $0x10;
	s3 =	simm.s32 $0xB480;
	v27 =	vadd.s32 s1, v20;
	[tilespmem:s2+$0x0] =	vst v25  }
0x209: {  	p0 =	por $0x1, $0x1  }
.Ltmp52:
0x20a: {  	vm0 =	vgt.s32 v27, $0xFFFFFE00;
	(pc) =	sbr.rel @!p0 .LBB2_96-.Ltmp52, $4  }
0x20b: {  	v25 =	vnsel vm0, $0xFFFFFE00, v27  }
0x20c: {  	vm0 =	vlt.s32 v25, $0x200  }
0x20d: {  	v25 =	vnsel vm0, $0x200, v25  }
0x20e: {  	s2 =	simm.s32 $0x20;
	p4 =	por $0x1, $0x1;
	v27 =	vadd.s32 s0, v20;
	v25 =	vadd.s32 $0x200, v25  }
0x20f: {  	p0 =	por $0x1, $0x1  }
.Ltmp53:
0x210: {  	vm0 =	vgt.s32 v27, $0xFFFFFE00;
	(pc) =	sbr.rel @!p0 .LBB2_98-.Ltmp53, $4  }
0x211: {  	v27 =	vnsel vm0, $0xFFFFFE00, v27  }
0x212: {  	vm0 =	vlt.s32 v27, $0x200  }
0x213: {  	v26 =	vld.idx.msk [tilespmem:v25+s1+$0x0], $0xffff;
	v25 =	vnsel vm0, $0x200, v27  }
0x214: {  	p5 =	por $0x1, $0x1;
	v27 =	vadd.s32 s2, v20;
	s2 =	simm.s32 $0x30;
	v25 =	vadd.s32 $0x200, v25  }
0x215: {  	_ = 	snop  }
0x216: {  	vm0 =	vgt.s32 v27, $0xFFFFFE00  }
0x217: {  	p0 =	por $0x1, $0x1;
	v27 =	vnsel vm0, $0xFFFFFE00, v27  }
.Ltmp54:
0x218: {  	vm0 =	vlt.s32 v27, $0x200;
	[tilespmem:s3+$0x0] =	vst v26;
	(pc) =	sbr.rel @!p0 .LBB2_100-.Ltmp54, $3  }
0x219: {  	v28 =	vld.idx.msk [tilespmem:v25+s1+$0x0], $0xffff;
	v25 =	vnsel vm0, $0x200, v27  }
0x21a: {  	v25 =	vadd.s32 $0x200, v25;
	_ =	sdelay $0x1  }
0x21b: {  	s4 =	simm.s32 $0x40;
	p6 =	por $0x1, $0x1;
	v27 =	vadd.s32 s2, v20;
	s2 =	simm.s32 $0xB480  }
.LBB2_101:
0x21c: {  	p0 =	sne.s32 s4, $0xFF0;
	vm0 =	vgt.s32 v27, $0xFFFFFE00;
	s2 =	sadd.s32 $0x10, s2  }
0x21d: {  	v27 =	vnsel vm0, $0xFFFFFE00, v27;
	[tilespmem:s2+$0x0] =	vst v28  }
.Ltmp55:
0x21e: {  	vm0 =	vlt.s32 v27, $0x200;
	v28 =	vld.idx.msk [tilespmem:v25+s1+$0x0], $0xffff;
	(pc) =	sbr.rel @p0 .LBB2_101-.Ltmp55, $3  }
0x21f: {  	v25 =	vnsel vm0, $0x200, v27  }
0x220: {  	v25 =	vadd.s32 $0x200, v25;
	_ =	sdelay $0x1  }
0x221: {  	v27 =	vadd.s32 s4, v20;
	s4 =	sadd.s32 $0x10, s4  }
.LBB2_102:
0x222: {  	_ = 	snop  }
0x223: {  	s2 =	sadd.s32 @p6 $0x10, s2;
	s4 =	simm.s32 $0xB480  }
0x224: {  	vm0 =	vgt.s32 v27, $0xFFFFFE00;
	s4 =	smov.u32 @p6 s2  }
0x225: {  	v27 =	vnsel vm0, $0xFFFFFE00, v27;
	[tilespmem:s4+$0x0] =	vst @p5 v28  }
0x226: {  	vm0 =	vlt.s32 v27, $0x200;
	v25 =	vld.idx.msk @p4 [tilespmem:v25+s1+$0x0], $0xffff  }
0x227: {  	v27 =	vnsel vm0, $0x200, v27  }
0x228: {  	v27 =	vadd.s32 $0x200, v27;
	_ =	sdelay $0x1  }
0x229: {  	s2 =	sadd.s32 @p5 $0x10, s4;
	s4 =	simm.s32 $0xB480  }
0x22a: {  	s4 =	smov.u32 @p5 s2;
	v25 =	vpsel p4, v25, v26  }
0x22b: {  	[tilespmem:s4+$0x0] =	vst @p4 v25  }
0x22c: {  	v25 =	vld.idx.msk [tilespmem:v27+s1+$0x0], $0xffff  }
.Ltmp56:
0x22d: {  	_ = 	snop;
	(pc) =	sbr.rel @!p3 .LBB2_103-.Ltmp56, $4  }
0x22e: {  	_ = 	snop  }
0x22f: {  	s2 =	sadd.s32 @p4 $0x10, s4  }
0x230: {  	s3 =	smov.u32 @p4 s2  }
0x231: {  	s2 =	simm.s32 $0xC480;
	v27 =	vadd.s32 s1, v21;
	[tilespmem:s3+$0x0] =	vst v25  }
0x232: {  	p0 =	por $0x1, $0x1  }
.Ltmp57:
0x233: {  	vm0 =	vgt.s32 v27, $0xFFFFFE00;
	(pc) =	sbr.rel @!p0 .LBB2_105-.Ltmp57, $4  }
0x234: {  	v25 =	vnsel vm0, $0xFFFFFE00, v27  }
0x235: {  	vm0 =	vlt.s32 v25, $0x200  }
0x236: {  	v25 =	vnsel vm0, $0x200, v25  }
0x237: {  	s1 =	simm.s32 $0x20;
	p3 =	por $0x1, $0x1;
	v27 =	vadd.s32 s0, v21;
	v25 =	vadd.s32 $0x200, v25  }
0x238: {  	p0 =	por $0x1, $0x1  }
.Ltmp58:
0x239: {  	vm0 =	vgt.s32 v27, $0xFFFFFE00;
	(pc) =	sbr.rel @!p0 .LBB2_107-.Ltmp58, $4  }
0x23a: {  	v27 =	vnsel vm0, $0xFFFFFE00, v27  }
0x23b: {  	s0 =	simm.s32 $0x0;
	vm0 =	vlt.s32 v27, $0x200  }
0x23c: {  	v26 =	vld.idx.msk [tilespmem:v25+s0+$0x0], $0xffff;
	v25 =	vnsel vm0, $0x200, v27  }
0x23d: {  	p4 =	por $0x1, $0x1;
	v27 =	vadd.s32 s1, v21;
	s1 =	simm.s32 $0x30;
	v25 =	vadd.s32 $0x200, v25  }
0x23e: {  	_ = 	snop  }
0x23f: {  	vm0 =	vgt.s32 v27, $0xFFFFFE00  }
0x240: {  	p0 =	por $0x1, $0x1;
	v27 =	vnsel vm0, $0xFFFFFE00, v27  }
.Ltmp59:
0x241: {  	vm0 =	vlt.s32 v27, $0x200;
	[tilespmem:s2+$0x0] =	vst v26;
	(pc) =	sbr.rel @!p0 .LBB2_109-.Ltmp59, $3  }
0x242: {  	v28 =	vld.idx.msk [tilespmem:v25+s0+$0x0], $0xffff;
	v25 =	vnsel vm0, $0x200, v27  }
0x243: {  	v25 =	vadd.s32 $0x200, v25;
	_ =	sdelay $0x1  }
0x244: {  	p2 =	por $0x1, $0x1;
	v27 =	vadd.s32 s1, v21;
	s1 =	simm.s32 $0x40;
	s0 =	simm.s32 $0xC480  }
.LBB2_110:
0x245: {  	p5 =	sne.s32 s1, $0xFF0;
	vm0 =	vgt.s32 v27, $0xFFFFFE00;
	s0 =	sadd.s32 $0x10, s0  }
0x246: {  	s3 =	simm.s32 $0x0;
	v27 =	vnsel vm0, $0xFFFFFE00, v27;
	[tilespmem:s0+$0x0] =	vst v28  }
.Ltmp60:
0x247: {  	vm0 =	vlt.s32 v27, $0x200;
	v28 =	vld.idx.msk [tilespmem:v25+s3+$0x0], $0xffff;
	(pc) =	sbr.rel @p5 .LBB2_110-.Ltmp60, $3  }
0x248: {  	v25 =	vnsel vm0, $0x200, v27  }
0x249: {  	v25 =	vadd.s32 $0x200, v25;
	_ =	sdelay $0x1  }
0x24a: {  	v27 =	vadd.s32 s1, v21;
	s1 =	sadd.s32 $0x10, s1  }
.LBB2_111:
0x24b: {  	_ = 	snop  }
0x24c: {  	s0 =	sadd.s32 @p2 $0x10, s0;
	s1 =	simm.s32 $0xC480  }
0x24d: {  	vm0 =	vgt.s32 v27, $0xFFFFFE00;
	s1 =	smov.u32 @p2 s0  }
0x24e: {  	v27 =	vnsel vm0, $0xFFFFFE00, v27;
	s0 =	simm.s32 @p3 $0x0;
	[tilespmem:s1+$0x0] =	vst @p4 v28  }
0x24f: {  	vm0 =	vlt.s32 v27, $0x200;
	v25 =	vld.idx.msk @p3 [tilespmem:v25+s0+$0x0], $0xffff  }
0x250: {  	v27 =	vnsel vm0, $0x200, v27  }
0x251: {  	v27 =	vadd.s32 $0x200, v27;
	_ =	sdelay $0x1  }
0x252: {  	s3 =	simm.s32 $0xC480;
	s0 =	sadd.s32 @p4 $0x10, s1  }
0x253: {  	s3 =	smov.u32 @p4 s0;
	v25 =	vpsel p3, v25, v26  }
0x254: {  	s1 =	simm.s32 $0x0;
	s0 =	sadd.s32 @p3 $0x10, s3;
	[tilespmem:s3+$0x0] =	vst @p3 v25  }
0x255: {  	s2 =	smov.u32 @p3 s0;
	p3 =	por $0x1, $0x1;
	v25 =	vld.idx.msk [tilespmem:v27+s1+$0x0], $0xffff  }
.Ltmp61:
0x256: {  	_ = 	snop;
	(pc) =	sbr.rel @!p3 .LBB2_112-.Ltmp61, $3  }
0x257: {  	_ =	sdelay $0x1  }
0x258: {  	p5 =	por $0x0, $0x0;
	p2 =	por $0x0, $0x0  }
0x259: {  	p4 =	por $0x0, $0x0;
	s0 =	simm.s32 $0x10;
	s3 =	simm.s32 $0xD480;
	v27 =	vadd.s32 s1, v22;
	[tilespmem:s2+$0x0] =	vst v25  }
0x25a: {  	p0 =	por $0x1, $0x1  }
.Ltmp62:
0x25b: {  	vm0 =	vgt.s32 v27, $0xFFFFFE00;
	(pc) =	sbr.rel @!p0 .LBB2_114-.Ltmp62, $4  }
0x25c: {  	v25 =	vnsel vm0, $0xFFFFFE00, v27  }
0x25d: {  	vm0 =	vlt.s32 v25, $0x200  }
0x25e: {  	v25 =	vnsel vm0, $0x200, v25  }
0x25f: {  	s2 =	simm.s32 $0x20;
	p4 =	por $0x1, $0x1;
	v27 =	vadd.s32 s0, v22;
	v25 =	vadd.s32 $0x200, v25  }
0x260: {  	p0 =	por $0x1, $0x1  }
.Ltmp63:
0x261: {  	vm0 =	vgt.s32 v27, $0xFFFFFE00;
	(pc) =	sbr.rel @!p0 .LBB2_116-.Ltmp63, $4  }
0x262: {  	v27 =	vnsel vm0, $0xFFFFFE00, v27  }
0x263: {  	vm0 =	vlt.s32 v27, $0x200  }
0x264: {  	v26 =	vld.idx.msk [tilespmem:v25+s1+$0x0], $0xffff;
	v25 =	vnsel vm0, $0x200, v27  }
0x265: {  	p5 =	por $0x1, $0x1;
	v27 =	vadd.s32 s2, v22;
	s2 =	simm.s32 $0x30;
	v25 =	vadd.s32 $0x200, v25  }
0x266: {  	_ = 	snop  }
0x267: {  	vm0 =	vgt.s32 v27, $0xFFFFFE00  }
0x268: {  	p0 =	por $0x1, $0x1;
	v27 =	vnsel vm0, $0xFFFFFE00, v27  }
.Ltmp64:
0x269: {  	vm0 =	vlt.s32 v27, $0x200;
	[tilespmem:s3+$0x0] =	vst v26;
	(pc) =	sbr.rel @!p0 .LBB2_118-.Ltmp64, $3  }
0x26a: {  	v28 =	vld.idx.msk [tilespmem:v25+s1+$0x0], $0xffff;
	v25 =	vnsel vm0, $0x200, v27  }
0x26b: {  	v25 =	vadd.s32 $0x200, v25;
	_ =	sdelay $0x1  }
0x26c: {  	s4 =	simm.s32 $0x40;
	p6 =	por $0x1, $0x1;
	v27 =	vadd.s32 s2, v22;
	s2 =	simm.s32 $0xD480  }
.LBB2_119:
0x26d: {  	p0 =	sne.s32 s4, $0xFF0;
	vm0 =	vgt.s32 v27, $0xFFFFFE00;
	s2 =	sadd.s32 $0x10, s2  }
0x26e: {  	v27 =	vnsel vm0, $0xFFFFFE00, v27;
	[tilespmem:s2+$0x0] =	vst v28  }
.Ltmp65:
0x26f: {  	vm0 =	vlt.s32 v27, $0x200;
	v28 =	vld.idx.msk [tilespmem:v25+s1+$0x0], $0xffff;
	(pc) =	sbr.rel @p0 .LBB2_119-.Ltmp65, $3  }
0x270: {  	v25 =	vnsel vm0, $0x200, v27  }
0x271: {  	v25 =	vadd.s32 $0x200, v25;
	_ =	sdelay $0x1  }
0x272: {  	v27 =	vadd.s32 s4, v22;
	s4 =	sadd.s32 $0x10, s4  }
.LBB2_120:
0x273: {  	_ = 	snop  }
0x274: {  	s2 =	sadd.s32 @p6 $0x10, s2;
	s4 =	simm.s32 $0xD480  }
0x275: {  	vm0 =	vgt.s32 v27, $0xFFFFFE00;
	s4 =	smov.u32 @p6 s2  }
0x276: {  	v27 =	vnsel vm0, $0xFFFFFE00, v27;
	[tilespmem:s4+$0x0] =	vst @p5 v28  }
0x277: {  	vm0 =	vlt.s32 v27, $0x200;
	v25 =	vld.idx.msk @p4 [tilespmem:v25+s1+$0x0], $0xffff  }
0x278: {  	v27 =	vnsel vm0, $0x200, v27  }
0x279: {  	v27 =	vadd.s32 $0x200, v27;
	_ =	sdelay $0x1  }
0x27a: {  	s2 =	sadd.s32 @p5 $0x10, s4;
	s4 =	simm.s32 $0xD480  }
0x27b: {  	s4 =	smov.u32 @p5 s2;
	v25 =	vpsel p4, v25, v26  }
0x27c: {  	[tilespmem:s4+$0x0] =	vst @p4 v25  }
0x27d: {  	v25 =	vld.idx.msk [tilespmem:v27+s1+$0x0], $0xffff  }
.Ltmp66:
0x27e: {  	_ = 	snop;
	(pc) =	sbr.rel @!p3 .LBB2_121-.Ltmp66, $4  }
0x27f: {  	_ = 	snop  }
0x280: {  	s2 =	sadd.s32 @p4 $0x10, s4  }
0x281: {  	s3 =	smov.u32 @p4 s2  }
0x282: {  	s2 =	simm.s32 $0xE480;
	v27 =	vadd.s32 s1, v23;
	[tilespmem:s3+$0x0] =	vst v25  }
0x283: {  	p0 =	por $0x1, $0x1  }
.Ltmp67:
0x284: {  	vm0 =	vgt.s32 v27, $0xFFFFFE00;
	(pc) =	sbr.rel @!p0 .LBB2_123-.Ltmp67, $4  }
0x285: {  	v25 =	vnsel vm0, $0xFFFFFE00, v27  }
0x286: {  	vm0 =	vlt.s32 v25, $0x200  }
0x287: {  	v25 =	vnsel vm0, $0x200, v25  }
0x288: {  	s1 =	simm.s32 $0x20;
	p3 =	por $0x1, $0x1;
	v27 =	vadd.s32 s0, v23;
	v25 =	vadd.s32 $0x200, v25  }
0x289: {  	p0 =	por $0x1, $0x1  }
.Ltmp68:
0x28a: {  	vm0 =	vgt.s32 v27, $0xFFFFFE00;
	(pc) =	sbr.rel @!p0 .LBB2_125-.Ltmp68, $4  }
0x28b: {  	v27 =	vnsel vm0, $0xFFFFFE00, v27  }
0x28c: {  	s0 =	simm.s32 $0x0;
	vm0 =	vlt.s32 v27, $0x200  }
0x28d: {  	v26 =	vld.idx.msk [tilespmem:v25+s0+$0x0], $0xffff;
	v25 =	vnsel vm0, $0x200, v27  }
0x28e: {  	p4 =	por $0x1, $0x1;
	v27 =	vadd.s32 s1, v23;
	s1 =	simm.s32 $0x30;
	v25 =	vadd.s32 $0x200, v25  }
0x28f: {  	_ = 	snop  }
0x290: {  	vm0 =	vgt.s32 v27, $0xFFFFFE00  }
0x291: {  	p0 =	por $0x1, $0x1;
	v27 =	vnsel vm0, $0xFFFFFE00, v27  }
.Ltmp69:
0x292: {  	vm0 =	vlt.s32 v27, $0x200;
	[tilespmem:s2+$0x0] =	vst v26;
	(pc) =	sbr.rel @!p0 .LBB2_127-.Ltmp69, $3  }
0x293: {  	v28 =	vld.idx.msk [tilespmem:v25+s0+$0x0], $0xffff;
	v25 =	vnsel vm0, $0x200, v27  }
0x294: {  	v25 =	vadd.s32 $0x200, v25;
	_ =	sdelay $0x1  }
0x295: {  	p2 =	por $0x1, $0x1;
	v27 =	vadd.s32 s1, v23;
	s1 =	simm.s32 $0x40;
	s0 =	simm.s32 $0xE480  }
.LBB2_128:
0x296: {  	p5 =	sne.s32 s1, $0xFF0;
	vm0 =	vgt.s32 v27, $0xFFFFFE00;
	s0 =	sadd.s32 $0x10, s0  }
0x297: {  	s3 =	simm.s32 $0x0;
	v27 =	vnsel vm0, $0xFFFFFE00, v27;
	[tilespmem:s0+$0x0] =	vst v28  }
.Ltmp70:
0x298: {  	vm0 =	vlt.s32 v27, $0x200;
	v28 =	vld.idx.msk [tilespmem:v25+s3+$0x0], $0xffff;
	(pc) =	sbr.rel @p5 .LBB2_128-.Ltmp70, $3  }
0x299: {  	v25 =	vnsel vm0, $0x200, v27  }
0x29a: {  	v25 =	vadd.s32 $0x200, v25;
	_ =	sdelay $0x1  }
0x29b: {  	v27 =	vadd.s32 s1, v23;
	s1 =	sadd.s32 $0x10, s1  }
.LBB2_129:
0x29c: {  	_ = 	snop  }
0x29d: {  	s0 =	sadd.s32 @p2 $0x10, s0;
	s1 =	simm.s32 $0xE480  }
0x29e: {  	vm0 =	vgt.s32 v27, $0xFFFFFE00;
	s1 =	smov.u32 @p2 s0  }
0x29f: {  	v27 =	vnsel vm0, $0xFFFFFE00, v27;
	s0 =	simm.s32 @p3 $0x0;
	[tilespmem:s1+$0x0] =	vst @p4 v28  }
0x2a0: {  	vm0 =	vlt.s32 v27, $0x200;
	v25 =	vld.idx.msk @p3 [tilespmem:v25+s0+$0x0], $0xffff  }
0x2a1: {  	v27 =	vnsel vm0, $0x200, v27  }
0x2a2: {  	v27 =	vadd.s32 $0x200, v27;
	_ =	sdelay $0x1  }
0x2a3: {  	s0 =	sadd.s32 @p4 $0x10, s1;
	s1 =	simm.s32 $0xE480  }
0x2a4: {  	s1 =	smov.u32 @p4 s0;
	v25 =	vpsel p3, v25, v26  }
0x2a5: {  	s3 =	simm.s32 $0x0;
	[tilespmem:s1+$0x0] =	vst @p3 v25  }
0x2a6: {  	p0 =	por $0x1, $0x1;
	v25 =	vld.idx.msk [tilespmem:v27+s3+$0x0], $0xffff  }
.Ltmp71:
0x2a7: {  	_ = 	snop;
	(pc) =	sbr.rel @!p0 .LBB2_130-.Ltmp71, $4  }
0x2a8: {  	_ = 	snop  }
0x2a9: {  	s0 =	sadd.s32 @p3 $0x10, s1  }
0x2aa: {  	p2 =	por $0x0, $0x0;
	p4 =	por $0x0, $0x0;
	s2 =	smov.u32 @p3 s0  }
0x2ab: {  	s0 =	simm.s32 $0xF480;
	s1 =	simm.s32 $0x10;
	p3 =	por $0x0, $0x0;
	v27 =	vadd.s32 s3, v24;
	[tilespmem:s2+$0x0] =	vst v25  }
0x2ac: {  	p0 =	por $0x1, $0x1  }
.Ltmp72:
0x2ad: {  	vm0 =	vgt.s32 v27, $0xFFFFFE00;
	(pc) =	sbr.rel @!p0 .LBB2_132-.Ltmp72, $4  }
0x2ae: {  	v25 =	vnsel vm0, $0xFFFFFE00, v27  }
0x2af: {  	vm0 =	vlt.s32 v25, $0x200  }
0x2b0: {  	v25 =	vnsel vm0, $0x200, v25  }
0x2b1: {  	p2 =	por $0x1, $0x1;
	v27 =	vadd.s32 s1, v24;
	s1 =	simm.s32 $0x20;
	v25 =	vadd.s32 $0x200, v25  }
0x2b2: {  	p0 =	por $0x1, $0x1  }
.Ltmp73:
0x2b3: {  	vm0 =	vgt.s32 v27, $0xFFFFFE00;
	(pc) =	sbr.rel @!p0 .LBB2_134-.Ltmp73, $4  }
0x2b4: {  	v27 =	vnsel vm0, $0xFFFFFE00, v27  }
0x2b5: {  	vm0 =	vlt.s32 v27, $0x200  }
0x2b6: {  	v26 =	vld.idx.msk [tilespmem:v25+s15+$0x0], $0xffff;
	v25 =	vnsel vm0, $0x200, v27  }
0x2b7: {  	p3 =	por $0x1, $0x1;
	v27 =	vadd.s32 s1, v24;
	s1 =	simm.s32 $0x30;
	v25 =	vadd.s32 $0x200, v25  }
0x2b8: {  	_ = 	snop  }
0x2b9: {  	vm0 =	vgt.s32 v27, $0xFFFFFE00  }
0x2ba: {  	p0 =	por $0x1, $0x1;
	v27 =	vnsel vm0, $0xFFFFFE00, v27  }
.Ltmp74:
0x2bb: {  	vm0 =	vlt.s32 v27, $0x200;
	[tilespmem:s0+$0x0] =	vst v26;
	(pc) =	sbr.rel @!p0 .LBB2_136-.Ltmp74, $3  }
0x2bc: {  	v28 =	vld.idx.msk [tilespmem:v25+s15+$0x0], $0xffff;
	v25 =	vnsel vm0, $0x200, v27  }
0x2bd: {  	v25 =	vadd.s32 $0x200, v25;
	_ =	sdelay $0x1  }
0x2be: {  	s2 =	simm.s32 $0x40;
	p4 =	por $0x1, $0x1;
	v27 =	vadd.s32 s1, v24;
	s1 =	simm.s32 $0xF480  }
.LBB2_137:
0x2bf: {  	p0 =	sne.s32 s2, $0xFF0;
	vm0 =	vgt.s32 v27, $0xFFFFFE00;
	s1 =	sadd.s32 $0x10, s1  }
0x2c0: {  	v27 =	vnsel vm0, $0xFFFFFE00, v27;
	[tilespmem:s1+$0x0] =	vst v28  }
.Ltmp75:
0x2c1: {  	vm0 =	vlt.s32 v27, $0x200;
	v28 =	vld.idx.msk [tilespmem:v25+s15+$0x0], $0xffff;
	(pc) =	sbr.rel @p0 .LBB2_137-.Ltmp75, $3  }
0x2c2: {  	v25 =	vnsel vm0, $0x200, v27  }
0x2c3: {  	v25 =	vadd.s32 $0x200, v25;
	_ =	sdelay $0x1  }
0x2c4: {  	v27 =	vadd.s32 s2, v24;
	s2 =	sadd.s32 $0x10, s2  }
.LBB2_138:
0x2c5: {  	_ = 	snop  }
0x2c6: {  	s1 =	sadd.s32 @p4 $0x10, s1;
	s2 =	simm.s32 $0xF480  }
0x2c7: {  	vm0 =	vgt.s32 v27, $0xFFFFFE00;
	s2 =	smov.u32 @p4 s1  }
0x2c8: {  	v27 =	vnsel vm0, $0xFFFFFE00, v27;
	[tilespmem:s2+$0x0] =	vst @p3 v28  }
0x2c9: {  	vm0 =	vlt.s32 v27, $0x200;
	v25 =	vld.idx.msk @p2 [tilespmem:v25+s15+$0x0], $0xffff  }
0x2ca: {  	v27 =	vnsel vm0, $0x200, v27  }
0x2cb: {  	v27 =	vadd.s32 $0x200, v27;
	_ =	sdelay $0x1  }
0x2cc: {  	s1 =	sadd.s32 @p3 $0x10, s2;
	s2 =	simm.s32 $0xF480  }
0x2cd: {  	s2 =	smov.u32 @p3 s1;
	v25 =	vpsel p2, v25, v26  }
0x2ce: {  	[tilespmem:s2+$0x0] =	vst @p2 v25  }
0x2cf: {  	v25 =	vld.idx.msk [tilespmem:v27+s15+$0x0], $0xffff;
	_ =	sdelay $0x2  }
0x2d0: {  	s1 =	sadd.s32 @p2 $0x10, s2  }
0x2d1: {  	s0 =	smov.u32 @p2 s1  }
0x2d2: {  	[tilespmem:s0+$0x0] =	vst v25  }
0x2d3: {  	v25 =	vld [tilespmem:$0x480]  }
0x2d4: {  	v26 =	vld [tilespmem:$0x1470];
	_ =	sdelay $0x3  }
0x2d5: {  	[tilespmem:$0x18480] =	vst v25  }
0x2d6: {  	[tilespmem:$0x18880] =	vst v26  }
0x2d7: {  	[tilespmem:$0x18490] =	vst v25  }
0x2d8: {  	[tilespmem:$0x18890] =	vst v26  }
0x2d9: {  	[tilespmem:$0x184A0] =	vst v25  }
0x2da: {  	[tilespmem:$0x188A0] =	vst v26  }
0x2db: {  	[tilespmem:$0x184B0] =	vst v25  }
0x2dc: {  	[tilespmem:$0x188B0] =	vst v26  }
0x2dd: {  	[tilespmem:$0x184C0] =	vst v25  }
0x2de: {  	[tilespmem:$0x188C0] =	vst v26  }
0x2df: {  	[tilespmem:$0x184D0] =	vst v25  }
0x2e0: {  	[tilespmem:$0x188D0] =	vst v26  }
0x2e1: {  	[tilespmem:$0x184E0] =	vst v25  }
0x2e2: {  	[tilespmem:$0x188E0] =	vst v26  }
0x2e3: {  	[tilespmem:$0x184F0] =	vst v25  }
0x2e4: {  	[tilespmem:$0x188F0] =	vst v26  }
0x2e5: {  	[tilespmem:$0x18500] =	vst v25  }
0x2e6: {  	[tilespmem:$0x18900] =	vst v26  }
0x2e7: {  	[tilespmem:$0x18510] =	vst v25  }
0x2e8: {  	[tilespmem:$0x18910] =	vst v26  }
0x2e9: {  	[tilespmem:$0x18520] =	vst v25  }
0x2ea: {  	[tilespmem:$0x18920] =	vst v26  }
0x2eb: {  	[tilespmem:$0x18530] =	vst v25  }
0x2ec: {  	[tilespmem:$0x18930] =	vst v26  }
0x2ed: {  	[tilespmem:$0x18540] =	vst v25  }
0x2ee: {  	[tilespmem:$0x18940] =	vst v26  }
0x2ef: {  	[tilespmem:$0x18550] =	vst v25  }
0x2f0: {  	[tilespmem:$0x18950] =	vst v26  }
0x2f1: {  	[tilespmem:$0x18560] =	vst v25  }
0x2f2: {  	[tilespmem:$0x18960] =	vst v26  }
0x2f3: {  	[tilespmem:$0x18570] =	vst v25  }
0x2f4: {  	[tilespmem:$0x18970] =	vst v26  }
0x2f5: {  	[tilespmem:$0x18580] =	vst v25  }
0x2f6: {  	[tilespmem:$0x18980] =	vst v26  }
0x2f7: {  	[tilespmem:$0x18590] =	vst v25  }
0x2f8: {  	[tilespmem:$0x18990] =	vst v26  }
0x2f9: {  	[tilespmem:$0x185A0] =	vst v25  }
0x2fa: {  	[tilespmem:$0x189A0] =	vst v26  }
0x2fb: {  	[tilespmem:$0x185B0] =	vst v25  }
0x2fc: {  	[tilespmem:$0x189B0] =	vst v26  }
0x2fd: {  	[tilespmem:$0x185C0] =	vst v25  }
0x2fe: {  	[tilespmem:$0x189C0] =	vst v26  }
0x2ff: {  	[tilespmem:$0x185D0] =	vst v25  }
0x300: {  	[tilespmem:$0x189D0] =	vst v26  }
0x301: {  	[tilespmem:$0x185E0] =	vst v25  }
0x302: {  	[tilespmem:$0x189E0] =	vst v26  }
0x303: {  	[tilespmem:$0x185F0] =	vst v25  }
0x304: {  	[tilespmem:$0x189F0] =	vst v26  }
0x305: {  	[tilespmem:$0x18600] =	vst v25  }
0x306: {  	[tilespmem:$0x18A00] =	vst v26  }
0x307: {  	[tilespmem:$0x18610] =	vst v25  }
0x308: {  	[tilespmem:$0x18A10] =	vst v26  }
0x309: {  	[tilespmem:$0x18620] =	vst v25  }
0x30a: {  	[tilespmem:$0x18A20] =	vst v26  }
0x30b: {  	[tilespmem:$0x18630] =	vst v25  }
0x30c: {  	[tilespmem:$0x18A30] =	vst v26  }
0x30d: {  	[tilespmem:$0x18640] =	vst v25  }
0x30e: {  	[tilespmem:$0x18A40] =	vst v26  }
0x30f: {  	[tilespmem:$0x18650] =	vst v25  }
0x310: {  	[tilespmem:$0x18A50] =	vst v26  }
0x311: {  	[tilespmem:$0x18660] =	vst v25  }
0x312: {  	[tilespmem:$0x18A60] =	vst v26  }
0x313: {  	[tilespmem:$0x18670] =	vst v25  }
0x314: {  	[tilespmem:$0x18A70] =	vst v26  }
0x315: {  	[tilespmem:$0x18680] =	vst v25  }
0x316: {  	[tilespmem:$0x18A80] =	vst v26  }
0x317: {  	[tilespmem:$0x18690] =	vst v25  }
0x318: {  	[tilespmem:$0x18A90] =	vst v26  }
0x319: {  	[tilespmem:$0x186A0] =	vst v25  }
0x31a: {  	[tilespmem:$0x18AA0] =	vst v26  }
0x31b: {  	[tilespmem:$0x186B0] =	vst v25  }
0x31c: {  	[tilespmem:$0x18AB0] =	vst v26  }
0x31d: {  	[tilespmem:$0x186C0] =	vst v25  }
0x31e: {  	[tilespmem:$0x18AC0] =	vst v26  }
0x31f: {  	[tilespmem:$0x186D0] =	vst v25  }
0x320: {  	[tilespmem:$0x18AD0] =	vst v26  }
0x321: {  	[tilespmem:$0x186E0] =	vst v25  }
0x322: {  	[tilespmem:$0x18AE0] =	vst v26  }
0x323: {  	[tilespmem:$0x186F0] =	vst v25  }
0x324: {  	[tilespmem:$0x18AF0] =	vst v26  }
0x325: {  	[tilespmem:$0x18700] =	vst v25  }
0x326: {  	[tilespmem:$0x18B00] =	vst v26  }
0x327: {  	[tilespmem:$0x18710] =	vst v25  }
0x328: {  	[tilespmem:$0x18B10] =	vst v26  }
0x329: {  	[tilespmem:$0x18720] =	vst v25  }
0x32a: {  	[tilespmem:$0x18B20] =	vst v26  }
0x32b: {  	[tilespmem:$0x18730] =	vst v25  }
0x32c: {  	[tilespmem:$0x18B30] =	vst v26  }
0x32d: {  	[tilespmem:$0x18740] =	vst v25  }
0x32e: {  	[tilespmem:$0x18B40] =	vst v26  }
0x32f: {  	[tilespmem:$0x18750] =	vst v25  }
0x330: {  	[tilespmem:$0x18B50] =	vst v26  }
0x331: {  	[tilespmem:$0x18760] =	vst v25  }
0x332: {  	[tilespmem:$0x18B60] =	vst v26  }
0x333: {  	[tilespmem:$0x18770] =	vst v25  }
0x334: {  	[tilespmem:$0x18B70] =	vst v26  }
0x335: {  	[tilespmem:$0x18780] =	vst v25  }
0x336: {  	[tilespmem:$0x18B80] =	vst v26  }
0x337: {  	[tilespmem:$0x18790] =	vst v25  }
0x338: {  	[tilespmem:$0x18B90] =	vst v26  }
0x339: {  	[tilespmem:$0x187A0] =	vst v25  }
0x33a: {  	[tilespmem:$0x18BA0] =	vst v26  }
0x33b: {  	[tilespmem:$0x187B0] =	vst v25  }
0x33c: {  	[tilespmem:$0x18BB0] =	vst v26  }
0x33d: {  	[tilespmem:$0x187C0] =	vst v25  }
0x33e: {  	[tilespmem:$0x18BC0] =	vst v26  }
0x33f: {  	[tilespmem:$0x187D0] =	vst v25  }
0x340: {  	[tilespmem:$0x18BD0] =	vst v26  }
0x341: {  	[tilespmem:$0x187E0] =	vst v25  }
0x342: {  	[tilespmem:$0x18BE0] =	vst v26  }
0x343: {  	[tilespmem:$0x187F0] =	vst v25  }
0x344: {  	[tilespmem:$0x18BF0] =	vst v26  }
0x345: {  	[tilespmem:$0x18800] =	vst v25  }
0x346: {  	[tilespmem:$0x18C00] =	vst v26  }
0x347: {  	[tilespmem:$0x18810] =	vst v25  }
0x348: {  	[tilespmem:$0x18C10] =	vst v26  }
0x349: {  	[tilespmem:$0x18820] =	vst v25  }
0x34a: {  	[tilespmem:$0x18C20] =	vst v26  }
0x34b: {  	[tilespmem:$0x18830] =	vst v25  }
0x34c: {  	s31 =	sld [smem:$0x7DE];
	[tilespmem:$0x18C30] =	vst v26  }
0x34d: {  	[tilespmem:$0x18840] =	vst v25  }
0x34e: {  	[tilespmem:$0x18C40] =	vst v26  }
0x34f: {  	p0 =	seq.s32 s31, $0x1;
	[tilespmem:$0x18850] =	vst v25  }
.Ltmp76:
0x350: {  	[tilespmem:$0x18C50] =	vst v26;
	(pc) =	sbr.rel @p0 .LBB2_142-.Ltmp76, $4  }
0x351: {  	[tilespmem:$0x18860] =	vst v25  }
0x352: {  	[tilespmem:$0x18C60] =	vst v26  }
0x353: {  	[tilespmem:$0x18870] =	vst v25  }
0x354: {  	[tilespmem:$0x18C70] =	vst v26  }
0x355: {  	s0 =	rddreg [dreg:$0x8]  }
0x356: {  	p0 =	sne.s32 s0, $0x1  }
.Ltmp77:
0x357: {  	_ = 	snop;
	(pc) =	sbr.rel @!p0 .LBB2_141-.Ltmp77, $4  }
0x358: {  	_ = 	snop  }
0x359: {  	s3 =	rddreg [dreg:$0xa]  }
0x35a: {  	s1 =	sshrl.u32 s3, $0x3  }
0x35b: {  	s0 =	sadd.s32 $0xFFFFFFFF, s0;
	s2 =	sadd.s32 s19, s1;
	s1 =	sadd.s32 $0x400, s3  }
.LBB2_140:
0x35c: {  	[hbm4b:s2+s15] =	stream.linear.scatter [tilespmem:s16], [sflag:$0x3], $0x400, $0x38;
	[tilespmem:$0x18C80] =	vst v63  }
0x35d: {  	p0 =	sne.s32 s0, $0x1  }
.Ltmp78:
0x35e: {  	s0 =	sadd.s32 $0xFFFFFFFF, s0;
	(pc) =	sbr.rel @p0 .LBB2_140-.Ltmp78, $3  }
0x35f: {  	_ =	sdelay $0x1  }
0x360: {  	s2 =	sshrl.u32 s1, $0x3  }
0x361: {  	s1 =	sadd.s32 $0x400, s1;
	s2 =	sadd.s32 s19, s2  }
.LBB2_141:
0x362: {  	[hbm4b:s2+s15] =	stream.linear.scatter [tilespmem:s16], [sflag:$0x3], $0x400, $0x38;
	[tilespmem:$0x18C80] =	vst v63  }
.LBB2_142:
0x363: {  	s0 =	rddreg [dreg:$0x11]  }
0x364: {  	s1 =	rddreg [dreg:$0xb]  }
.LBB2_143:
0x365: {  	p0 =	sne.s32 s1, $0x1  }
.Ltmp79:
0x366: {  	_ = 	snop;
	(pc) =	sbr.rel @p0 .LBB2_143-.Ltmp79, $4  }
0x367: {  	_ = 	snop  }
0x368: {  	s2 =	sshrl.u32 s0, $0x3  }
0x369: {  	s0 =	sadd.s32 $0x400, s0;
	s1 =	sadd.s32 $0xFFFFFFFF, s1;
	s2 =	sadd.s32 s19, s2  }
0x36a: {  	[hbm4b:s2+s15] =	stream.linear.scatter [tilespmem:s5], [sflag:$0x3], $0x400, $0x38;
	[tilespmem:$0x18C80] =	vst v63  }
0x36b: {  	_ = 	snop  }
0x36c: {  	s4 =	sld [smem:$0x7E0];
	_ =	sdelay $0x2  }
0x36d: {  	v25 =	vld.idx.msk [tilespmem:v0+s4+$0x0 ss:$0x1], $0xffff;
	_ =	sdelay $0x2  }
0x36e: {  	v26 =	vld.idx.msk [tilespmem:v0+s4+$0xFFFFFFA0 ss:$0x1], $0xffff  }
0x36f: {  	s2 =	simm.s32 $0x10480;
	v27 =	vld.idx.msk [tilespmem:v0+s4+$0xFFFFFFB0 ss:$0x1], $0xffff  }
0x370: {  	v28 =	vld.idx.msk [tilespmem:v0+s4+$0xFFFFFFC0 ss:$0x1], $0xffff;
	[tilespmem:v7+s2+$0xFFFFFE80 ss:$0x1] =	vst.idx.msk $0xffff, v25  }
0x371: {  	v29 =	vld.idx.msk [tilespmem:v0+s4+$0xFFFFFFD0 ss:$0x1], $0xffff;
	s5 =	sld [smem:$0x7DF]  }
0x372: {  	v30 =	vld.idx.msk [tilespmem:v0+s4+$0xFFFFFFE0 ss:$0x1], $0xffff  }
0x373: {  	v31 =	vld.idx.msk [tilespmem:v0+s4+$0xFFFFFFF0 ss:$0x1], $0xffff;
	[tilespmem:v1+s2+$0xFFFFFD00 ss:$0x1] =	vst.idx.msk $0xffff, v26  }
0x374: {  	[tilespmem:v2+s2+$0xFFFFFD00 ss:$0x1] =	vst.idx.msk $0xffff, v27;
	v25 =	vld.idx.msk [tilespmem:v0+s5+$0x0 ss:$0x1], $0xffff  }
0x375: {  	[tilespmem:v3+s2+$0xFFFFFD00 ss:$0x1] =	vst.idx.msk $0xffff, v28  }
0x376: {  	[tilespmem:v4+s2+$0xFFFFFD00 ss:$0x1] =	vst.idx.msk $0xffff, v29;
	v27 =	vld.idx.msk [tilespmem:v0+s5+$0xFFFFFFA0 ss:$0x1], $0xffff  }
0x377: {  	[tilespmem:v5+s2+$0xFFFFFD00 ss:$0x1] =	vst.idx.msk $0xffff, v30;
	v28 =	vld.idx.msk [tilespmem:v0+s5+$0xFFFFFFB0 ss:$0x1], $0xffff  }
0x378: {  	[tilespmem:v6+s2+$0xFFFFFE80 ss:$0x1] =	vst.idx.msk $0xffff, v31;
	v29 =	vld.idx.msk [tilespmem:v0+s5+$0xFFFFFFC0 ss:$0x1], $0xffff  }
0x379: {  	v30 =	vld.idx.msk [tilespmem:v0+s5+$0xFFFFFFD0 ss:$0x1], $0xffff;
	[tilespmem:v7+s2+$0xFFFFFF00 ss:$0x1] =	vst.idx.msk $0xffff, v25  }
0x37a: {  	v32 =	vld.idx.msk [tilespmem:v0+s5+$0xFFFFFFE0 ss:$0x1], $0xffff;
	s7 =	rddreg [dreg:$0x1f]  }
0x37b: {  	[tilespmem:v1+s2+$0xFFFFFD80 ss:$0x1] =	vst.idx.msk $0xffff, v27;
	v25 =	vld.idx.msk [tilespmem:v0+s7+$0x0 ss:$0x1], $0xffff  }
0x37c: {  	[tilespmem:v2+s2+$0xFFFFFD80 ss:$0x1] =	vst.idx.msk $0xffff, v28  }
0x37d: {  	v27 =	vld.idx.msk [tilespmem:v0+s5+$0xFFFFFFF0 ss:$0x1], $0xffff;
	[tilespmem:v3+s2+$0xFFFFFD80 ss:$0x1] =	vst.idx.msk $0xffff, v29  }
0x37e: {  	[tilespmem:v4+s2+$0xFFFFFD80 ss:$0x1] =	vst.idx.msk $0xffff, v30;
	v28 =	vld.idx.msk [tilespmem:v0+s7+$0xFFFFFFA0 ss:$0x1], $0xffff  }
0x37f: {  	[tilespmem:v5+s2+$0xFFFFFD80 ss:$0x1] =	vst.idx.msk $0xffff, v32;
	v29 =	vld.idx.msk [tilespmem:v0+s7+$0xFFFFFFB0 ss:$0x1], $0xffff  }
0x380: {  	v30 =	vld.idx.msk [tilespmem:v0+s7+$0xFFFFFFC0 ss:$0x1], $0xffff;
	[tilespmem:v7+s2+$0xFFFFFF80 ss:$0x1] =	vst.idx.msk $0xffff, v25  }
0x381: {  	v31 =	vld.idx.msk [tilespmem:v0+s7+$0xFFFFFFD0 ss:$0x1], $0xffff;
	s8 =	rddreg [dreg:$0x1e]  }
0x382: {  	[tilespmem:v6+s2+$0xFFFFFF00 ss:$0x1] =	vst.idx.msk $0xffff, v27;
	v25 =	vld.idx.msk [tilespmem:v0+s8+$0x0 ss:$0x1], $0xffff  }
0x383: {  	[tilespmem:v1+s2+$0xFFFFFE00 ss:$0x1] =	vst.idx.msk $0xffff, v28  }
0x384: {  	v27 =	vld.idx.msk [tilespmem:v0+s7+$0xFFFFFFE0 ss:$0x1], $0xffff;
	[tilespmem:v2+s2+$0xFFFFFE00 ss:$0x1] =	vst.idx.msk $0xffff, v29  }
0x385: {  	[tilespmem:v3+s2+$0xFFFFFE00 ss:$0x1] =	vst.idx.msk $0xffff, v30;
	v28 =	vld.idx.msk [tilespmem:v0+s7+$0xFFFFFFF0 ss:$0x1], $0xffff  }
0x386: {  	[tilespmem:v4+s2+$0xFFFFFE00 ss:$0x1] =	vst.idx.msk $0xffff, v31;
	v29 =	vld.idx.msk [tilespmem:v0+s8+$0xFFFFFFA0 ss:$0x1], $0xffff  }
0x387: {  	v30 =	vld.idx.msk [tilespmem:v0+s8+$0xFFFFFFB0 ss:$0x1], $0xffff;
	[tilespmem:v7+s2+$0x0 ss:$0x1] =	vst.idx.msk $0xffff, v25  }
0x388: {  	v59 =	vld.idx.msk [tilespmem:v0+s8+$0xFFFFFFC0 ss:$0x1], $0xffff;
	s9 =	rddreg [dreg:$0x1d]  }
0x389: {  	[tilespmem:v5+s2+$0xFFFFFE00 ss:$0x1] =	vst.idx.msk $0xffff, v27;
	v25 =	vld.idx.msk [tilespmem:v0+s9+$0x0 ss:$0x1], $0xffff  }
0x38a: {  	[tilespmem:v6+s2+$0xFFFFFF80 ss:$0x1] =	vst.idx.msk $0xffff, v28  }
0x38b: {  	v27 =	vld.idx.msk [tilespmem:v0+s8+$0xFFFFFFD0 ss:$0x1], $0xffff;
	[tilespmem:v1+s2+$0xFFFFFE80 ss:$0x1] =	vst.idx.msk $0xffff, v29  }
0x38c: {  	[tilespmem:v2+s2+$0xFFFFFE80 ss:$0x1] =	vst.idx.msk $0xffff, v30;
	v28 =	vld.idx.msk [tilespmem:v0+s8+$0xFFFFFFE0 ss:$0x1], $0xffff  }
0x38d: {  	[tilespmem:v3+s2+$0xFFFFFE80 ss:$0x1] =	vst.idx.msk $0xffff, v59;
	v29 =	vld.idx.msk [tilespmem:v0+s8+$0xFFFFFFF0 ss:$0x1], $0xffff  }
0x38e: {  	v30 =	vld.idx.msk [tilespmem:v0+s9+$0xFFFFFFA0 ss:$0x1], $0xffff;
	[tilespmem:v7+s2+$0x80 ss:$0x1] =	vst.idx.msk $0xffff, v25  }
0x38f: {  	v31 =	vld.idx.msk [tilespmem:v0+s9+$0xFFFFFFB0 ss:$0x1], $0xffff;
	s10 =	rddreg [dreg:$0x1c]  }
0x390: {  	[tilespmem:v4+s2+$0xFFFFFE80 ss:$0x1] =	vst.idx.msk $0xffff, v27;
	v25 =	vld.idx.msk [tilespmem:v0+s10+$0x0 ss:$0x1], $0xffff  }
0x391: {  	[tilespmem:v5+s2+$0xFFFFFE80 ss:$0x1] =	vst.idx.msk $0xffff, v28  }
0x392: {  	v27 =	vld.idx.msk [tilespmem:v0+s9+$0xFFFFFFC0 ss:$0x1], $0xffff;
	[tilespmem:v6+s2+$0x0 ss:$0x1] =	vst.idx.msk $0xffff, v29  }
0x393: {  	[tilespmem:v1+s2+$0xFFFFFF00 ss:$0x1] =	vst.idx.msk $0xffff, v30;
	v28 =	vld.idx.msk [tilespmem:v0+s9+$0xFFFFFFD0 ss:$0x1], $0xffff  }
0x394: {  	[tilespmem:v2+s2+$0xFFFFFF00 ss:$0x1] =	vst.idx.msk $0xffff, v31;
	v29 =	vld.idx.msk [tilespmem:v0+s9+$0xFFFFFFE0 ss:$0x1], $0xffff  }
0x395: {  	v30 =	vld.idx.msk [tilespmem:v0+s9+$0xFFFFFFF0 ss:$0x1], $0xffff;
	[tilespmem:v7+s2+$0x100 ss:$0x1] =	vst.idx.msk $0xffff, v25  }
0x396: {  	v60 =	vld.idx.msk [tilespmem:v0+s10+$0xFFFFFFA0 ss:$0x1], $0xffff;
	s11 =	rddreg [dreg:$0x1b]  }
0x397: {  	[tilespmem:v3+s2+$0xFFFFFF00 ss:$0x1] =	vst.idx.msk $0xffff, v27;
	v25 =	vld.idx.msk [tilespmem:v0+s11+$0x0 ss:$0x1], $0xffff  }
0x398: {  	v27 =	vld.idx.msk [tilespmem:v0+s10+$0xFFFFFFB0 ss:$0x1], $0xffff;
	[tilespmem:v4+s2+$0xFFFFFF00 ss:$0x1] =	vst.idx.msk $0xffff, v28  }
0x399: {  	[tilespmem:v5+s2+$0xFFFFFF00 ss:$0x1] =	vst.idx.msk $0xffff, v29;
	v28 =	vld.idx.msk [tilespmem:v0+s10+$0xFFFFFFC0 ss:$0x1], $0xffff  }
0x39a: {  	[tilespmem:v6+s2+$0x80 ss:$0x1] =	vst.idx.msk $0xffff, v30;
	v29 =	vld.idx.msk [tilespmem:v0+s10+$0xFFFFFFD0 ss:$0x1], $0xffff  }
0x39b: {  	[tilespmem:v1+s2+$0xFFFFFF80 ss:$0x1] =	vst.idx.msk $0xffff, v60;
	v30 =	vld.idx.msk [tilespmem:v0+s10+$0xFFFFFFE0 ss:$0x1], $0xffff  }
0x39c: {  	s21 =	sadd.s32 $0x80, s4;
	[tilespmem:v7+s2+$0x180 ss:$0x1] =	vst.idx.msk $0xffff, v25  }
0x39d: {  	v62 =	vld.idx.msk [tilespmem:v0+s21+$0xFFFFFFA0 ss:$0x1], $0xffff;
	s13 =	rddreg [dreg:$0x1a];
	[tilespmem:v2+s2+$0xFFFFFF80 ss:$0x1] =	vst.idx.msk $0xffff, v27  }
0x39e: {  	v31 =	vld.idx.msk [tilespmem:v0+s10+$0xFFFFFFF0 ss:$0x1], $0xffff;
	[tilespmem:v3+s2+$0xFFFFFF80 ss:$0x1] =	vst.idx.msk $0xffff, v28  }
0x39f: {  	v26 =	vld.idx.msk [tilespmem:v0+s4+$0xFFFFFF90 ss:$0x1], $0xffff;
	[tilespmem:v4+s2+$0xFFFFFF80 ss:$0x1] =	vst.idx.msk $0xffff, v29  }
0x3a0: {  	v27 =	vld.idx.msk [tilespmem:v0+s11+$0xFFFFFFA0 ss:$0x1], $0xffff;
	[tilespmem:v5+s2+$0xFFFFFF80 ss:$0x1] =	vst.idx.msk $0xffff, v30  }
0x3a1: {  	v28 =	vld.idx.msk [tilespmem:v0+s11+$0xFFFFFFB0 ss:$0x1], $0xffff;
	s0 =	rddreg [dreg:$0x12]  }
0x3a2: {  	v29 =	vld.idx.msk [tilespmem:v0+s11+$0xFFFFFFC0 ss:$0x1], $0xffff;
	s1 =	sshra.s32 s0, $0x2  }
0x3a3: {  	v30 =	vld.idx.msk [tilespmem:v0+s11+$0xFFFFFFD0 ss:$0x1], $0xffff;
	[tilespmem:v6+s2+$0x100 ss:$0x1] =	vst.idx.msk $0xffff, v31;
	s0 =	sadd.s32 $0x10480, s1  }
0x3a4: {  	v31 =	vld.idx.msk [tilespmem:v0+s11+$0xFFFFFFE0 ss:$0x1], $0xffff;
	[tilespmem:s0+$0x0] =	vst v26  }
0x3a5: {  	v25 =	vld.idx.msk [tilespmem:v0+s13+$0x0 ss:$0x1], $0xffff;
	[tilespmem:v1+s2+$0x0 ss:$0x1] =	vst.idx.msk $0xffff, v27  }
0x3a6: {  	v61 =	vld.idx.msk [tilespmem:v0+s11+$0xFFFFFFF0 ss:$0x1], $0xffff;
	[tilespmem:v2+s2+$0x0 ss:$0x1] =	vst.idx.msk $0xffff, v28  }
0x3a7: {  	v63 =	vld.idx.msk [tilespmem:v0+s21+$0xFFFFFF90 ss:$0x1], $0xffff;
	[tilespmem:v3+s2+$0x0 ss:$0x1] =	vst.idx.msk $0xffff, v29  }
0x3a8: {  	v26 =	vld.idx.msk [tilespmem:v0+s5+$0xFFFFFF90 ss:$0x1], $0xffff;
	[tilespmem:v4+s2+$0x0 ss:$0x1] =	vst.idx.msk $0xffff, v30  }
0x3a9: {  	v27 =	vld.idx.msk [tilespmem:v0+s13+$0xFFFFFFA0 ss:$0x1], $0xffff;
	[tilespmem:v5+s2+$0x0 ss:$0x1] =	vst.idx.msk $0xffff, v31  }
0x3aa: {  	[tilespmem:s0+$0x3F0] =	vst v25;
	v28 =	vld.idx.msk [tilespmem:v0+s13+$0xFFFFFFB0 ss:$0x1], $0xffff  }
0x3ab: {  	v29 =	vld.idx.msk [tilespmem:v0+s13+$0xFFFFFFC0 ss:$0x1], $0xffff;
	[tilespmem:v6+s2+$0x180 ss:$0x1] =	vst.idx.msk $0xffff, v61  }
0x3ac: {  	s4 =	simm.s32 $0x10880;
	v30 =	vld.idx.msk [tilespmem:v0+s13+$0xFFFFFFD0 ss:$0x1], $0xffff;
	s12 =	rddreg [dreg:$0x13]  }
0x3ad: {  	v31 =	vld.idx.msk [tilespmem:v0+s13+$0xFFFFFFE0 ss:$0x1], $0xffff;
	[tilespmem:v1+s4+$0xFFFFFD00 ss:$0x1] =	vst.idx.msk $0xffff, v62;
	s3 =	sadd.s32 $0xFFFFFF00, s12  }
0x3ae: {  	v25 =	vld.idx.msk [tilespmem:v0+s13+$0xFFFFFFF0 ss:$0x1], $0xffff;
	s22 =	sadd.s32 $0xFFFFFF80, s12;
	[tilespmem:s0+$0x80] =	vst v26;
	s3 =	sor.u32 $0x390, s3  }
0x3af: {  	v26 =	vld.idx.msk [tilespmem:v0+s21+$0x0 ss:$0x1], $0xffff;
	s23 =	sor.u32 $0x3A0, s22;
	[tilespmem:s3+$0x10480] =	vst v27  }
0x3b0: {  	s24 =	sor.u32 $0x3B0, s12;
	s25 =	sadd.s32 $0x80, s12;
	v27 =	vld.idx.msk [tilespmem:v0+s21+$0xFFFFFFB0 ss:$0x1], $0xffff;
	[tilespmem:s23+$0x10480] =	vst v28  }
0x3b1: {  	s28 =	sadd.s32 $0x100, s12;
	s26 =	sor.u32 $0x3C0, s25;
	v28 =	vld.idx.msk [tilespmem:v0+s21+$0xFFFFFFC0 ss:$0x1], $0xffff;
	[tilespmem:s24+$0x10480] =	vst v29  }
0x3b2: {  	s30 =	sor.u32 $0x3D0, s28;
	v29 =	vld.idx.msk [tilespmem:v0+s21+$0xFFFFFFD0 ss:$0x1], $0xffff;
	[tilespmem:s26+$0x10480] =	vst v30  }
0x3b3: {  	s31 =	sadd.s32 $0x180, s12;
	v30 =	vld.idx.msk [tilespmem:v0+s21+$0xFFFFFFE0 ss:$0x1], $0xffff;
	[tilespmem:s30+$0x10480] =	vst v31  }
0x3b4: {  	s5 =	sadd.s32 $0x80, s5;
	s3 =	sor.u32 $0x3E0, s31;
	v31 =	vld.idx.msk [tilespmem:v0+s21+$0xFFFFFFF0 ss:$0x1], $0xffff;
	[tilespmem:v7+s4+$0xFFFFFE80 ss:$0x1] =	vst.idx.msk $0xffff, v26  }
0x3b5: {  	[tilespmem:s3+$0x10480] =	vst v25;
	v26 =	vld.idx.msk [tilespmem:v0+s5+$0x0 ss:$0x1], $0xffff  }
0x3b6: {  	[tilespmem:v2+s4+$0xFFFFFD00 ss:$0x1] =	vst.idx.msk $0xffff, v27;
	v27 =	vld.idx.msk [tilespmem:v0+s5+$0xFFFFFFA0 ss:$0x1], $0xffff  }
0x3b7: {  	[tilespmem:v3+s4+$0xFFFFFD00 ss:$0x1] =	vst.idx.msk $0xffff, v28;
	v28 =	vld.idx.msk [tilespmem:v0+s5+$0xFFFFFFB0 ss:$0x1], $0xffff  }
0x3b8: {  	[tilespmem:v4+s4+$0xFFFFFD00 ss:$0x1] =	vst.idx.msk $0xffff, v29;
	v29 =	vld.idx.msk [tilespmem:v0+s5+$0xFFFFFFC0 ss:$0x1], $0xffff  }
0x3b9: {  	[tilespmem:v5+s4+$0xFFFFFD00 ss:$0x1] =	vst.idx.msk $0xffff, v30;
	v30 =	vld.idx.msk [tilespmem:v0+s5+$0xFFFFFFD0 ss:$0x1], $0xffff  }
0x3ba: {  	[tilespmem:v6+s4+$0xFFFFFE80 ss:$0x1] =	vst.idx.msk $0xffff, v31;
	v31 =	vld.idx.msk [tilespmem:v0+s5+$0xFFFFFFE0 ss:$0x1], $0xffff  }
0x3bb: {  	v25 =	vld.idx.msk [tilespmem:v0+s5+$0xFFFFFFF0 ss:$0x1], $0xffff;
	[tilespmem:v7+s4+$0xFFFFFF00 ss:$0x1] =	vst.idx.msk $0xffff, v26  }
0x3bc: {  	s6 =	sadd.s32 $0x80, s7;
	[tilespmem:v1+s4+$0xFFFFFD80 ss:$0x1] =	vst.idx.msk $0xffff, v27;
	v27 =	vld.idx.msk [tilespmem:v0+s7+$0xFFFFFF90 ss:$0x1], $0xffff  }
0x3bd: {  	v26 =	vld.idx.msk [tilespmem:v0+s6+$0x0 ss:$0x1], $0xffff;
	[tilespmem:v2+s4+$0xFFFFFD80 ss:$0x1] =	vst.idx.msk $0xffff, v28  }
0x3be: {  	v28 =	vld.idx.msk [tilespmem:v0+s6+$0xFFFFFFA0 ss:$0x1], $0xffff;
	[tilespmem:v3+s4+$0xFFFFFD80 ss:$0x1] =	vst.idx.msk $0xffff, v29  }
0x3bf: {  	v29 =	vld.idx.msk [tilespmem:v0+s6+$0xFFFFFFB0 ss:$0x1], $0xffff;
	[tilespmem:v4+s4+$0xFFFFFD80 ss:$0x1] =	vst.idx.msk $0xffff, v30  }
0x3c0: {  	[tilespmem:v5+s4+$0xFFFFFD80 ss:$0x1] =	vst.idx.msk $0xffff, v31;
	v30 =	vld.idx.msk [tilespmem:v0+s6+$0xFFFFFFC0 ss:$0x1], $0xffff  }
0x3c1: {  	[tilespmem:v6+s4+$0xFFFFFF00 ss:$0x1] =	vst.idx.msk $0xffff, v25;
	v31 =	vld.idx.msk [tilespmem:v0+s6+$0xFFFFFFD0 ss:$0x1], $0xffff  }
0x3c2: {  	[tilespmem:s0+$0x100] =	vst v27;
	v27 =	vld.idx.msk [tilespmem:v0+s6+$0xFFFFFFF0 ss:$0x1], $0xffff  }
0x3c3: {  	[tilespmem:v7+s4+$0xFFFFFF80 ss:$0x1] =	vst.idx.msk $0xffff, v26;
	v26 =	vld.idx.msk [tilespmem:v0+s6+$0xFFFFFFE0 ss:$0x1], $0xffff  }
0x3c4: {  	s7 =	sadd.s32 $0x80, s8;
	[tilespmem:v1+s4+$0xFFFFFE00 ss:$0x1] =	vst.idx.msk $0xffff, v28;
	v28 =	vld.idx.msk [tilespmem:v0+s8+$0xFFFFFF90 ss:$0x1], $0xffff  }
0x3c5: {  	v25 =	vld.idx.msk [tilespmem:v0+s7+$0x0 ss:$0x1], $0xffff;
	[tilespmem:v2+s4+$0xFFFFFE00 ss:$0x1] =	vst.idx.msk $0xffff, v29  }
0x3c6: {  	v29 =	vld.idx.msk [tilespmem:v0+s7+$0xFFFFFFA0 ss:$0x1], $0xffff;
	[tilespmem:v3+s4+$0xFFFFFE00 ss:$0x1] =	vst.idx.msk $0xffff, v30  }
0x3c7: {  	v30 =	vld.idx.msk [tilespmem:v0+s7+$0xFFFFFFB0 ss:$0x1], $0xffff;
	[tilespmem:v4+s4+$0xFFFFFE00 ss:$0x1] =	vst.idx.msk $0xffff, v31  }
0x3c8: {  	v31 =	vld.idx.msk [tilespmem:v0+s7+$0xFFFFFFC0 ss:$0x1], $0xffff;
	[tilespmem:v6+s4+$0xFFFFFF80 ss:$0x1] =	vst.idx.msk $0xffff, v27  }
0x3c9: {  	[tilespmem:v5+s4+$0xFFFFFE00 ss:$0x1] =	vst.idx.msk $0xffff, v26;
	v26 =	vld.idx.msk [tilespmem:v0+s7+$0xFFFFFFD0 ss:$0x1], $0xffff  }
0x3ca: {  	[tilespmem:s0+$0x180] =	vst v28;
	v28 =	vld.idx.msk [tilespmem:v0+s7+$0xFFFFFFF0 ss:$0x1], $0xffff  }
0x3cb: {  	[tilespmem:v7+s4+$0x0 ss:$0x1] =	vst.idx.msk $0xffff, v25;
	v27 =	vld.idx.msk [tilespmem:v0+s7+$0xFFFFFFE0 ss:$0x1], $0xffff  }
0x3cc: {  	s8 =	sadd.s32 $0x80, s9;
	[tilespmem:v1+s4+$0xFFFFFE80 ss:$0x1] =	vst.idx.msk $0xffff, v29;
	v29 =	vld.idx.msk [tilespmem:v0+s9+$0xFFFFFF90 ss:$0x1], $0xffff  }
0x3cd: {  	v25 =	vld.idx.msk [tilespmem:v0+s8+$0x0 ss:$0x1], $0xffff;
	[tilespmem:v2+s4+$0xFFFFFE80 ss:$0x1] =	vst.idx.msk $0xffff, v30  }
0x3ce: {  	v30 =	vld.idx.msk [tilespmem:v0+s8+$0xFFFFFFA0 ss:$0x1], $0xffff;
	[tilespmem:v3+s4+$0xFFFFFE80 ss:$0x1] =	vst.idx.msk $0xffff, v31  }
0x3cf: {  	v31 =	vld.idx.msk [tilespmem:v0+s8+$0xFFFFFFB0 ss:$0x1], $0xffff;
	[tilespmem:v4+s4+$0xFFFFFE80 ss:$0x1] =	vst.idx.msk $0xffff, v26  }
0x3d0: {  	v26 =	vld.idx.msk [tilespmem:v0+s8+$0xFFFFFFC0 ss:$0x1], $0xffff;
	[tilespmem:v6+s4+$0x0 ss:$0x1] =	vst.idx.msk $0xffff, v28  }
0x3d1: {  	[tilespmem:v5+s4+$0xFFFFFE80 ss:$0x1] =	vst.idx.msk $0xffff, v27;
	v27 =	vld.idx.msk [tilespmem:v0+s8+$0xFFFFFFD0 ss:$0x1], $0xffff  }
0x3d2: {  	[tilespmem:s0+$0x200] =	vst v29;
	v29 =	vld.idx.msk [tilespmem:v0+s8+$0xFFFFFFF0 ss:$0x1], $0xffff  }
0x3d3: {  	[tilespmem:v7+s4+$0x80 ss:$0x1] =	vst.idx.msk $0xffff, v25;
	v28 =	vld.idx.msk [tilespmem:v0+s8+$0xFFFFFFE0 ss:$0x1], $0xffff  }
0x3d4: {  	s9 =	sadd.s32 $0x80, s10;
	[tilespmem:v1+s4+$0xFFFFFF00 ss:$0x1] =	vst.idx.msk $0xffff, v30;
	v30 =	vld.idx.msk [tilespmem:v0+s10+$0xFFFFFF90 ss:$0x1], $0xffff  }
0x3d5: {  	v25 =	vld.idx.msk [tilespmem:v0+s9+$0x0 ss:$0x1], $0xffff;
	[tilespmem:v2+s4+$0xFFFFFF00 ss:$0x1] =	vst.idx.msk $0xffff, v31  }
0x3d6: {  	v31 =	vld.idx.msk [tilespmem:v0+s9+$0xFFFFFFA0 ss:$0x1], $0xffff;
	[tilespmem:v3+s4+$0xFFFFFF00 ss:$0x1] =	vst.idx.msk $0xffff, v26  }
0x3d7: {  	v26 =	vld.idx.msk [tilespmem:v0+s9+$0xFFFFFFB0 ss:$0x1], $0xffff;
	[tilespmem:v4+s4+$0xFFFFFF00 ss:$0x1] =	vst.idx.msk $0xffff, v27  }
0x3d8: {  	v27 =	vld.idx.msk [tilespmem:v0+s9+$0xFFFFFFC0 ss:$0x1], $0xffff;
	[tilespmem:v6+s4+$0x80 ss:$0x1] =	vst.idx.msk $0xffff, v29  }
0x3d9: {  	[tilespmem:v5+s4+$0xFFFFFF00 ss:$0x1] =	vst.idx.msk $0xffff, v28;
	v28 =	vld.idx.msk [tilespmem:v0+s9+$0xFFFFFFD0 ss:$0x1], $0xffff  }
0x3da: {  	[tilespmem:s0+$0x280] =	vst v30;
	v30 =	vld.idx.msk [tilespmem:v0+s9+$0xFFFFFFF0 ss:$0x1], $0xffff  }
0x3db: {  	s10 =	sadd.s32 $0x80, s11;
	[tilespmem:v7+s4+$0x100 ss:$0x1] =	vst.idx.msk $0xffff, v25;
	v29 =	vld.idx.msk [tilespmem:v0+s9+$0xFFFFFFE0 ss:$0x1], $0xffff  }
0x3dc: {  	[tilespmem:v1+s4+$0xFFFFFF80 ss:$0x1] =	vst.idx.msk $0xffff, v31;
	v25 =	vld.idx.msk [tilespmem:v0+s10+$0x0 ss:$0x1], $0xffff  }
0x3dd: {  	v31 =	vld.idx.msk [tilespmem:v0+s10+$0xFFFFFFA0 ss:$0x1], $0xffff;
	[tilespmem:v2+s4+$0xFFFFFF80 ss:$0x1] =	vst.idx.msk $0xffff, v26  }
0x3de: {  	[tilespmem:v3+s4+$0xFFFFFF80 ss:$0x1] =	vst.idx.msk $0xffff, v27;
	v27 =	vld.idx.msk [tilespmem:v0+s10+$0xFFFFFFB0 ss:$0x1], $0xffff  }
0x3df: {  	s3 =	sadd.s32 $0x10880, s1;
	[tilespmem:v4+s4+$0xFFFFFF80 ss:$0x1] =	vst.idx.msk $0xffff, v28;
	v28 =	vld.idx.msk [tilespmem:v0+s10+$0xFFFFFFC0 ss:$0x1], $0xffff  }
0x3e0: {  	[tilespmem:s3+$0x0] =	vst v63;
	v33 =	vld.idx.msk [tilespmem:v0+s10+$0xFFFFFFD0 ss:$0x1], $0xffff  }
0x3e1: {  	[tilespmem:v7+s4+$0x180 ss:$0x1] =	vst.idx.msk $0xffff, v25;
	v25 =	vld.idx.msk [tilespmem:v0+s11+$0xFFFFFF90 ss:$0x1], $0xffff;
	s11 =	sadd.s32 $0x80, s13  }
0x3e2: {  	[tilespmem:v6+s4+$0x100 ss:$0x1] =	vst.idx.msk $0xffff, v30;
	v26 =	vld.idx.msk [tilespmem:v0+s11+$0x0 ss:$0x1], $0xffff  }
0x3e3: {  	[tilespmem:v5+s4+$0xFFFFFF80 ss:$0x1] =	vst.idx.msk $0xffff, v29;
	v35 =	vld.idx.msk [tilespmem:v0+s10+$0xFFFFFFF0 ss:$0x1], $0xffff  }
0x3e4: {  	v34 =	vld.idx.msk [tilespmem:v0+s10+$0xFFFFFFE0 ss:$0x1], $0xffff;
	[tilespmem:v1+s4+$0x0 ss:$0x1] =	vst.idx.msk $0xffff, v31  }
0x3e5: {  	v31 =	vld.idx.msk [tilespmem:v0+s11+$0xFFFFFFA0 ss:$0x1], $0xffff;
	[tilespmem:v2+s4+$0x0 ss:$0x1] =	vst.idx.msk $0xffff, v27  }
0x3e6: {  	v29 =	vld.idx.msk [tilespmem:v0+s11+$0xFFFFFFB0 ss:$0x1], $0xffff;
	[tilespmem:s0+$0x300] =	vst v25  }
0x3e7: {  	[tilespmem:s3+$0x3F0] =	vst v26;
	v26 =	vld.idx.msk [tilespmem:v0+s5+$0xFFFFFF90 ss:$0x1], $0xffff  }
0x3e8: {  	[tilespmem:v3+s4+$0x0 ss:$0x1] =	vst.idx.msk $0xffff, v28;
	v30 =	vld.idx.msk [tilespmem:v0+s13+$0xFFFFFF90 ss:$0x1], $0xffff  }
0x3e9: {  	s15 =	simm.s32 $0x8;
	v28 =	vld.idx.msk [tilespmem:v0+s11+$0xFFFFFFC0 ss:$0x1], $0xffff;
	[tilespmem:v4+s4+$0x0 ss:$0x1] =	vst.idx.msk $0xffff, v33  }
0x3ea: {  	s22 =	smov.u32 s6;
	s21 =	sadd.s32 $0x80, s21;
	s20 =	smov.u32 s7;
	v27 =	vld.idx.msk [tilespmem:v0+s11+$0xFFFFFFD0 ss:$0x1], $0xffff;
	[tilespmem:v5+s4+$0x0 ss:$0x1] =	vst.idx.msk $0xffff, v34  }
0x3eb: {  	s18 =	smov.u32 s8;
	s16 =	smov.u32 s9;
	[tilespmem:v6+s4+$0x180 ss:$0x1] =	vst.idx.msk $0xffff, v35;
	v25 =	vld.idx.msk [tilespmem:v0+s11+$0xFFFFFFE0 ss:$0x1], $0xffff;
	s13 =	sadd.s32 $0x400, s12  }
0x3ec: {  	s17 =	smov.u32 s10;
	s14 =	smov.u32 s11;
	s12 =	sadd.s32 $0xFFFFFF00, s13;
	[tilespmem:s3+$0x80] =	vst v26;
	v26 =	vld.idx.msk [tilespmem:v0+s11+$0xFFFFFFF0 ss:$0x1], $0xffff  }
.LBB2_145:
0x3ed: {  	v32 =	vld.idx.msk [tilespmem:v0+s21+$0x0 ss:$0x1], $0xffff;
	s15 =	sadd.s32 $0x8, s15;
	s2 =	sor.u32 $0x390, s12;
	s12 =	sadd.s32 $0xFFFFFF80, s13;
	[tilespmem:s0+$0x380] =	vst v30  }
0x3ee: {  	s0 =	smov.u32 s3;
	v30 =	vld.idx.msk [tilespmem:v0+s21+$0xFFFFFFA0 ss:$0x1], $0xffff;
	p2 =	slt.u32 s15, $0x48;
	[tilespmem:s2+$0x10480] =	vst v31;
	s2 =	sor.u32 $0x3A0, s12  }
0x3ef: {  	s3 =	sadd.s32 $0x80, s13;
	v31 =	vld.idx.msk [tilespmem:v0+s21+$0xFFFFFFB0 ss:$0x1], $0xffff;
	[tilespmem:s2+$0x10480] =	vst v29;
	s2 =	sor.u32 $0x3B0, s13  }
0x3f0: {  	v29 =	vld.idx.msk [tilespmem:v0+s21+$0xFFFFFFC0 ss:$0x1], $0xffff;
	[tilespmem:s2+$0x10480] =	vst v28;
	s2 =	sor.u32 $0x3C0, s3;
	s3 =	sadd.s32 $0x100, s13  }
0x3f1: {  	v28 =	vld.idx.msk [tilespmem:v0+s21+$0xFFFFFFD0 ss:$0x1], $0xffff;
	[tilespmem:s2+$0x10480] =	vst v27;
	s2 =	sor.u32 $0x3D0, s3  }
0x3f2: {  	s4 =	sadd.s32 $0x400, s4;
	v27 =	vld.idx.msk [tilespmem:v0+s21+$0xFFFFFFE0 ss:$0x1], $0xffff;
	[tilespmem:s2+$0x10480] =	vst v25  }
0x3f3: {  	s5 =	sadd.s32 $0x80, s5;
	v33 =	vld.idx.msk [tilespmem:v0+s21+$0xFFFFFFF0 ss:$0x1], $0xffff;
	[tilespmem:v7+s4+$0xFFFFFE80 ss:$0x1] =	vst.idx.msk $0xffff, v32  }
0x3f4: {  	[tilespmem:v1+s4+$0xFFFFFD00 ss:$0x1] =	vst.idx.msk $0xffff, v30;
	v30 =	vld.idx.msk [tilespmem:v0+s5+$0x0 ss:$0x1], $0xffff  }
0x3f5: {  	v25 =	vld.idx.msk [tilespmem:v0+s21+$0xFFFFFF90 ss:$0x1], $0xffff;
	[tilespmem:v2+s4+$0xFFFFFD00 ss:$0x1] =	vst.idx.msk $0xffff, v31  }
0x3f6: {  	v31 =	vld.idx.msk [tilespmem:v0+s5+$0xFFFFFFA0 ss:$0x1], $0xffff;
	[tilespmem:v3+s4+$0xFFFFFD00 ss:$0x1] =	vst.idx.msk $0xffff, v29  }
0x3f7: {  	v29 =	vld.idx.msk [tilespmem:v0+s5+$0xFFFFFFB0 ss:$0x1], $0xffff;
	[tilespmem:v4+s4+$0xFFFFFD00 ss:$0x1] =	vst.idx.msk $0xffff, v28  }
0x3f8: {  	v28 =	vld.idx.msk [tilespmem:v0+s5+$0xFFFFFFC0 ss:$0x1], $0xffff;
	[tilespmem:v5+s4+$0xFFFFFD00 ss:$0x1] =	vst.idx.msk $0xffff, v27  }
0x3f9: {  	s2 =	sadd.s32 $0x180, s13;
	v27 =	vld.idx.msk [tilespmem:v0+s5+$0xFFFFFFD0 ss:$0x1], $0xffff;
	[tilespmem:v6+s4+$0xFFFFFE80 ss:$0x1] =	vst.idx.msk $0xffff, v33  }
0x3fa: {  	s6 =	sadd.s32 $0x80, s6;
	s2 =	sor.u32 $0x3E0, s2;
	v32 =	vld.idx.msk [tilespmem:v0+s5+$0xFFFFFFE0 ss:$0x1], $0xffff;
	[tilespmem:v7+s4+$0xFFFFFF00 ss:$0x1] =	vst.idx.msk $0xffff, v30  }
0x3fb: {  	v30 =	vld.idx.msk [tilespmem:v0+s6+$0x0 ss:$0x1], $0xffff;
	[tilespmem:s2+$0x10480] =	vst v26  }
0x3fc: {  	[tilespmem:v1+s4+$0xFFFFFD80 ss:$0x1] =	vst.idx.msk $0xffff, v31;
	v26 =	vld.idx.msk [tilespmem:v0+s5+$0xFFFFFFF0 ss:$0x1], $0xffff  }
0x3fd: {  	[tilespmem:v2+s4+$0xFFFFFD80 ss:$0x1] =	vst.idx.msk $0xffff, v29;
	v29 =	vld.idx.msk [tilespmem:v0+s22+$0xFFFFFF90 ss:$0x1], $0xffff;
	s22 =	smov.u32 s6  }
0x3fe: {  	v31 =	vld.idx.msk [tilespmem:v0+s6+$0xFFFFFFA0 ss:$0x1], $0xffff;
	[tilespmem:v3+s4+$0xFFFFFD80 ss:$0x1] =	vst.idx.msk $0xffff, v28  }
0x3ff: {  	v28 =	vld.idx.msk [tilespmem:v0+s6+$0xFFFFFFB0 ss:$0x1], $0xffff;
	[tilespmem:v4+s4+$0xFFFFFD80 ss:$0x1] =	vst.idx.msk $0xffff, v27  }
0x400: {  	v27 =	vld.idx.msk [tilespmem:v0+s6+$0xFFFFFFC0 ss:$0x1], $0xffff;
	[tilespmem:v5+s4+$0xFFFFFD80 ss:$0x1] =	vst.idx.msk $0xffff, v32  }
0x401: {  	s7 =	sadd.s32 $0x80, s7;
	v32 =	vld.idx.msk [tilespmem:v0+s6+$0xFFFFFFD0 ss:$0x1], $0xffff;
	[tilespmem:v7+s4+$0xFFFFFF80 ss:$0x1] =	vst.idx.msk $0xffff, v30  }
0x402: {  	[tilespmem:v6+s4+$0xFFFFFF00 ss:$0x1] =	vst.idx.msk $0xffff, v26;
	v26 =	vld.idx.msk [tilespmem:v0+s7+$0x0 ss:$0x1], $0xffff  }
0x403: {  	v30 =	vld.idx.msk [tilespmem:v0+s6+$0xFFFFFFE0 ss:$0x1], $0xffff;
	[tilespmem:s0+$0x100] =	vst v29  }
0x404: {  	[tilespmem:v1+s4+$0xFFFFFE00 ss:$0x1] =	vst.idx.msk $0xffff, v31;
	v29 =	vld.idx.msk [tilespmem:v0+s6+$0xFFFFFFF0 ss:$0x1], $0xffff  }
0x405: {  	[tilespmem:v2+s4+$0xFFFFFE00 ss:$0x1] =	vst.idx.msk $0xffff, v28;
	v28 =	vld.idx.msk [tilespmem:v0+s20+$0xFFFFFF90 ss:$0x1], $0xffff;
	s20 =	smov.u32 s7  }
0x406: {  	v31 =	vld.idx.msk [tilespmem:v0+s7+$0xFFFFFFA0 ss:$0x1], $0xffff;
	[tilespmem:v3+s4+$0xFFFFFE00 ss:$0x1] =	vst.idx.msk $0xffff, v27  }
0x407: {  	v27 =	vld.idx.msk [tilespmem:v0+s7+$0xFFFFFFB0 ss:$0x1], $0xffff;
	[tilespmem:v4+s4+$0xFFFFFE00 ss:$0x1] =	vst.idx.msk $0xffff, v32  }
0x408: {  	s8 =	sadd.s32 $0x80, s8;
	v32 =	vld.idx.msk [tilespmem:v0+s7+$0xFFFFFFC0 ss:$0x1], $0xffff;
	[tilespmem:v7+s4+$0x0 ss:$0x1] =	vst.idx.msk $0xffff, v26  }
0x409: {  	[tilespmem:v5+s4+$0xFFFFFE00 ss:$0x1] =	vst.idx.msk $0xffff, v30;
	v26 =	vld.idx.msk [tilespmem:v0+s8+$0x0 ss:$0x1], $0xffff  }
0x40a: {  	v30 =	vld.idx.msk [tilespmem:v0+s7+$0xFFFFFFD0 ss:$0x1], $0xffff;
	[tilespmem:v6+s4+$0xFFFFFF80 ss:$0x1] =	vst.idx.msk $0xffff, v29  }
0x40b: {  	v29 =	vld.idx.msk [tilespmem:v0+s7+$0xFFFFFFE0 ss:$0x1], $0xffff;
	[tilespmem:s0+$0x180] =	vst v28  }
0x40c: {  	[tilespmem:v1+s4+$0xFFFFFE80 ss:$0x1] =	vst.idx.msk $0xffff, v31;
	v28 =	vld.idx.msk [tilespmem:v0+s7+$0xFFFFFFF0 ss:$0x1], $0xffff  }
0x40d: {  	[tilespmem:v2+s4+$0xFFFFFE80 ss:$0x1] =	vst.idx.msk $0xffff, v27;
	v27 =	vld.idx.msk [tilespmem:v0+s18+$0xFFFFFF90 ss:$0x1], $0xffff;
	s18 =	smov.u32 s8  }
0x40e: {  	v31 =	vld.idx.msk [tilespmem:v0+s8+$0xFFFFFFA0 ss:$0x1], $0xffff;
	[tilespmem:v3+s4+$0xFFFFFE80 ss:$0x1] =	vst.idx.msk $0xffff, v32  }
0x40f: {  	s9 =	sadd.s32 $0x80, s9;
	v32 =	vld.idx.msk [tilespmem:v0+s8+$0xFFFFFFB0 ss:$0x1], $0xffff;
	[tilespmem:v7+s4+$0x80 ss:$0x1] =	vst.idx.msk $0xffff, v26  }
0x410: {  	[tilespmem:v4+s4+$0xFFFFFE80 ss:$0x1] =	vst.idx.msk $0xffff, v30;
	v26 =	vld.idx.msk [tilespmem:v0+s9+$0x0 ss:$0x1], $0xffff  }
0x411: {  	v30 =	vld.idx.msk [tilespmem:v0+s8+$0xFFFFFFC0 ss:$0x1], $0xffff;
	[tilespmem:v5+s4+$0xFFFFFE80 ss:$0x1] =	vst.idx.msk $0xffff, v29  }
0x412: {  	v29 =	vld.idx.msk [tilespmem:v0+s8+$0xFFFFFFD0 ss:$0x1], $0xffff;
	[tilespmem:v6+s4+$0x0 ss:$0x1] =	vst.idx.msk $0xffff, v28  }
0x413: {  	v28 =	vld.idx.msk [tilespmem:v0+s8+$0xFFFFFFE0 ss:$0x1], $0xffff;
	[tilespmem:s0+$0x200] =	vst v27  }
0x414: {  	[tilespmem:v1+s4+$0xFFFFFF00 ss:$0x1] =	vst.idx.msk $0xffff, v31;
	v27 =	vld.idx.msk [tilespmem:v0+s8+$0xFFFFFFF0 ss:$0x1], $0xffff  }
0x415: {  	[tilespmem:v2+s4+$0xFFFFFF00 ss:$0x1] =	vst.idx.msk $0xffff, v32;
	v31 =	vld.idx.msk [tilespmem:v0+s16+$0xFFFFFF90 ss:$0x1], $0xffff;
	s16 =	smov.u32 s9  }
0x416: {  	s10 =	sadd.s32 $0x80, s10;
	v32 =	vld.idx.msk [tilespmem:v0+s9+$0xFFFFFFA0 ss:$0x1], $0xffff;
	[tilespmem:v7+s4+$0x100 ss:$0x1] =	vst.idx.msk $0xffff, v26  }
0x417: {  	[tilespmem:v3+s4+$0xFFFFFF00 ss:$0x1] =	vst.idx.msk $0xffff, v30;
	v26 =	vld.idx.msk [tilespmem:v0+s10+$0x0 ss:$0x1], $0xffff  }
0x418: {  	v30 =	vld.idx.msk [tilespmem:v0+s9+$0xFFFFFFB0 ss:$0x1], $0xffff;
	[tilespmem:v4+s4+$0xFFFFFF00 ss:$0x1] =	vst.idx.msk $0xffff, v29  }
0x419: {  	v29 =	vld.idx.msk [tilespmem:v0+s9+$0xFFFFFFC0 ss:$0x1], $0xffff;
	[tilespmem:v5+s4+$0xFFFFFF00 ss:$0x1] =	vst.idx.msk $0xffff, v28  }
0x41a: {  	v28 =	vld.idx.msk [tilespmem:v0+s9+$0xFFFFFFD0 ss:$0x1], $0xffff;
	[tilespmem:v6+s4+$0x80 ss:$0x1] =	vst.idx.msk $0xffff, v27  }
0x41b: {  	v27 =	vld.idx.msk [tilespmem:v0+s9+$0xFFFFFFE0 ss:$0x1], $0xffff;
	[tilespmem:s0+$0x280] =	vst v31  }
0x41c: {  	[tilespmem:v1+s4+$0xFFFFFF80 ss:$0x1] =	vst.idx.msk $0xffff, v32;
	v31 =	vld.idx.msk [tilespmem:v0+s9+$0xFFFFFFF0 ss:$0x1], $0xffff  }
0x41d: {  	s11 =	sadd.s32 $0x80, s11;
	[tilespmem:v7+s4+$0x180 ss:$0x1] =	vst.idx.msk $0xffff, v26;
	v26 =	vld.idx.msk [tilespmem:v0+s17+$0xFFFFFF90 ss:$0x1], $0xffff;
	s17 =	smov.u32 s10  }
0x41e: {  	[tilespmem:v2+s4+$0xFFFFFF80 ss:$0x1] =	vst.idx.msk $0xffff, v30;
	v30 =	vld.idx.msk [tilespmem:v0+s11+$0x0 ss:$0x1], $0xffff  }
0x41f: {  	v32 =	vld.idx.msk [tilespmem:v0+s10+$0xFFFFFFA0 ss:$0x1], $0xffff;
	[tilespmem:v3+s4+$0xFFFFFF80 ss:$0x1] =	vst.idx.msk $0xffff, v29  }
0x420: {  	v29 =	vld.idx.msk [tilespmem:v0+s10+$0xFFFFFFB0 ss:$0x1], $0xffff;
	[tilespmem:v4+s4+$0xFFFFFF80 ss:$0x1] =	vst.idx.msk $0xffff, v28  }
0x421: {  	v28 =	vld.idx.msk [tilespmem:v0+s10+$0xFFFFFFC0 ss:$0x1], $0xffff;
	[tilespmem:v5+s4+$0xFFFFFF80 ss:$0x1] =	vst.idx.msk $0xffff, v27  }
0x422: {  	v27 =	vld.idx.msk [tilespmem:v0+s10+$0xFFFFFFD0 ss:$0x1], $0xffff;
	[tilespmem:v6+s4+$0x100 ss:$0x1] =	vst.idx.msk $0xffff, v31  }
0x423: {  	s3 =	sadd.s32 s1, s4;
	v33 =	vld.idx.msk [tilespmem:v0+s10+$0xFFFFFFE0 ss:$0x1], $0xffff;
	[tilespmem:s0+$0x300] =	vst v26  }
0x424: {  	v26 =	vld.idx.msk [tilespmem:v0+s10+$0xFFFFFFF0 ss:$0x1], $0xffff;
	[tilespmem:s3+$0x3F0] =	vst v30  }
0x425: {  	[tilespmem:s3+$0x0] =	vst v25;
	v30 =	vld.idx.msk [tilespmem:v0+s14+$0xFFFFFF90 ss:$0x1], $0xffff;
	s14 =	smov.u32 s11  }
0x426: {  	v34 =	vld.idx.msk [tilespmem:v0+s5+$0xFFFFFF90 ss:$0x1], $0xffff;
	[tilespmem:v1+s4+$0x0 ss:$0x1] =	vst.idx.msk $0xffff, v32  }
0x427: {  	v31 =	vld.idx.msk [tilespmem:v0+s11+$0xFFFFFFA0 ss:$0x1], $0xffff;
	[tilespmem:v2+s4+$0x0 ss:$0x1] =	vst.idx.msk $0xffff, v29  }
.Ltmp80:
0x428: {  	v29 =	vld.idx.msk [tilespmem:v0+s11+$0xFFFFFFB0 ss:$0x1], $0xffff;
	[tilespmem:v3+s4+$0x0 ss:$0x1] =	vst.idx.msk $0xffff, v28;
	(pc) =	sbr.rel @p2 .LBB2_145-.Ltmp80, $4  }
0x429: {  	v28 =	vld.idx.msk [tilespmem:v0+s11+$0xFFFFFFC0 ss:$0x1], $0xffff;
	[tilespmem:v4+s4+$0x0 ss:$0x1] =	vst.idx.msk $0xffff, v27  }
0x42a: {  	v27 =	vld.idx.msk [tilespmem:v0+s11+$0xFFFFFFD0 ss:$0x1], $0xffff;
	[tilespmem:v5+s4+$0x0 ss:$0x1] =	vst.idx.msk $0xffff, v33  }
0x42b: {  	s13 =	sadd.s32 $0x400, s13;
	v25 =	vld.idx.msk [tilespmem:v0+s11+$0xFFFFFFE0 ss:$0x1], $0xffff;
	[tilespmem:v6+s4+$0x180 ss:$0x1] =	vst.idx.msk $0xffff, v26  }
0x42c: {  	s12 =	sadd.s32 $0xFFFFFF00, s13;
	s21 =	sadd.s32 $0x80, s21;
	[tilespmem:s3+$0x80] =	vst v34;
	v26 =	vld.idx.msk [tilespmem:v0+s11+$0xFFFFFFF0 ss:$0x1], $0xffff  }
0x42d: {  	_ =	sdelay $0x3  }
0x42e: {  	v32 =	vld.idx.msk [tilespmem:v0+s22+$0xFFFFFF90 ss:$0x1], $0xffff;
	_ =	sdelay $0x4  }
0x42f: {  	[tilespmem:s3+$0x100] =	vst v32  }
0x430: {  	v32 =	vld.idx.msk [tilespmem:v0+s20+$0xFFFFFF90 ss:$0x1], $0xffff;
	_ =	sdelay $0x4  }
0x431: {  	[tilespmem:s3+$0x180] =	vst v32  }
0x432: {  	v32 =	vld.idx.msk [tilespmem:v0+s18+$0xFFFFFF90 ss:$0x1], $0xffff;
	_ =	sdelay $0x4  }
0x433: {  	[tilespmem:s3+$0x200] =	vst v32  }
0x434: {  	v32 =	vld.idx.msk [tilespmem:v0+s16+$0xFFFFFF90 ss:$0x1], $0xffff;
	_ =	sdelay $0x4  }
0x435: {  	[tilespmem:s3+$0x280] =	vst v32  }
0x436: {  	v32 =	vld.idx.msk [tilespmem:v0+s17+$0xFFFFFF90 ss:$0x1], $0xffff;
	_ =	sdelay $0x2  }
0x437: {  	[tilespmem:s0+$0x380] =	vst v30;
	s22 =	sor.u32 $0x3B0, s13  }
0x438: {  	s1 =	sadd.s32 $0xFFFFFF80, s13;
	[tilespmem:s22+$0x10480] =	vst v28  }
0x439: {  	s23 =	sadd.s32 $0x80, s13;
	s21 =	sor.u32 $0x3A0, s1;
	[tilespmem:s3+$0x300] =	vst v32  }
0x43a: {  	s25 =	sadd.s32 $0x100, s13;
	s24 =	sor.u32 $0x3C0, s23;
	[tilespmem:s21+$0x10480] =	vst v29;
	v63 =	vld.idx.msk [tilespmem:v0+s14+$0xFFFFFF90 ss:$0x1], $0xffff  }
0x43b: {  	s28 =	sadd.s32 $0x180, s13;
	s26 =	sor.u32 $0x3D0, s25;
	[tilespmem:s24+$0x10480] =	vst v27  }
0x43c: {  	s30 =	sor.u32 $0x3E0, s28;
	[tilespmem:s26+$0x10480] =	vst v25  }
0x43d: {  	[tilespmem:s30+$0x10480] =	vst v26;
	s20 =	sor.u32 $0x390, s12  }
0x43e: {  	[tilespmem:s20+$0x10480] =	vst v31  }
0x43f: {  	[tilespmem:s3+$0x380] =	vst v63  }
0x440: {  	s0 =	rddreg [dreg:$0xc]  }
0x441: {  	s3 =	simm.s32 $0x0;
	s31 =	rddreg [dreg:$0xd]  }
0x442: {  	[hbm4b:s0+s3] =	stream.linear.scatter [tilespmem:s31], [sflag:$0x1], $0x2800, $0x38;
	[tilespmem:$0x18C80] =	vst v63  }
0x443: {  	_ =	swait.ge [sflag:s29], $0x400  }
0x444: {  	[sflag:s29] =	ssyncset.done $0x0  }
0x445: {  	[sflag:s29] =	ssyncadd.s32 $0xFFFFFC00  }
0x446: {  	_ =	swait.ge [sflag:s29], $0x400  }
0x447: {  	[sflag:s29] =	ssyncset.done $0x0  }
0x448: {  	[sflag:s29] =	ssyncadd.s32 $0xFFFFFC00  }
0x449: {  	_ =	swait.ge [sflag:s29], $0x400  }
0x44a: {  	[sflag:s29] =	ssyncset.done $0x0  }
0x44b: {  	[sflag:s29] =	ssyncadd.s32 $0xFFFFFC00  }
0x44c: {  	_ =	swait.ge [sflag:s29], $0x400  }
0x44d: {  	[sflag:s29] =	ssyncset.done $0x0  }
0x44e: {  	[sflag:s29] =	ssyncadd.s32 $0xFFFFFC00  }
0x44f: {  	_ =	swait.ge [sflag:s29], $0x400  }
.Ltmp81:
0x450: {  	[sflag:s29] =	ssyncset.done $0x0;
	(pc) =	sbr.rel @p1 .LBB2_149-.Ltmp81, $4  }
0x451: {  	[sflag:s29] =	ssyncadd.s32 $0xFFFFFC00  }
0x452: {  	_ =	swait.ge [sflag:s29], $0x400  }
0x453: {  	[sflag:s29] =	ssyncset.done $0x0  }
0x454: {  	s4 =	simm.s32 $0x18880;
	s2 =	simm.s32 $0x18480;
	[sflag:s29] =	ssyncadd.s32 $0xFFFFFC00  }
0x455: {  	s0 =	rddreg [dreg:$0xe]  }
0x456: {  	p0 =	sne.s32 s0, $0x1  }
.Ltmp82:
0x457: {  	_ = 	snop;
	(pc) =	sbr.rel @!p0 .LBB2_149-.Ltmp82, $4  }
0x458: {  	_ = 	snop  }
0x459: {  	s1 =	rddreg [dreg:$0x14]  }
0x45a: {  	[hbm4b:s1+s3] =	stream.linear.scatter [tilespmem:s2], [sflag:$0x3], $0x400, $0x38;
	[tilespmem:$0x18C80] =	vst v63  }
0x45b: {  	s0 =	sadd.s32 $0xFFFFFFFF, s0  }
.LBB2_148:
0x45c: {  	p0 =	sne.s32 s0, $0x1  }
.Ltmp83:
0x45d: {  	_ = 	snop;
	(pc) =	sbr.rel @p0 .LBB2_148-.Ltmp83, $3  }
0x45e: {  	_ = 	snop  }
0x45f: {  	s0 =	sadd.s32 $0xFFFFFFFF, s0;
	s1 =	sadd.s32 $0x80, s1;
	_ =	sdelay $0x1  }
0x460: {  	[hbm4b:s1+s3] =	stream.linear.scatter [tilespmem:s2], [sflag:$0x3], $0x400, $0x38;
	[tilespmem:$0x18C80] =	vst v63  }
.LBB2_149:
0x461: {  	s0 =	rddreg [dreg:$0x15]  }
0x462: {  	s1 =	rddreg [dreg:$0x19]  }
.LBB2_150:
0x463: {  	p0 =	sne.s32 s1, $0x1  }
.Ltmp84:
0x464: {  	_ = 	snop;
	(pc) =	sbr.rel @p0 .LBB2_150-.Ltmp84, $4  }
0x465: {  	_ = 	snop  }
0x466: {  	s2 =	sshrl.u32 s0, $0x3  }
0x467: {  	s0 =	sadd.s32 $0x400, s0;
	s1 =	sadd.s32 $0xFFFFFFFF, s1;
	s2 =	sadd.s32 s19, s2  }
0x468: {  	[hbm4b:s2+s3] =	stream.linear.scatter [tilespmem:s4], [sflag:$0x3], $0x400, $0x38;
	[tilespmem:$0x18C80] =	vst v63  }
0x469: {  	_ = 	snop  }
0x46a: {  	s15 =	sld [smem:$0x7E8];
	_ =	sdelay $0x2  }
0x46b: {  	v25 =	vld.idx.msk [tilespmem:v8+s15+$0x0 ss:$0x1], $0xffff;
	_ =	sdelay $0x2  }
0x46c: {  	s13 =	rddreg [dreg:$0x18];
	v26 =	vld.idx.msk [tilespmem:v8+s15+$0xFFFFFFA0 ss:$0x1], $0xffff  }
0x46d: {  	s12 =	sand.u32 $0x7C00, s13;
	v27 =	vld.idx.msk [tilespmem:v8+s15+$0xFFFFFFB0 ss:$0x1], $0xffff  }
0x46e: {  	v28 =	vld.idx.msk [tilespmem:v8+s15+$0xFFFFFFC0 ss:$0x1], $0xffff;
	[tilespmem:s12+$0x144F0] =	vst v25  }
0x46f: {  	s0 =	sadd.s32 $0xFFFFFD00, s13;
	v29 =	vld.idx.msk [tilespmem:v8+s15+$0xFFFFFFD0 ss:$0x1], $0xffff;
	s14 =	sld [smem:$0x7E7]  }
0x470: {  	s1 =	sadd.s32 $0xFFFFFD80, s13;
	s2 =	sand.u32 $0x7C00, s0;
	v30 =	vld.idx.msk [tilespmem:v8+s15+$0xFFFFFFE0 ss:$0x1], $0xffff  }
0x471: {  	s3 =	sadd.s32 $0xFFFFFE00, s13;
	s7 =	sand.u32 $0x7C00, s1;
	v31 =	vld.idx.msk [tilespmem:v8+s15+$0xFFFFFFF0 ss:$0x1], $0xffff;
	[tilespmem:s2+$0x14490] =	vst v26  }
0x472: {  	s4 =	sadd.s32 $0xFFFFFE80, s13;
	s8 =	sand.u32 $0x7C00, s3;
	[tilespmem:s7+$0x144A0] =	vst v27;
	v25 =	vld.idx.msk [tilespmem:v8+s14+$0x0 ss:$0x1], $0xffff  }
0x473: {  	s5 =	sadd.s32 $0xFFFFFF00, s13;
	s9 =	sand.u32 $0x7C00, s4;
	[tilespmem:s8+$0x144B0] =	vst v28  }
0x474: {  	s6 =	sadd.s32 $0xFFFFFF80, s13;
	s10 =	sand.u32 $0x7C00, s5;
	[tilespmem:s9+$0x144C0] =	vst v29  }
0x475: {  	s11 =	sand.u32 $0x7C00, s6;
	[tilespmem:s10+$0x144D0] =	vst v30  }
0x476: {  	[tilespmem:s11+$0x144E0] =	vst v31;
	v26 =	vld.idx.msk [tilespmem:v8+s14+$0xFFFFFFA0 ss:$0x1], $0xffff  }
0x477: {  	v27 =	vld.idx.msk [tilespmem:v8+s14+$0xFFFFFFB0 ss:$0x1], $0xffff;
	[tilespmem:s12+$0x14570] =	vst v25  }
0x478: {  	v28 =	vld.idx.msk [tilespmem:v8+s14+$0xFFFFFFC0 ss:$0x1], $0xffff;
	s28 =	sld [smem:$0x7E6]  }
0x479: {  	v29 =	vld.idx.msk [tilespmem:v8+s14+$0xFFFFFFD0 ss:$0x1], $0xffff  }
0x47a: {  	v30 =	vld.idx.msk [tilespmem:v8+s14+$0xFFFFFFE0 ss:$0x1], $0xffff  }
0x47b: {  	[tilespmem:s2+$0x14510] =	vst v26;
	v25 =	vld.idx.msk [tilespmem:v8+s28+$0x0 ss:$0x1], $0xffff  }
0x47c: {  	[tilespmem:s7+$0x14520] =	vst v27  }
0x47d: {  	[tilespmem:s8+$0x14530] =	vst v28  }
0x47e: {  	[tilespmem:s9+$0x14540] =	vst v29  }
0x47f: {  	v26 =	vld.idx.msk [tilespmem:v8+s14+$0xFFFFFFF0 ss:$0x1], $0xffff;
	[tilespmem:s10+$0x14550] =	vst v30  }
0x480: {  	v27 =	vld.idx.msk [tilespmem:v8+s28+$0xFFFFFFA0 ss:$0x1], $0xffff;
	[tilespmem:s12+$0x145F0] =	vst v25  }
0x481: {  	v28 =	vld.idx.msk [tilespmem:v8+s28+$0xFFFFFFB0 ss:$0x1], $0xffff;
	s26 =	sld [smem:$0x7E5]  }
0x482: {  	v29 =	vld.idx.msk [tilespmem:v8+s28+$0xFFFFFFC0 ss:$0x1], $0xffff  }
0x483: {  	v31 =	vld.idx.msk [tilespmem:v8+s28+$0xFFFFFFD0 ss:$0x1], $0xffff  }
0x484: {  	[tilespmem:s11+$0x14560] =	vst v26;
	v25 =	vld.idx.msk [tilespmem:v8+s26+$0x0 ss:$0x1], $0xffff  }
0x485: {  	[tilespmem:s2+$0x14590] =	vst v27  }
0x486: {  	[tilespmem:s7+$0x145A0] =	vst v28  }
0x487: {  	[tilespmem:s8+$0x145B0] =	vst v29  }
0x488: {  	v26 =	vld.idx.msk [tilespmem:v8+s28+$0xFFFFFFE0 ss:$0x1], $0xffff;
	[tilespmem:s9+$0x145C0] =	vst v31  }
0x489: {  	v27 =	vld.idx.msk [tilespmem:v8+s28+$0xFFFFFFF0 ss:$0x1], $0xffff;
	[tilespmem:s12+$0x14670] =	vst v25  }
0x48a: {  	v28 =	vld.idx.msk [tilespmem:v8+s26+$0xFFFFFFA0 ss:$0x1], $0xffff;
	s25 =	sld [smem:$0x7E4]  }
0x48b: {  	v29 =	vld.idx.msk [tilespmem:v8+s26+$0xFFFFFFB0 ss:$0x1], $0xffff  }
0x48c: {  	v30 =	vld.idx.msk [tilespmem:v8+s26+$0xFFFFFFC0 ss:$0x1], $0xffff  }
0x48d: {  	[tilespmem:s10+$0x145D0] =	vst v26;
	v25 =	vld.idx.msk [tilespmem:v8+s25+$0x0 ss:$0x1], $0xffff  }
0x48e: {  	[tilespmem:s11+$0x145E0] =	vst v27  }
0x48f: {  	[tilespmem:s2+$0x14610] =	vst v28  }
0x490: {  	[tilespmem:s7+$0x14620] =	vst v29  }
0x491: {  	v26 =	vld.idx.msk [tilespmem:v8+s26+$0xFFFFFFD0 ss:$0x1], $0xffff;
	[tilespmem:s8+$0x14630] =	vst v30  }
0x492: {  	v27 =	vld.idx.msk [tilespmem:v8+s26+$0xFFFFFFE0 ss:$0x1], $0xffff;
	[tilespmem:s12+$0x146F0] =	vst v25  }
0x493: {  	v28 =	vld.idx.msk [tilespmem:v8+s26+$0xFFFFFFF0 ss:$0x1], $0xffff;
	s24 =	sld [smem:$0x7E3]  }
0x494: {  	v29 =	vld.idx.msk [tilespmem:v8+s25+$0xFFFFFFA0 ss:$0x1], $0xffff  }
0x495: {  	v31 =	vld.idx.msk [tilespmem:v8+s25+$0xFFFFFFB0 ss:$0x1], $0xffff  }
0x496: {  	[tilespmem:s9+$0x14640] =	vst v26;
	v25 =	vld.idx.msk [tilespmem:v8+s24+$0x0 ss:$0x1], $0xffff  }
0x497: {  	[tilespmem:s10+$0x14650] =	vst v27  }
0x498: {  	[tilespmem:s11+$0x14660] =	vst v28  }
0x499: {  	[tilespmem:s2+$0x14690] =	vst v29  }
0x49a: {  	v26 =	vld.idx.msk [tilespmem:v8+s25+$0xFFFFFFC0 ss:$0x1], $0xffff;
	[tilespmem:s7+$0x146A0] =	vst v31  }
0x49b: {  	v27 =	vld.idx.msk [tilespmem:v8+s25+$0xFFFFFFD0 ss:$0x1], $0xffff;
	[tilespmem:s12+$0x14770] =	vst v25  }
0x49c: {  	v28 =	vld.idx.msk [tilespmem:v8+s25+$0xFFFFFFE0 ss:$0x1], $0xffff;
	s23 =	sld [smem:$0x7E2]  }
0x49d: {  	v29 =	vld.idx.msk [tilespmem:v8+s25+$0xFFFFFFF0 ss:$0x1], $0xffff  }
0x49e: {  	v30 =	vld.idx.msk [tilespmem:v8+s24+$0xFFFFFFA0 ss:$0x1], $0xffff  }
0x49f: {  	[tilespmem:s8+$0x146B0] =	vst v26;
	v25 =	vld.idx.msk [tilespmem:v8+s23+$0x0 ss:$0x1], $0xffff  }
0x4a0: {  	v26 =	vld.idx.msk [tilespmem:v8+s24+$0xFFFFFFB0 ss:$0x1], $0xffff;
	[tilespmem:s9+$0x146C0] =	vst v27  }
0x4a1: {  	[tilespmem:s10+$0x146D0] =	vst v28;
	v27 =	vld.idx.msk [tilespmem:v8+s24+$0xFFFFFFC0 ss:$0x1], $0xffff  }
0x4a2: {  	[tilespmem:s11+$0x146E0] =	vst v29;
	v28 =	vld.idx.msk [tilespmem:v8+s24+$0xFFFFFFD0 ss:$0x1], $0xffff  }
0x4a3: {  	[tilespmem:s2+$0x14710] =	vst v30;
	v29 =	vld.idx.msk [tilespmem:v8+s24+$0xFFFFFFE0 ss:$0x1], $0xffff  }
0x4a4: {  	v31 =	vld.idx.msk [tilespmem:v8+s24+$0xFFFFFFF0 ss:$0x1], $0xffff;
	[tilespmem:s12+$0x147F0] =	vst v25  }
0x4a5: {  	v32 =	vld.idx.msk [tilespmem:v8+s15+$0xFFFFFF90 ss:$0x1], $0xffff;
	s22 =	sld [smem:$0x7E1];
	[tilespmem:s7+$0x14720] =	vst v26  }
0x4a6: {  	v26 =	vld.idx.msk [tilespmem:v8+s23+$0xFFFFFFA0 ss:$0x1], $0xffff;
	[tilespmem:s8+$0x14730] =	vst v27  }
0x4a7: {  	[tilespmem:s9+$0x14740] =	vst v28;
	v27 =	vld.idx.msk [tilespmem:v8+s23+$0xFFFFFFB0 ss:$0x1], $0xffff  }
0x4a8: {  	[tilespmem:s10+$0x14750] =	vst v29;
	v28 =	vld.idx.msk [tilespmem:v8+s23+$0xFFFFFFC0 ss:$0x1], $0xffff  }
0x4a9: {  	[tilespmem:s11+$0x14760] =	vst v31;
	v29 =	vld.idx.msk [tilespmem:v8+s23+$0xFFFFFFD0 ss:$0x1], $0xffff  }
0x4aa: {  	v31 =	vld.idx.msk [tilespmem:v8+s23+$0xFFFFFFF0 ss:$0x1], $0xffff;
	s29 =	rddreg [dreg:$0x17]  }
0x4ab: {  	v30 =	vld.idx.msk [tilespmem:v8+s23+$0xFFFFFFE0 ss:$0x1], $0xffff;
	[tilespmem:s29+$0xFFFFFE00] =	vst v32  }
0x4ac: {  	v25 =	vld.idx.msk [tilespmem:v8+s22+$0x0 ss:$0x1], $0xffff;
	[tilespmem:s2+$0x14790] =	vst v26  }
0x4ad: {  	v32 =	vld.idx.msk [tilespmem:v8+s14+$0xFFFFFF90 ss:$0x1], $0xffff;
	[tilespmem:s7+$0x147A0] =	vst v27  }
0x4ae: {  	s2 =	sadd.s32 $0x80, s15;
	v26 =	vld.idx.msk [tilespmem:v8+s22+$0xFFFFFFA0 ss:$0x1], $0xffff;
	[tilespmem:s8+$0x147B0] =	vst v28  }
0x4af: {  	[tilespmem:s11+$0x147E0] =	vst v31;
	v31 =	vld.idx.msk [tilespmem:v8+s2+$0x0 ss:$0x1], $0xffff  }
0x4b0: {  	[tilespmem:s9+$0x147C0] =	vst v29;
	v27 =	vld.idx.msk [tilespmem:v8+s22+$0xFFFFFFB0 ss:$0x1], $0xffff  }
0x4b1: {  	[tilespmem:s10+$0x147D0] =	vst v30;
	v28 =	vld.idx.msk [tilespmem:v8+s22+$0xFFFFFFC0 ss:$0x1], $0xffff  }
0x4b2: {  	v29 =	vld.idx.msk [tilespmem:v8+s22+$0xFFFFFFD0 ss:$0x1], $0xffff;
	[tilespmem:s29+$0x1F0] =	vst v25  }
0x4b3: {  	s0 =	sor.u32 $0x390, s0;
	v30 =	vld.idx.msk [tilespmem:v8+s22+$0xFFFFFFE0 ss:$0x1], $0xffff;
	[tilespmem:s29+$0xFFFFFE80] =	vst v32  }
0x4b4: {  	s1 =	sor.u32 $0x3A0, s1;
	v63 =	vld.idx.msk [tilespmem:v8+s2+$0xFFFFFFA0 ss:$0x1], $0xffff;
	[tilespmem:s0+$0x14480] =	vst v26  }
0x4b5: {  	s7 =	sor.u32 $0x3B0, s3;
	v25 =	vld.idx.msk [tilespmem:v8+s22+$0xFFFFFFF0 ss:$0x1], $0xffff;
	[tilespmem:s1+$0x14480] =	vst v27  }
0x4b6: {  	s8 =	sor.u32 $0x3C0, s4;
	v26 =	vld.idx.msk [tilespmem:v8+s2+$0xFFFFFFB0 ss:$0x1], $0xffff;
	[tilespmem:s7+$0x14480] =	vst v28  }
0x4b7: {  	s9 =	sor.u32 $0x3D0, s5;
	s0 =	sadd.s32 $0x400, s13;
	v27 =	vld.idx.msk [tilespmem:v8+s2+$0xFFFFFFC0 ss:$0x1], $0xffff;
	[tilespmem:s8+$0x14480] =	vst v29  }
0x4b8: {  	v28 =	vld.idx.msk [tilespmem:v8+s2+$0xFFFFFFD0 ss:$0x1], $0xffff;
	s10 =	sand.u32 $0x7C00, s0;
	[tilespmem:s9+$0x14480] =	vst v30  }
0x4b9: {  	s11 =	sor.u32 $0x3E0, s6;
	v29 =	vld.idx.msk [tilespmem:v8+s2+$0xFFFFFFE0 ss:$0x1], $0xffff;
	s12 =	sadd.s32 $0xFFFFFD00, s0;
	[tilespmem:s10+$0x144F0] =	vst v31  }
0x4ba: {  	v30 =	vld.idx.msk [tilespmem:v8+s2+$0xFFFFFFF0 ss:$0x1], $0xffff;
	s1 =	sadd.s32 $0x80, s14;
	s14 =	sadd.s32 $0xFFFFFD80, s0;
	s15 =	sand.u32 $0x7C00, s12;
	[tilespmem:s11+$0x14480] =	vst v25  }
0x4bb: {  	s13 =	sadd.s32 $0xFFFFFE00, s0;
	v25 =	vld.idx.msk [tilespmem:v8+s2+$0xFFFFFF90 ss:$0x1], $0xffff;
	s17 =	sand.u32 $0x7C00, s14;
	[tilespmem:s15+$0x14490] =	vst v63  }
0x4bc: {  	s30 =	sadd.s32 $0xFFFFFE80, s0;
	s18 =	sand.u32 $0x7C00, s13;
	v31 =	vld.idx.msk [tilespmem:v8+s1+$0x0 ss:$0x1], $0xffff;
	[tilespmem:s17+$0x144A0] =	vst v26  }
0x4bd: {  	s31 =	sadd.s32 $0xFFFFFF00, s0;
	s20 =	sand.u32 $0x7C00, s30;
	v32 =	vld.idx.msk [tilespmem:v8+s1+$0xFFFFFFA0 ss:$0x1], $0xffff;
	[tilespmem:s18+$0x144B0] =	vst v27  }
0x4be: {  	s16 =	sadd.s32 $0xFFFFFF80, s0;
	s19 =	sand.u32 $0x7C00, s31;
	v26 =	vld.idx.msk [tilespmem:v8+s1+$0xFFFFFFB0 ss:$0x1], $0xffff;
	[tilespmem:s20+$0x144C0] =	vst v28  }
0x4bf: {  	s21 =	sand.u32 $0x7C00, s16;
	[tilespmem:s19+$0x144D0] =	vst v29;
	v27 =	vld.idx.msk [tilespmem:v8+s1+$0xFFFFFFC0 ss:$0x1], $0xffff  }
0x4c0: {  	s9 =	sadd.s32 $0x400, s29;
	[tilespmem:s21+$0x144E0] =	vst v30;
	v28 =	vld.idx.msk [tilespmem:v8+s1+$0xFFFFFFD0 ss:$0x1], $0xffff  }
0x4c1: {  	v29 =	vld.idx.msk [tilespmem:v8+s1+$0xFFFFFFE0 ss:$0x1], $0xffff;
	[tilespmem:s9+$0xFFFFFE00] =	vst v25  }
0x4c2: {  	[tilespmem:s10+$0x14570] =	vst v31;
	v31 =	vld.idx.msk [tilespmem:v8+s1+$0xFFFFFFF0 ss:$0x1], $0xffff  }
0x4c3: {  	s4 =	sadd.s32 $0x80, s28;
	v37 =	vld.idx.msk [tilespmem:v8+s1+$0xFFFFFF90 ss:$0x1], $0xffff  }
0x4c4: {  	v30 =	vld.idx.msk [tilespmem:v8+s4+$0x0 ss:$0x1], $0xffff;
	[tilespmem:s15+$0x14510] =	vst v32  }
0x4c5: {  	v32 =	vld.idx.msk [tilespmem:v8+s4+$0xFFFFFFA0 ss:$0x1], $0xffff;
	[tilespmem:s17+$0x14520] =	vst v26  }
0x4c6: {  	v26 =	vld.idx.msk [tilespmem:v8+s28+$0xFFFFFF90 ss:$0x1], $0xffff;
	[tilespmem:s18+$0x14530] =	vst v27  }
0x4c7: {  	v27 =	vld.idx.msk [tilespmem:v8+s4+$0xFFFFFFB0 ss:$0x1], $0xffff;
	[tilespmem:s20+$0x14540] =	vst v28  }
0x4c8: {  	[tilespmem:s19+$0x14550] =	vst v29;
	v28 =	vld.idx.msk [tilespmem:v8+s4+$0xFFFFFFC0 ss:$0x1], $0xffff  }
0x4c9: {  	v29 =	vld.idx.msk [tilespmem:v8+s4+$0xFFFFFFD0 ss:$0x1], $0xffff;
	[tilespmem:s21+$0x14560] =	vst v31  }
0x4ca: {  	s5 =	sadd.s32 $0x80, s26;
	v31 =	vld.idx.msk [tilespmem:v8+s4+$0xFFFFFFE0 ss:$0x1], $0xffff;
	[tilespmem:s10+$0x145F0] =	vst v30  }
0x4cb: {  	v30 =	vld.idx.msk [tilespmem:v8+s5+$0x0 ss:$0x1], $0xffff;
	[tilespmem:s15+$0x14590] =	vst v32  }
0x4cc: {  	[tilespmem:s29+$0xFFFFFF00] =	vst v26;
	v26 =	vld.idx.msk [tilespmem:v8+s4+$0xFFFFFFF0 ss:$0x1], $0xffff  }
0x4cd: {  	v32 =	vld.idx.msk [tilespmem:v8+s5+$0xFFFFFFA0 ss:$0x1], $0xffff;
	[tilespmem:s17+$0x145A0] =	vst v27  }
0x4ce: {  	v27 =	vld.idx.msk [tilespmem:v8+s26+$0xFFFFFF90 ss:$0x1], $0xffff;
	[tilespmem:s18+$0x145B0] =	vst v28  }
0x4cf: {  	v28 =	vld.idx.msk [tilespmem:v8+s5+$0xFFFFFFB0 ss:$0x1], $0xffff;
	[tilespmem:s20+$0x145C0] =	vst v29  }
0x4d0: {  	[tilespmem:s19+$0x145D0] =	vst v31;
	v29 =	vld.idx.msk [tilespmem:v8+s5+$0xFFFFFFC0 ss:$0x1], $0xffff  }
0x4d1: {  	s6 =	sadd.s32 $0x80, s25;
	v31 =	vld.idx.msk [tilespmem:v8+s5+$0xFFFFFFD0 ss:$0x1], $0xffff;
	[tilespmem:s10+$0x14670] =	vst v30  }
0x4d2: {  	v30 =	vld.idx.msk [tilespmem:v8+s6+$0x0 ss:$0x1], $0xffff;
	[tilespmem:s21+$0x145E0] =	vst v26  }
0x4d3: {  	v26 =	vld.idx.msk [tilespmem:v8+s5+$0xFFFFFFE0 ss:$0x1], $0xffff;
	[tilespmem:s15+$0x14610] =	vst v32  }
0x4d4: {  	[tilespmem:s29+$0xFFFFFF80] =	vst v27;
	v27 =	vld.idx.msk [tilespmem:v8+s5+$0xFFFFFFF0 ss:$0x1], $0xffff  }
0x4d5: {  	v32 =	vld.idx.msk [tilespmem:v8+s6+$0xFFFFFFA0 ss:$0x1], $0xffff;
	[tilespmem:s17+$0x14620] =	vst v28  }
0x4d6: {  	v28 =	vld.idx.msk [tilespmem:v8+s25+$0xFFFFFF90 ss:$0x1], $0xffff;
	[tilespmem:s18+$0x14630] =	vst v29  }
0x4d7: {  	v29 =	vld.idx.msk [tilespmem:v8+s6+$0xFFFFFFB0 ss:$0x1], $0xffff;
	[tilespmem:s20+$0x14640] =	vst v31  }
0x4d8: {  	v31 =	vld.idx.msk [tilespmem:v8+s6+$0xFFFFFFC0 ss:$0x1], $0xffff;
	[tilespmem:s10+$0x146F0] =	vst v30  }
0x4d9: {  	s7 =	sadd.s32 $0x80, s24;
	[tilespmem:s19+$0x14650] =	vst v26;
	v26 =	vld.idx.msk [tilespmem:v8+s6+$0xFFFFFFD0 ss:$0x1], $0xffff  }
0x4da: {  	v30 =	vld.idx.msk [tilespmem:v8+s7+$0x0 ss:$0x1], $0xffff;
	[tilespmem:s21+$0x14660] =	vst v27  }
0x4db: {  	v27 =	vld.idx.msk [tilespmem:v8+s6+$0xFFFFFFE0 ss:$0x1], $0xffff;
	[tilespmem:s15+$0x14690] =	vst v32  }
0x4dc: {  	[tilespmem:s29+$0x0] =	vst v28;
	v28 =	vld.idx.msk [tilespmem:v8+s6+$0xFFFFFFF0 ss:$0x1], $0xffff  }
0x4dd: {  	v32 =	vld.idx.msk [tilespmem:v8+s7+$0xFFFFFFA0 ss:$0x1], $0xffff;
	[tilespmem:s17+$0x146A0] =	vst v29  }
0x4de: {  	v29 =	vld.idx.msk [tilespmem:v8+s24+$0xFFFFFF90 ss:$0x1], $0xffff;
	[tilespmem:s18+$0x146B0] =	vst v31  }
0x4df: {  	v31 =	vld.idx.msk [tilespmem:v8+s7+$0xFFFFFFB0 ss:$0x1], $0xffff;
	[tilespmem:s20+$0x146C0] =	vst v26  }
0x4e0: {  	v26 =	vld.idx.msk [tilespmem:v8+s7+$0xFFFFFFC0 ss:$0x1], $0xffff;
	[tilespmem:s10+$0x14770] =	vst v30  }
0x4e1: {  	s8 =	sadd.s32 $0x80, s23;
	[tilespmem:s19+$0x146D0] =	vst v27;
	v27 =	vld.idx.msk [tilespmem:v8+s7+$0xFFFFFFD0 ss:$0x1], $0xffff  }
0x4e2: {  	v30 =	vld.idx.msk [tilespmem:v8+s8+$0x0 ss:$0x1], $0xffff;
	[tilespmem:s21+$0x146E0] =	vst v28  }
0x4e3: {  	v28 =	vld.idx.msk [tilespmem:v8+s7+$0xFFFFFFE0 ss:$0x1], $0xffff;
	[tilespmem:s15+$0x14710] =	vst v32  }
0x4e4: {  	[tilespmem:s29+$0x80] =	vst v29;
	v29 =	vld.idx.msk [tilespmem:v8+s7+$0xFFFFFFF0 ss:$0x1], $0xffff  }
0x4e5: {  	v32 =	vld.idx.msk [tilespmem:v8+s8+$0xFFFFFFA0 ss:$0x1], $0xffff;
	[tilespmem:s17+$0x14720] =	vst v31  }
0x4e6: {  	[tilespmem:s18+$0x14730] =	vst v26;
	v26 =	vld.idx.msk [tilespmem:v8+s8+$0xFFFFFFB0 ss:$0x1], $0xffff  }
0x4e7: {  	[tilespmem:s20+$0x14740] =	vst v27;
	v33 =	vld.idx.msk [tilespmem:v8+s8+$0xFFFFFFC0 ss:$0x1], $0xffff  }
0x4e8: {  	[tilespmem:s10+$0x147F0] =	vst v30;
	v30 =	vld.idx.msk [tilespmem:v8+s23+$0xFFFFFF90 ss:$0x1], $0xffff  }
0x4e9: {  	s10 =	sadd.s32 $0x80, s22;
	[tilespmem:s19+$0x14750] =	vst v28;
	v34 =	vld.idx.msk [tilespmem:v8+s8+$0xFFFFFFD0 ss:$0x1], $0xffff  }
0x4ea: {  	v31 =	vld.idx.msk [tilespmem:v8+s10+$0x0 ss:$0x1], $0xffff;
	[tilespmem:s21+$0x14760] =	vst v29  }
0x4eb: {  	v35 =	vld.idx.msk [tilespmem:v8+s8+$0xFFFFFFE0 ss:$0x1], $0xffff;
	[tilespmem:s15+$0x14790] =	vst v32  }
0x4ec: {  	v36 =	vld.idx.msk [tilespmem:v8+s8+$0xFFFFFFF0 ss:$0x1], $0xffff;
	[tilespmem:s17+$0x147A0] =	vst v26  }
0x4ed: {  	v27 =	vld.idx.msk [tilespmem:v8+s10+$0xFFFFFFA0 ss:$0x1], $0xffff;
	[tilespmem:s18+$0x147B0] =	vst v33  }
0x4ee: {  	v28 =	vld.idx.msk [tilespmem:v8+s10+$0xFFFFFFB0 ss:$0x1], $0xffff;
	[tilespmem:s29+$0x100] =	vst v30  }
0x4ef: {  	s11 =	simm.s32 $0x8;
	s28 =	sor.u32 $0x3A0, s14;
	s14 =	smov.u32 s7;
	[tilespmem:s20+$0x147C0] =	vst v34;
	v25 =	vld.idx.msk [tilespmem:v8+s22+$0xFFFFFF90 ss:$0x1], $0xffff  }
0x4f0: {  	s26 =	sor.u32 $0x3B0, s13;
	s13 =	smov.u32 s29;
	s25 =	sor.u32 $0x3C0, s30;
	v29 =	vld.idx.msk [tilespmem:v8+s10+$0xFFFFFFC0 ss:$0x1], $0xffff;
	[tilespmem:s9+$0x1F0] =	vst v31  }
0x4f1: {  	s24 =	sor.u32 $0x390, s12;
	s23 =	sor.u32 $0x3D0, s31;
	s15 =	smov.u32 s8;
	v30 =	vld.idx.msk [tilespmem:v8+s10+$0xFFFFFFD0 ss:$0x1], $0xffff;
	[tilespmem:s19+$0x147D0] =	vst v35  }
0x4f2: {  	s3 =	smov.u32 s10;
	s17 =	smov.u32 s6;
	s18 =	sadd.s32 $0x80, s2;
	v31 =	vld.idx.msk [tilespmem:v8+s10+$0xFFFFFFE0 ss:$0x1], $0xffff;
	[tilespmem:s21+$0x147E0] =	vst v36  }
0x4f3: {  	[tilespmem:s9+$0xFFFFFE80] =	vst v37;
	s20 =	smov.u32 s5;
	s22 =	sor.u32 $0x3E0, s16;
	s21 =	smov.u32 s4;
	v26 =	vld.idx.msk [tilespmem:v8+s10+$0xFFFFFFF0 ss:$0x1], $0xffff  }
.LBB2_152:
0x4f4: {  	v32 =	vld.idx.msk [tilespmem:v8+s18+$0x0 ss:$0x1], $0xffff;
	[tilespmem:s13+$0x180] =	vst v25  }
0x4f5: {  	v33 =	vld.idx.msk [tilespmem:v8+s18+$0xFFFFFFA0 ss:$0x1], $0xffff;
	[tilespmem:s24+$0x14480] =	vst v27  }
0x4f6: {  	v27 =	vld.idx.msk [tilespmem:v8+s18+$0xFFFFFFB0 ss:$0x1], $0xffff;
	[tilespmem:s28+$0x14480] =	vst v28  }
0x4f7: {  	v28 =	vld.idx.msk [tilespmem:v8+s18+$0xFFFFFFC0 ss:$0x1], $0xffff;
	[tilespmem:s26+$0x14480] =	vst v29  }
0x4f8: {  	v29 =	vld.idx.msk [tilespmem:v8+s18+$0xFFFFFFD0 ss:$0x1], $0xffff;
	[tilespmem:s25+$0x14480] =	vst v30  }
0x4f9: {  	s0 =	sadd.s32 $0x400, s0;
	v30 =	vld.idx.msk [tilespmem:v8+s18+$0xFFFFFFE0 ss:$0x1], $0xffff;
	[tilespmem:s23+$0x14480] =	vst v31  }
0x4fa: {  	[dreg:$0x3] =	wrdreg s3;
	s19 =	sadd.s32 $0xFFFFFD00, s0;
	s3 =	sand.u32 $0x7C00, s0;
	v31 =	vld.idx.msk [tilespmem:v8+s18+$0xFFFFFFF0 ss:$0x1], $0xffff;
	[tilespmem:s22+$0x14480] =	vst v26  }
0x4fb: {  	s29 =	sand.u32 $0x7C00, s19;
	s25 =	sadd.s32 $0xFFFFFD80, s0;
	[tilespmem:s3+$0x144F0] =	vst v32  }
0x4fc: {  	s1 =	sadd.s32 $0x80, s1;
	s26 =	sadd.s32 $0xFFFFFE00, s0;
	v25 =	vld.idx.msk [tilespmem:v8+s18+$0xFFFFFF90 ss:$0x1], $0xffff;
	[tilespmem:s29+$0x14490] =	vst v33;
	s2 =	sand.u32 $0x7C00, s25  }
0x4fd: {  	[dreg:$0x5] =	wrdreg s14;
	s14 =	sadd.s32 $0xFFFFFE80, s0;
	s12 =	sand.u32 $0x7C00, s26;
	v32 =	vld.idx.msk [tilespmem:v8+s1+$0x0 ss:$0x1], $0xffff;
	[tilespmem:s2+$0x144A0] =	vst v27  }
0x4fe: {  	[dreg:$0x4] =	wrdreg s15;
	s15 =	sadd.s32 $0xFFFFFF00, s0;
	s30 =	sand.u32 $0x7C00, s14;
	v26 =	vld.idx.msk [tilespmem:v8+s1+$0xFFFFFFA0 ss:$0x1], $0xffff;
	[tilespmem:s12+$0x144B0] =	vst v28  }
0x4ff: {  	s16 =	sadd.s32 $0xFFFFFF80, s0;
	s24 =	sor.u32 $0x390, s19;
	s19 =	sand.u32 $0x7C00, s15;
	[tilespmem:s30+$0x144C0] =	vst v29;
	v27 =	vld.idx.msk [tilespmem:v8+s1+$0xFFFFFFB0 ss:$0x1], $0xffff  }
0x500: {  	s31 =	sand.u32 $0x7C00, s16;
	[tilespmem:s19+$0x144D0] =	vst v30;
	v28 =	vld.idx.msk [tilespmem:v8+s1+$0xFFFFFFC0 ss:$0x1], $0xffff  }
0x501: {  	[tilespmem:s31+$0x144E0] =	vst v31;
	v29 =	vld.idx.msk [tilespmem:v8+s1+$0xFFFFFFD0 ss:$0x1], $0xffff  }
0x502: {  	v30 =	vld.idx.msk [tilespmem:v8+s1+$0xFFFFFFE0 ss:$0x1], $0xffff;
	[tilespmem:s3+$0x14570] =	vst v32  }
0x503: {  	s4 =	sadd.s32 $0x80, s4;
	[tilespmem:s29+$0x14510] =	vst v26;
	v26 =	vld.idx.msk [tilespmem:v8+s1+$0xFFFFFFF0 ss:$0x1], $0xffff  }
0x504: {  	v31 =	vld.idx.msk [tilespmem:v8+s4+$0x0 ss:$0x1], $0xffff  }
0x505: {  	v62 =	vld.idx.msk [tilespmem:v8+s4+$0xFFFFFFA0 ss:$0x1], $0xffff;
	[tilespmem:s2+$0x14520] =	vst v27  }
0x506: {  	v27 =	vld.idx.msk [tilespmem:v8+s21+$0xFFFFFF90 ss:$0x1], $0xffff;
	[tilespmem:s12+$0x14530] =	vst v28  }
0x507: {  	[tilespmem:s30+$0x14540] =	vst v29;
	v28 =	vld.idx.msk [tilespmem:v8+s4+$0xFFFFFFB0 ss:$0x1], $0xffff  }
0x508: {  	[tilespmem:s19+$0x14550] =	vst v30;
	v29 =	vld.idx.msk [tilespmem:v8+s4+$0xFFFFFFC0 ss:$0x1], $0xffff  }
0x509: {  	v30 =	vld.idx.msk [tilespmem:v8+s4+$0xFFFFFFD0 ss:$0x1], $0xffff;
	[tilespmem:s31+$0x14560] =	vst v26  }
0x50a: {  	s5 =	sadd.s32 $0x80, s5;
	[tilespmem:s3+$0x145F0] =	vst v31;
	v31 =	vld.idx.msk [tilespmem:v8+s4+$0xFFFFFFE0 ss:$0x1], $0xffff  }
0x50b: {  	[tilespmem:s29+$0x14590] =	vst v62;
	v26 =	vld.idx.msk [tilespmem:v8+s5+$0x0 ss:$0x1], $0xffff  }
0x50c: {  	v32 =	vld.idx.msk [tilespmem:v8+s5+$0xFFFFFFA0 ss:$0x1], $0xffff;
	[tilespmem:s9+$0xFFFFFF00] =	vst v27  }
0x50d: {  	v27 =	vld.idx.msk [tilespmem:v8+s4+$0xFFFFFFF0 ss:$0x1], $0xffff;
	[tilespmem:s2+$0x145A0] =	vst v28  }
0x50e: {  	v28 =	vld.idx.msk [tilespmem:v8+s20+$0xFFFFFF90 ss:$0x1], $0xffff;
	[tilespmem:s12+$0x145B0] =	vst v29  }
0x50f: {  	[tilespmem:s30+$0x145C0] =	vst v30;
	v29 =	vld.idx.msk [tilespmem:v8+s5+$0xFFFFFFB0 ss:$0x1], $0xffff  }
0x510: {  	v30 =	vld.idx.msk [tilespmem:v8+s5+$0xFFFFFFC0 ss:$0x1], $0xffff;
	[tilespmem:s19+$0x145D0] =	vst v31  }
0x511: {  	s6 =	sadd.s32 $0x80, s6;
	v31 =	vld.idx.msk [tilespmem:v8+s5+$0xFFFFFFD0 ss:$0x1], $0xffff;
	[tilespmem:s3+$0x14670] =	vst v26  }
0x512: {  	[tilespmem:s29+$0x14610] =	vst v32;
	v26 =	vld.idx.msk [tilespmem:v8+s6+$0x0 ss:$0x1], $0xffff  }
0x513: {  	v32 =	vld.idx.msk [tilespmem:v8+s6+$0xFFFFFFA0 ss:$0x1], $0xffff;
	[tilespmem:s31+$0x145E0] =	vst v27  }
0x514: {  	v27 =	vld.idx.msk [tilespmem:v8+s5+$0xFFFFFFE0 ss:$0x1], $0xffff;
	[tilespmem:s9+$0xFFFFFF80] =	vst v28  }
0x515: {  	v28 =	vld.idx.msk [tilespmem:v8+s5+$0xFFFFFFF0 ss:$0x1], $0xffff;
	[tilespmem:s2+$0x14620] =	vst v29  }
0x516: {  	v29 =	vld.idx.msk [tilespmem:v8+s17+$0xFFFFFF90 ss:$0x1], $0xffff;
	[tilespmem:s12+$0x14630] =	vst v30  }
0x517: {  	[tilespmem:s30+$0x14640] =	vst v31;
	v30 =	vld.idx.msk [tilespmem:v8+s6+$0xFFFFFFB0 ss:$0x1], $0xffff  }
0x518: {  	s7 =	sadd.s32 $0x80, s7;
	v31 =	vld.idx.msk [tilespmem:v8+s6+$0xFFFFFFC0 ss:$0x1], $0xffff;
	[tilespmem:s3+$0x146F0] =	vst v26  }
0x519: {  	[tilespmem:s29+$0x14690] =	vst v32;
	v26 =	vld.idx.msk [tilespmem:v8+s7+$0x0 ss:$0x1], $0xffff  }
0x51a: {  	[tilespmem:s19+$0x14650] =	vst v27;
	v27 =	vld.idx.msk [tilespmem:v8+s6+$0xFFFFFFD0 ss:$0x1], $0xffff  }
0x51b: {  	v32 =	vld.idx.msk [tilespmem:v8+s7+$0xFFFFFFA0 ss:$0x1], $0xffff;
	[tilespmem:s31+$0x14660] =	vst v28  }
0x51c: {  	v28 =	vld.idx.msk [tilespmem:v8+s6+$0xFFFFFFE0 ss:$0x1], $0xffff;
	[tilespmem:s9+$0x0] =	vst v29  }
0x51d: {  	s22 =	sor.u32 $0x3E0, s16;
	s16 =	rddreg [dreg:$0x5];
	v29 =	vld.idx.msk [tilespmem:v8+s6+$0xFFFFFFF0 ss:$0x1], $0xffff;
	[tilespmem:s2+$0x146A0] =	vst v30  }
0x51e: {  	v30 =	vld.idx.msk [tilespmem:v8+s16+$0xFFFFFF90 ss:$0x1], $0xffff;
	[tilespmem:s12+$0x146B0] =	vst v31  }
0x51f: {  	v31 =	vld.idx.msk [tilespmem:v8+s7+$0xFFFFFFB0 ss:$0x1], $0xffff;
	[tilespmem:s3+$0x14770] =	vst v26  }
0x520: {  	s8 =	sadd.s32 $0x80, s8;
	[tilespmem:s30+$0x146C0] =	vst v27;
	v27 =	vld.idx.msk [tilespmem:v8+s7+$0xFFFFFFC0 ss:$0x1], $0xffff  }
0x521: {  	[tilespmem:s29+$0x14710] =	vst v32;
	v26 =	vld.idx.msk [tilespmem:v8+s8+$0x0 ss:$0x1], $0xffff  }
0x522: {  	[tilespmem:s19+$0x146D0] =	vst v28;
	v28 =	vld.idx.msk [tilespmem:v8+s7+$0xFFFFFFD0 ss:$0x1], $0xffff  }
0x523: {  	v32 =	vld.idx.msk [tilespmem:v8+s8+$0xFFFFFFA0 ss:$0x1], $0xffff;
	[tilespmem:s31+$0x146E0] =	vst v29  }
0x524: {  	v29 =	vld.idx.msk [tilespmem:v8+s7+$0xFFFFFFE0 ss:$0x1], $0xffff;
	[tilespmem:s9+$0x80] =	vst v30  }
0x525: {  	v30 =	vld.idx.msk [tilespmem:v8+s7+$0xFFFFFFF0 ss:$0x1], $0xffff;
	[tilespmem:s2+$0x14720] =	vst v31  }
0x526: {  	s23 =	sor.u32 $0x3D0, s15;
	s15 =	rddreg [dreg:$0x4];
	[tilespmem:s12+$0x14730] =	vst v27;
	v63 =	vld.idx.msk [tilespmem:v8+s8+$0xFFFFFFB0 ss:$0x1], $0xffff  }
0x527: {  	[tilespmem:s3+$0x147F0] =	vst v26;
	v26 =	vld.idx.msk [tilespmem:v8+s15+$0xFFFFFF90 ss:$0x1], $0xffff  }
0x528: {  	s10 =	sadd.s32 $0x80, s10;
	[tilespmem:s30+$0x14740] =	vst v28;
	v34 =	vld.idx.msk [tilespmem:v8+s8+$0xFFFFFFC0 ss:$0x1], $0xffff  }
0x529: {  	[tilespmem:s29+$0x14790] =	vst v32;
	v31 =	vld.idx.msk [tilespmem:v8+s10+$0x0 ss:$0x1], $0xffff  }
0x52a: {  	[tilespmem:s19+$0x14750] =	vst v29;
	v35 =	vld.idx.msk [tilespmem:v8+s8+$0xFFFFFFD0 ss:$0x1], $0xffff  }
0x52b: {  	v27 =	vld.idx.msk [tilespmem:v8+s10+$0xFFFFFFA0 ss:$0x1], $0xffff;
	[tilespmem:s31+$0x14760] =	vst v30  }
0x52c: {  	s13 =	smov.u32 s9;
	v36 =	vld.idx.msk [tilespmem:v8+s8+$0xFFFFFFE0 ss:$0x1], $0xffff;
	[tilespmem:s2+$0x147A0] =	vst v63  }
0x52d: {  	s9 =	sadd.s32 $0x400, s9;
	[tilespmem:s13+$0x100] =	vst v26;
	v26 =	vld.idx.msk [tilespmem:v8+s8+$0xFFFFFFF0 ss:$0x1], $0xffff  }
0x52e: {  	s11 =	sadd.s32 $0x8, s11;
	[tilespmem:s9+$0xFFFFFE00] =	vst v25;
	v28 =	vld.idx.msk [tilespmem:v8+s10+$0xFFFFFFB0 ss:$0x1], $0xffff  }
0x52f: {  	p2 =	slt.u32 s11, $0x48;
	s16 =	rddreg [dreg:$0x3];
	[tilespmem:s12+$0x147B0] =	vst v34;
	v37 =	vld.idx.msk [tilespmem:v8+s1+$0xFFFFFF90 ss:$0x1], $0xffff  }
.Ltmp85:
0x530: {  	[tilespmem:s9+$0x1F0] =	vst v31;
	v25 =	vld.idx.msk [tilespmem:v8+s16+$0xFFFFFF90 ss:$0x1], $0xffff;
	(pc) =	sbr.rel @p2 .LBB2_152-.Ltmp85, $4  }
0x531: {  	s28 =	sor.u32 $0x3A0, s25;
	v29 =	vld.idx.msk [tilespmem:v8+s10+$0xFFFFFFC0 ss:$0x1], $0xffff;
	[tilespmem:s30+$0x147C0] =	vst v35  }
0x532: {  	s26 =	sor.u32 $0x3B0, s26;
	s25 =	sor.u32 $0x3C0, s14;
	s14 =	smov.u32 s7;
	v30 =	vld.idx.msk [tilespmem:v8+s10+$0xFFFFFFD0 ss:$0x1], $0xffff;
	[tilespmem:s19+$0x147D0] =	vst v36  }
0x533: {  	s18 =	sadd.s32 $0x80, s18;
	s21 =	smov.u32 s4;
	s20 =	smov.u32 s5;
	v31 =	vld.idx.msk [tilespmem:v8+s10+$0xFFFFFFE0 ss:$0x1], $0xffff;
	[tilespmem:s31+$0x147E0] =	vst v26  }
0x534: {  	s17 =	smov.u32 s6;
	s15 =	smov.u32 s8;
	s3 =	smov.u32 s10;
	[tilespmem:s9+$0xFFFFFE80] =	vst v37;
	v26 =	vld.idx.msk [tilespmem:v8+s10+$0xFFFFFFF0 ss:$0x1], $0xffff  }
0x535: {  	_ =	sdelay $0x3  }
0x536: {  	v32 =	vld.idx.msk [tilespmem:v8+s21+$0xFFFFFF90 ss:$0x1], $0xffff;
	_ =	sdelay $0x4  }
0x537: {  	[tilespmem:s9+$0xFFFFFF00] =	vst v32  }
0x538: {  	v32 =	vld.idx.msk [tilespmem:v8+s20+$0xFFFFFF90 ss:$0x1], $0xffff;
	_ =	sdelay $0x4  }
0x539: {  	[tilespmem:s9+$0xFFFFFF80] =	vst v32  }
0x53a: {  	v32 =	vld.idx.msk [tilespmem:v8+s17+$0xFFFFFF90 ss:$0x1], $0xffff;
	_ =	sdelay $0x4  }
0x53b: {  	[tilespmem:s9+$0x0] =	vst v32  }
0x53c: {  	v32 =	vld.idx.msk [tilespmem:v8+s14+$0xFFFFFF90 ss:$0x1], $0xffff;
	_ =	sdelay $0x4  }
0x53d: {  	[tilespmem:s9+$0x80] =	vst v32  }
0x53e: {  	v32 =	vld.idx.msk [tilespmem:v8+s15+$0xFFFFFF90 ss:$0x1], $0xffff;
	_ =	sdelay $0x2  }
0x53f: {  	[tilespmem:s13+$0x180] =	vst v25  }
0x540: {  	[tilespmem:s24+$0x14480] =	vst v27  }
0x541: {  	[tilespmem:s9+$0x100] =	vst v32  }
0x542: {  	[tilespmem:s28+$0x14480] =	vst v28;
	v25 =	vld.idx.msk [tilespmem:v8+s3+$0xFFFFFF90 ss:$0x1], $0xffff  }
0x543: {  	[tilespmem:s26+$0x14480] =	vst v29  }
0x544: {  	[tilespmem:s25+$0x14480] =	vst v30  }
0x545: {  	[tilespmem:s23+$0x14480] =	vst v31  }
0x546: {  	[tilespmem:s22+$0x14480] =	vst v26  }
0x547: {  	[tilespmem:s9+$0x180] =	vst v25  }
0x548: {  	s0 =	rddreg [dreg:$0xf]  }
0x549: {  	s22 =	simm.s32 $0x3;
	s15 =	simm.s32 $0x0;
	s1 =	rddreg [dreg:$0x16]  }
0x54a: {  	[hbm4b:s0+s15] =	stream.linear.scatter [tilespmem:s1], [sflag:$0x2], $0x2800, $0x38;
	[tilespmem:$0x18C80] =	vst v63  }
0x54b: {  	_ =	swait.ge [sflag:s22], $0x400  }
0x54c: {  	[sflag:s22] =	ssyncset.done $0x0  }
0x54d: {  	[sflag:s22] =	ssyncadd.s32 $0xFFFFFC00  }
0x54e: {  	_ =	swait.ge [sflag:s22], $0x400  }
0x54f: {  	[sflag:s22] =	ssyncset.done $0x0  }
0x550: {  	[sflag:s22] =	ssyncadd.s32 $0xFFFFFC00  }
0x551: {  	_ =	swait.ge [sflag:s22], $0x400  }
0x552: {  	[sflag:s22] =	ssyncset.done $0x0  }
0x553: {  	[sflag:s22] =	ssyncadd.s32 $0xFFFFFC00  }
0x554: {  	_ =	swait.ge [sflag:s22], $0x400  }
0x555: {  	[sflag:s22] =	ssyncset.done $0x0  }
0x556: {  	[sflag:s22] =	ssyncadd.s32 $0xFFFFFC00  }
0x557: {  	_ =	swait.ge [sflag:s22], $0x400  }
0x558: {  	[sflag:s22] =	ssyncset.done $0x0  }
0x559: {  	[sflag:s22] =	ssyncadd.s32 $0xFFFFFC00  }
0x55a: {  	_ =	swait.ge [sflag:s22], $0x400  }
0x55b: {  	s23 =	sld [smem:$0x7F9]  }
0x55c: {  	s24 =	sld [smem:$0x7F8]  }
0x55d: {  	s25 =	sld [smem:$0x7F3]  }
0x55e: {  	s26 =	sld [smem:$0x7F2]  }
0x55f: {  	s28 =	sld [smem:$0x7EB]  }
0x560: {  	s29 =	sld [smem:$0x7FD]  }
0x561: {  	s30 =	sld [smem:$0x7FC]  }
0x562: {  	s31 =	sld [smem:$0x7F6]  }
0x563: {  	s1 =	sld [smem:$0x7F5]  }
0x564: {  	s0 =	sld [smem:$0x7EF]  }
0x565: {  	s5 =	sld [smem:$0x7EE]  }
0x566: {  	s10 =	sld [smem:$0x7ED]  }
0x567: {  	s11 =	sld [smem:$0x7EC]  }
0x568: {  	s13 =	sld [smem:$0x7F4]  }
0x569: {  	s14 =	sld [smem:$0x7EA]  }
0x56a: {  	s20 =	sld [smem:$0x7E9]  }
0x56b: {  	[sflag:s22] =	ssyncset.done $0x0;
	s17 =	sld [smem:$0x7FB]  }
0x56c: {  	s21 =	sld [smem:$0x7FA];
	[sflag:s22] =	ssyncadd.s32 $0xFFFFFC00  }
0x56d: {  	s19 =	rddreg [dreg:$0x1]  }
0x56e: {  	[smem:$0x7D8] =	sst s23  }
0x56f: {  	[smem:$0x7D9] =	sst s24  }
0x570: {  	[smem:$0x7DA] =	sst s25  }
0x571: {  	[smem:$0x7DB] =	sst s26  }
0x572: {  	s24 =	sld [smem:$0x7F1]  }
0x573: {  	s25 =	sld [smem:$0x7F0]  }
0x574: {  	s26 =	sld [smem:$0x7F7]  }
0x575: {  	s8 =	simm.s32 $0x1;
	s16 =	simm.s32 $0x18480;
	[smem:$0x7DC] =	sst s29  }
.LBB2_154:
0x576: {  	s2 =	sshll.u32 s8, $0x1;
	s3 =	rddreg [dreg:$0x6]  }
0x577: {  	s2 =	sadd.s32 s3, s2  }
0x578: {  	s23 =	sshll.u32 s2, $0x3  }
0x579: {  	s4 =	sand.u32 $0x7, s8;
	s18 =	sadd.s32 $0xFFFFFE00, s23  }
0x57a: {  	p2 =	sne.s32 s4, $0x0;
	p0 =	slt.u32 s2, $0x41;
	s6 =	sshra.s32 s18, $0x1F  }
0x57b: {  	p0 =	por !p2, !p0;
	s22 =	sshrl.u32 s6, $0x19  }
0x57c: {  	s4 =	simm.s32 $0x1;
	p0 =	por !p0, !p0;
	s3 =	sadd.s32 s22, s18  }
0x57d: {  	s4 =	simm.s32 @!p0 $0x0;
	s3 =	sshra.s32 s3, $0x7  }
0x57e: {  	s3 =	ssub.s32 s3, s4  }
0x57f: {  	p0 =	sgt.s32 s3, $0x0;
	s4 =	smov.u32 s3  }
0x580: {  	s4 =	simm.s32 @!p0 $0x0;
	p0 =	slt.s32 s3, $0x1  }
.Ltmp86:
0x581: {  	_ = 	snop;
	(pc) =	sbr.rel @p0 .LBB2_158-.Ltmp86, $3  }
0x582: {  	_ =	sdelay $0x1  }
0x583: {  	s29 =	sshll.u32 s20, $0x2;
	s4 =	smin.u32 s4, $0x6  }
0x584: {  	s18 =	sand.u32 $0x1C0, s29;
	s6 =	sshll.u32 s4, $0x7  }
0x585: {  	p0 =	sne.s32 s4, $0x1  }
.Ltmp87:
0x586: {  	_ = 	snop;
	(pc) =	sbr.rel @!p0 .LBB2_157-.Ltmp87, $4  }
0x587: {  	_ = 	snop  }
0x588: {  	s7 =	sshll.u32 s2, $0xE;
	s9 =	rddreg [dreg:$0x9]  }
0x589: {  	s22 =	sshrl.u32 s21, $0x3;
	s29 =	sadd.s32 s9, s7  }
0x58a: {  	s7 =	sadd.s32 $0xFFFFFFFF, s4;
	s12 =	sadd.s32 s19, s22;
	s9 =	sadd.s32 $0x400, s21  }
.LBB2_156:
0x58b: {  	[hbm4b:s12+s15] =	stream.linear.scatter [tilespmem:s16], [sflag:$0x3], $0x400, $0x38;
	[tilespmem:$0x18C80] =	vst v63  }
0x58c: {  	p0 =	sne.s32 s7, $0x1  }
.Ltmp88:
0x58d: {  	s7 =	sadd.s32 $0xFFFFFFFF, s7;
	(pc) =	sbr.rel @p0 .LBB2_156-.Ltmp88, $3  }
0x58e: {  	_ =	sdelay $0x1  }
0x58f: {  	s12 =	sshrl.u32 s9, $0x3  }
0x590: {  	s9 =	sadd.s32 $0x400, s9;
	s12 =	sadd.s32 s19, s12  }
.LBB2_157:
0x591: {  	p0 =	sgt.u32 s3, $0x5  }
.Ltmp89:
0x592: {  	_ = 	snop;
	(pc) =	sbr.rel @p0 .LBB2_161-.Ltmp89, $2  }
0x593: {  	_ =	sdelay $0x2  }
0x594: {  	[hbm4b:s12+s15] =	stream.linear.scatter [tilespmem:s16], [sflag:$0x3], $0x400, $0x38;
	[tilespmem:$0x18C80] =	vst v63  }
.LBB2_158:
0x595: {  	s3 =	ssub.s32 $0x6, s4  }
0x596: {  	s3 =	smax.u32 s3, $0x1  }
0x597: {  	s3 =	sshll.u32 s3, $0xA  }
0x598: {  	p0 =	sne.s32 s3, $0x400  }
.Ltmp90:
0x599: {  	_ = 	snop;
	(pc) =	sbr.rel @!p0 .LBB2_160-.Ltmp90, $4  }
0x59a: {  	s7 =	sshll.u32 s4, $0xA  }
0x59b: {  	s2 =	sshll.u32 s2, $0xE;
	s16 =	rddreg [dreg:$0x9];
	s9 =	sadd.s32 s7, s17  }
0x59c: {  	s29 =	sadd.s32 s16, s2;
	s22 =	sshrl.u32 s9, $0x3;
	s2 =	sadd.s32 $0xFFFFFC00, s3  }
0x59d: {  	s7 =	sadd.s32 s19, s22;
	s3 =	sadd.s32 $0x400, s9;
	s9 =	simm.s32 $0x18880  }
.LBB2_159:
0x59e: {  	[hbm4b:s7+s15] =	stream.linear.scatter [tilespmem:s9], [sflag:$0x3], $0x400, $0x38;
	[tilespmem:$0x18C80] =	vst v63  }
0x59f: {  	p0 =	sne.s32 s2, $0x400  }
.Ltmp91:
0x5a0: {  	s2 =	sadd.s32 $0xFFFFFC00, s2;
	(pc) =	sbr.rel @p0 .LBB2_159-.Ltmp91, $3  }
0x5a1: {  	_ =	sdelay $0x1  }
0x5a2: {  	s7 =	sshrl.u32 s3, $0x3  }
0x5a3: {  	s3 =	sadd.s32 $0x400, s3;
	s7 =	sadd.s32 s19, s7  }
.LBB2_160:
0x5a4: {  	[hbm4b:s7+s15] =	stream.linear.scatter [tilespmem:s9], [sflag:$0x3], $0x400, $0x38;
	[tilespmem:$0x18C80] =	vst v63  }
.LBB2_161:
0x5a5: {  	s7 =	sadd.s32 s6, s14  }
0x5a6: {  	[smem:$0x7D6] =	sst s17;
	s2 =	sadd.s32 s6, s20;
	v25 =	vmov s7  }
0x5a7: {  	[smem:$0x7D7] =	sst s18;
	s9 =	simm.s32 $0x1;
	s2 =	sshll.u32 s2, $0x2  }
0x5a8: {  	_ =	swait.ge [sflag:s9], $0x2800;
	s2 =	sand.u32 $0xFFFFFE00, s2  }
0x5a9: {  	s15 =	simm.s32 $0x0;
	[sflag:s9] =	ssyncset.done $0x0;
	s2 =	sor.u32 s18, s2  }
0x5aa: {  	[sflag:s9] =	ssyncadd.s32 $0xFFFFD800;
	s17 =	sshrl.u32 s2, $0x2;
	s2 =	sshll.u32 s4, $0xC  }
0x5ab: {  	s3 =	sadd.s32 $0xF480, s17;
	s12 =	sor.u32 $0x7C0, s2;
	v33 =	vld.idx.msk [tilespmem:v25+s15+$0x850 ss:$0x1], $0xffff  }
0x5ac: {  	s9 =	sor.u32 $0xC40, s2;
	v26 =	vmov s3;
	s3 =	sshrl.u32 s12, $0x2;
	v34 =	vld.idx.msk [tilespmem:v25+s15+$0x7F0 ss:$0x1], $0xffff  }
0x5ad: {  	s7 =	sadd.s32 s6, s31;
	s18 =	sor.u32 $0xCC0, s2;
	s9 =	sshrl.u32 s9, $0x2;
	v36 =	vld.idx.msk [tilespmem:v25+s15+$0x800 ss:$0x1], $0xffff;
	v27 =	vmov s3  }
0x5ae: {  	v28 =	vmov s7;
	s16 =	sor.u32 $0xC80, s2;
	s7 =	sshrl.u32 s18, $0x2;
	v37 =	vld.idx.msk [tilespmem:v25+s15+$0x810 ss:$0x1], $0xffff;
	v29 =	vmov s9  }
0x5af: {  	s22 =	sor.u32 $0xD00, s2;
	v38 =	vld.idx.msk [tilespmem:v25+s15+$0x820 ss:$0x1], $0xffff;
	s3 =	sshrl.u32 s16, $0x2;
	v31 =	vmov s7  }
0x5b0: {  	v39 =	vld.idx.msk [tilespmem:v25+s15+$0x830 ss:$0x1], $0xffff;
	s18 =	sor.u32 $0x780, s2;
	s9 =	sshrl.u32 s22, $0x2;
	v30 =	vmov s3  }
0x5b1: {  	s12 =	sor.u32 $0x740, s2;
	v41 =	vld.idx.msk [tilespmem:v25+s15+$0x840 ss:$0x1], $0xffff;
	s3 =	simm.s32 $0x10480;
	v32 =	vmov s9;
	s9 =	sshrl.u32 s18, $0x2  }
0x5b2: {  	s16 =	sshrl.u32 s12, $0x2;
	v35 =	vmov s9;
	v42 =	vld.idx.msk [tilespmem:v26+s15+$0x0 ss:$0x1], $0xffff;
	[tilespmem:v27+s3+$0xFFFFFE80 ss:$0x1] =	vst.idx.msk $0xffff, v33  }
0x5b3: {  	v33 =	vmov s16;
	[tilespmem:v29+s3+$0xFFFFFD00 ss:$0x1] =	vst.idx.msk $0xffff, v34;
	v40 =	vld.idx.msk [tilespmem:v28+s15+$0x60 ss:$0x1], $0xffff  }
0x5b4: {  	s22 =	sadd.s32 s6, s1;
	[tilespmem:v31+s3+$0xFFFFFD00 ss:$0x1] =	vst.idx.msk $0xffff, v37;
	v43 =	vld.idx.msk [tilespmem:v28+s15+$0x0 ss:$0x1], $0xffff  }
0x5b5: {  	v34 =	vmov s22;
	[tilespmem:v30+s3+$0xFFFFFD00 ss:$0x1] =	vst.idx.msk $0xffff, v36;
	v37 =	vld.idx.msk [tilespmem:v28+s15+$0x20 ss:$0x1], $0xffff  }
0x5b6: {  	[tilespmem:v32+s3+$0xFFFFFD00 ss:$0x1] =	vst.idx.msk $0xffff, v38;
	v44 =	vld.idx.msk [tilespmem:v28+s15+$0x10 ss:$0x1], $0xffff  }
0x5b7: {  	v38 =	vld.idx.msk [tilespmem:v28+s15+$0x30 ss:$0x1], $0xffff;
	[tilespmem:v35+s3+$0xFFFFFE80 ss:$0x1] =	vst.idx.msk $0xffff, v41  }
0x5b8: {  	v41 =	vld.idx.msk [tilespmem:v28+s15+$0x50 ss:$0x1], $0xffff;
	[tilespmem:v33+s3+$0xFFFFFE80 ss:$0x1] =	vst.idx.msk $0xffff, v39  }
0x5b9: {  	v39 =	vld.idx.msk [tilespmem:v28+s15+$0x40 ss:$0x1], $0xffff;
	[tilespmem:v27+s3+$0xFFFFFF00 ss:$0x1] =	vst.idx.msk $0xffff, v40  }
0x5ba: {  	[tilespmem:v29+s3+$0xFFFFFD80 ss:$0x1] =	vst.idx.msk $0xffff, v43;
	v40 =	vld.idx.msk [tilespmem:v34+s15+$0x60 ss:$0x1], $0xffff  }
0x5bb: {  	s12 =	sadd.s32 s6, s13;
	[tilespmem:v31+s3+$0xFFFFFD80 ss:$0x1] =	vst.idx.msk $0xffff, v37;
	v43 =	vld.idx.msk [tilespmem:v34+s15+$0x0 ss:$0x1], $0xffff  }
0x5bc: {  	v36 =	vmov s12;
	[tilespmem:v30+s3+$0xFFFFFD80 ss:$0x1] =	vst.idx.msk $0xffff, v44;
	v51 =	vld.idx.msk [tilespmem:v34+s15+$0x20 ss:$0x1], $0xffff  }
0x5bd: {  	[tilespmem:v32+s3+$0xFFFFFD80 ss:$0x1] =	vst.idx.msk $0xffff, v38;
	v44 =	vld.idx.msk [tilespmem:v34+s15+$0x10 ss:$0x1], $0xffff  }
0x5be: {  	v45 =	vld.idx.msk [tilespmem:v34+s15+$0x30 ss:$0x1], $0xffff;
	[tilespmem:v35+s3+$0xFFFFFF00 ss:$0x1] =	vst.idx.msk $0xffff, v41  }
0x5bf: {  	v41 =	vld.idx.msk [tilespmem:v34+s15+$0x50 ss:$0x1], $0xffff;
	[tilespmem:v33+s3+$0xFFFFFF00 ss:$0x1] =	vst.idx.msk $0xffff, v39  }
0x5c0: {  	[tilespmem:v27+s3+$0xFFFFFF80 ss:$0x1] =	vst.idx.msk $0xffff, v40;
	v53 =	vld.idx.msk [tilespmem:v34+s15+$0x40 ss:$0x1], $0xffff  }
0x5c1: {  	[tilespmem:v29+s3+$0xFFFFFE00 ss:$0x1] =	vst.idx.msk $0xffff, v43;
	v52 =	vld.idx.msk [tilespmem:v36+s15+$0x60 ss:$0x1], $0xffff  }
0x5c2: {  	s16 =	sadd.s32 s6, s11;
	[tilespmem:v31+s3+$0xFFFFFE00 ss:$0x1] =	vst.idx.msk $0xffff, v51;
	v43 =	vld.idx.msk [tilespmem:v36+s15+$0x0 ss:$0x1], $0xffff  }
0x5c3: {  	v37 =	vmov s16;
	[tilespmem:v30+s3+$0xFFFFFE00 ss:$0x1] =	vst.idx.msk $0xffff, v44;
	v46 =	vld.idx.msk [tilespmem:v36+s15+$0x20 ss:$0x1], $0xffff  }
0x5c4: {  	[tilespmem:v32+s3+$0xFFFFFE00 ss:$0x1] =	vst.idx.msk $0xffff, v45;
	v44 =	vld.idx.msk [tilespmem:v36+s15+$0x10 ss:$0x1], $0xffff  }
0x5c5: {  	v45 =	vld.idx.msk [tilespmem:v36+s15+$0x30 ss:$0x1], $0xffff;
	[tilespmem:v35+s3+$0xFFFFFF80 ss:$0x1] =	vst.idx.msk $0xffff, v41  }
0x5c6: {  	v55 =	vld.idx.msk [tilespmem:v36+s15+$0x50 ss:$0x1], $0xffff;
	[tilespmem:v33+s3+$0xFFFFFF80 ss:$0x1] =	vst.idx.msk $0xffff, v53  }
0x5c7: {  	[tilespmem:v27+s3+$0x0 ss:$0x1] =	vst.idx.msk $0xffff, v52;
	v54 =	vld.idx.msk [tilespmem:v36+s15+$0x40 ss:$0x1], $0xffff  }
0x5c8: {  	[tilespmem:v29+s3+$0xFFFFFE80 ss:$0x1] =	vst.idx.msk $0xffff, v43;
	v39 =	vld.idx.msk [tilespmem:v37+s15+$0x0 ss:$0x1], $0xffff  }
0x5c9: {  	s18 =	sadd.s32 s6, s10;
	[tilespmem:v31+s3+$0xFFFFFE80 ss:$0x1] =	vst.idx.msk $0xffff, v46;
	v56 =	vld.idx.msk [tilespmem:v37+s15+$0xFFFFFFA0 ss:$0x1], $0xffff  }
0x5ca: {  	v38 =	vmov s18;
	[tilespmem:v30+s3+$0xFFFFFE80 ss:$0x1] =	vst.idx.msk $0xffff, v44;
	v57 =	vld.idx.msk [tilespmem:v37+s15+$0xFFFFFFC0 ss:$0x1], $0xffff  }
0x5cb: {  	[tilespmem:v32+s3+$0xFFFFFE80 ss:$0x1] =	vst.idx.msk $0xffff, v45;
	v47 =	vld.idx.msk [tilespmem:v37+s15+$0xFFFFFFB0 ss:$0x1], $0xffff  }
0x5cc: {  	v58 =	vld.idx.msk [tilespmem:v37+s15+$0xFFFFFFD0 ss:$0x1], $0xffff;
	[tilespmem:v35+s3+$0x0 ss:$0x1] =	vst.idx.msk $0xffff, v55  }
0x5cd: {  	v60 =	vld.idx.msk [tilespmem:v37+s15+$0xFFFFFFF0 ss:$0x1], $0xffff;
	[tilespmem:v33+s3+$0x0 ss:$0x1] =	vst.idx.msk $0xffff, v54  }
0x5ce: {  	[tilespmem:v27+s3+$0x80 ss:$0x1] =	vst.idx.msk $0xffff, v39;
	v59 =	vld.idx.msk [tilespmem:v37+s15+$0xFFFFFFE0 ss:$0x1], $0xffff  }
0x5cf: {  	[tilespmem:v29+s3+$0xFFFFFF00 ss:$0x1] =	vst.idx.msk $0xffff, v56;
	v39 =	vld.idx.msk [tilespmem:v38+s15+$0x0 ss:$0x1], $0xffff  }
0x5d0: {  	[tilespmem:v31+s3+$0xFFFFFF00 ss:$0x1] =	vst.idx.msk $0xffff, v57;
	v61 =	vld.idx.msk [tilespmem:v38+s15+$0xFFFFFFA0 ss:$0x1], $0xffff  }
0x5d1: {  	[tilespmem:v30+s3+$0xFFFFFF00 ss:$0x1] =	vst.idx.msk $0xffff, v47;
	v48 =	vld.idx.msk [tilespmem:v38+s15+$0xFFFFFFC0 ss:$0x1], $0xffff  }
0x5d2: {  	s22 =	sadd.s32 s6, s5;
	[tilespmem:v32+s3+$0xFFFFFF00 ss:$0x1] =	vst.idx.msk $0xffff, v58;
	v63 =	vld.idx.msk [tilespmem:v38+s15+$0xFFFFFFB0 ss:$0x1], $0xffff  }
0x5d3: {  	v40 =	vmov s22;
	v52 =	vld.idx.msk [tilespmem:v38+s15+$0xFFFFFFD0 ss:$0x1], $0xffff;
	[tilespmem:v35+s3+$0x80 ss:$0x1] =	vst.idx.msk $0xffff, v60  }
0x5d4: {  	v49 =	vld.idx.msk [tilespmem:v38+s15+$0xFFFFFFF0 ss:$0x1], $0xffff;
	[tilespmem:v33+s3+$0x80 ss:$0x1] =	vst.idx.msk $0xffff, v59  }
0x5d5: {  	s18 =	sshll.u32 s4, $0xA;
	s4 =	simm.s32 $0x80;
	[tilespmem:v27+s3+$0x100 ss:$0x1] =	vst.idx.msk $0xffff, v39;
	v53 =	vld.idx.msk [tilespmem:v38+s15+$0xFFFFFFE0 ss:$0x1], $0xffff  }
0x5d6: {  	[tilespmem:v29+s3+$0xFFFFFF80 ss:$0x1] =	vst.idx.msk $0xffff, v61;
	v61 =	vld.idx.msk [tilespmem:v25+s4+$0x850 ss:$0x1], $0xffff  }
0x5d7: {  	s9 =	sadd.s32 $0xE480, s17;
	[tilespmem:v31+s3+$0xFFFFFF80 ss:$0x1] =	vst.idx.msk $0xffff, v48;
	v48 =	vld.idx.msk [tilespmem:v26+s4+$0x0 ss:$0x1], $0xffff  }
0x5d8: {  	s7 =	sadd.s32 s6, s0;
	s16 =	sshrl.u32 s2, $0x2;
	v41 =	vmov s9;
	v62 =	vld.idx.msk [tilespmem:v40+s15+$0x0 ss:$0x1], $0xffff;
	[tilespmem:v30+s3+$0xFFFFFF80 ss:$0x1] =	vst.idx.msk $0xffff, v63  }
0x5d9: {  	v39 =	vmov s7;
	s7 =	sadd.s32 $0x10480, s16;
	v55 =	vld.idx.msk [tilespmem:v40+s15+$0xFFFFFFA0 ss:$0x1], $0xffff;
	[tilespmem:v32+s3+$0xFFFFFF80 ss:$0x1] =	vst.idx.msk $0xffff, v52  }
0x5da: {  	v57 =	vld.idx.msk [tilespmem:v40+s15+$0xFFFFFFC0 ss:$0x1], $0xffff;
	[tilespmem:s7+$0x0] =	vst v42  }
0x5db: {  	v56 =	vld.idx.msk [tilespmem:v40+s15+$0xFFFFFFB0 ss:$0x1], $0xffff;
	[tilespmem:v35+s3+$0x100 ss:$0x1] =	vst.idx.msk $0xffff, v49  }
0x5dc: {  	v58 =	vld.idx.msk [tilespmem:v40+s15+$0xFFFFFFD0 ss:$0x1], $0xffff;
	[tilespmem:v33+s3+$0x100 ss:$0x1] =	vst.idx.msk $0xffff, v53  }
0x5dd: {  	v42 =	vld.idx.msk [tilespmem:v41+s15+$0x0 ss:$0x1], $0xffff;
	[tilespmem:v27+s3+$0x180 ss:$0x1] =	vst.idx.msk $0xffff, v62  }
0x5de: {  	v49 =	vld.idx.msk [tilespmem:v40+s15+$0xFFFFFFF0 ss:$0x1], $0xffff;
	[tilespmem:v29+s3+$0x0 ss:$0x1] =	vst.idx.msk $0xffff, v55  }
0x5df: {  	v59 =	vld.idx.msk [tilespmem:v40+s15+$0xFFFFFFE0 ss:$0x1], $0xffff;
	[tilespmem:v31+s3+$0x0 ss:$0x1] =	vst.idx.msk $0xffff, v57  }
0x5e0: {  	v54 =	vld.idx.msk [tilespmem:v39+s15+$0x0 ss:$0x1], $0xffff;
	[tilespmem:v30+s3+$0x0 ss:$0x1] =	vst.idx.msk $0xffff, v56  }
0x5e1: {  	v45 =	vld.idx.msk [tilespmem:v39+s15+$0xFFFFFFA0 ss:$0x1], $0xffff;
	[tilespmem:v32+s3+$0x0 ss:$0x1] =	vst.idx.msk $0xffff, v58  }
0x5e2: {  	v43 =	vld.idx.msk [tilespmem:v39+s15+$0xFFFFFFC0 ss:$0x1], $0xffff;
	[tilespmem:s7+$0x80] =	vst v42  }
0x5e3: {  	s2 =	sor.u32 $0x300, s18;
	v47 =	vld.idx.msk [tilespmem:v39+s15+$0xFFFFFFB0 ss:$0x1], $0xffff;
	[tilespmem:v35+s3+$0x180 ss:$0x1] =	vst.idx.msk $0xffff, v49  }
0x5e4: {  	s12 =	sadd.s32 $0xFFFFFD80, s2;
	v63 =	vld.idx.msk [tilespmem:v25+s4+$0x800 ss:$0x1], $0xffff;
	[tilespmem:v33+s3+$0x180 ss:$0x1] =	vst.idx.msk $0xffff, v59  }
0x5e5: {  	s9 =	sadd.s32 $0xFFFFFE80, s2;
	v62 =	vld.idx.msk [tilespmem:v25+s4+$0x7F0 ss:$0x1], $0xffff;
	s3 =	sor.u32 $0x390, s12;
	[tilespmem:s7+$0x3F0] =	vst v54  }
0x5e6: {  	s22 =	sadd.s32 $0xFFFFFE00, s2;
	v52 =	vld.idx.msk [tilespmem:v25+s4+$0x810 ss:$0x1], $0xffff;
	s12 =	sor.u32 $0x3B0, s9;
	[tilespmem:s3+$0x10480] =	vst v45  }
0x5e7: {  	s6 =	sor.u32 $0x3A0, s22;
	v53 =	vld.idx.msk [tilespmem:v25+s4+$0x820 ss:$0x1], $0xffff;
	s9 =	sadd.s32 $0xFFFFFF80, s2;
	[tilespmem:s12+$0x10480] =	vst v43  }
0x5e8: {  	v56 =	vld.idx.msk [tilespmem:v25+s4+$0x840 ss:$0x1], $0xffff;
	s12 =	sor.u32 $0x3D0, s9;
	s9 =	simm.s32 $0x10880;
	[tilespmem:s6+$0x10480] =	vst v47  }
0x5e9: {  	v44 =	vld.idx.msk [tilespmem:v39+s15+$0xFFFFFFD0 ss:$0x1], $0xffff;
	[tilespmem:v27+s9+$0xFFFFFE80 ss:$0x1] =	vst.idx.msk $0xffff, v61  }
0x5ea: {  	v60 =	vld.idx.msk [tilespmem:v39+s15+$0xFFFFFFF0 ss:$0x1], $0xffff;
	[tilespmem:v29+s9+$0xFFFFFD00 ss:$0x1] =	vst.idx.msk $0xffff, v62  }
0x5eb: {  	v50 =	vld.idx.msk [tilespmem:v39+s15+$0xFFFFFFE0 ss:$0x1], $0xffff;
	[tilespmem:v30+s9+$0xFFFFFD00 ss:$0x1] =	vst.idx.msk $0xffff, v63  }
0x5ec: {  	v54 =	vld.idx.msk [tilespmem:v25+s4+$0x830 ss:$0x1], $0xffff;
	[tilespmem:v31+s9+$0xFFFFFD00 ss:$0x1] =	vst.idx.msk $0xffff, v52  }
0x5ed: {  	s22 =	sadd.s32 $0xFFFFFF00, s2;
	[tilespmem:v32+s9+$0xFFFFFD00 ss:$0x1] =	vst.idx.msk $0xffff, v53;
	v55 =	vld.idx.msk [tilespmem:v28+s4+$0x60 ss:$0x1], $0xffff  }
0x5ee: {  	s6 =	sor.u32 $0x3C0, s22;
	[tilespmem:v35+s9+$0xFFFFFE80 ss:$0x1] =	vst.idx.msk $0xffff, v56;
	v57 =	vld.idx.msk [tilespmem:v28+s4+$0x0 ss:$0x1], $0xffff  }
0x5ef: {  	s22 =	sor.u32 $0x3E0, s2;
	[tilespmem:s6+$0x10480] =	vst v44;
	s6 =	sadd.s32 $0xD480, s17;
	v47 =	vld.idx.msk [tilespmem:v28+s4+$0x10 ss:$0x1], $0xffff  }
0x5f0: {  	[tilespmem:s22+$0x10480] =	vst v60;
	v43 =	vld.idx.msk [tilespmem:v28+s4+$0x20 ss:$0x1], $0xffff;
	v42 =	vmov s6  }
0x5f1: {  	v44 =	vld.idx.msk [tilespmem:v28+s4+$0x30 ss:$0x1], $0xffff;
	[tilespmem:s12+$0x10480] =	vst v50  }
0x5f2: {  	v59 =	vld.idx.msk [tilespmem:v28+s4+$0x50 ss:$0x1], $0xffff;
	[tilespmem:v33+s9+$0xFFFFFE80 ss:$0x1] =	vst.idx.msk $0xffff, v54  }
0x5f3: {  	v49 =	vld.idx.msk [tilespmem:v28+s4+$0x40 ss:$0x1], $0xffff;
	[tilespmem:v27+s9+$0xFFFFFF00 ss:$0x1] =	vst.idx.msk $0xffff, v55  }
0x5f4: {  	[tilespmem:v29+s9+$0xFFFFFD80 ss:$0x1] =	vst.idx.msk $0xffff, v57;
	v58 =	vld.idx.msk [tilespmem:v34+s4+$0x60 ss:$0x1], $0xffff  }
0x5f5: {  	[tilespmem:v30+s9+$0xFFFFFD80 ss:$0x1] =	vst.idx.msk $0xffff, v47;
	v60 =	vld.idx.msk [tilespmem:v42+s15+$0x0 ss:$0x1], $0xffff  }
0x5f6: {  	[tilespmem:v31+s9+$0xFFFFFD80 ss:$0x1] =	vst.idx.msk $0xffff, v43;
	v61 =	vld.idx.msk [tilespmem:v34+s4+$0x0 ss:$0x1], $0xffff  }
0x5f7: {  	s12 =	sadd.s32 $0xC480, s17;
	[tilespmem:v32+s9+$0xFFFFFD80 ss:$0x1] =	vst.idx.msk $0xffff, v44;
	v51 =	vld.idx.msk [tilespmem:v34+s4+$0x10 ss:$0x1], $0xffff  }
0x5f8: {  	v43 =	vmov s12;
	[tilespmem:v35+s9+$0xFFFFFF00 ss:$0x1] =	vst.idx.msk $0xffff, v59;
	v62 =	vld.idx.msk [tilespmem:v34+s4+$0x20 ss:$0x1], $0xffff  }
0x5f9: {  	v63 =	vld.idx.msk [tilespmem:v34+s4+$0x30 ss:$0x1], $0xffff;
	[tilespmem:v33+s9+$0xFFFFFF00 ss:$0x1] =	vst.idx.msk $0xffff, v49  }
0x5fa: {  	v57 =	vld.idx.msk [tilespmem:v34+s4+$0x50 ss:$0x1], $0xffff;
	[tilespmem:v27+s9+$0xFFFFFF80 ss:$0x1] =	vst.idx.msk $0xffff, v58  }
0x5fb: {  	v56 =	vld.idx.msk [tilespmem:v34+s4+$0x40 ss:$0x1], $0xffff;
	[tilespmem:s7+$0x100] =	vst v60  }
0x5fc: {  	[tilespmem:v29+s9+$0xFFFFFE00 ss:$0x1] =	vst.idx.msk $0xffff, v61;
	v45 =	vld.idx.msk [tilespmem:v36+s4+$0x60 ss:$0x1], $0xffff  }
0x5fd: {  	[tilespmem:v30+s9+$0xFFFFFE00 ss:$0x1] =	vst.idx.msk $0xffff, v51;
	v58 =	vld.idx.msk [tilespmem:v43+s15+$0x0 ss:$0x1], $0xffff  }
0x5fe: {  	[tilespmem:v31+s9+$0xFFFFFE00 ss:$0x1] =	vst.idx.msk $0xffff, v62;
	v59 =	vld.idx.msk [tilespmem:v36+s4+$0x0 ss:$0x1], $0xffff  }
0x5ff: {  	s22 =	sadd.s32 $0xB480, s17;
	[tilespmem:v32+s9+$0xFFFFFE00 ss:$0x1] =	vst.idx.msk $0xffff, v63;
	v52 =	vld.idx.msk [tilespmem:v36+s4+$0x10 ss:$0x1], $0xffff  }
0x600: {  	v44 =	vmov s22;
	[tilespmem:v35+s9+$0xFFFFFF80 ss:$0x1] =	vst.idx.msk $0xffff, v57;
	v60 =	vld.idx.msk [tilespmem:v36+s4+$0x20 ss:$0x1], $0xffff  }
0x601: {  	v61 =	vld.idx.msk [tilespmem:v36+s4+$0x30 ss:$0x1], $0xffff;
	[tilespmem:v33+s9+$0xFFFFFF80 ss:$0x1] =	vst.idx.msk $0xffff, v56  }
0x602: {  	v63 =	vld.idx.msk [tilespmem:v36+s4+$0x50 ss:$0x1], $0xffff;
	[tilespmem:v27+s9+$0x0 ss:$0x1] =	vst.idx.msk $0xffff, v45  }
0x603: {  	v62 =	vld.idx.msk [tilespmem:v36+s4+$0x40 ss:$0x1], $0xffff;
	[tilespmem:s7+$0x180] =	vst v58  }
0x604: {  	[tilespmem:v29+s9+$0xFFFFFE80 ss:$0x1] =	vst.idx.msk $0xffff, v59;
	v45 =	vld.idx.msk [tilespmem:v37+s4+$0x0 ss:$0x1], $0xffff  }
0x605: {  	[tilespmem:v30+s9+$0xFFFFFE80 ss:$0x1] =	vst.idx.msk $0xffff, v52;
	v56 =	vld.idx.msk [tilespmem:v44+s15+$0x0 ss:$0x1], $0xffff  }
0x606: {  	[tilespmem:v31+s9+$0xFFFFFE80 ss:$0x1] =	vst.idx.msk $0xffff, v60;
	v57 =	vld.idx.msk [tilespmem:v37+s4+$0xFFFFFFA0 ss:$0x1], $0xffff  }
0x607: {  	[tilespmem:v32+s9+$0xFFFFFE80 ss:$0x1] =	vst.idx.msk $0xffff, v61;
	v58 =	vld.idx.msk [tilespmem:v37+s4+$0xFFFFFFB0 ss:$0x1], $0xffff  }
0x608: {  	[tilespmem:v35+s9+$0x0 ss:$0x1] =	vst.idx.msk $0xffff, v63;
	v53 =	vld.idx.msk [tilespmem:v37+s4+$0xFFFFFFC0 ss:$0x1], $0xffff  }
0x609: {  	v60 =	vld.idx.msk [tilespmem:v37+s4+$0xFFFFFFD0 ss:$0x1], $0xffff;
	[tilespmem:v33+s9+$0x0 ss:$0x1] =	vst.idx.msk $0xffff, v62  }
0x60a: {  	v62 =	vld.idx.msk [tilespmem:v37+s4+$0xFFFFFFF0 ss:$0x1], $0xffff;
	[tilespmem:v27+s9+$0x80 ss:$0x1] =	vst.idx.msk $0xffff, v45  }
0x60b: {  	s6 =	sadd.s32 $0xA480, s17;
	v61 =	vld.idx.msk [tilespmem:v37+s4+$0xFFFFFFE0 ss:$0x1], $0xffff;
	[tilespmem:s7+$0x200] =	vst v56  }
0x60c: {  	v45 =	vmov s6;
	[tilespmem:v29+s9+$0xFFFFFF00 ss:$0x1] =	vst.idx.msk $0xffff, v57;
	v59 =	vld.idx.msk [tilespmem:v38+s4+$0x0 ss:$0x1], $0xffff  }
0x60d: {  	[tilespmem:v30+s9+$0xFFFFFF00 ss:$0x1] =	vst.idx.msk $0xffff, v58;
	v52 =	vld.idx.msk [tilespmem:v38+s4+$0xFFFFFFA0 ss:$0x1], $0xffff  }
0x60e: {  	[tilespmem:v32+s9+$0xFFFFFF00 ss:$0x1] =	vst.idx.msk $0xffff, v60;
	v54 =	vld.idx.msk [tilespmem:v38+s4+$0xFFFFFFB0 ss:$0x1], $0xffff  }
0x60f: {  	v63 =	vld.idx.msk [tilespmem:v38+s4+$0xFFFFFFD0 ss:$0x1], $0xffff;
	[tilespmem:v35+s9+$0x80 ss:$0x1] =	vst.idx.msk $0xffff, v62  }
0x610: {  	s3 =	sadd.s32 $0x10880, s16;
	[tilespmem:v33+s9+$0x80 ss:$0x1] =	vst.idx.msk $0xffff, v61;
	v61 =	vld.idx.msk [tilespmem:v38+s4+$0xFFFFFFF0 ss:$0x1], $0xffff  }
0x611: {  	[tilespmem:s3+$0x0] =	vst v48;
	v57 =	vld.idx.msk [tilespmem:v45+s15+$0x0 ss:$0x1], $0xffff  }
0x612: {  	[tilespmem:v31+s9+$0xFFFFFF00 ss:$0x1] =	vst.idx.msk $0xffff, v53;
	v60 =	vld.idx.msk [tilespmem:v38+s4+$0xFFFFFFE0 ss:$0x1], $0xffff  }
0x613: {  	s12 =	sadd.s32 $0x9480, s17;
	[tilespmem:v27+s9+$0x100 ss:$0x1] =	vst.idx.msk $0xffff, v59;
	v59 =	vld.idx.msk [tilespmem:v38+s4+$0xFFFFFFC0 ss:$0x1], $0xffff  }
0x614: {  	v46 =	vmov s12;
	[tilespmem:v30+s9+$0xFFFFFF80 ss:$0x1] =	vst.idx.msk $0xffff, v54;
	v54 =	vld.idx.msk [tilespmem:v41+s4+$0x0 ss:$0x1], $0xffff  }
0x615: {  	[tilespmem:v29+s9+$0xFFFFFF80 ss:$0x1] =	vst.idx.msk $0xffff, v52;
	v58 =	vld.idx.msk [tilespmem:v40+s4+$0x0 ss:$0x1], $0xffff  }
0x616: {  	[tilespmem:v32+s9+$0xFFFFFF80 ss:$0x1] =	vst.idx.msk $0xffff, v63;
	v55 =	vld.idx.msk [tilespmem:v40+s4+$0xFFFFFFA0 ss:$0x1], $0xffff  }
0x617: {  	v56 =	vld.idx.msk [tilespmem:v40+s4+$0xFFFFFFB0 ss:$0x1], $0xffff;
	[tilespmem:v35+s9+$0x100 ss:$0x1] =	vst.idx.msk $0xffff, v61  }
0x618: {  	[tilespmem:s7+$0x280] =	vst v57;
	v57 =	vld.idx.msk [tilespmem:v40+s4+$0xFFFFFFD0 ss:$0x1], $0xffff  }
0x619: {  	[tilespmem:v33+s9+$0x100 ss:$0x1] =	vst.idx.msk $0xffff, v60;
	v62 =	vld.idx.msk [tilespmem:v46+s15+$0x0 ss:$0x1], $0xffff  }
0x61a: {  	s17 =	sadd.s32 $0x8480, s17;
	[tilespmem:v31+s9+$0xFFFFFF80 ss:$0x1] =	vst.idx.msk $0xffff, v59;
	v59 =	vld.idx.msk [tilespmem:v40+s4+$0xFFFFFFF0 ss:$0x1], $0xffff  }
0x61b: {  	v47 =	vmov s17;
	[tilespmem:v27+s9+$0x180 ss:$0x1] =	vst.idx.msk $0xffff, v58;
	v63 =	vld.idx.msk [tilespmem:v40+s4+$0xFFFFFFC0 ss:$0x1], $0xffff  }
0x61c: {  	[tilespmem:v29+s9+$0x0 ss:$0x1] =	vst.idx.msk $0xffff, v55;
	v53 =	vld.idx.msk [tilespmem:v39+s4+$0x0 ss:$0x1], $0xffff  }
0x61d: {  	v58 =	vld.idx.msk [tilespmem:v40+s4+$0xFFFFFFE0 ss:$0x1], $0xffff;
	[tilespmem:v30+s9+$0x0 ss:$0x1] =	vst.idx.msk $0xffff, v56  }
0x61e: {  	v52 =	vld.idx.msk [tilespmem:v39+s4+$0xFFFFFFB0 ss:$0x1], $0xffff;
	[tilespmem:v32+s9+$0x0 ss:$0x1] =	vst.idx.msk $0xffff, v57  }
0x61f: {  	[tilespmem:s7+$0x300] =	vst v62;
	v49 =	vld.idx.msk [tilespmem:v39+s4+$0xFFFFFFD0 ss:$0x1], $0xffff  }
0x620: {  	v48 =	vld.idx.msk [tilespmem:v47+s15+$0x0 ss:$0x1], $0xffff;
	[tilespmem:v31+s9+$0x0 ss:$0x1] =	vst.idx.msk $0xffff, v63  }
0x621: {  	s22 =	sor.u32 s29, s18;
	[tilespmem:s3+$0x3F0] =	vst v53;
	v53 =	vld.idx.msk [tilespmem:v39+s4+$0xFFFFFFA0 ss:$0x1], $0xffff  }
0x622: {  	s29 =	simm.s32 $0x8;
	s6 =	sshrl.u32 s22, $0x3;
	[tilespmem:v33+s9+$0x180 ss:$0x1] =	vst.idx.msk $0xffff, v58;
	v51 =	vld.idx.msk [tilespmem:v39+s4+$0xFFFFFFC0 ss:$0x1], $0xffff  }
0x623: {  	s17 =	sadd.s32 $0x400, s2;
	[tilespmem:v35+s9+$0x180 ss:$0x1] =	vst.idx.msk $0xffff, v59;
	s15 =	sadd.s32 s19, s6;
	s6 =	simm.s32 $0x400;
	v50 =	vld.idx.msk [tilespmem:v39+s4+$0xFFFFFFE0 ss:$0x1], $0xffff  }
.LBB2_162:
0x624: {  	s22 =	sshra.s32 s6, $0x2;
	s29 =	sadd.s32 $0x8, s29;
	[tilespmem:s3+$0x80] =	vst v54;
	s2 =	sadd.s32 $0xFFFFFD80, s17;
	v54 =	vld.idx.msk [tilespmem:v39+s4+$0xFFFFFFF0 ss:$0x1], $0xffff  }
0x625: {  	s12 =	sadd.s32 $0xFFFFFE00, s17;
	v55 =	vld.idx.msk [tilespmem:v25+s22+$0x850 ss:$0x1], $0xffff;
	p2 =	slt.u32 s29, $0x48;
	s2 =	sor.u32 $0x390, s2;
	[tilespmem:s7+$0x380] =	vst v48  }
0x626: {  	s7 =	smov.u32 s3;
	v48 =	vld.idx.msk [tilespmem:v26+s22+$0x0 ss:$0x1], $0xffff;
	[tilespmem:s2+$0x10480] =	vst v53;
	s2 =	sor.u32 $0x3A0, s12;
	s12 =	sadd.s32 $0xFFFFFE80, s17  }
0x627: {  	s3 =	sadd.s32 $0xFFFFFF00, s17;
	v53 =	vld.idx.msk [tilespmem:v25+s22+$0x7F0 ss:$0x1], $0xffff;
	[tilespmem:s2+$0x10480] =	vst v52;
	s2 =	sor.u32 $0x3B0, s12  }
0x628: {  	v52 =	vld.idx.msk [tilespmem:v25+s22+$0x800 ss:$0x1], $0xffff;
	[tilespmem:s2+$0x10480] =	vst v51;
	s2 =	sor.u32 $0x3C0, s3;
	s3 =	sadd.s32 $0xFFFFFF80, s17  }
0x629: {  	v51 =	vld.idx.msk [tilespmem:v25+s22+$0x810 ss:$0x1], $0xffff;
	[tilespmem:s2+$0x10480] =	vst v49;
	s2 =	sor.u32 $0x3D0, s3  }
0x62a: {  	s9 =	sadd.s32 $0x400, s9;
	v49 =	vld.idx.msk [tilespmem:v25+s22+$0x820 ss:$0x1], $0xffff;
	[tilespmem:s2+$0x10480] =	vst v50  }
0x62b: {  	s2 =	sor.u32 $0x3E0, s17;
	v50 =	vld.idx.msk [tilespmem:v25+s22+$0x830 ss:$0x1], $0xffff;
	[tilespmem:v27+s9+$0xFFFFFE80 ss:$0x1] =	vst.idx.msk $0xffff, v55  }
0x62c: {  	v55 =	vld.idx.msk [tilespmem:v28+s22+$0x60 ss:$0x1], $0xffff;
	[tilespmem:s2+$0x10480] =	vst v54  }
0x62d: {  	[tilespmem:v29+s9+$0xFFFFFD00 ss:$0x1] =	vst.idx.msk $0xffff, v53;
	v53 =	vld.idx.msk [tilespmem:v25+s22+$0x840 ss:$0x1], $0xffff  }
0x62e: {  	v54 =	vld.idx.msk [tilespmem:v28+s22+$0x0 ss:$0x1], $0xffff;
	[tilespmem:v30+s9+$0xFFFFFD00 ss:$0x1] =	vst.idx.msk $0xffff, v52  }
0x62f: {  	v52 =	vld.idx.msk [tilespmem:v28+s22+$0x10 ss:$0x1], $0xffff;
	[tilespmem:v31+s9+$0xFFFFFD00 ss:$0x1] =	vst.idx.msk $0xffff, v51  }
0x630: {  	v51 =	vld.idx.msk [tilespmem:v28+s22+$0x20 ss:$0x1], $0xffff;
	[tilespmem:v32+s9+$0xFFFFFD00 ss:$0x1] =	vst.idx.msk $0xffff, v49  }
0x631: {  	v49 =	vld.idx.msk [tilespmem:v28+s22+$0x30 ss:$0x1], $0xffff;
	[tilespmem:v33+s9+$0xFFFFFE80 ss:$0x1] =	vst.idx.msk $0xffff, v50  }
0x632: {  	v50 =	vld.idx.msk [tilespmem:v28+s22+$0x40 ss:$0x1], $0xffff;
	[tilespmem:v27+s9+$0xFFFFFF00 ss:$0x1] =	vst.idx.msk $0xffff, v55  }
0x633: {  	[tilespmem:v35+s9+$0xFFFFFE80 ss:$0x1] =	vst.idx.msk $0xffff, v53;
	v53 =	vld.idx.msk [tilespmem:v34+s22+$0x60 ss:$0x1], $0xffff  }
0x634: {  	[tilespmem:v29+s9+$0xFFFFFD80 ss:$0x1] =	vst.idx.msk $0xffff, v54;
	v54 =	vld.idx.msk [tilespmem:v28+s22+$0x50 ss:$0x1], $0xffff  }
0x635: {  	[tilespmem:v30+s9+$0xFFFFFD80 ss:$0x1] =	vst.idx.msk $0xffff, v52;
	v52 =	vld.idx.msk [tilespmem:v42+s4+$0x0 ss:$0x1], $0xffff  }
0x636: {  	v55 =	vld.idx.msk [tilespmem:v34+s22+$0x0 ss:$0x1], $0xffff;
	[tilespmem:v31+s9+$0xFFFFFD80 ss:$0x1] =	vst.idx.msk $0xffff, v51  }
0x637: {  	v51 =	vld.idx.msk [tilespmem:v34+s22+$0x10 ss:$0x1], $0xffff;
	[tilespmem:v32+s9+$0xFFFFFD80 ss:$0x1] =	vst.idx.msk $0xffff, v49  }
0x638: {  	v49 =	vld.idx.msk [tilespmem:v34+s22+$0x20 ss:$0x1], $0xffff;
	[tilespmem:v33+s9+$0xFFFFFF00 ss:$0x1] =	vst.idx.msk $0xffff, v50  }
0x639: {  	v50 =	vld.idx.msk [tilespmem:v34+s22+$0x30 ss:$0x1], $0xffff;
	[tilespmem:v27+s9+$0xFFFFFF80 ss:$0x1] =	vst.idx.msk $0xffff, v53  }
0x63a: {  	[tilespmem:v35+s9+$0xFFFFFF00 ss:$0x1] =	vst.idx.msk $0xffff, v54;
	v53 =	vld.idx.msk [tilespmem:v36+s22+$0x60 ss:$0x1], $0xffff  }
0x63b: {  	v54 =	vld.idx.msk [tilespmem:v34+s22+$0x40 ss:$0x1], $0xffff;
	[tilespmem:s7+$0x100] =	vst v52  }
0x63c: {  	[tilespmem:v29+s9+$0xFFFFFE00 ss:$0x1] =	vst.idx.msk $0xffff, v55;
	v52 =	vld.idx.msk [tilespmem:v34+s22+$0x50 ss:$0x1], $0xffff  }
0x63d: {  	[tilespmem:v30+s9+$0xFFFFFE00 ss:$0x1] =	vst.idx.msk $0xffff, v51;
	v51 =	vld.idx.msk [tilespmem:v43+s4+$0x0 ss:$0x1], $0xffff  }
0x63e: {  	v55 =	vld.idx.msk [tilespmem:v36+s22+$0x0 ss:$0x1], $0xffff;
	[tilespmem:v31+s9+$0xFFFFFE00 ss:$0x1] =	vst.idx.msk $0xffff, v49  }
0x63f: {  	v49 =	vld.idx.msk [tilespmem:v36+s22+$0x10 ss:$0x1], $0xffff;
	[tilespmem:v32+s9+$0xFFFFFE00 ss:$0x1] =	vst.idx.msk $0xffff, v50  }
0x640: {  	v50 =	vld.idx.msk [tilespmem:v36+s22+$0x20 ss:$0x1], $0xffff;
	[tilespmem:v27+s9+$0x0 ss:$0x1] =	vst.idx.msk $0xffff, v53  }
0x641: {  	[tilespmem:v33+s9+$0xFFFFFF80 ss:$0x1] =	vst.idx.msk $0xffff, v54;
	v53 =	vld.idx.msk [tilespmem:v37+s22+$0x0 ss:$0x1], $0xffff  }
0x642: {  	v54 =	vld.idx.msk [tilespmem:v36+s22+$0x30 ss:$0x1], $0xffff;
	[tilespmem:v35+s9+$0xFFFFFF80 ss:$0x1] =	vst.idx.msk $0xffff, v52  }
0x643: {  	v52 =	vld.idx.msk [tilespmem:v36+s22+$0x40 ss:$0x1], $0xffff;
	[tilespmem:s7+$0x180] =	vst v51  }
0x644: {  	[tilespmem:v29+s9+$0xFFFFFE80 ss:$0x1] =	vst.idx.msk $0xffff, v55;
	v51 =	vld.idx.msk [tilespmem:v36+s22+$0x50 ss:$0x1], $0xffff  }
0x645: {  	[tilespmem:v30+s9+$0xFFFFFE80 ss:$0x1] =	vst.idx.msk $0xffff, v49;
	v49 =	vld.idx.msk [tilespmem:v44+s4+$0x0 ss:$0x1], $0xffff  }
0x646: {  	v55 =	vld.idx.msk [tilespmem:v37+s22+$0xFFFFFFA0 ss:$0x1], $0xffff;
	[tilespmem:v31+s9+$0xFFFFFE80 ss:$0x1] =	vst.idx.msk $0xffff, v50  }
0x647: {  	v50 =	vld.idx.msk [tilespmem:v37+s22+$0xFFFFFFB0 ss:$0x1], $0xffff;
	[tilespmem:v27+s9+$0x80 ss:$0x1] =	vst.idx.msk $0xffff, v53  }
0x648: {  	[tilespmem:v32+s9+$0xFFFFFE80 ss:$0x1] =	vst.idx.msk $0xffff, v54;
	v53 =	vld.idx.msk [tilespmem:v38+s22+$0x0 ss:$0x1], $0xffff  }
0x649: {  	v54 =	vld.idx.msk [tilespmem:v37+s22+$0xFFFFFFC0 ss:$0x1], $0xffff;
	[tilespmem:v33+s9+$0x0 ss:$0x1] =	vst.idx.msk $0xffff, v52  }
0x64a: {  	v52 =	vld.idx.msk [tilespmem:v37+s22+$0xFFFFFFD0 ss:$0x1], $0xffff;
	[tilespmem:v35+s9+$0x0 ss:$0x1] =	vst.idx.msk $0xffff, v51  }
0x64b: {  	v51 =	vld.idx.msk [tilespmem:v37+s22+$0xFFFFFFE0 ss:$0x1], $0xffff;
	[tilespmem:s7+$0x200] =	vst v49  }
0x64c: {  	[tilespmem:v29+s9+$0xFFFFFF00 ss:$0x1] =	vst.idx.msk $0xffff, v55;
	v49 =	vld.idx.msk [tilespmem:v37+s22+$0xFFFFFFF0 ss:$0x1], $0xffff  }
0x64d: {  	[tilespmem:v30+s9+$0xFFFFFF00 ss:$0x1] =	vst.idx.msk $0xffff, v50;
	v50 =	vld.idx.msk [tilespmem:v45+s4+$0x0 ss:$0x1], $0xffff  }
0x64e: {  	v55 =	vld.idx.msk [tilespmem:v38+s22+$0xFFFFFFA0 ss:$0x1], $0xffff;
	[tilespmem:v27+s9+$0x100 ss:$0x1] =	vst.idx.msk $0xffff, v53  }
0x64f: {  	[tilespmem:v31+s9+$0xFFFFFF00 ss:$0x1] =	vst.idx.msk $0xffff, v54;
	v53 =	vld.idx.msk [tilespmem:v40+s22+$0x0 ss:$0x1], $0xffff  }
0x650: {  	v54 =	vld.idx.msk [tilespmem:v38+s22+$0xFFFFFFB0 ss:$0x1], $0xffff;
	[tilespmem:v32+s9+$0xFFFFFF00 ss:$0x1] =	vst.idx.msk $0xffff, v52  }
0x651: {  	v52 =	vld.idx.msk [tilespmem:v38+s22+$0xFFFFFFC0 ss:$0x1], $0xffff;
	[tilespmem:v33+s9+$0x80 ss:$0x1] =	vst.idx.msk $0xffff, v51  }
0x652: {  	v51 =	vld.idx.msk [tilespmem:v38+s22+$0xFFFFFFD0 ss:$0x1], $0xffff;
	[tilespmem:v35+s9+$0x80 ss:$0x1] =	vst.idx.msk $0xffff, v49  }
0x653: {  	v49 =	vld.idx.msk [tilespmem:v38+s22+$0xFFFFFFE0 ss:$0x1], $0xffff;
	[tilespmem:s7+$0x280] =	vst v50  }
0x654: {  	[tilespmem:v29+s9+$0xFFFFFF80 ss:$0x1] =	vst.idx.msk $0xffff, v55;
	v50 =	vld.idx.msk [tilespmem:v38+s22+$0xFFFFFFF0 ss:$0x1], $0xffff  }
0x655: {  	[tilespmem:v27+s9+$0x180 ss:$0x1] =	vst.idx.msk $0xffff, v53;
	v53 =	vld.idx.msk [tilespmem:v46+s4+$0x0 ss:$0x1], $0xffff  }
0x656: {  	[tilespmem:v30+s9+$0xFFFFFF80 ss:$0x1] =	vst.idx.msk $0xffff, v54;
	v54 =	vld.idx.msk [tilespmem:v39+s22+$0x0 ss:$0x1], $0xffff  }
0x657: {  	v55 =	vld.idx.msk [tilespmem:v40+s22+$0xFFFFFFA0 ss:$0x1], $0xffff;
	[tilespmem:v31+s9+$0xFFFFFF80 ss:$0x1] =	vst.idx.msk $0xffff, v52  }
0x658: {  	v52 =	vld.idx.msk [tilespmem:v40+s22+$0xFFFFFFB0 ss:$0x1], $0xffff;
	[tilespmem:v32+s9+$0xFFFFFF80 ss:$0x1] =	vst.idx.msk $0xffff, v51  }
0x659: {  	v51 =	vld.idx.msk [tilespmem:v40+s22+$0xFFFFFFC0 ss:$0x1], $0xffff;
	[tilespmem:v33+s9+$0x100 ss:$0x1] =	vst.idx.msk $0xffff, v49  }
0x65a: {  	v49 =	vld.idx.msk [tilespmem:v40+s22+$0xFFFFFFD0 ss:$0x1], $0xffff;
	[tilespmem:v35+s9+$0x100 ss:$0x1] =	vst.idx.msk $0xffff, v50  }
0x65b: {  	s3 =	sadd.s32 s16, s9;
	v50 =	vld.idx.msk [tilespmem:v40+s22+$0xFFFFFFE0 ss:$0x1], $0xffff;
	[tilespmem:s7+$0x300] =	vst v53  }
0x65c: {  	v56 =	vld.idx.msk [tilespmem:v40+s22+$0xFFFFFFF0 ss:$0x1], $0xffff;
	[tilespmem:s3+$0x3F0] =	vst v54  }
0x65d: {  	[tilespmem:s3+$0x0] =	vst v48;
	v48 =	vld.idx.msk [tilespmem:v47+s4+$0x0 ss:$0x1], $0xffff;
	s4 =	smov.u32 s22  }
0x65e: {  	v54 =	vld.idx.msk [tilespmem:v41+s4+$0x0 ss:$0x1], $0xffff;
	[tilespmem:v29+s9+$0x0 ss:$0x1] =	vst.idx.msk $0xffff, v55  }
.Ltmp92:
0x65f: {  	v53 =	vld.idx.msk [tilespmem:v39+s4+$0xFFFFFFA0 ss:$0x1], $0xffff;
	[tilespmem:v30+s9+$0x0 ss:$0x1] =	vst.idx.msk $0xffff, v52;
	(pc) =	sbr.rel @p2 .LBB2_162-.Ltmp92, $4  }
0x660: {  	v52 =	vld.idx.msk [tilespmem:v39+s4+$0xFFFFFFB0 ss:$0x1], $0xffff;
	[tilespmem:v31+s9+$0x0 ss:$0x1] =	vst.idx.msk $0xffff, v51  }
0x661: {  	v51 =	vld.idx.msk [tilespmem:v39+s4+$0xFFFFFFC0 ss:$0x1], $0xffff;
	[tilespmem:v32+s9+$0x0 ss:$0x1] =	vst.idx.msk $0xffff, v49  }
0x662: {  	v49 =	vld.idx.msk [tilespmem:v39+s4+$0xFFFFFFD0 ss:$0x1], $0xffff;
	[tilespmem:v33+s9+$0x180 ss:$0x1] =	vst.idx.msk $0xffff, v50  }
0x663: {  	s6 =	sadd.s32 $0x200, s6;
	s17 =	sadd.s32 $0x400, s17;
	v50 =	vld.idx.msk [tilespmem:v39+s4+$0xFFFFFFE0 ss:$0x1], $0xffff;
	[tilespmem:v35+s9+$0x180 ss:$0x1] =	vst.idx.msk $0xffff, v56  }
0x664: {  	_ =	sdelay $0x2  }
0x665: {  	[tilespmem:s3+$0x80] =	vst v54  }
0x666: {  	v25 =	vld.idx.msk [tilespmem:v42+s4+$0x0 ss:$0x1], $0xffff;
	_ =	sdelay $0x4  }
0x667: {  	[tilespmem:s3+$0x100] =	vst v25  }
0x668: {  	v25 =	vld.idx.msk [tilespmem:v43+s4+$0x0 ss:$0x1], $0xffff;
	_ =	sdelay $0x4  }
0x669: {  	[tilespmem:s3+$0x180] =	vst v25  }
0x66a: {  	v25 =	vld.idx.msk [tilespmem:v44+s4+$0x0 ss:$0x1], $0xffff;
	_ =	sdelay $0x4  }
0x66b: {  	[tilespmem:s3+$0x200] =	vst v25  }
0x66c: {  	v25 =	vld.idx.msk [tilespmem:v45+s4+$0x0 ss:$0x1], $0xffff;
	_ =	sdelay $0x4  }
0x66d: {  	[tilespmem:s3+$0x280] =	vst v25  }
0x66e: {  	v25 =	vld.idx.msk [tilespmem:v46+s4+$0x0 ss:$0x1], $0xffff;
	_ =	sdelay $0x1  }
0x66f: {  	s2 =	sadd.s32 $0xFFFFFD80, s17  }
0x670: {  	[tilespmem:s7+$0x380] =	vst v48;
	s2 =	sor.u32 $0x390, s2  }
0x671: {  	s6 =	sadd.s32 $0xFFFFFE00, s17;
	v26 =	vld.idx.msk [tilespmem:v39+s4+$0xFFFFFFF0 ss:$0x1], $0xffff;
	[tilespmem:s2+$0x10480] =	vst v53  }
0x672: {  	s12 =	sadd.s32 $0xFFFFFE80, s17;
	s9 =	sor.u32 $0x3A0, s6;
	[tilespmem:s3+$0x300] =	vst v25  }
0x673: {  	s16 =	sor.u32 $0x3B0, s12;
	s6 =	sadd.s32 $0xFFFFFF80, s17;
	[tilespmem:s9+$0x10480] =	vst v52;
	v25 =	vld.idx.msk [tilespmem:v47+s4+$0x0 ss:$0x1], $0xffff  }
0x674: {  	[tilespmem:s16+$0x10480] =	vst v51;
	s7 =	sor.u32 $0x3D0, s6  }
0x675: {  	s22 =	sadd.s32 $0xFFFFFF00, s17;
	s9 =	sor.u32 $0x3E0, s17;
	[tilespmem:s7+$0x10480] =	vst v50  }
0x676: {  	[tilespmem:s9+$0x10480] =	vst v26;
	s4 =	sor.u32 $0x3C0, s22  }
0x677: {  	[tilespmem:s4+$0x10480] =	vst v49  }
0x678: {  	s29 =	simm.s32 $0x3;
	s12 =	sadd.s32 $0x10480, s18;
	s16 =	simm.s32 $0x0;
	[tilespmem:s3+$0x380] =	vst v25  }
0x679: {  	[hbm4b:s15+s16] =	stream.linear.scatter [tilespmem:s12], [sflag:$0x1], $0x2800, $0x38;
	[tilespmem:$0x18C80] =	vst v63  }
0x67a: {  	_ =	swait.ge [sflag:s29], $0x400  }
0x67b: {  	[sflag:s29] =	ssyncset.done $0x0  }
0x67c: {  	[sflag:s29] =	ssyncadd.s32 $0xFFFFFC00  }
0x67d: {  	_ =	swait.ge [sflag:s29], $0x400  }
0x67e: {  	[sflag:s29] =	ssyncset.done $0x0  }
0x67f: {  	s17 =	sadd.s32 $0xFFFFFE08, s23;
	[sflag:s29] =	ssyncadd.s32 $0xFFFFFC00  }
0x680: {  	s18 =	sshra.s32 s17, $0x1F;
	_ =	swait.ge [sflag:s29], $0x400  }
0x681: {  	s22 =	sshrl.u32 s18, $0x19;
	[sflag:s29] =	ssyncset.done $0x0  }
0x682: {  	s2 =	sadd.s32 s22, s17;
	[sflag:s29] =	ssyncadd.s32 $0xFFFFFC00  }
0x683: {  	s2 =	sshra.s32 s2, $0x7;
	_ =	swait.ge [sflag:s29], $0x400  }
0x684: {  	s2 =	sadd.s32 s18, s2;
	[sflag:s29] =	ssyncset.done $0x0  }
0x685: {  	p0 =	sgt.s32 s2, $0x0;
	s3 =	smov.u32 s2;
	[sflag:s29] =	ssyncadd.s32 $0xFFFFFC00  }
0x686: {  	s3 =	simm.s32 @!p0 $0x0;
	p0 =	slt.s32 s2, $0x1;
	_ =	swait.ge [sflag:s29], $0x400  }
.Ltmp93:
0x687: {  	[sflag:s29] =	ssyncset.done $0x0;
	(pc) =	sbr.rel @p0 .LBB2_167-.Ltmp93, $4  }
0x688: {  	[sflag:s29] =	ssyncadd.s32 $0xFFFFFC00  }
0x689: {  	s15 =	simm.s32 $0x0;
	s16 =	simm.s32 $0x18480;
	_ =	swait.ge [sflag:s29], $0x400  }
0x68a: {  	s4 =	smin.u32 s3, $0x6;
	s3 =	sor.u32 $0x8, s23;
	[sflag:s29] =	ssyncset.done $0x0  }
0x68b: {  	s6 =	sshll.u32 s4, $0x7;
	s17 =	sld [smem:$0x7D7];
	[sflag:s29] =	ssyncadd.s32 $0xFFFFFC00  }
0x68c: {  	p0 =	sne.s32 s4, $0x1  }
.Ltmp94:
0x68d: {  	_ = 	snop;
	(pc) =	sbr.rel @!p0 .LBB2_166-.Ltmp94, $4  }
0x68e: {  	_ = 	snop  }
0x68f: {  	s7 =	sshll.u32 s3, $0xB;
	s9 =	rddreg [dreg:$0x9]  }
0x690: {  	s22 =	sshrl.u32 s30, $0x3;
	s23 =	sadd.s32 s9, s7  }
0x691: {  	s7 =	sadd.s32 $0xFFFFFFFF, s4;
	s12 =	sadd.s32 s19, s22;
	s9 =	sadd.s32 $0x400, s30  }
.LBB2_165:
0x692: {  	[hbm4b:s12+s15] =	stream.linear.scatter [tilespmem:s16], [sflag:$0x3], $0x400, $0x38;
	[tilespmem:$0x18C80] =	vst v63  }
0x693: {  	p0 =	sne.s32 s7, $0x1  }
.Ltmp95:
0x694: {  	s7 =	sadd.s32 $0xFFFFFFFF, s7;
	(pc) =	sbr.rel @p0 .LBB2_165-.Ltmp95, $3  }
0x695: {  	_ =	sdelay $0x1  }
0x696: {  	s12 =	sshrl.u32 s9, $0x3  }
0x697: {  	s9 =	sadd.s32 $0x400, s9;
	s12 =	sadd.s32 s19, s12  }
.LBB2_166:
0x698: {  	p0 =	sgt.u32 s2, $0x5  }
.Ltmp96:
0x699: {  	_ = 	snop;
	(pc) =	sbr.rel @p0 .LBB2_170-.Ltmp96, $2  }
0x69a: {  	_ =	sdelay $0x2  }
0x69b: {  	[hbm4b:s12+s15] =	stream.linear.scatter [tilespmem:s16], [sflag:$0x3], $0x400, $0x38;
	[tilespmem:$0x18C80] =	vst v63  }
.LBB2_167:
0x69c: {  	s2 =	ssub.s32 $0x6, s4  }
0x69d: {  	s2 =	smax.u32 s2, $0x1  }
0x69e: {  	s2 =	sshll.u32 s2, $0xA  }
0x69f: {  	s9 =	sld [smem:$0x7DC];
	p0 =	sne.s32 s2, $0x400  }
.Ltmp97:
0x6a0: {  	_ = 	snop;
	(pc) =	sbr.rel @!p0 .LBB2_169-.Ltmp97, $4  }
0x6a1: {  	s7 =	sshll.u32 s4, $0xA  }
0x6a2: {  	s3 =	sshll.u32 s3, $0xB;
	s18 =	rddreg [dreg:$0x9];
	s9 =	sadd.s32 s7, s9  }
0x6a3: {  	s23 =	sadd.s32 s18, s3;
	s2 =	sadd.s32 $0xFFFFFC00, s2;
	s22 =	sshrl.u32 s9, $0x3  }
0x6a4: {  	s3 =	sadd.s32 $0x400, s9;
	s9 =	simm.s32 $0x18880;
	s7 =	sadd.s32 s19, s22  }
.LBB2_168:
0x6a5: {  	[hbm4b:s7+s15] =	stream.linear.scatter [tilespmem:s9], [sflag:$0x3], $0x400, $0x38;
	[tilespmem:$0x18C80] =	vst v63  }
0x6a6: {  	p0 =	sne.s32 s2, $0x400  }
.Ltmp98:
0x6a7: {  	s2 =	sadd.s32 $0xFFFFFC00, s2;
	(pc) =	sbr.rel @p0 .LBB2_168-.Ltmp98, $3  }
0x6a8: {  	_ =	sdelay $0x1  }
0x6a9: {  	s7 =	sshrl.u32 s3, $0x3  }
0x6aa: {  	s3 =	sadd.s32 $0x400, s3;
	s7 =	sadd.s32 s19, s7  }
.LBB2_169:
0x6ab: {  	[hbm4b:s7+s15] =	stream.linear.scatter [tilespmem:s9], [sflag:$0x3], $0x400, $0x38;
	[tilespmem:$0x18C80] =	vst v63  }
.LBB2_170:
0x6ac: {  	s2 =	sadd.s32 s6, s20  }
0x6ad: {  	s7 =	sadd.s32 s6, s28;
	s2 =	sshll.u32 s2, $0x2  }
0x6ae: {  	v25 =	vmov s7;
	s2 =	sand.u32 $0xFFFFFE00, s2  }
0x6af: {  	s9 =	simm.s32 $0x2;
	s2 =	sor.u32 s17, s2  }
0x6b0: {  	_ =	swait.ge [sflag:s9], $0x2800;
	s17 =	sshrl.u32 s2, $0x2;
	s2 =	sshll.u32 s4, $0xC  }
0x6b1: {  	[sflag:s9] =	ssyncset.done $0x0;
	s3 =	sadd.s32 $0x7480, s17;
	s12 =	sor.u32 $0x7C0, s2  }
0x6b2: {  	s15 =	simm.s32 $0x0;
	[sflag:s9] =	ssyncadd.s32 $0xFFFFD800;
	v26 =	vmov s3;
	s3 =	sshrl.u32 s12, $0x2  }
0x6b3: {  	s7 =	sld [smem:$0x7D8];
	v33 =	vld.idx.msk [tilespmem:v25+s15+$0x850 ss:$0x1], $0xffff;
	v27 =	vmov s3;
	_ =	sdelay $0x1  }
0x6b4: {  	s9 =	sor.u32 $0xC40, s2;
	s16 =	sor.u32 $0xC80, s2  }
0x6b5: {  	s7 =	sadd.s32 s6, s7;
	s9 =	sshrl.u32 s9, $0x2;
	v34 =	vld.idx.msk [tilespmem:v25+s15+$0x7F0 ss:$0x1], $0xffff;
	s3 =	sshrl.u32 s16, $0x2  }
0x6b6: {  	s18 =	sor.u32 $0xCC0, s2;
	v28 =	vmov s7;
	v36 =	vld.idx.msk [tilespmem:v25+s15+$0x800 ss:$0x1], $0xffff;
	v29 =	vmov s9;
	v30 =	vmov s3;
	s3 =	simm.s32 $0x14480  }
0x6b7: {  	s22 =	sor.u32 $0xD00, s2;
	s7 =	sshrl.u32 s18, $0x2;
	v37 =	vld.idx.msk [tilespmem:v25+s15+$0x810 ss:$0x1], $0xffff;
	[tilespmem:v27+s3+$0xFFFFFE80 ss:$0x1] =	vst.idx.msk $0xffff, v33  }
0x6b8: {  	v38 =	vld.idx.msk [tilespmem:v25+s15+$0x820 ss:$0x1], $0xffff;
	s18 =	sor.u32 $0x780, s2;
	s9 =	sshrl.u32 s22, $0x2;
	v31 =	vmov s7;
	s22 =	sld [smem:$0x7D9]  }
0x6b9: {  	v39 =	vld.idx.msk [tilespmem:v25+s15+$0x830 ss:$0x1], $0xffff;
	v32 =	vmov s9;
	s9 =	sshrl.u32 s18, $0x2  }
0x6ba: {  	s12 =	sor.u32 $0x740, s2;
	v41 =	vld.idx.msk [tilespmem:v25+s15+$0x840 ss:$0x1], $0xffff;
	v35 =	vmov s9  }
0x6bb: {  	s16 =	sshrl.u32 s12, $0x2;
	v40 =	vld.idx.msk [tilespmem:v28+s15+$0x60 ss:$0x1], $0xffff;
	[tilespmem:v29+s3+$0xFFFFFD00 ss:$0x1] =	vst.idx.msk $0xffff, v34;
	s7 =	sadd.s32 s6, s22  }
0x6bc: {  	v42 =	vld.idx.msk [tilespmem:v26+s15+$0x0 ss:$0x1], $0xffff;
	v33 =	vmov s16;
	[tilespmem:v30+s3+$0xFFFFFD00 ss:$0x1] =	vst.idx.msk $0xffff, v36;
	v34 =	vmov s7  }
0x6bd: {  	[tilespmem:v31+s3+$0xFFFFFD00 ss:$0x1] =	vst.idx.msk $0xffff, v37;
	v43 =	vld.idx.msk [tilespmem:v28+s15+$0x0 ss:$0x1], $0xffff  }
0x6be: {  	[tilespmem:v32+s3+$0xFFFFFD00 ss:$0x1] =	vst.idx.msk $0xffff, v38;
	v44 =	vld.idx.msk [tilespmem:v28+s15+$0x10 ss:$0x1], $0xffff  }
0x6bf: {  	v37 =	vld.idx.msk [tilespmem:v28+s15+$0x20 ss:$0x1], $0xffff;
	[tilespmem:v35+s3+$0xFFFFFE80 ss:$0x1] =	vst.idx.msk $0xffff, v41  }
0x6c0: {  	v38 =	vld.idx.msk [tilespmem:v28+s15+$0x30 ss:$0x1], $0xffff;
	[tilespmem:v27+s3+$0xFFFFFF00 ss:$0x1] =	vst.idx.msk $0xffff, v40  }
0x6c1: {  	s9 =	sadd.s32 s6, s26;
	[tilespmem:v33+s3+$0xFFFFFE80 ss:$0x1] =	vst.idx.msk $0xffff, v39;
	v40 =	vld.idx.msk [tilespmem:v34+s15+$0x60 ss:$0x1], $0xffff  }
0x6c2: {  	v36 =	vmov s9;
	v41 =	vld.idx.msk [tilespmem:v28+s15+$0x50 ss:$0x1], $0xffff;
	[tilespmem:v29+s3+$0xFFFFFD80 ss:$0x1] =	vst.idx.msk $0xffff, v43  }
0x6c3: {  	[tilespmem:v30+s3+$0xFFFFFD80 ss:$0x1] =	vst.idx.msk $0xffff, v44;
	v43 =	vld.idx.msk [tilespmem:v34+s15+$0x0 ss:$0x1], $0xffff  }
0x6c4: {  	v39 =	vld.idx.msk [tilespmem:v28+s15+$0x40 ss:$0x1], $0xffff;
	[tilespmem:v31+s3+$0xFFFFFD80 ss:$0x1] =	vst.idx.msk $0xffff, v37  }
0x6c5: {  	[tilespmem:v32+s3+$0xFFFFFD80 ss:$0x1] =	vst.idx.msk $0xffff, v38;
	v44 =	vld.idx.msk [tilespmem:v34+s15+$0x10 ss:$0x1], $0xffff  }
0x6c6: {  	v51 =	vld.idx.msk [tilespmem:v34+s15+$0x20 ss:$0x1], $0xffff;
	[tilespmem:v27+s3+$0xFFFFFF80 ss:$0x1] =	vst.idx.msk $0xffff, v40  }
0x6c7: {  	s12 =	sadd.s32 s6, s25;
	[tilespmem:v35+s3+$0xFFFFFF00 ss:$0x1] =	vst.idx.msk $0xffff, v41;
	v52 =	vld.idx.msk [tilespmem:v36+s15+$0x60 ss:$0x1], $0xffff  }
0x6c8: {  	v37 =	vmov s12;
	v45 =	vld.idx.msk [tilespmem:v34+s15+$0x30 ss:$0x1], $0xffff;
	[tilespmem:v29+s3+$0xFFFFFE00 ss:$0x1] =	vst.idx.msk $0xffff, v43  }
0x6c9: {  	[tilespmem:v33+s3+$0xFFFFFF00 ss:$0x1] =	vst.idx.msk $0xffff, v39;
	v43 =	vld.idx.msk [tilespmem:v36+s15+$0x0 ss:$0x1], $0xffff  }
0x6ca: {  	v41 =	vld.idx.msk [tilespmem:v34+s15+$0x50 ss:$0x1], $0xffff;
	[tilespmem:v30+s3+$0xFFFFFE00 ss:$0x1] =	vst.idx.msk $0xffff, v44  }
0x6cb: {  	v53 =	vld.idx.msk [tilespmem:v34+s15+$0x40 ss:$0x1], $0xffff;
	[tilespmem:v31+s3+$0xFFFFFE00 ss:$0x1] =	vst.idx.msk $0xffff, v51  }
0x6cc: {  	v44 =	vld.idx.msk [tilespmem:v36+s15+$0x10 ss:$0x1], $0xffff;
	[tilespmem:v27+s3+$0x0 ss:$0x1] =	vst.idx.msk $0xffff, v52  }
0x6cd: {  	s16 =	sadd.s32 s6, s24;
	[tilespmem:v32+s3+$0xFFFFFE00 ss:$0x1] =	vst.idx.msk $0xffff, v45;
	v39 =	vld.idx.msk [tilespmem:v37+s15+$0x0 ss:$0x1], $0xffff  }
0x6ce: {  	v38 =	vmov s16;
	v46 =	vld.idx.msk [tilespmem:v36+s15+$0x20 ss:$0x1], $0xffff;
	[tilespmem:v29+s3+$0xFFFFFE80 ss:$0x1] =	vst.idx.msk $0xffff, v43  }
0x6cf: {  	[tilespmem:v35+s3+$0xFFFFFF80 ss:$0x1] =	vst.idx.msk $0xffff, v41;
	v56 =	vld.idx.msk [tilespmem:v37+s15+$0xFFFFFFA0 ss:$0x1], $0xffff  }
0x6d0: {  	v45 =	vld.idx.msk [tilespmem:v36+s15+$0x30 ss:$0x1], $0xffff;
	[tilespmem:v33+s3+$0xFFFFFF80 ss:$0x1] =	vst.idx.msk $0xffff, v53  }
0x6d1: {  	v54 =	vld.idx.msk [tilespmem:v36+s15+$0x40 ss:$0x1], $0xffff;
	[tilespmem:v30+s3+$0xFFFFFE80 ss:$0x1] =	vst.idx.msk $0xffff, v44  }
0x6d2: {  	v55 =	vld.idx.msk [tilespmem:v36+s15+$0x50 ss:$0x1], $0xffff;
	[tilespmem:v27+s3+$0x80 ss:$0x1] =	vst.idx.msk $0xffff, v39  }
0x6d3: {  	s18 =	sld [smem:$0x7DB];
	[tilespmem:v31+s3+$0xFFFFFE80 ss:$0x1] =	vst.idx.msk $0xffff, v46;
	v39 =	vld.idx.msk [tilespmem:v38+s15+$0x0 ss:$0x1], $0xffff  }
0x6d4: {  	v47 =	vld.idx.msk [tilespmem:v37+s15+$0xFFFFFFB0 ss:$0x1], $0xffff;
	[tilespmem:v29+s3+$0xFFFFFF00 ss:$0x1] =	vst.idx.msk $0xffff, v56  }
0x6d5: {  	[tilespmem:v32+s3+$0xFFFFFE80 ss:$0x1] =	vst.idx.msk $0xffff, v45;
	v61 =	vld.idx.msk [tilespmem:v38+s15+$0xFFFFFFA0 ss:$0x1], $0xffff  }
0x6d6: {  	[tilespmem:v33+s3+$0x0 ss:$0x1] =	vst.idx.msk $0xffff, v54;
	v57 =	vld.idx.msk [tilespmem:v37+s15+$0xFFFFFFC0 ss:$0x1], $0xffff  }
0x6d7: {  	[tilespmem:v35+s3+$0x0 ss:$0x1] =	vst.idx.msk $0xffff, v55;
	v58 =	vld.idx.msk [tilespmem:v37+s15+$0xFFFFFFD0 ss:$0x1], $0xffff  }
0x6d8: {  	v59 =	vld.idx.msk [tilespmem:v37+s15+$0xFFFFFFE0 ss:$0x1], $0xffff;
	[tilespmem:v27+s3+$0x100 ss:$0x1] =	vst.idx.msk $0xffff, v39  }
0x6d9: {  	v60 =	vld.idx.msk [tilespmem:v37+s15+$0xFFFFFFF0 ss:$0x1], $0xffff;
	s7 =	sadd.s32 s6, s18;
	s18 =	simm.s32 $0x80;
	s22 =	sld [smem:$0x7DA];
	[tilespmem:v30+s3+$0xFFFFFF00 ss:$0x1] =	vst.idx.msk $0xffff, v47  }
0x6da: {  	[tilespmem:v29+s3+$0xFFFFFF80 ss:$0x1] =	vst.idx.msk $0xffff, v61;
	v61 =	vld.idx.msk [tilespmem:v25+s18+$0x850 ss:$0x1], $0xffff  }
0x6db: {  	v40 =	vmov s7;
	[tilespmem:v31+s3+$0xFFFFFF00 ss:$0x1] =	vst.idx.msk $0xffff, v57;
	v63 =	vld.idx.msk [tilespmem:v38+s15+$0xFFFFFFB0 ss:$0x1], $0xffff  }
0x6dc: {  	s9 =	sadd.s32 $0x6480, s17;
	[tilespmem:v32+s3+$0xFFFFFF00 ss:$0x1] =	vst.idx.msk $0xffff, v58;
	v48 =	vld.idx.msk [tilespmem:v38+s15+$0xFFFFFFC0 ss:$0x1], $0xffff  }
0x6dd: {  	v41 =	vmov s9;
	[tilespmem:v33+s3+$0x80 ss:$0x1] =	vst.idx.msk $0xffff, v59;
	v52 =	vld.idx.msk [tilespmem:v38+s15+$0xFFFFFFD0 ss:$0x1], $0xffff  }
0x6de: {  	s16 =	sshrl.u32 s2, $0x2;
	[tilespmem:v35+s3+$0x80 ss:$0x1] =	vst.idx.msk $0xffff, v60;
	v53 =	vld.idx.msk [tilespmem:v38+s15+$0xFFFFFFE0 ss:$0x1], $0xffff;
	s7 =	sadd.s32 s6, s22  }
0x6df: {  	v49 =	vld.idx.msk [tilespmem:v38+s15+$0xFFFFFFF0 ss:$0x1], $0xffff;
	v39 =	vmov s7;
	s7 =	sadd.s32 $0x14480, s16  }
0x6e0: {  	v62 =	vld.idx.msk [tilespmem:v40+s15+$0x0 ss:$0x1], $0xffff;
	[tilespmem:s7+$0x0] =	vst v42  }
0x6e1: {  	v55 =	vld.idx.msk [tilespmem:v40+s15+$0xFFFFFFA0 ss:$0x1], $0xffff;
	[tilespmem:v30+s3+$0xFFFFFF80 ss:$0x1] =	vst.idx.msk $0xffff, v63  }
0x6e2: {  	[tilespmem:v31+s3+$0xFFFFFF80 ss:$0x1] =	vst.idx.msk $0xffff, v48;
	v42 =	vld.idx.msk [tilespmem:v41+s15+$0x0 ss:$0x1], $0xffff  }
0x6e3: {  	[tilespmem:v32+s3+$0xFFFFFF80 ss:$0x1] =	vst.idx.msk $0xffff, v52;
	v48 =	vld.idx.msk [tilespmem:v26+s18+$0x0 ss:$0x1], $0xffff  }
0x6e4: {  	[tilespmem:v33+s3+$0x100 ss:$0x1] =	vst.idx.msk $0xffff, v53;
	v56 =	vld.idx.msk [tilespmem:v40+s15+$0xFFFFFFB0 ss:$0x1], $0xffff  }
0x6e5: {  	[tilespmem:v35+s3+$0x100 ss:$0x1] =	vst.idx.msk $0xffff, v49;
	v57 =	vld.idx.msk [tilespmem:v40+s15+$0xFFFFFFC0 ss:$0x1], $0xffff  }
0x6e6: {  	v58 =	vld.idx.msk [tilespmem:v40+s15+$0xFFFFFFD0 ss:$0x1], $0xffff;
	[tilespmem:v27+s3+$0x180 ss:$0x1] =	vst.idx.msk $0xffff, v62  }
0x6e7: {  	v59 =	vld.idx.msk [tilespmem:v40+s15+$0xFFFFFFE0 ss:$0x1], $0xffff;
	[tilespmem:v29+s3+$0x0 ss:$0x1] =	vst.idx.msk $0xffff, v55  }
0x6e8: {  	v49 =	vld.idx.msk [tilespmem:v40+s15+$0xFFFFFFF0 ss:$0x1], $0xffff;
	[tilespmem:s7+$0x80] =	vst v42  }
0x6e9: {  	v54 =	vld.idx.msk [tilespmem:v39+s15+$0x0 ss:$0x1], $0xffff;
	[tilespmem:v30+s3+$0x0 ss:$0x1] =	vst.idx.msk $0xffff, v56  }
0x6ea: {  	v45 =	vld.idx.msk [tilespmem:v39+s15+$0xFFFFFFA0 ss:$0x1], $0xffff;
	[tilespmem:v31+s3+$0x0 ss:$0x1] =	vst.idx.msk $0xffff, v57  }
0x6eb: {  	s4 =	sshll.u32 s4, $0xA;
	v63 =	vld.idx.msk [tilespmem:v25+s18+$0x800 ss:$0x1], $0xffff;
	[tilespmem:v32+s3+$0x0 ss:$0x1] =	vst.idx.msk $0xffff, v58  }
0x6ec: {  	s2 =	sor.u32 $0x300, s4;
	[tilespmem:v33+s3+$0x180 ss:$0x1] =	vst.idx.msk $0xffff, v59;
	v47 =	vld.idx.msk [tilespmem:v39+s15+$0xFFFFFFB0 ss:$0x1], $0xffff  }
0x6ed: {  	s12 =	sadd.s32 $0xFFFFFD80, s2;
	[tilespmem:v35+s3+$0x180 ss:$0x1] =	vst.idx.msk $0xffff, v49;
	v43 =	vld.idx.msk [tilespmem:v39+s15+$0xFFFFFFC0 ss:$0x1], $0xffff  }
0x6ee: {  	s3 =	sor.u32 $0x390, s12;
	v44 =	vld.idx.msk [tilespmem:v39+s15+$0xFFFFFFD0 ss:$0x1], $0xffff;
	[tilespmem:s7+$0x3F0] =	vst v54  }
0x6ef: {  	s22 =	sadd.s32 $0xFFFFFE00, s2;
	v50 =	vld.idx.msk [tilespmem:v39+s15+$0xFFFFFFE0 ss:$0x1], $0xffff;
	[tilespmem:s3+$0x14480] =	vst v45;
	s3 =	sadd.s32 $0x14880, s16  }
0x6f0: {  	s9 =	sadd.s32 $0xFFFFFE80, s2;
	s6 =	sor.u32 $0x3A0, s22;
	v52 =	vld.idx.msk [tilespmem:v25+s18+$0x810 ss:$0x1], $0xffff;
	[tilespmem:s3+$0x0] =	vst v48  }
0x6f1: {  	s22 =	sadd.s32 $0xFFFFFF00, s2;
	v62 =	vld.idx.msk [tilespmem:v25+s18+$0x7F0 ss:$0x1], $0xffff;
	s12 =	sor.u32 $0x3B0, s9;
	[tilespmem:s6+$0x14480] =	vst v47  }
0x6f2: {  	v53 =	vld.idx.msk [tilespmem:v25+s18+$0x820 ss:$0x1], $0xffff;
	s9 =	sadd.s32 $0xFFFFFF80, s2;
	[tilespmem:s12+$0x14480] =	vst v43;
	s6 =	sor.u32 $0x3C0, s22  }
0x6f3: {  	v56 =	vld.idx.msk [tilespmem:v25+s18+$0x840 ss:$0x1], $0xffff;
	s12 =	sor.u32 $0x3D0, s9;
	[tilespmem:s6+$0x14480] =	vst v44  }
0x6f4: {  	v60 =	vld.idx.msk [tilespmem:v39+s15+$0xFFFFFFF0 ss:$0x1], $0xffff;
	s9 =	simm.s32 $0x14880;
	[tilespmem:s12+$0x14480] =	vst v50  }
0x6f5: {  	v54 =	vld.idx.msk [tilespmem:v25+s18+$0x830 ss:$0x1], $0xffff;
	[tilespmem:v27+s9+$0xFFFFFE80 ss:$0x1] =	vst.idx.msk $0xffff, v61  }
0x6f6: {  	[tilespmem:v29+s9+$0xFFFFFD00 ss:$0x1] =	vst.idx.msk $0xffff, v62;
	v55 =	vld.idx.msk [tilespmem:v28+s18+$0x60 ss:$0x1], $0xffff  }
0x6f7: {  	[tilespmem:v30+s9+$0xFFFFFD00 ss:$0x1] =	vst.idx.msk $0xffff, v63;
	s6 =	sadd.s32 $0x5480, s17;
	v57 =	vld.idx.msk [tilespmem:v28+s18+$0x0 ss:$0x1], $0xffff  }
0x6f8: {  	[tilespmem:v31+s9+$0xFFFFFD00 ss:$0x1] =	vst.idx.msk $0xffff, v52;
	v47 =	vld.idx.msk [tilespmem:v28+s18+$0x10 ss:$0x1], $0xffff;
	v42 =	vmov s6  }
0x6f9: {  	[tilespmem:v32+s9+$0xFFFFFD00 ss:$0x1] =	vst.idx.msk $0xffff, v53;
	v43 =	vld.idx.msk [tilespmem:v28+s18+$0x20 ss:$0x1], $0xffff  }
0x6fa: {  	[tilespmem:v33+s9+$0xFFFFFE80 ss:$0x1] =	vst.idx.msk $0xffff, v54;
	v44 =	vld.idx.msk [tilespmem:v28+s18+$0x30 ss:$0x1], $0xffff  }
0x6fb: {  	s22 =	sor.u32 $0x3E0, s2;
	[tilespmem:v35+s9+$0xFFFFFE80 ss:$0x1] =	vst.idx.msk $0xffff, v56;
	v49 =	vld.idx.msk [tilespmem:v28+s18+$0x40 ss:$0x1], $0xffff  }
0x6fc: {  	[tilespmem:s22+$0x14480] =	vst v60;
	v59 =	vld.idx.msk [tilespmem:v28+s18+$0x50 ss:$0x1], $0xffff  }
0x6fd: {  	[tilespmem:v27+s9+$0xFFFFFF00 ss:$0x1] =	vst.idx.msk $0xffff, v55;
	v60 =	vld.idx.msk [tilespmem:v42+s15+$0x0 ss:$0x1], $0xffff  }
0x6fe: {  	[tilespmem:v29+s9+$0xFFFFFD80 ss:$0x1] =	vst.idx.msk $0xffff, v57;
	v58 =	vld.idx.msk [tilespmem:v34+s18+$0x60 ss:$0x1], $0xffff  }
0x6ff: {  	s12 =	sadd.s32 $0x4480, s17;
	[tilespmem:v30+s9+$0xFFFFFD80 ss:$0x1] =	vst.idx.msk $0xffff, v47;
	v61 =	vld.idx.msk [tilespmem:v34+s18+$0x0 ss:$0x1], $0xffff  }
0x700: {  	[tilespmem:v31+s9+$0xFFFFFD80 ss:$0x1] =	vst.idx.msk $0xffff, v43;
	v43 =	vmov s12;
	v51 =	vld.idx.msk [tilespmem:v34+s18+$0x10 ss:$0x1], $0xffff  }
0x701: {  	[tilespmem:v32+s9+$0xFFFFFD80 ss:$0x1] =	vst.idx.msk $0xffff, v44;
	v62 =	vld.idx.msk [tilespmem:v34+s18+$0x20 ss:$0x1], $0xffff  }
0x702: {  	[tilespmem:v33+s9+$0xFFFFFF00 ss:$0x1] =	vst.idx.msk $0xffff, v49;
	v63 =	vld.idx.msk [tilespmem:v34+s18+$0x30 ss:$0x1], $0xffff  }
0x703: {  	[tilespmem:v35+s9+$0xFFFFFF00 ss:$0x1] =	vst.idx.msk $0xffff, v59;
	v56 =	vld.idx.msk [tilespmem:v34+s18+$0x40 ss:$0x1], $0xffff  }
0x704: {  	v57 =	vld.idx.msk [tilespmem:v34+s18+$0x50 ss:$0x1], $0xffff;
	[tilespmem:s7+$0x100] =	vst v60  }
0x705: {  	[tilespmem:v27+s9+$0xFFFFFF80 ss:$0x1] =	vst.idx.msk $0xffff, v58;
	v58 =	vld.idx.msk [tilespmem:v43+s15+$0x0 ss:$0x1], $0xffff  }
0x706: {  	[tilespmem:v29+s9+$0xFFFFFE00 ss:$0x1] =	vst.idx.msk $0xffff, v61;
	v45 =	vld.idx.msk [tilespmem:v36+s18+$0x60 ss:$0x1], $0xffff  }
0x707: {  	s22 =	sadd.s32 $0x3480, s17;
	[tilespmem:v30+s9+$0xFFFFFE00 ss:$0x1] =	vst.idx.msk $0xffff, v51;
	v59 =	vld.idx.msk [tilespmem:v36+s18+$0x0 ss:$0x1], $0xffff  }
0x708: {  	v44 =	vmov s22;
	[tilespmem:v31+s9+$0xFFFFFE00 ss:$0x1] =	vst.idx.msk $0xffff, v62;
	v52 =	vld.idx.msk [tilespmem:v36+s18+$0x10 ss:$0x1], $0xffff  }
0x709: {  	[tilespmem:v32+s9+$0xFFFFFE00 ss:$0x1] =	vst.idx.msk $0xffff, v63;
	v60 =	vld.idx.msk [tilespmem:v36+s18+$0x20 ss:$0x1], $0xffff  }
0x70a: {  	[tilespmem:v33+s9+$0xFFFFFF80 ss:$0x1] =	vst.idx.msk $0xffff, v56;
	v61 =	vld.idx.msk [tilespmem:v36+s18+$0x30 ss:$0x1], $0xffff  }
0x70b: {  	[tilespmem:v35+s9+$0xFFFFFF80 ss:$0x1] =	vst.idx.msk $0xffff, v57;
	v62 =	vld.idx.msk [tilespmem:v36+s18+$0x40 ss:$0x1], $0xffff  }
0x70c: {  	v63 =	vld.idx.msk [tilespmem:v36+s18+$0x50 ss:$0x1], $0xffff;
	[tilespmem:s7+$0x180] =	vst v58  }
0x70d: {  	[tilespmem:v27+s9+$0x0 ss:$0x1] =	vst.idx.msk $0xffff, v45;
	v56 =	vld.idx.msk [tilespmem:v44+s15+$0x0 ss:$0x1], $0xffff  }
0x70e: {  	[tilespmem:v29+s9+$0xFFFFFE80 ss:$0x1] =	vst.idx.msk $0xffff, v59;
	v45 =	vld.idx.msk [tilespmem:v37+s18+$0x0 ss:$0x1], $0xffff  }
0x70f: {  	[tilespmem:v30+s9+$0xFFFFFE80 ss:$0x1] =	vst.idx.msk $0xffff, v52;
	v57 =	vld.idx.msk [tilespmem:v37+s18+$0xFFFFFFA0 ss:$0x1], $0xffff  }
0x710: {  	[tilespmem:v31+s9+$0xFFFFFE80 ss:$0x1] =	vst.idx.msk $0xffff, v60;
	v58 =	vld.idx.msk [tilespmem:v37+s18+$0xFFFFFFB0 ss:$0x1], $0xffff  }
0x711: {  	[tilespmem:v32+s9+$0xFFFFFE80 ss:$0x1] =	vst.idx.msk $0xffff, v61;
	v53 =	vld.idx.msk [tilespmem:v37+s18+$0xFFFFFFC0 ss:$0x1], $0xffff  }
0x712: {  	[tilespmem:v33+s9+$0x0 ss:$0x1] =	vst.idx.msk $0xffff, v62;
	v60 =	vld.idx.msk [tilespmem:v37+s18+$0xFFFFFFD0 ss:$0x1], $0xffff  }
0x713: {  	[tilespmem:v35+s9+$0x0 ss:$0x1] =	vst.idx.msk $0xffff, v63;
	v61 =	vld.idx.msk [tilespmem:v37+s18+$0xFFFFFFE0 ss:$0x1], $0xffff  }
0x714: {  	v62 =	vld.idx.msk [tilespmem:v37+s18+$0xFFFFFFF0 ss:$0x1], $0xffff;
	[tilespmem:v27+s9+$0x80 ss:$0x1] =	vst.idx.msk $0xffff, v45  }
0x715: {  	s6 =	sadd.s32 $0x2480, s17;
	[tilespmem:v29+s9+$0xFFFFFF00 ss:$0x1] =	vst.idx.msk $0xffff, v57;
	v59 =	vld.idx.msk [tilespmem:v38+s18+$0x0 ss:$0x1], $0xffff  }
0x716: {  	v45 =	vmov s6;
	[tilespmem:v30+s9+$0xFFFFFF00 ss:$0x1] =	vst.idx.msk $0xffff, v58;
	v52 =	vld.idx.msk [tilespmem:v38+s18+$0xFFFFFFA0 ss:$0x1], $0xffff  }
0x717: {  	[tilespmem:v32+s9+$0xFFFFFF00 ss:$0x1] =	vst.idx.msk $0xffff, v60;
	v54 =	vld.idx.msk [tilespmem:v38+s18+$0xFFFFFFB0 ss:$0x1], $0xffff  }
0x718: {  	[tilespmem:v33+s9+$0x80 ss:$0x1] =	vst.idx.msk $0xffff, v61;
	v63 =	vld.idx.msk [tilespmem:v38+s18+$0xFFFFFFD0 ss:$0x1], $0xffff  }
0x719: {  	[tilespmem:v35+s9+$0x80 ss:$0x1] =	vst.idx.msk $0xffff, v62;
	v60 =	vld.idx.msk [tilespmem:v38+s18+$0xFFFFFFE0 ss:$0x1], $0xffff  }
0x71a: {  	[tilespmem:s7+$0x200] =	vst v56;
	v61 =	vld.idx.msk [tilespmem:v38+s18+$0xFFFFFFF0 ss:$0x1], $0xffff  }
0x71b: {  	[tilespmem:v31+s9+$0xFFFFFF00 ss:$0x1] =	vst.idx.msk $0xffff, v53;
	v57 =	vld.idx.msk [tilespmem:v45+s15+$0x0 ss:$0x1], $0xffff  }
0x71c: {  	s12 =	sadd.s32 $0x1480, s17;
	[tilespmem:v27+s9+$0x100 ss:$0x1] =	vst.idx.msk $0xffff, v59;
	v59 =	vld.idx.msk [tilespmem:v38+s18+$0xFFFFFFC0 ss:$0x1], $0xffff  }
0x71d: {  	v46 =	vmov s12;
	[tilespmem:v30+s9+$0xFFFFFF80 ss:$0x1] =	vst.idx.msk $0xffff, v54;
	v54 =	vld.idx.msk [tilespmem:v41+s18+$0x0 ss:$0x1], $0xffff  }
0x71e: {  	[tilespmem:v29+s9+$0xFFFFFF80 ss:$0x1] =	vst.idx.msk $0xffff, v52;
	v58 =	vld.idx.msk [tilespmem:v40+s18+$0x0 ss:$0x1], $0xffff  }
0x71f: {  	[tilespmem:v32+s9+$0xFFFFFF80 ss:$0x1] =	vst.idx.msk $0xffff, v63;
	v55 =	vld.idx.msk [tilespmem:v40+s18+$0xFFFFFFA0 ss:$0x1], $0xffff  }
0x720: {  	[tilespmem:v33+s9+$0x100 ss:$0x1] =	vst.idx.msk $0xffff, v60;
	v56 =	vld.idx.msk [tilespmem:v40+s18+$0xFFFFFFB0 ss:$0x1], $0xffff  }
0x721: {  	[tilespmem:s7+$0x280] =	vst v57;
	v57 =	vld.idx.msk [tilespmem:v40+s18+$0xFFFFFFD0 ss:$0x1], $0xffff  }
0x722: {  	[tilespmem:v35+s9+$0x100 ss:$0x1] =	vst.idx.msk $0xffff, v61;
	v62 =	vld.idx.msk [tilespmem:v46+s15+$0x0 ss:$0x1], $0xffff  }
0x723: {  	s22 =	sadd.s32 $0x480, s17;
	[tilespmem:v31+s9+$0xFFFFFF80 ss:$0x1] =	vst.idx.msk $0xffff, v59;
	v59 =	vld.idx.msk [tilespmem:v40+s18+$0xFFFFFFF0 ss:$0x1], $0xffff  }
0x724: {  	v47 =	vmov s22;
	[tilespmem:v27+s9+$0x180 ss:$0x1] =	vst.idx.msk $0xffff, v58;
	v63 =	vld.idx.msk [tilespmem:v40+s18+$0xFFFFFFC0 ss:$0x1], $0xffff  }
0x725: {  	[tilespmem:v29+s9+$0x0 ss:$0x1] =	vst.idx.msk $0xffff, v55;
	v53 =	vld.idx.msk [tilespmem:v39+s18+$0x0 ss:$0x1], $0xffff  }
0x726: {  	v58 =	vld.idx.msk [tilespmem:v40+s18+$0xFFFFFFE0 ss:$0x1], $0xffff;
	[tilespmem:v30+s9+$0x0 ss:$0x1] =	vst.idx.msk $0xffff, v56  }
0x727: {  	v52 =	vld.idx.msk [tilespmem:v39+s18+$0xFFFFFFB0 ss:$0x1], $0xffff;
	[tilespmem:v32+s9+$0x0 ss:$0x1] =	vst.idx.msk $0xffff, v57  }
0x728: {  	[tilespmem:s7+$0x300] =	vst v62;
	v49 =	vld.idx.msk [tilespmem:v39+s18+$0xFFFFFFD0 ss:$0x1], $0xffff  }
0x729: {  	v48 =	vld.idx.msk [tilespmem:v47+s15+$0x0 ss:$0x1], $0xffff;
	[tilespmem:v31+s9+$0x0 ss:$0x1] =	vst.idx.msk $0xffff, v63  }
0x72a: {  	s23 =	sor.u32 s23, s4;
	[tilespmem:s3+$0x3F0] =	vst v53;
	v53 =	vld.idx.msk [tilespmem:v39+s18+$0xFFFFFFA0 ss:$0x1], $0xffff  }
0x72b: {  	s17 =	sadd.s32 $0x400, s2;
	s6 =	sshrl.u32 s23, $0x3;
	[tilespmem:v33+s9+$0x180 ss:$0x1] =	vst.idx.msk $0xffff, v58;
	v51 =	vld.idx.msk [tilespmem:v39+s18+$0xFFFFFFC0 ss:$0x1], $0xffff  }
0x72c: {  	s23 =	simm.s32 $0x8;
	[tilespmem:v35+s9+$0x180 ss:$0x1] =	vst.idx.msk $0xffff, v59;
	s15 =	sadd.s32 s19, s6;
	s6 =	simm.s32 $0x400;
	v50 =	vld.idx.msk [tilespmem:v39+s18+$0xFFFFFFE0 ss:$0x1], $0xffff  }
.LBB2_171:
0x72d: {  	s22 =	sshra.s32 s6, $0x2;
	s23 =	sadd.s32 $0x8, s23;
	[tilespmem:s3+$0x80] =	vst v54;
	s2 =	sadd.s32 $0xFFFFFD80, s17;
	v54 =	vld.idx.msk [tilespmem:v39+s18+$0xFFFFFFF0 ss:$0x1], $0xffff  }
0x72e: {  	s12 =	sadd.s32 $0xFFFFFE00, s17;
	v55 =	vld.idx.msk [tilespmem:v25+s22+$0x850 ss:$0x1], $0xffff;
	p2 =	slt.u32 s23, $0x48;
	s2 =	sor.u32 $0x390, s2;
	[tilespmem:s7+$0x380] =	vst v48  }
0x72f: {  	s7 =	smov.u32 s3;
	v48 =	vld.idx.msk [tilespmem:v26+s22+$0x0 ss:$0x1], $0xffff;
	[tilespmem:s2+$0x14480] =	vst v53;
	s2 =	sor.u32 $0x3A0, s12;
	s12 =	sadd.s32 $0xFFFFFE80, s17  }
0x730: {  	s3 =	sadd.s32 $0xFFFFFF00, s17;
	v53 =	vld.idx.msk [tilespmem:v25+s22+$0x7F0 ss:$0x1], $0xffff;
	[tilespmem:s2+$0x14480] =	vst v52;
	s2 =	sor.u32 $0x3B0, s12  }
0x731: {  	v52 =	vld.idx.msk [tilespmem:v25+s22+$0x800 ss:$0x1], $0xffff;
	[tilespmem:s2+$0x14480] =	vst v51;
	s2 =	sor.u32 $0x3C0, s3;
	s3 =	sadd.s32 $0xFFFFFF80, s17  }
0x732: {  	v51 =	vld.idx.msk [tilespmem:v25+s22+$0x810 ss:$0x1], $0xffff;
	[tilespmem:s2+$0x14480] =	vst v49;
	s2 =	sor.u32 $0x3D0, s3  }
0x733: {  	s9 =	sadd.s32 $0x400, s9;
	v49 =	vld.idx.msk [tilespmem:v25+s22+$0x820 ss:$0x1], $0xffff;
	[tilespmem:s2+$0x14480] =	vst v50  }
0x734: {  	s2 =	sor.u32 $0x3E0, s17;
	v50 =	vld.idx.msk [tilespmem:v25+s22+$0x830 ss:$0x1], $0xffff;
	[tilespmem:v27+s9+$0xFFFFFE80 ss:$0x1] =	vst.idx.msk $0xffff, v55  }
0x735: {  	v55 =	vld.idx.msk [tilespmem:v28+s22+$0x60 ss:$0x1], $0xffff;
	[tilespmem:s2+$0x14480] =	vst v54  }
0x736: {  	[tilespmem:v29+s9+$0xFFFFFD00 ss:$0x1] =	vst.idx.msk $0xffff, v53;
	v53 =	vld.idx.msk [tilespmem:v25+s22+$0x840 ss:$0x1], $0xffff  }
0x737: {  	v54 =	vld.idx.msk [tilespmem:v28+s22+$0x0 ss:$0x1], $0xffff;
	[tilespmem:v30+s9+$0xFFFFFD00 ss:$0x1] =	vst.idx.msk $0xffff, v52  }
0x738: {  	v52 =	vld.idx.msk [tilespmem:v28+s22+$0x10 ss:$0x1], $0xffff;
	[tilespmem:v31+s9+$0xFFFFFD00 ss:$0x1] =	vst.idx.msk $0xffff, v51  }
0x739: {  	v51 =	vld.idx.msk [tilespmem:v28+s22+$0x20 ss:$0x1], $0xffff;
	[tilespmem:v32+s9+$0xFFFFFD00 ss:$0x1] =	vst.idx.msk $0xffff, v49  }
0x73a: {  	v49 =	vld.idx.msk [tilespmem:v28+s22+$0x30 ss:$0x1], $0xffff;
	[tilespmem:v33+s9+$0xFFFFFE80 ss:$0x1] =	vst.idx.msk $0xffff, v50  }
0x73b: {  	v50 =	vld.idx.msk [tilespmem:v28+s22+$0x40 ss:$0x1], $0xffff;
	[tilespmem:v27+s9+$0xFFFFFF00 ss:$0x1] =	vst.idx.msk $0xffff, v55  }
0x73c: {  	[tilespmem:v35+s9+$0xFFFFFE80 ss:$0x1] =	vst.idx.msk $0xffff, v53;
	v53 =	vld.idx.msk [tilespmem:v34+s22+$0x60 ss:$0x1], $0xffff  }
0x73d: {  	[tilespmem:v29+s9+$0xFFFFFD80 ss:$0x1] =	vst.idx.msk $0xffff, v54;
	v54 =	vld.idx.msk [tilespmem:v28+s22+$0x50 ss:$0x1], $0xffff  }
0x73e: {  	[tilespmem:v30+s9+$0xFFFFFD80 ss:$0x1] =	vst.idx.msk $0xffff, v52;
	v52 =	vld.idx.msk [tilespmem:v42+s18+$0x0 ss:$0x1], $0xffff  }
0x73f: {  	v55 =	vld.idx.msk [tilespmem:v34+s22+$0x0 ss:$0x1], $0xffff;
	[tilespmem:v31+s9+$0xFFFFFD80 ss:$0x1] =	vst.idx.msk $0xffff, v51  }
0x740: {  	v51 =	vld.idx.msk [tilespmem:v34+s22+$0x10 ss:$0x1], $0xffff;
	[tilespmem:v32+s9+$0xFFFFFD80 ss:$0x1] =	vst.idx.msk $0xffff, v49  }
0x741: {  	v49 =	vld.idx.msk [tilespmem:v34+s22+$0x20 ss:$0x1], $0xffff;
	[tilespmem:v33+s9+$0xFFFFFF00 ss:$0x1] =	vst.idx.msk $0xffff, v50  }
0x742: {  	v50 =	vld.idx.msk [tilespmem:v34+s22+$0x30 ss:$0x1], $0xffff;
	[tilespmem:v27+s9+$0xFFFFFF80 ss:$0x1] =	vst.idx.msk $0xffff, v53  }
0x743: {  	[tilespmem:v35+s9+$0xFFFFFF00 ss:$0x1] =	vst.idx.msk $0xffff, v54;
	v53 =	vld.idx.msk [tilespmem:v36+s22+$0x60 ss:$0x1], $0xffff  }
0x744: {  	v54 =	vld.idx.msk [tilespmem:v34+s22+$0x40 ss:$0x1], $0xffff;
	[tilespmem:s7+$0x100] =	vst v52  }
0x745: {  	[tilespmem:v29+s9+$0xFFFFFE00 ss:$0x1] =	vst.idx.msk $0xffff, v55;
	v52 =	vld.idx.msk [tilespmem:v34+s22+$0x50 ss:$0x1], $0xffff  }
0x746: {  	[tilespmem:v30+s9+$0xFFFFFE00 ss:$0x1] =	vst.idx.msk $0xffff, v51;
	v51 =	vld.idx.msk [tilespmem:v43+s18+$0x0 ss:$0x1], $0xffff  }
0x747: {  	v55 =	vld.idx.msk [tilespmem:v36+s22+$0x0 ss:$0x1], $0xffff;
	[tilespmem:v31+s9+$0xFFFFFE00 ss:$0x1] =	vst.idx.msk $0xffff, v49  }
0x748: {  	v49 =	vld.idx.msk [tilespmem:v36+s22+$0x10 ss:$0x1], $0xffff;
	[tilespmem:v32+s9+$0xFFFFFE00 ss:$0x1] =	vst.idx.msk $0xffff, v50  }
0x749: {  	v50 =	vld.idx.msk [tilespmem:v36+s22+$0x20 ss:$0x1], $0xffff;
	[tilespmem:v27+s9+$0x0 ss:$0x1] =	vst.idx.msk $0xffff, v53  }
0x74a: {  	[tilespmem:v33+s9+$0xFFFFFF80 ss:$0x1] =	vst.idx.msk $0xffff, v54;
	v53 =	vld.idx.msk [tilespmem:v37+s22+$0x0 ss:$0x1], $0xffff  }
0x74b: {  	v54 =	vld.idx.msk [tilespmem:v36+s22+$0x30 ss:$0x1], $0xffff;
	[tilespmem:v35+s9+$0xFFFFFF80 ss:$0x1] =	vst.idx.msk $0xffff, v52  }
0x74c: {  	v52 =	vld.idx.msk [tilespmem:v36+s22+$0x40 ss:$0x1], $0xffff;
	[tilespmem:s7+$0x180] =	vst v51  }
0x74d: {  	[tilespmem:v29+s9+$0xFFFFFE80 ss:$0x1] =	vst.idx.msk $0xffff, v55;
	v51 =	vld.idx.msk [tilespmem:v36+s22+$0x50 ss:$0x1], $0xffff  }
0x74e: {  	[tilespmem:v30+s9+$0xFFFFFE80 ss:$0x1] =	vst.idx.msk $0xffff, v49;
	v49 =	vld.idx.msk [tilespmem:v44+s18+$0x0 ss:$0x1], $0xffff  }
0x74f: {  	v55 =	vld.idx.msk [tilespmem:v37+s22+$0xFFFFFFA0 ss:$0x1], $0xffff;
	[tilespmem:v31+s9+$0xFFFFFE80 ss:$0x1] =	vst.idx.msk $0xffff, v50  }
0x750: {  	v50 =	vld.idx.msk [tilespmem:v37+s22+$0xFFFFFFB0 ss:$0x1], $0xffff;
	[tilespmem:v27+s9+$0x80 ss:$0x1] =	vst.idx.msk $0xffff, v53  }
0x751: {  	[tilespmem:v32+s9+$0xFFFFFE80 ss:$0x1] =	vst.idx.msk $0xffff, v54;
	v53 =	vld.idx.msk [tilespmem:v38+s22+$0x0 ss:$0x1], $0xffff  }
0x752: {  	v54 =	vld.idx.msk [tilespmem:v37+s22+$0xFFFFFFC0 ss:$0x1], $0xffff;
	[tilespmem:v33+s9+$0x0 ss:$0x1] =	vst.idx.msk $0xffff, v52  }
0x753: {  	v52 =	vld.idx.msk [tilespmem:v37+s22+$0xFFFFFFD0 ss:$0x1], $0xffff;
	[tilespmem:v35+s9+$0x0 ss:$0x1] =	vst.idx.msk $0xffff, v51  }
0x754: {  	v51 =	vld.idx.msk [tilespmem:v37+s22+$0xFFFFFFE0 ss:$0x1], $0xffff;
	[tilespmem:s7+$0x200] =	vst v49  }
0x755: {  	[tilespmem:v29+s9+$0xFFFFFF00 ss:$0x1] =	vst.idx.msk $0xffff, v55;
	v49 =	vld.idx.msk [tilespmem:v37+s22+$0xFFFFFFF0 ss:$0x1], $0xffff  }
0x756: {  	[tilespmem:v30+s9+$0xFFFFFF00 ss:$0x1] =	vst.idx.msk $0xffff, v50;
	v50 =	vld.idx.msk [tilespmem:v45+s18+$0x0 ss:$0x1], $0xffff  }
0x757: {  	v55 =	vld.idx.msk [tilespmem:v38+s22+$0xFFFFFFA0 ss:$0x1], $0xffff;
	[tilespmem:v27+s9+$0x100 ss:$0x1] =	vst.idx.msk $0xffff, v53  }
0x758: {  	[tilespmem:v31+s9+$0xFFFFFF00 ss:$0x1] =	vst.idx.msk $0xffff, v54;
	v53 =	vld.idx.msk [tilespmem:v40+s22+$0x0 ss:$0x1], $0xffff  }
0x759: {  	v54 =	vld.idx.msk [tilespmem:v38+s22+$0xFFFFFFB0 ss:$0x1], $0xffff;
	[tilespmem:v32+s9+$0xFFFFFF00 ss:$0x1] =	vst.idx.msk $0xffff, v52  }
0x75a: {  	v52 =	vld.idx.msk [tilespmem:v38+s22+$0xFFFFFFC0 ss:$0x1], $0xffff;
	[tilespmem:v33+s9+$0x80 ss:$0x1] =	vst.idx.msk $0xffff, v51  }
0x75b: {  	v51 =	vld.idx.msk [tilespmem:v38+s22+$0xFFFFFFD0 ss:$0x1], $0xffff;
	[tilespmem:v35+s9+$0x80 ss:$0x1] =	vst.idx.msk $0xffff, v49  }
0x75c: {  	v49 =	vld.idx.msk [tilespmem:v38+s22+$0xFFFFFFE0 ss:$0x1], $0xffff;
	[tilespmem:s7+$0x280] =	vst v50  }
0x75d: {  	[tilespmem:v29+s9+$0xFFFFFF80 ss:$0x1] =	vst.idx.msk $0xffff, v55;
	v50 =	vld.idx.msk [tilespmem:v38+s22+$0xFFFFFFF0 ss:$0x1], $0xffff  }
0x75e: {  	[tilespmem:v27+s9+$0x180 ss:$0x1] =	vst.idx.msk $0xffff, v53;
	v53 =	vld.idx.msk [tilespmem:v46+s18+$0x0 ss:$0x1], $0xffff  }
0x75f: {  	[tilespmem:v30+s9+$0xFFFFFF80 ss:$0x1] =	vst.idx.msk $0xffff, v54;
	v54 =	vld.idx.msk [tilespmem:v39+s22+$0x0 ss:$0x1], $0xffff  }
0x760: {  	v55 =	vld.idx.msk [tilespmem:v40+s22+$0xFFFFFFA0 ss:$0x1], $0xffff;
	[tilespmem:v31+s9+$0xFFFFFF80 ss:$0x1] =	vst.idx.msk $0xffff, v52  }
0x761: {  	v52 =	vld.idx.msk [tilespmem:v40+s22+$0xFFFFFFB0 ss:$0x1], $0xffff;
	[tilespmem:v32+s9+$0xFFFFFF80 ss:$0x1] =	vst.idx.msk $0xffff, v51  }
0x762: {  	v51 =	vld.idx.msk [tilespmem:v40+s22+$0xFFFFFFC0 ss:$0x1], $0xffff;
	[tilespmem:v33+s9+$0x100 ss:$0x1] =	vst.idx.msk $0xffff, v49  }
0x763: {  	v49 =	vld.idx.msk [tilespmem:v40+s22+$0xFFFFFFD0 ss:$0x1], $0xffff;
	[tilespmem:v35+s9+$0x100 ss:$0x1] =	vst.idx.msk $0xffff, v50  }
0x764: {  	s3 =	sadd.s32 s16, s9;
	v50 =	vld.idx.msk [tilespmem:v40+s22+$0xFFFFFFE0 ss:$0x1], $0xffff;
	[tilespmem:s7+$0x300] =	vst v53  }
0x765: {  	v56 =	vld.idx.msk [tilespmem:v40+s22+$0xFFFFFFF0 ss:$0x1], $0xffff;
	[tilespmem:s3+$0x3F0] =	vst v54  }
0x766: {  	[tilespmem:s3+$0x0] =	vst v48;
	v48 =	vld.idx.msk [tilespmem:v47+s18+$0x0 ss:$0x1], $0xffff;
	s18 =	smov.u32 s22  }
0x767: {  	v54 =	vld.idx.msk [tilespmem:v41+s18+$0x0 ss:$0x1], $0xffff;
	[tilespmem:v29+s9+$0x0 ss:$0x1] =	vst.idx.msk $0xffff, v55  }
.Ltmp99:
0x768: {  	v53 =	vld.idx.msk [tilespmem:v39+s18+$0xFFFFFFA0 ss:$0x1], $0xffff;
	[tilespmem:v30+s9+$0x0 ss:$0x1] =	vst.idx.msk $0xffff, v52;
	(pc) =	sbr.rel @p2 .LBB2_171-.Ltmp99, $4  }
0x769: {  	v52 =	vld.idx.msk [tilespmem:v39+s18+$0xFFFFFFB0 ss:$0x1], $0xffff;
	[tilespmem:v31+s9+$0x0 ss:$0x1] =	vst.idx.msk $0xffff, v51  }
0x76a: {  	v51 =	vld.idx.msk [tilespmem:v39+s18+$0xFFFFFFC0 ss:$0x1], $0xffff;
	[tilespmem:v32+s9+$0x0 ss:$0x1] =	vst.idx.msk $0xffff, v49  }
0x76b: {  	v49 =	vld.idx.msk [tilespmem:v39+s18+$0xFFFFFFD0 ss:$0x1], $0xffff;
	[tilespmem:v33+s9+$0x180 ss:$0x1] =	vst.idx.msk $0xffff, v50  }
0x76c: {  	s6 =	sadd.s32 $0x200, s6;
	s17 =	sadd.s32 $0x400, s17;
	v50 =	vld.idx.msk [tilespmem:v39+s18+$0xFFFFFFE0 ss:$0x1], $0xffff;
	[tilespmem:v35+s9+$0x180 ss:$0x1] =	vst.idx.msk $0xffff, v56  }
0x76d: {  	_ =	sdelay $0x2  }
0x76e: {  	[tilespmem:s3+$0x80] =	vst v54  }
0x76f: {  	v25 =	vld.idx.msk [tilespmem:v42+s18+$0x0 ss:$0x1], $0xffff;
	_ =	sdelay $0x4  }
0x770: {  	[tilespmem:s3+$0x100] =	vst v25  }
0x771: {  	v25 =	vld.idx.msk [tilespmem:v43+s18+$0x0 ss:$0x1], $0xffff;
	_ =	sdelay $0x4  }
0x772: {  	[tilespmem:s3+$0x180] =	vst v25  }
0x773: {  	v25 =	vld.idx.msk [tilespmem:v44+s18+$0x0 ss:$0x1], $0xffff;
	_ =	sdelay $0x4  }
0x774: {  	[tilespmem:s3+$0x200] =	vst v25  }
0x775: {  	v25 =	vld.idx.msk [tilespmem:v45+s18+$0x0 ss:$0x1], $0xffff;
	_ =	sdelay $0x4  }
0x776: {  	[tilespmem:s3+$0x280] =	vst v25  }
0x777: {  	v25 =	vld.idx.msk [tilespmem:v46+s18+$0x0 ss:$0x1], $0xffff;
	_ =	sdelay $0x1  }
0x778: {  	s2 =	sadd.s32 $0xFFFFFD80, s17  }
0x779: {  	[tilespmem:s7+$0x380] =	vst v48;
	s2 =	sor.u32 $0x390, s2  }
0x77a: {  	s6 =	sadd.s32 $0xFFFFFE00, s17;
	v26 =	vld.idx.msk [tilespmem:v39+s18+$0xFFFFFFF0 ss:$0x1], $0xffff;
	[tilespmem:s2+$0x14480] =	vst v53  }
0x77b: {  	s7 =	sadd.s32 $0xFFFFFE80, s17;
	s6 =	sor.u32 $0x3A0, s6;
	[tilespmem:s3+$0x300] =	vst v25  }
0x77c: {  	s12 =	sadd.s32 $0xFFFFFF00, s17;
	s9 =	sor.u32 $0x3B0, s7;
	[tilespmem:s6+$0x14480] =	vst v52;
	v25 =	vld.idx.msk [tilespmem:v47+s18+$0x0 ss:$0x1], $0xffff  }
0x77d: {  	s16 =	sor.u32 $0x3C0, s12;
	[tilespmem:s9+$0x14480] =	vst v51  }
0x77e: {  	s23 =	sor.u32 $0x3E0, s17;
	[tilespmem:s16+$0x14480] =	vst v49;
	s18 =	sadd.s32 $0xFFFFFF80, s17  }
0x77f: {  	[tilespmem:s23+$0x14480] =	vst v26;
	s22 =	sor.u32 $0x3D0, s18  }
0x780: {  	[tilespmem:s22+$0x14480] =	vst v50  }
0x781: {  	s7 =	simm.s32 $0x0;
	s6 =	sadd.s32 $0x14480, s4;
	[tilespmem:s3+$0x380] =	vst v25  }
0x782: {  	[hbm4b:s15+s7] =	stream.linear.scatter [tilespmem:s6], [sflag:$0x2], $0x2800, $0x38;
	[tilespmem:$0x18C80] =	vst v63  }
0x783: {  	_ =	swait.ge [sflag:s29], $0x400  }
0x784: {  	[sflag:s29] =	ssyncset.done $0x0  }
0x785: {  	[sflag:s29] =	ssyncadd.s32 $0xFFFFFC00  }
0x786: {  	_ =	swait.ge [sflag:s29], $0x400  }
0x787: {  	[sflag:s29] =	ssyncset.done $0x0  }
0x788: {  	[sflag:s29] =	ssyncadd.s32 $0xFFFFFC00  }
0x789: {  	_ =	swait.ge [sflag:s29], $0x400  }
0x78a: {  	[sflag:s29] =	ssyncset.done $0x0  }
0x78b: {  	[sflag:s29] =	ssyncadd.s32 $0xFFFFFC00  }
0x78c: {  	_ =	swait.ge [sflag:s29], $0x400  }
0x78d: {  	[sflag:s29] =	ssyncset.done $0x0  }
0x78e: {  	[sflag:s29] =	ssyncadd.s32 $0xFFFFFC00  }
0x78f: {  	_ =	swait.ge [sflag:s29], $0x400  }
0x790: {  	s8 =	sadd.s32 $0x1, s8;
	s21 =	sadd.s32 $0x8000, s21;
	[sflag:s29] =	ssyncset.done $0x0  }
0x791: {  	s20 =	sadd.s32 $0xFFFFFFF0, s20;
	s14 =	sadd.s32 $0xFFFFFFF0, s14;
	[sflag:s29] =	ssyncadd.s32 $0xFFFFFC00  }
0x792: {  	s13 =	sadd.s32 $0xFFFFFFF0, s13;
	s11 =	sadd.s32 $0xFFFFFFF0, s11;
	_ =	swait.ge [sflag:s29], $0x400  }
0x793: {  	s10 =	sadd.s32 $0xFFFFFFF0, s10;
	s5 =	sadd.s32 $0xFFFFFFF0, s5;
	s9 =	sld [smem:$0x7D6]  }
0x794: {  	s0 =	sadd.s32 $0xFFFFFFF0, s0;
	s1 =	sadd.s32 $0xFFFFFFF0, s1;
	s12 =	sld [smem:$0x7DC]  }
0x795: {  	s31 =	sadd.s32 $0xFFFFFFF0, s31;
	s30 =	sadd.s32 $0x8000, s30;
	s16 =	sld [smem:$0x7DB]  }
0x796: {  	s28 =	sadd.s32 $0xFFFFFFF0, s28;
	s26 =	sadd.s32 $0xFFFFFFF0, s26;
	s18 =	sld [smem:$0x7DA]  }
0x797: {  	s25 =	sadd.s32 $0xFFFFFFF0, s25;
	s24 =	sadd.s32 $0xFFFFFFF0, s24;
	s22 =	sld [smem:$0x7D9]  }
0x798: {  	p0 =	sne.s32 s8, $0x40;
	s23 =	sld [smem:$0x7D8];
	s2 =	sadd.s32 $0x8000, s12  }
.Ltmp100:
0x799: {  	[smem:$0x7DC] =	sst s2;
	s2 =	sadd.s32 $0xFFFFFFF0, s16;
	(pc) =	sbr.rel @p0 .LBB2_154-.Ltmp100, $4  }
0x79a: {  	s15 =	simm.s32 $0x0;
	[smem:$0x7DB] =	sst s2;
	s2 =	sadd.s32 $0xFFFFFFF0, s18  }
0x79b: {  	[sflag:s29] =	ssyncset.done $0x0;
	[smem:$0x7DA] =	sst s2;
	s2 =	sadd.s32 $0xFFFFFFF0, s22  }
0x79c: {  	[sflag:s29] =	ssyncadd.s32 $0xFFFFFC00;
	[smem:$0x7D9] =	sst s2;
	s2 =	sadd.s32 $0xFFFFFFF0, s23  }
0x79d: {  	s17 =	sadd.s32 $0x8000, s9;
	s16 =	simm.s32 $0x18480;
	[smem:$0x7D8] =	sst s2  }
0x79e: {  	s0 =	simm.s32 $0x1  }
0x79f: {  	_ =	swait.ge [sflag:s0], $0x2800  }
0x7a0: {  	[sflag:s0] =	ssyncset.done $0x0  }
0x7a1: {  	s1 =	simm.s32 $0x2;
	[sflag:s0] =	ssyncadd.s32 $0xFFFFD800  }
0x7a2: {  	_ =	swait.ge [sflag:s1], $0x2800  }
0x7a3: {  	s4 =	sld [smem:$0x7DD];
	_ =	sdelay $0x2  }
0x7a4: {  	s31 =	rddreg [dreg:$0x10];
	s4 =	sadd.s32 $0x1, s4  }
0x7a5: {  	p0 =	sne.s32 s4, s31  }
.Ltmp101:
0x7a6: {  	_ = 	snop;
	(pc) =	sbr.rel @p0 .LBB2_1-.Ltmp101, $4  }
.Ltmp102:
0x7a7: {  	_ = 	snop;
	(pc) =	sbr.rel @!p0 .LBB2_174-.Ltmp102, $4  }
0x7a8: {  	_ = 	snop  }
0x7a9: {  	[sflag:s1] =	ssyncset.done $0x0  }
0x7aa: {  	s5 =	simm.s32 $0x18880;
	[sflag:s1] =	ssyncadd.s32 $0xFFFFD800  }
0x7ab: {  	_ = 	snop  }
.LBB2_4:
.Ltmp103:
0x7ac: {  	(pc) =	sbr.rel .LBB2_12-.Ltmp103, $2  }
0x7ad: {  	_ =	sdelay $0x2  }
0x7ae: {  	s3 =	simm.s32 $0x1480;
	p6 =	por $0x0, $0x0  }
.LBB2_13:
.Ltmp104:
0x7af: {  	(pc) =	sbr.rel .LBB2_21-.Ltmp104, $2  }
0x7b0: {  	_ =	sdelay $0x2  }
0x7b1: {  	s0 =	simm.s32 $0x2480;
	p3 =	por $0x0, $0x0;
	p4 =	por $0x0, $0x0  }
.LBB2_22:
.Ltmp105:
0x7b2: {  	(pc) =	sbr.rel .LBB2_30-.Ltmp105, $2  }
0x7b3: {  	_ =	sdelay $0x2  }
0x7b4: {  	s2 =	simm.s32 $0x3480;
	p6 =	por $0x0, $0x0  }
.LBB2_31:
.Ltmp106:
0x7b5: {  	(pc) =	sbr.rel .LBB2_39-.Ltmp106, $2  }
0x7b6: {  	_ =	sdelay $0x2  }
0x7b7: {  	s0 =	simm.s32 $0x4480;
	p3 =	por $0x0, $0x0;
	p4 =	por $0x0, $0x0  }
.LBB2_40:
.Ltmp107:
0x7b8: {  	(pc) =	sbr.rel .LBB2_48-.Ltmp107, $2  }
0x7b9: {  	_ =	sdelay $0x2  }
0x7ba: {  	s2 =	simm.s32 $0x5480;
	p6 =	por $0x0, $0x0  }
.LBB2_49:
.Ltmp108:
0x7bb: {  	(pc) =	sbr.rel .LBB2_57-.Ltmp108, $2  }
0x7bc: {  	_ =	sdelay $0x2  }
0x7bd: {  	s0 =	simm.s32 $0x6480;
	p3 =	por $0x0, $0x0;
	p4 =	por $0x0, $0x0  }
.LBB2_58:
.Ltmp109:
0x7be: {  	(pc) =	sbr.rel .LBB2_66-.Ltmp109, $2  }
0x7bf: {  	_ =	sdelay $0x2  }
0x7c0: {  	s2 =	simm.s32 $0x7480;
	p6 =	por $0x0, $0x0  }
.LBB2_67:
.Ltmp110:
0x7c1: {  	(pc) =	sbr.rel .LBB2_75-.Ltmp110, $2  }
0x7c2: {  	_ =	sdelay $0x2  }
0x7c3: {  	s0 =	simm.s32 $0x8480;
	p3 =	por $0x0, $0x0;
	p4 =	por $0x0, $0x0  }
.LBB2_76:
.Ltmp111:
0x7c4: {  	(pc) =	sbr.rel .LBB2_84-.Ltmp111, $2  }
0x7c5: {  	_ =	sdelay $0x2  }
0x7c6: {  	s2 =	simm.s32 $0x9480;
	p6 =	por $0x0, $0x0  }
.LBB2_85:
.Ltmp112:
0x7c7: {  	(pc) =	sbr.rel .LBB2_93-.Ltmp112, $2  }
0x7c8: {  	_ =	sdelay $0x2  }
0x7c9: {  	s0 =	simm.s32 $0xA480;
	p3 =	por $0x0, $0x0;
	p4 =	por $0x0, $0x0  }
.LBB2_94:
.Ltmp113:
0x7ca: {  	(pc) =	sbr.rel .LBB2_102-.Ltmp113, $2  }
0x7cb: {  	_ =	sdelay $0x2  }
0x7cc: {  	s2 =	simm.s32 $0xB480;
	p6 =	por $0x0, $0x0  }
.LBB2_103:
.Ltmp114:
0x7cd: {  	(pc) =	sbr.rel .LBB2_111-.Ltmp114, $2  }
0x7ce: {  	_ =	sdelay $0x2  }
0x7cf: {  	s0 =	simm.s32 $0xC480;
	p3 =	por $0x0, $0x0;
	p4 =	por $0x0, $0x0  }
.LBB2_112:
.Ltmp115:
0x7d0: {  	(pc) =	sbr.rel .LBB2_120-.Ltmp115, $2  }
0x7d1: {  	_ =	sdelay $0x2  }
0x7d2: {  	s2 =	simm.s32 $0xD480;
	p6 =	por $0x0, $0x0  }
.LBB2_121:
.Ltmp116:
0x7d3: {  	(pc) =	sbr.rel .LBB2_129-.Ltmp116, $2  }
0x7d4: {  	_ =	sdelay $0x2  }
0x7d5: {  	s0 =	simm.s32 $0xE480;
	p3 =	por $0x0, $0x0;
	p4 =	por $0x0, $0x0  }
.LBB2_130:
.Ltmp117:
0x7d6: {  	(pc) =	sbr.rel .LBB2_138-.Ltmp117, $2  }
0x7d7: {  	_ =	sdelay $0x2  }
0x7d8: {  	s1 =	simm.s32 $0xF480  }
.LBB2_6:
.Ltmp118:
0x7d9: {  	(pc) =	sbr.rel .LBB2_12-.Ltmp118, $2  }
0x7da: {  	_ =	sdelay $0x2  }
0x7db: {  	s3 =	simm.s32 $0x1480;
	p6 =	por $0x0, $0x0  }
.LBB2_15:
.Ltmp119:
0x7dc: {  	(pc) =	sbr.rel .LBB2_21-.Ltmp119, $2  }
0x7dd: {  	_ =	sdelay $0x2  }
0x7de: {  	s0 =	simm.s32 $0x2480;
	p4 =	por $0x0, $0x0  }
.LBB2_24:
.Ltmp120:
0x7df: {  	(pc) =	sbr.rel .LBB2_30-.Ltmp120, $2  }
0x7e0: {  	_ =	sdelay $0x2  }
0x7e1: {  	s2 =	simm.s32 $0x3480;
	p6 =	por $0x0, $0x0  }
.LBB2_33:
.Ltmp121:
0x7e2: {  	(pc) =	sbr.rel .LBB2_39-.Ltmp121, $2  }
0x7e3: {  	_ =	sdelay $0x2  }
0x7e4: {  	s0 =	simm.s32 $0x4480;
	p4 =	por $0x0, $0x0  }
.LBB2_42:
.Ltmp122:
0x7e5: {  	(pc) =	sbr.rel .LBB2_48-.Ltmp122, $2  }
0x7e6: {  	_ =	sdelay $0x2  }
0x7e7: {  	s2 =	simm.s32 $0x5480;
	p6 =	por $0x0, $0x0  }
.LBB2_51:
.Ltmp123:
0x7e8: {  	(pc) =	sbr.rel .LBB2_57-.Ltmp123, $2  }
0x7e9: {  	_ =	sdelay $0x2  }
0x7ea: {  	s0 =	simm.s32 $0x6480;
	p4 =	por $0x0, $0x0  }
.LBB2_60:
.Ltmp124:
0x7eb: {  	(pc) =	sbr.rel .LBB2_66-.Ltmp124, $2  }
0x7ec: {  	_ =	sdelay $0x2  }
0x7ed: {  	s2 =	simm.s32 $0x7480;
	p6 =	por $0x0, $0x0  }
.LBB2_69:
.Ltmp125:
0x7ee: {  	(pc) =	sbr.rel .LBB2_75-.Ltmp125, $2  }
0x7ef: {  	_ =	sdelay $0x2  }
0x7f0: {  	s0 =	simm.s32 $0x8480;
	p4 =	por $0x0, $0x0  }
.LBB2_78:
.Ltmp126:
0x7f1: {  	(pc) =	sbr.rel .LBB2_84-.Ltmp126, $2  }
0x7f2: {  	_ =	sdelay $0x2  }
0x7f3: {  	s2 =	simm.s32 $0x9480;
	p6 =	por $0x0, $0x0  }
.LBB2_87:
.Ltmp127:
0x7f4: {  	(pc) =	sbr.rel .LBB2_93-.Ltmp127, $2  }
0x7f5: {  	_ =	sdelay $0x2  }
0x7f6: {  	s0 =	simm.s32 $0xA480;
	p4 =	por $0x0, $0x0  }
.LBB2_96:
.Ltmp128:
0x7f7: {  	(pc) =	sbr.rel .LBB2_102-.Ltmp128, $2  }
0x7f8: {  	_ =	sdelay $0x2  }
0x7f9: {  	s2 =	simm.s32 $0xB480;
	p6 =	por $0x0, $0x0  }
.LBB2_105:
.Ltmp129:
0x7fa: {  	(pc) =	sbr.rel .LBB2_111-.Ltmp129, $2  }
0x7fb: {  	_ =	sdelay $0x2  }
0x7fc: {  	s0 =	simm.s32 $0xC480;
	p4 =	por $0x0, $0x0  }
.LBB2_114:
.Ltmp130:
0x7fd: {  	(pc) =	sbr.rel .LBB2_120-.Ltmp130, $2  }
0x7fe: {  	_ =	sdelay $0x2  }
0x7ff: {  	s2 =	simm.s32 $0xD480;
	p6 =	por $0x0, $0x0  }
.LBB2_123:
.Ltmp131:
0x800: {  	(pc) =	sbr.rel .LBB2_129-.Ltmp131, $2  }
0x801: {  	_ =	sdelay $0x2  }
0x802: {  	s0 =	simm.s32 $0xE480;
	p4 =	por $0x0, $0x0  }
.LBB2_132:
.Ltmp132:
0x803: {  	(pc) =	sbr.rel .LBB2_138-.Ltmp132, $2  }
0x804: {  	_ =	sdelay $0x2  }
0x805: {  	s1 =	simm.s32 $0xF480  }
.LBB2_8:
.Ltmp133:
0x806: {  	(pc) =	sbr.rel .LBB2_12-.Ltmp133, $2  }
0x807: {  	_ =	sdelay $0x2  }
0x808: {  	s3 =	simm.s32 $0x1480;
	p6 =	por $0x0, $0x0;
	v28 =	vmov v26  }
.LBB2_17:
.Ltmp134:
0x809: {  	(pc) =	sbr.rel .LBB2_21-.Ltmp134, $2  }
0x80a: {  	_ =	sdelay $0x2  }
0x80b: {  	s0 =	simm.s32 $0x2480;
	v28 =	vmov v26  }
.LBB2_26:
.Ltmp135:
0x80c: {  	(pc) =	sbr.rel .LBB2_30-.Ltmp135, $2  }
0x80d: {  	_ =	sdelay $0x2  }
0x80e: {  	s2 =	simm.s32 $0x3480;
	p6 =	por $0x0, $0x0;
	v28 =	vmov v26  }
.LBB2_35:
.Ltmp136:
0x80f: {  	(pc) =	sbr.rel .LBB2_39-.Ltmp136, $2  }
0x810: {  	_ =	sdelay $0x2  }
0x811: {  	s0 =	simm.s32 $0x4480;
	v28 =	vmov v26  }
.LBB2_44:
.Ltmp137:
0x812: {  	(pc) =	sbr.rel .LBB2_48-.Ltmp137, $2  }
0x813: {  	_ =	sdelay $0x2  }
0x814: {  	s2 =	simm.s32 $0x5480;
	p6 =	por $0x0, $0x0;
	v28 =	vmov v26  }
.LBB2_53:
.Ltmp138:
0x815: {  	(pc) =	sbr.rel .LBB2_57-.Ltmp138, $2  }
0x816: {  	_ =	sdelay $0x2  }
0x817: {  	s0 =	simm.s32 $0x6480;
	v28 =	vmov v26  }
.LBB2_62:
.Ltmp139:
0x818: {  	(pc) =	sbr.rel .LBB2_66-.Ltmp139, $2  }
0x819: {  	_ =	sdelay $0x2  }
0x81a: {  	s2 =	simm.s32 $0x7480;
	p6 =	por $0x0, $0x0;
	v28 =	vmov v26  }
.LBB2_71:
.Ltmp140:
0x81b: {  	(pc) =	sbr.rel .LBB2_75-.Ltmp140, $2  }
0x81c: {  	_ =	sdelay $0x2  }
0x81d: {  	s0 =	simm.s32 $0x8480;
	v28 =	vmov v26  }
.LBB2_80:
.Ltmp141:
0x81e: {  	(pc) =	sbr.rel .LBB2_84-.Ltmp141, $2  }
0x81f: {  	_ =	sdelay $0x2  }
0x820: {  	s2 =	simm.s32 $0x9480;
	p6 =	por $0x0, $0x0;
	v28 =	vmov v26  }
.LBB2_89:
.Ltmp142:
0x821: {  	(pc) =	sbr.rel .LBB2_93-.Ltmp142, $2  }
0x822: {  	_ =	sdelay $0x2  }
0x823: {  	s0 =	simm.s32 $0xA480;
	v28 =	vmov v26  }
.LBB2_98:
.Ltmp143:
0x824: {  	(pc) =	sbr.rel .LBB2_102-.Ltmp143, $2  }
0x825: {  	_ =	sdelay $0x2  }
0x826: {  	s2 =	simm.s32 $0xB480;
	p6 =	por $0x0, $0x0;
	v28 =	vmov v26  }
.LBB2_107:
.Ltmp144:
0x827: {  	(pc) =	sbr.rel .LBB2_111-.Ltmp144, $2  }
0x828: {  	_ =	sdelay $0x2  }
0x829: {  	s0 =	simm.s32 $0xC480;
	v28 =	vmov v26  }
.LBB2_116:
.Ltmp145:
0x82a: {  	(pc) =	sbr.rel .LBB2_120-.Ltmp145, $2  }
0x82b: {  	_ =	sdelay $0x2  }
0x82c: {  	s2 =	simm.s32 $0xD480;
	p6 =	por $0x0, $0x0;
	v28 =	vmov v26  }
.LBB2_125:
.Ltmp146:
0x82d: {  	(pc) =	sbr.rel .LBB2_129-.Ltmp146, $2  }
0x82e: {  	_ =	sdelay $0x2  }
0x82f: {  	s0 =	simm.s32 $0xE480;
	v28 =	vmov v26  }
.LBB2_134:
.Ltmp147:
0x830: {  	(pc) =	sbr.rel .LBB2_138-.Ltmp147, $2  }
0x831: {  	_ =	sdelay $0x2  }
0x832: {  	s1 =	simm.s32 $0xF480;
	v28 =	vmov v26  }
.LBB2_10:
.Ltmp148:
0x833: {  	(pc) =	sbr.rel .LBB2_12-.Ltmp148, $2  }
0x834: {  	_ =	sdelay $0x2  }
0x835: {  	s3 =	simm.s32 $0x1480  }
.LBB2_19:
.Ltmp149:
0x836: {  	(pc) =	sbr.rel .LBB2_21-.Ltmp149, $2  }
0x837: {  	_ =	sdelay $0x2  }
0x838: {  	s0 =	simm.s32 $0x2480  }
.LBB2_28:
.Ltmp150:
0x839: {  	(pc) =	sbr.rel .LBB2_30-.Ltmp150, $2  }
0x83a: {  	_ =	sdelay $0x2  }
0x83b: {  	s2 =	simm.s32 $0x3480  }
.LBB2_37:
.Ltmp151:
0x83c: {  	(pc) =	sbr.rel .LBB2_39-.Ltmp151, $2  }
0x83d: {  	_ =	sdelay $0x2  }
0x83e: {  	s0 =	simm.s32 $0x4480  }
.LBB2_46:
.Ltmp152:
0x83f: {  	(pc) =	sbr.rel .LBB2_48-.Ltmp152, $2  }
0x840: {  	_ =	sdelay $0x2  }
0x841: {  	s2 =	simm.s32 $0x5480  }
.LBB2_55:
.Ltmp153:
0x842: {  	(pc) =	sbr.rel .LBB2_57-.Ltmp153, $2  }
0x843: {  	_ =	sdelay $0x2  }
0x844: {  	s0 =	simm.s32 $0x6480  }
.LBB2_64:
.Ltmp154:
0x845: {  	(pc) =	sbr.rel .LBB2_66-.Ltmp154, $2  }
0x846: {  	_ =	sdelay $0x2  }
0x847: {  	s2 =	simm.s32 $0x7480  }
.LBB2_73:
.Ltmp155:
0x848: {  	(pc) =	sbr.rel .LBB2_75-.Ltmp155, $2  }
0x849: {  	_ =	sdelay $0x2  }
0x84a: {  	s0 =	simm.s32 $0x8480  }
.LBB2_82:
.Ltmp156:
0x84b: {  	(pc) =	sbr.rel .LBB2_84-.Ltmp156, $2  }
0x84c: {  	_ =	sdelay $0x2  }
0x84d: {  	s2 =	simm.s32 $0x9480  }
.LBB2_91:
.Ltmp157:
0x84e: {  	(pc) =	sbr.rel .LBB2_93-.Ltmp157, $2  }
0x84f: {  	_ =	sdelay $0x2  }
0x850: {  	s0 =	simm.s32 $0xA480  }
.LBB2_100:
.Ltmp158:
0x851: {  	(pc) =	sbr.rel .LBB2_102-.Ltmp158, $2  }
0x852: {  	_ =	sdelay $0x2  }
0x853: {  	s2 =	simm.s32 $0xB480  }
.LBB2_109:
.Ltmp159:
0x854: {  	(pc) =	sbr.rel .LBB2_111-.Ltmp159, $2  }
0x855: {  	_ =	sdelay $0x2  }
0x856: {  	s0 =	simm.s32 $0xC480  }
.LBB2_118:
.Ltmp160:
0x857: {  	(pc) =	sbr.rel .LBB2_120-.Ltmp160, $2  }
0x858: {  	_ =	sdelay $0x2  }
0x859: {  	s2 =	simm.s32 $0xD480  }
.LBB2_127:
.Ltmp161:
0x85a: {  	(pc) =	sbr.rel .LBB2_129-.Ltmp161, $2  }
0x85b: {  	_ =	sdelay $0x2  }
0x85c: {  	s0 =	simm.s32 $0xE480  }
.LBB2_136:
.Ltmp162:
0x85d: {  	(pc) =	sbr.rel .LBB2_138-.Ltmp162, $2  }
0x85e: {  	_ =	sdelay $0x2  }
0x85f: {  	s1 =	simm.s32 $0xF480  }
.LBB2_174:
0x860: {  	_ =	sfence.sel $0x180000  }
0x861: {  	[bflag:$0x0] =	sbarrier.arrive $0xFFFF  }
0x862: {  	_ =	strace $0x90000047  }
0x863: {  	s0 =	stileid.u32;
	[bflag:$0x2] =	sbarrier.arrive $0xFFFF  }
0x864: {  	p0 =	sne.s32 s0, $0x0;
	s0 =	rddreg [dreg:$0x2]  }
0x865: {  	s0 =	sadd.s32 @!p0 $0x100000, s0  }
0x866: {  	[sflag:s0] =	ssyncadd.tile.s32 @!p0 $0x1;
	_ =	shalt  }
.Lfunc_end2:
_tile_overlayer_lowered:
.L_overlay_start_2:
0x867: {  	(tag) =	ssettag $0x2  }
0x868: {  	s0 =	rddreg [dreg:$0x0];
	s2 =	stileid.u32  }
0x869: {  	s1 =	rddreg [dreg:$0x1];
	p0 =	sne.s32 s2, $0x0  }
0x86a: {  	s3 =	rddreg [dreg:$0x2];
	[bflag:$0x3] =	sbarrier.arrive $0xFFFF;
	s2 =	simm.s32 @!p0 $0x1C04  }
0x86b: {  	[timem:s3], [sflag:s2] =	dma.local @!p0 [hbm:s0], s1  }
0x86c: {  	s0 =	simm.s32 @!p0 $0x4  }
0x86d: {  	_ =	swait.ge @!p0 [sflag:s0], s1  }
0x86e: {  	s1 =	ssub.s32 @!p0 $0x0, s1;
	[sflag:s0] =	ssyncset.done @!p0 $0x0  }
0x86f: {  	[sflag:s0] =	ssyncadd.s32 @!p0 s1  }
0x870: {  	[bflag:$0x3] =	sbarrier.arrive $0xFFFF  }
0x871: {  	_ =	shalt  }

</sc_bundles>
